<compile_context>
chip_gen: v7x
topology: tpu7x:2x2x1
jax: 0.10.2.dev20260603
libtpu: 0.0.44.dev20260713+nightly
codegen_flags: <defaults>
</compile_context>

<pallas_src>
import functools

import jax
import jax.numpy as jnp
from jax import lax
from jax.experimental import pallas as pl
from jax.experimental.pallas import tpu as pltpu
from jax.experimental.pallas import tpu_sc as plsc

F = 26
V = 1_000_000
B = 16384
NC = 2
NS = 16
L = 16
NW = NC * NS
BW = B // NW
CH = BW // L

NQ = (F * BW) // 128


def _sc_body(xt_hbm, *rest):
    tabs = rest[:F]
    out_hbm = rest[F]
    x_v, idx_v, rows_v, out_v, sem = rest[F + 1:]

    c = lax.axis_index("c")
    s = lax.axis_index("s")
    wid = s * NC + c
    base = wid * BW

    pltpu.sync_copy(xt_hbm.at[:, pl.ds(base, BW)], x_v)

    for f in range(F):
        def q_body(q4, _, f=f):
            q = f * 4 + q4

            def o_body(o, _):
                col = q4 * 128 + o * L
                idx_v[q, pl.ds(o * L, L)] = x_v[f, pl.ds(col, L)]
                return 0

            lax.fori_loop(0, 8, o_body, 0, unroll=8)
            pltpu.async_copy(tabs[f].at[idx_v.at[q]], rows_v.at[q], sem)
            return 0

        lax.fori_loop(0, 4, q_body, 0)

    def w_body(q, _):
        pltpu.make_async_copy(tabs[0].at[idx_v.at[0]], rows_v.at[0], sem).wait()
        return 0

    lax.fori_loop(0, NQ, w_body, 0)

    def r_body(ch, _):
        o = (ch % 8) * L

        def a_body(f, acc):
            return acc + rows_v[f * 4 + ch // 8, pl.ds(o, L)]

        out_v[pl.ds(ch * L, L)] = lax.fori_loop(
            0, F, a_body, jnp.zeros((L,), jnp.float32), unroll=2
        )
        return 0

    lax.fori_loop(0, CH, r_body, 0)

    pltpu.sync_copy(out_v, out_hbm.at[pl.ds(base, BW)])


_sc_kernel = functools.partial(
    pl.kernel,
    out_type=jax.ShapeDtypeStruct((B,), jnp.float32),
    mesh=plsc.VectorSubcoreMesh(core_axis_name="c", subcore_axis_name="s"),
    scratch_types=[
        pltpu.VMEM((F, BW), jnp.int32),
        pltpu.VMEM((NQ, 128), jnp.int32),
        pltpu.VMEM((NQ, 128), jnp.float32),
        pltpu.VMEM((BW,), jnp.float32),
        pltpu.SemaphoreType.DMA,
    ],
    compiler_params=pltpu.CompilerParams(use_tc_tiling_on_sc=False),
)(_sc_body)


def kernel(X, tables):
    xt = X.T
    tslices = [tables[f, :, 0] for f in range(F)]
    out = _sc_kernel(xt, *tslices)
    return out.reshape(B, 1)

# --- scband reference (transcript-rebuilt; emitter-appended) ---
"""Pipeline reference for scband-linear-88184268521975 (READ-ONLY COPY).

The authoritative reference and input builder live on the scoring server;
editing this copy changes nothing except your own understanding.
"""

import jax, jax.numpy as jnp
import numpy as np

NUM_FIELDS = 26
VOCAB = 1000000
BATCH = 16384
INIT_STD = 1e-4

def setup_inputs(seed: int = 0) -> dict:
    key = jax.random.key(seed)
    k_idx, k_tab = jax.random.split(key)
    # X holds one sparse index column per field (original stores them as float
    # in a combined tensor and casts .long(); here we pass int directly).
    X = jax.random.randint(k_idx, (BATCH, NUM_FIELDS), 0, VOCAB, dtype=jnp.int32)
    # One dim-1 embedding table per sparse field, stacked: [F, vocab, 1].
    tables = (jax.random.normal(k_tab, (NUM_FIELDS, VOCAB, 1), dtype=jnp.float32) * INIT_STD)
    return {"X": X, "tables": tables}

def reference(X, tables):
    # Per-field embedding lookup: emb[b, f] = tables[f, X[b, f], 0]
    # (equivalent to the list of [btz,1,1] lookups concatenated on last dim).
    field_ids = jnp.arange(NUM_FIELDS, dtype=jnp.int32)[None, :]  # [1, F]
    sparse_embedding_cat = tables[field_ids, X, 0]                # [B, F]
    # sum-pooling over the feature axis -> [B, 1]
    sparse_feat_logit = jnp.sum(sparse_embedding_cat, axis=-1, keepdims=True)
    # no dense features and no varlen features configured
    linear_logit = jnp.zeros((X.shape[0], 1), dtype=jnp.float32) + sparse_feat_logit
    return linear_logit

if __name__ == "__main__":
    import jax
    _d = setup_inputs()
    print(jax.jit(kernel)(*tuple(_d.values())))

</pallas_src>

<mosaic_0001>
#map = affine_map<(d0, d1) -> (0, 0)>
#map1 = affine_map<(d0, d1) -> (0)>
module attributes {stable_mosaic.version = 14 : i64} {
  func.func @_sc_body(%arg0: i32, %arg1: i32, %arg2: memref<26x16384xi32, #tpu.memory_space<hbm>>, %arg3: memref<1000000xf32, #tpu.memory_space<hbm>>, %arg4: memref<1000000xf32, #tpu.memory_space<hbm>>, %arg5: memref<1000000xf32, #tpu.memory_space<hbm>>, %arg6: memref<1000000xf32, #tpu.memory_space<hbm>>, %arg7: memref<1000000xf32, #tpu.memory_space<hbm>>, %arg8: memref<1000000xf32, #tpu.memory_space<hbm>>, %arg9: memref<1000000xf32, #tpu.memory_space<hbm>>, %arg10: memref<1000000xf32, #tpu.memory_space<hbm>>, %arg11: memref<1000000xf32, #tpu.memory_space<hbm>>, %arg12: memref<1000000xf32, #tpu.memory_space<hbm>>, %arg13: memref<1000000xf32, #tpu.memory_space<hbm>>, %arg14: memref<1000000xf32, #tpu.memory_space<hbm>>, %arg15: memref<1000000xf32, #tpu.memory_space<hbm>>, %arg16: memref<1000000xf32, #tpu.memory_space<hbm>>, %arg17: memref<1000000xf32, #tpu.memory_space<hbm>>, %arg18: memref<1000000xf32, #tpu.memory_space<hbm>>, %arg19: memref<1000000xf32, #tpu.memory_space<hbm>>, %arg20: memref<1000000xf32, #tpu.memory_space<hbm>>, %arg21: memref<1000000xf32, #tpu.memory_space<hbm>>, %arg22: memref<1000000xf32, #tpu.memory_space<hbm>>, %arg23: memref<1000000xf32, #tpu.memory_space<hbm>>, %arg24: memref<1000000xf32, #tpu.memory_space<hbm>>, %arg25: memref<1000000xf32, #tpu.memory_space<hbm>>, %arg26: memref<1000000xf32, #tpu.memory_space<hbm>>, %arg27: memref<1000000xf32, #tpu.memory_space<hbm>>, %arg28: memref<1000000xf32, #tpu.memory_space<hbm>>, %arg29: memref<16384xf32, #tpu.memory_space<hbm>>, %arg30: memref<26x512xi32, #tpu.memory_space<vmem>>, %arg31: memref<104x128xi32, #tpu.memory_space<vmem>>, %arg32: memref<104x128xf32, #tpu.memory_space<vmem>>, %arg33: memref<512xf32, #tpu.memory_space<vmem>>, %arg34: memref<!tpu.dma_semaphore, #tpu.memory_space<semaphore_mem>>) attributes {dimension_semantics = [#tpu.dimension_semantics<core_parallel>, #tpu.dimension_semantics<subcore_parallel>], iteration_bounds = array<i64: 2, 16>, scalar_prefetch = 0 : i64, scratch_operands = 5 : i64, tpu.core_type = #tpu.core_type<sc_vector_subcore>, window_params = [{transform_indices = #map}, {transform_indices = #map1}, {transform_indices = #map1}, {transform_indices = #map1}, {transform_indices = #map1}, {transform_indices = #map1}, {transform_indices = #map1}, {transform_indices = #map1}, {transform_indices = #map1}, {transform_indices = #map1}, {transform_indices = #map1}, {transform_indices = #map1}, {transform_indices = #map1}, {transform_indices = #map1}, {transform_indices = #map1}, {transform_indices = #map1}, {transform_indices = #map1}, {transform_indices = #map1}, {transform_indices = #map1}, {transform_indices = #map1}, {transform_indices = #map1}, {transform_indices = #map1}, {transform_indices = #map1}, {transform_indices = #map1}, {transform_indices = #map1}, {transform_indices = #map1}, {transform_indices = #map1}, {transform_indices = #map1}]} {
    %mul3A = arith.constant 2 : i32
    %mul3A_0 = arith.muli %arg1, %mul3A : i32
    %add3A = arith.addi %mul3A_0, %arg0 : i32
    %mul3A_1 = arith.constant 512 : i32
    %mul3A_2 = arith.muli %add3A, %mul3A_1 : i32
    "tpu.region"() ({
      %run_scoped3A = tpu.sem_alloc : memref<!tpu.dma_semaphore, #tpu.memory_space<semaphore_mem>>
      %dma_start3A = arith.constant 0 : i32
      %dma_start3A_198 = tpu.memref_slice %arg2[%dma_start3A, %mul3A_2] : memref<26x16384xi32, #tpu.memory_space<hbm>> -> memref<26x512xi32, #tpu.memory_space<hbm>>
      %dma_start3A_199 = arith.constant 0 : i32
      %dma_start3A_200 = tpu.memref_slice %arg2[%dma_start3A_199, %mul3A_2] : memref<26x16384xi32, #tpu.memory_space<hbm>> -> memref<26x512xi32, #tpu.memory_space<hbm>>
      tpu.enqueue_dma source(%dma_start3A_200 : memref<26x512xi32, #tpu.memory_space<hbm>>) target(%arg30 : memref<26x512xi32, #tpu.memory_space<vmem>>) target_semaphore(%run_scoped3A : memref<!tpu.dma_semaphore, #tpu.memory_space<semaphore_mem>>)
      %dma_wait3A = arith.constant 0 : i32
      %dma_wait3A_201 = tpu.memref_slice %arg2[%dma_wait3A, %mul3A_2] : memref<26x16384xi32, #tpu.memory_space<hbm>> -> memref<26x512xi32, #tpu.memory_space<hbm>>
      %dma_wait3A_202 = arith.constant 0 : i32
      %dma_wait3A_203 = tpu.memref_slice %arg2[%dma_wait3A_202, %mul3A_2] : memref<26x16384xi32, #tpu.memory_space<hbm>> -> memref<26x512xi32, #tpu.memory_space<hbm>>
      tpu.wait_dma2 semaphore(%run_scoped3A : memref<!tpu.dma_semaphore, #tpu.memory_space<semaphore_mem>>) src(%dma_wait3A_203 : memref<26x512xi32, #tpu.memory_space<hbm>>) dst(%arg30 : memref<26x512xi32, #tpu.memory_space<vmem>>)
      tpu.yield
    }) : () -> ()
    %scan3A = arith.constant 0 : i32
    %scan3A_3 = arith.constant 0 : i32
    %scan3A_4 = arith.constant 4 : i32
    %scan3A_5 = arith.addi %scan3A_3, %scan3A_4 : i32
    %scan3A_6 = arith.constant 1 : i32
    %scan3A_7 = scf.for %scan3A_198 = %scan3A_3 to %scan3A_5 step %scan3A_6 iter_args(%scan3A_199 = %scan3A) -> (i32)  : i32 {
      %add3A_200 = arith.constant 0 : i32
      %add3A_201 = arith.addi %add3A_200, %scan3A_198 : i32
      %scan3A_202 = arith.constant 0 : i32
      %scan3A_203 = arith.constant 0 : i32
      %mul3A_204 = arith.constant 128 : i32
      %mul3A_205 = arith.muli %scan3A_198, %mul3A_204 : i32
      %mul3A_206 = arith.constant 16 : i32
      %mul3A_207 = arith.muli %scan3A_203, %mul3A_206 : i32
      %add3A_208 = arith.addi %mul3A_205, %mul3A_207 : i32
      %get3A = arith.constant 0 : i32
      %get3A_209 = arith.index_cast %get3A : i32 to index
      %get3A_210 = arith.index_cast %add3A_208 : i32 to index
      %get3A_211 = tpu.vector_load %arg30[%get3A_209, %get3A_210] {strides = array<i32>} : memref<26x512xi32, #tpu.memory_space<vmem>>, vector<1x16xi32>,
      %get3A_212 = vector.shape_cast %get3A_211 : vector<1x16xi32> to vector<16xi32>
      %mul3A_213 = arith.constant 16 : i32
      %mul3A_214 = arith.muli %scan3A_203, %mul3A_213 : i32
      %swap3A = arith.index_cast %add3A_201 : i32 to index
      %swap3A_215 = arith.index_cast %mul3A_214 : i32 to index
      %swap3A_216 = tpu.vector_load %arg31[%swap3A, %swap3A_215] {strides = array<i32>} : memref<104x128xi32, #tpu.memory_space<vmem>>, vector<1x16xi32>,
      %swap3A_217 = vector.shape_cast %swap3A_216 : vector<1x16xi32> to vector<16xi32>
      %swap3A_218 = vector.shape_cast %get3A_212 : vector<16xi32> to vector<1x16xi32>
      tpu.vector_store %arg31[%swap3A, %swap3A_215], %swap3A_218 {strides = array<i32>} : memref<104x128xi32, #tpu.memory_space<vmem>>, vector<1x16xi32>,
      %scan3A_219 = arith.constant 0 : i32
      %scan3A_220 = arith.constant 1 : i32
      %mul3A_221 = arith.constant 128 : i32
      %mul3A_222 = arith.muli %scan3A_198, %mul3A_221 : i32
      %mul3A_223 = arith.constant 16 : i32
      %mul3A_224 = arith.muli %scan3A_220, %mul3A_223 : i32
      %add3A_225 = arith.addi %mul3A_222, %mul3A_224 : i32
      %get3A_226 = arith.constant 0 : i32
      %get3A_227 = arith.index_cast %get3A_226 : i32 to index
      %get3A_228 = arith.index_cast %add3A_225 : i32 to index
      %get3A_229 = tpu.vector_load %arg30[%get3A_227, %get3A_228] {strides = array<i32>} : memref<26x512xi32, #tpu.memory_space<vmem>>, vector<1x16xi32>,
      %get3A_230 = vector.shape_cast %get3A_229 : vector<1x16xi32> to vector<16xi32>
      %mul3A_231 = arith.constant 16 : i32
      %mul3A_232 = arith.muli %scan3A_220, %mul3A_231 : i32
      %swap3A_233 = arith.index_cast %add3A_201 : i32 to index
      %swap3A_234 = arith.index_cast %mul3A_232 : i32 to index
      %swap3A_235 = tpu.vector_load %arg31[%swap3A_233, %swap3A_234] {strides = array<i32>} : memref<104x128xi32, #tpu.memory_space<vmem>>, vector<1x16xi32>,
      %swap3A_236 = vector.shape_cast %swap3A_235 : vector<1x16xi32> to vector<16xi32>
      %swap3A_237 = vector.shape_cast %get3A_230 : vector<16xi32> to vector<1x16xi32>
      tpu.vector_store %arg31[%swap3A_233, %swap3A_234], %swap3A_237 {strides = array<i32>} : memref<104x128xi32, #tpu.memory_space<vmem>>, vector<1x16xi32>,
      %scan3A_238 = arith.constant 0 : i32
      %scan3A_239 = arith.constant 2 : i32
      %mul3A_240 = arith.constant 128 : i32
      %mul3A_241 = arith.muli %scan3A_198, %mul3A_240 : i32
      %mul3A_242 = arith.constant 16 : i32
      %mul3A_243 = arith.muli %scan3A_239, %mul3A_242 : i32
      %add3A_244 = arith.addi %mul3A_241, %mul3A_243 : i32
      %get3A_245 = arith.constant 0 : i32
      %get3A_246 = arith.index_cast %get3A_245 : i32 to index
      %get3A_247 = arith.index_cast %add3A_244 : i32 to index
      %get3A_248 = tpu.vector_load %arg30[%get3A_246, %get3A_247] {strides = array<i32>} : memref<26x512xi32, #tpu.memory_space<vmem>>, vector<1x16xi32>,
      %get3A_249 = vector.shape_cast %get3A_248 : vector<1x16xi32> to vector<16xi32>
      %mul3A_250 = arith.constant 16 : i32
      %mul3A_251 = arith.muli %scan3A_239, %mul3A_250 : i32
      %swap3A_252 = arith.index_cast %add3A_201 : i32 to index
      %swap3A_253 = arith.index_cast %mul3A_251 : i32 to index
      %swap3A_254 = tpu.vector_load %arg31[%swap3A_252, %swap3A_253] {strides = array<i32>} : memref<104x128xi32, #tpu.memory_space<vmem>>, vector<1x16xi32>,
      %swap3A_255 = vector.shape_cast %swap3A_254 : vector<1x16xi32> to vector<16xi32>
      %swap3A_256 = vector.shape_cast %get3A_249 : vector<16xi32> to vector<1x16xi32>
      tpu.vector_store %arg31[%swap3A_252, %swap3A_253], %swap3A_256 {strides = array<i32>} : memref<104x128xi32, #tpu.memory_space<vmem>>, vector<1x16xi32>,
      %scan3A_257 = arith.constant 0 : i32
      %scan3A_258 = arith.constant 3 : i32
      %mul3A_259 = arith.constant 128 : i32
      %mul3A_260 = arith.muli %scan3A_198, %mul3A_259 : i32
      %mul3A_261 = arith.constant 16 : i32
      %mul3A_262 = arith.muli %scan3A_258, %mul3A_261 : i32
      %add3A_263 = arith.addi %mul3A_260, %mul3A_262 : i32
      %get3A_264 = arith.constant 0 : i32
      %get3A_265 = arith.index_cast %get3A_264 : i32 to index
      %get3A_266 = arith.index_cast %add3A_263 : i32 to index
      %get3A_267 = tpu.vector_load %arg30[%get3A_265, %get3A_266] {strides = array<i32>} : memref<26x512xi32, #tpu.memory_space<vmem>>, vector<1x16xi32>,
      %get3A_268 = vector.shape_cast %get3A_267 : vector<1x16xi32> to vector<16xi32>
      %mul3A_269 = arith.constant 16 : i32
      %mul3A_270 = arith.muli %scan3A_258, %mul3A_269 : i32
      %swap3A_271 = arith.index_cast %add3A_201 : i32 to index
      %swap3A_272 = arith.index_cast %mul3A_270 : i32 to index
      %swap3A_273 = tpu.vector_load %arg31[%swap3A_271, %swap3A_272] {strides = array<i32>} : memref<104x128xi32, #tpu.memory_space<vmem>>, vector<1x16xi32>,
      %swap3A_274 = vector.shape_cast %swap3A_273 : vector<1x16xi32> to vector<16xi32>
      %swap3A_275 = vector.shape_cast %get3A_268 : vector<16xi32> to vector<1x16xi32>
      tpu.vector_store %arg31[%swap3A_271, %swap3A_272], %swap3A_275 {strides = array<i32>} : memref<104x128xi32, #tpu.memory_space<vmem>>, vector<1x16xi32>,
      %scan3A_276 = arith.constant 0 : i32
      %scan3A_277 = arith.constant 4 : i32
      %mul3A_278 = arith.constant 128 : i32
      %mul3A_279 = arith.muli %scan3A_198, %mul3A_278 : i32
      %mul3A_280 = arith.constant 16 : i32
      %mul3A_281 = arith.muli %scan3A_277, %mul3A_280 : i32
      %add3A_282 = arith.addi %mul3A_279, %mul3A_281 : i32
      %get3A_283 = arith.constant 0 : i32
      %get3A_284 = arith.index_cast %get3A_283 : i32 to index
      %get3A_285 = arith.index_cast %add3A_282 : i32 to index
      %get3A_286 = tpu.vector_load %arg30[%get3A_284, %get3A_285] {strides = array<i32>} : memref<26x512xi32, #tpu.memory_space<vmem>>, vector<1x16xi32>,
      %get3A_287 = vector.shape_cast %get3A_286 : vector<1x16xi32> to vector<16xi32>
      %mul3A_288 = arith.constant 16 : i32
      %mul3A_289 = arith.muli %scan3A_277, %mul3A_288 : i32
      %swap3A_290 = arith.index_cast %add3A_201 : i32 to index
      %swap3A_291 = arith.index_cast %mul3A_289 : i32 to index
      %swap3A_292 = tpu.vector_load %arg31[%swap3A_290, %swap3A_291] {strides = array<i32>} : memref<104x128xi32, #tpu.memory_space<vmem>>, vector<1x16xi32>,
      %swap3A_293 = vector.shape_cast %swap3A_292 : vector<1x16xi32> to vector<16xi32>
      %swap3A_294 = vector.shape_cast %get3A_287 : vector<16xi32> to vector<1x16xi32>
      tpu.vector_store %arg31[%swap3A_290, %swap3A_291], %swap3A_294 {strides = array<i32>} : memref<104x128xi32, #tpu.memory_space<vmem>>, vector<1x16xi32>,
      %scan3A_295 = arith.constant 0 : i32
      %scan3A_296 = arith.constant 5 : i32
      %mul3A_297 = arith.constant 128 : i32
      %mul3A_298 = arith.muli %scan3A_198, %mul3A_297 : i32
      %mul3A_299 = arith.constant 16 : i32
      %mul3A_300 = arith.muli %scan3A_296, %mul3A_299 : i32
      %add3A_301 = arith.addi %mul3A_298, %mul3A_300 : i32
      %get3A_302 = arith.constant 0 : i32
      %get3A_303 = arith.index_cast %get3A_302 : i32 to index
      %get3A_304 = arith.index_cast %add3A_301 : i32 to index
      %get3A_305 = tpu.vector_load %arg30[%get3A_303, %get3A_304] {strides = array<i32>} : memref<26x512xi32, #tpu.memory_space<vmem>>, vector<1x16xi32>,
      %get3A_306 = vector.shape_cast %get3A_305 : vector<1x16xi32> to vector<16xi32>
      %mul3A_307 = arith.constant 16 : i32
      %mul3A_308 = arith.muli %scan3A_296, %mul3A_307 : i32
      %swap3A_309 = arith.index_cast %add3A_201 : i32 to index
      %swap3A_310 = arith.index_cast %mul3A_308 : i32 to index
      %swap3A_311 = tpu.vector_load %arg31[%swap3A_309, %swap3A_310] {strides = array<i32>} : memref<104x128xi32, #tpu.memory_space<vmem>>, vector<1x16xi32>,
      %swap3A_312 = vector.shape_cast %swap3A_311 : vector<1x16xi32> to vector<16xi32>
      %swap3A_313 = vector.shape_cast %get3A_306 : vector<16xi32> to vector<1x16xi32>
      tpu.vector_store %arg31[%swap3A_309, %swap3A_310], %swap3A_313 {strides = array<i32>} : memref<104x128xi32, #tpu.memory_space<vmem>>, vector<1x16xi32>,
      %scan3A_314 = arith.constant 0 : i32
      %scan3A_315 = arith.constant 6 : i32
      %mul3A_316 = arith.constant 128 : i32
      %mul3A_317 = arith.muli %scan3A_198, %mul3A_316 : i32
      %mul3A_318 = arith.constant 16 : i32
      %mul3A_319 = arith.muli %scan3A_315, %mul3A_318 : i32
      %add3A_320 = arith.addi %mul3A_317, %mul3A_319 : i32
      %get3A_321 = arith.constant 0 : i32
      %get3A_322 = arith.index_cast %get3A_321 : i32 to index
      %get3A_323 = arith.index_cast %add3A_320 : i32 to index
      %get3A_324 = tpu.vector_load %arg30[%get3A_322, %get3A_323] {strides = array<i32>} : memref<26x512xi32, #tpu.memory_space<vmem>>, vector<1x16xi32>,
      %get3A_325 = vector.shape_cast %get3A_324 : vector<1x16xi32> to vector<16xi32>
      %mul3A_326 = arith.constant 16 : i32
      %mul3A_327 = arith.muli %scan3A_315, %mul3A_326 : i32
      %swap3A_328 = arith.index_cast %add3A_201 : i32 to index
      %swap3A_329 = arith.index_cast %mul3A_327 : i32 to index
      %swap3A_330 = tpu.vector_load %arg31[%swap3A_328, %swap3A_329] {strides = array<i32>} : memref<104x128xi32, #tpu.memory_space<vmem>>, vector<1x16xi32>,
      %swap3A_331 = vector.shape_cast %swap3A_330 : vector<1x16xi32> to vector<16xi32>
      %swap3A_332 = vector.shape_cast %get3A_325 : vector<16xi32> to vector<1x16xi32>
      tpu.vector_store %arg31[%swap3A_328, %swap3A_329], %swap3A_332 {strides = array<i32>} : memref<104x128xi32, #tpu.memory_space<vmem>>, vector<1x16xi32>,
      %scan3A_333 = arith.constant 0 : i32
      %scan3A_334 = arith.constant 7 : i32
      %mul3A_335 = arith.constant 128 : i32
      %mul3A_336 = arith.muli %scan3A_198, %mul3A_335 : i32
      %mul3A_337 = arith.constant 16 : i32
      %mul3A_338 = arith.muli %scan3A_334, %mul3A_337 : i32
      %add3A_339 = arith.addi %mul3A_336, %mul3A_338 : i32
      %get3A_340 = arith.constant 0 : i32
      %get3A_341 = arith.index_cast %get3A_340 : i32 to index
      %get3A_342 = arith.index_cast %add3A_339 : i32 to index
      %get3A_343 = tpu.vector_load %arg30[%get3A_341, %get3A_342] {strides = array<i32>} : memref<26x512xi32, #tpu.memory_space<vmem>>, vector<1x16xi32>,
      %get3A_344 = vector.shape_cast %get3A_343 : vector<1x16xi32> to vector<16xi32>
      %mul3A_345 = arith.constant 16 : i32
      %mul3A_346 = arith.muli %scan3A_334, %mul3A_345 : i32
      %swap3A_347 = arith.index_cast %add3A_201 : i32 to index
      %swap3A_348 = arith.index_cast %mul3A_346 : i32 to index
      %swap3A_349 = tpu.vector_load %arg31[%swap3A_347, %swap3A_348] {strides = array<i32>} : memref<104x128xi32, #tpu.memory_space<vmem>>, vector<1x16xi32>,
      %swap3A_350 = vector.shape_cast %swap3A_349 : vector<1x16xi32> to vector<16xi32>
      %swap3A_351 = vector.shape_cast %get3A_344 : vector<16xi32> to vector<1x16xi32>
      tpu.vector_store %arg31[%swap3A_347, %swap3A_348], %swap3A_351 {strides = array<i32>} : memref<104x128xi32, #tpu.memory_space<vmem>>, vector<1x16xi32>,
      %scan3A_352 = arith.constant 0 : i32
      %scan3A_353 = arith.constant 8 : i32
      %dma_start3A = arith.constant 0 : i32
      %dma_start3A_354 = tpu.memref_slice %arg32[%add3A_201, %dma_start3A] : memref<104x128xf32, #tpu.memory_space<vmem>> -> memref<1x128xf32, #tpu.memory_space<vmem>>
      %dma_start3A_355 = tpu.memref_squeeze %dma_start3A_354 : memref<1x128xf32, #tpu.memory_space<vmem>> -> memref<128xf32, #tpu.memory_space<vmem>>
      %dma_start3A_356 = arith.constant 0 : i32
      %dma_start3A_357 = tpu.memref_slice %arg31[%add3A_201, %dma_start3A_356] : memref<104x128xi32, #tpu.memory_space<vmem>> -> memref<1x128xi32, #tpu.memory_space<vmem>>
      %dma_start3A_358 = tpu.memref_squeeze %dma_start3A_357 : memref<1x128xi32, #tpu.memory_space<vmem>> -> memref<128xi32, #tpu.memory_space<vmem>>
      %dma_start3A_359 = arith.constant 0 : i32
      %dma_start3A_360 = tpu.memref_slice %arg3[%dma_start3A_359] : memref<1000000xf32, #tpu.memory_space<hbm>> -> memref<1000000xf32, #tpu.memory_space<hbm>>
      tpu.enqueue_indirect_dma source(%dma_start3A_360 : memref<1000000xf32, #tpu.memory_space<hbm>>) target(%dma_start3A_355 : memref<128xf32, #tpu.memory_space<vmem>>) offsets(%dma_start3A_358 : memref<128xi32, #tpu.memory_space<vmem>>) semaphore(%arg34 : memref<!tpu.dma_semaphore, #tpu.memory_space<semaphore_mem>>)
      %scan3A_361 = arith.constant 0 : i32
      scf.yield %scan3A_361 : i32
    }
    %scan3A_8 = arith.constant 4 : i32
    %scan3A_9 = arith.constant 0 : i32
    %scan3A_10 = arith.constant 0 : i32
    %scan3A_11 = arith.constant 4 : i32
    %scan3A_12 = arith.addi %scan3A_10, %scan3A_11 : i32
    %scan3A_13 = arith.constant 1 : i32
    %scan3A_14 = scf.for %scan3A_198 = %scan3A_10 to %scan3A_12 step %scan3A_13 iter_args(%scan3A_199 = %scan3A_9) -> (i32)  : i32 {
      %add3A_200 = arith.constant 4 : i32
      %add3A_201 = arith.addi %add3A_200, %scan3A_198 : i32
      %scan3A_202 = arith.constant 0 : i32
      %scan3A_203 = arith.constant 0 : i32
      %mul3A_204 = arith.constant 128 : i32
      %mul3A_205 = arith.muli %scan3A_198, %mul3A_204 : i32
      %mul3A_206 = arith.constant 16 : i32
      %mul3A_207 = arith.muli %scan3A_203, %mul3A_206 : i32
      %add3A_208 = arith.addi %mul3A_205, %mul3A_207 : i32
      %get3A = arith.constant 1 : i32
      %get3A_209 = arith.index_cast %get3A : i32 to index
      %get3A_210 = arith.index_cast %add3A_208 : i32 to index
      %get3A_211 = tpu.vector_load %arg30[%get3A_209, %get3A_210] {strides = array<i32>} : memref<26x512xi32, #tpu.memory_space<vmem>>, vector<1x16xi32>,
      %get3A_212 = vector.shape_cast %get3A_211 : vector<1x16xi32> to vector<16xi32>
      %mul3A_213 = arith.constant 16 : i32
      %mul3A_214 = arith.muli %scan3A_203, %mul3A_213 : i32
      %swap3A = arith.index_cast %add3A_201 : i32 to index
      %swap3A_215 = arith.index_cast %mul3A_214 : i32 to index
      %swap3A_216 = tpu.vector_load %arg31[%swap3A, %swap3A_215] {strides = array<i32>} : memref<104x128xi32, #tpu.memory_space<vmem>>, vector<1x16xi32>,
      %swap3A_217 = vector.shape_cast %swap3A_216 : vector<1x16xi32> to vector<16xi32>
      %swap3A_218 = vector.shape_cast %get3A_212 : vector<16xi32> to vector<1x16xi32>
      tpu.vector_store %arg31[%swap3A, %swap3A_215], %swap3A_218 {strides = array<i32>} : memref<104x128xi32, #tpu.memory_space<vmem>>, vector<1x16xi32>,
      %scan3A_219 = arith.constant 0 : i32
      %scan3A_220 = arith.constant 1 : i32
      %mul3A_221 = arith.constant 128 : i32
      %mul3A_222 = arith.muli %scan3A_198, %mul3A_221 : i32
      %mul3A_223 = arith.constant 16 : i32
      %mul3A_224 = arith.muli %scan3A_220, %mul3A_223 : i32
      %add3A_225 = arith.addi %mul3A_222, %mul3A_224 : i32
      %get3A_226 = arith.constant 1 : i32
      %get3A_227 = arith.index_cast %get3A_226 : i32 to index
      %get3A_228 = arith.index_cast %add3A_225 : i32 to index
      %get3A_229 = tpu.vector_load %arg30[%get3A_227, %get3A_228] {strides = array<i32>} : memref<26x512xi32, #tpu.memory_space<vmem>>, vector<1x16xi32>,
      %get3A_230 = vector.shape_cast %get3A_229 : vector<1x16xi32> to vector<16xi32>
      %mul3A_231 = arith.constant 16 : i32
      %mul3A_232 = arith.muli %scan3A_220, %mul3A_231 : i32
      %swap3A_233 = arith.index_cast %add3A_201 : i32 to index
      %swap3A_234 = arith.index_cast %mul3A_232 : i32 to index
      %swap3A_235 = tpu.vector_load %arg31[%swap3A_233, %swap3A_234] {strides = array<i32>} : memref<104x128xi32, #tpu.memory_space<vmem>>, vector<1x16xi32>,
      %swap3A_236 = vector.shape_cast %swap3A_235 : vector<1x16xi32> to vector<16xi32>
      %swap3A_237 = vector.shape_cast %get3A_230 : vector<16xi32> to vector<1x16xi32>
      tpu.vector_store %arg31[%swap3A_233, %swap3A_234], %swap3A_237 {strides = array<i32>} : memref<104x128xi32, #tpu.memory_space<vmem>>, vector<1x16xi32>,
      %scan3A_238 = arith.constant 0 : i32
      %scan3A_239 = arith.constant 2 : i32
      %mul3A_240 = arith.constant 128 : i32
      %mul3A_241 = arith.muli %scan3A_198, %mul3A_240 : i32
      %mul3A_242 = arith.constant 16 : i32
      %mul3A_243 = arith.muli %scan3A_239, %mul3A_242 : i32
      %add3A_244 = arith.addi %mul3A_241, %mul3A_243 : i32
      %get3A_245 = arith.constant 1 : i32
      %get3A_246 = arith.index_cast %get3A_245 : i32 to index
      %get3A_247 = arith.index_cast %add3A_244 : i32 to index
      %get3A_248 = tpu.vector_load %arg30[%get3A_246, %get3A_247] {strides = array<i32>} : memref<26x512xi32, #tpu.memory_space<vmem>>, vector<1x16xi32>,
      %get3A_249 = vector.shape_cast %get3A_248 : vector<1x16xi32> to vector<16xi32>
      %mul3A_250 = arith.constant 16 : i32
      %mul3A_251 = arith.muli %scan3A_239, %mul3A_250 : i32
      %swap3A_252 = arith.index_cast %add3A_201 : i32 to index
      %swap3A_253 = arith.index_cast %mul3A_251 : i32 to index
      %swap3A_254 = tpu.vector_load %arg31[%swap3A_252, %swap3A_253] {strides = array<i32>} : memref<104x128xi32, #tpu.memory_space<vmem>>, vector<1x16xi32>,
      %swap3A_255 = vector.shape_cast %swap3A_254 : vector<1x16xi32> to vector<16xi32>
      %swap3A_256 = vector.shape_cast %get3A_249 : vector<16xi32> to vector<1x16xi32>
      tpu.vector_store %arg31[%swap3A_252, %swap3A_253], %swap3A_256 {strides = array<i32>} : memref<104x128xi32, #tpu.memory_space<vmem>>, vector<1x16xi32>,
      %scan3A_257 = arith.constant 0 : i32
      %scan3A_258 = arith.constant 3 : i32
      %mul3A_259 = arith.constant 128 : i32
      %mul3A_260 = arith.muli %scan3A_198, %mul3A_259 : i32
      %mul3A_261 = arith.constant 16 : i32
      %mul3A_262 = arith.muli %scan3A_258, %mul3A_261 : i32
      %add3A_263 = arith.addi %mul3A_260, %mul3A_262 : i32
      %get3A_264 = arith.constant 1 : i32
      %get3A_265 = arith.index_cast %get3A_264 : i32 to index
      %get3A_266 = arith.index_cast %add3A_263 : i32 to index
      %get3A_267 = tpu.vector_load %arg30[%get3A_265, %get3A_266] {strides = array<i32>} : memref<26x512xi32, #tpu.memory_space<vmem>>, vector<1x16xi32>,
      %get3A_268 = vector.shape_cast %get3A_267 : vector<1x16xi32> to vector<16xi32>
      %mul3A_269 = arith.constant 16 : i32
      %mul3A_270 = arith.muli %scan3A_258, %mul3A_269 : i32
      %swap3A_271 = arith.index_cast %add3A_201 : i32 to index
      %swap3A_272 = arith.index_cast %mul3A_270 : i32 to index
      %swap3A_273 = tpu.vector_load %arg31[%swap3A_271, %swap3A_272] {strides = array<i32>} : memref<104x128xi32, #tpu.memory_space<vmem>>, vector<1x16xi32>,
      %swap3A_274 = vector.shape_cast %swap3A_273 : vector<1x16xi32> to vector<16xi32>
      %swap3A_275 = vector.shape_cast %get3A_268 : vector<16xi32> to vector<1x16xi32>
      tpu.vector_store %arg31[%swap3A_271, %swap3A_272], %swap3A_275 {strides = array<i32>} : memref<104x128xi32, #tpu.memory_space<vmem>>, vector<1x16xi32>,
      %scan3A_276 = arith.constant 0 : i32
      %scan3A_277 = arith.constant 4 : i32
      %mul3A_278 = arith.constant 128 : i32
      %mul3A_279 = arith.muli %scan3A_198, %mul3A_278 : i32
      %mul3A_280 = arith.constant 16 : i32
      %mul3A_281 = arith.muli %scan3A_277, %mul3A_280 : i32
      %add3A_282 = arith.addi %mul3A_279, %mul3A_281 : i32
      %get3A_283 = arith.constant 1 : i32
      %get3A_284 = arith.index_cast %get3A_283 : i32 to index
      %get3A_285 = arith.index_cast %add3A_282 : i32 to index
      %get3A_286 = tpu.vector_load %arg30[%get3A_284, %get3A_285] {strides = array<i32>} : memref<26x512xi32, #tpu.memory_space<vmem>>, vector<1x16xi32>,
      %get3A_287 = vector.shape_cast %get3A_286 : vector<1x16xi32> to vector<16xi32>
      %mul3A_288 = arith.constant 16 : i32
      %mul3A_289 = arith.muli %scan3A_277, %mul3A_288 : i32
      %swap3A_290 = arith.index_cast %add3A_201 : i32 to index
      %swap3A_291 = arith.index_cast %mul3A_289 : i32 to index
      %swap3A_292 = tpu.vector_load %arg31[%swap3A_290, %swap3A_291] {strides = array<i32>} : memref<104x128xi32, #tpu.memory_space<vmem>>, vector<1x16xi32>,
      %swap3A_293 = vector.shape_cast %swap3A_292 : vector<1x16xi32> to vector<16xi32>
      %swap3A_294 = vector.shape_cast %get3A_287 : vector<16xi32> to vector<1x16xi32>
      tpu.vector_store %arg31[%swap3A_290, %swap3A_291], %swap3A_294 {strides = array<i32>} : memref<104x128xi32, #tpu.memory_space<vmem>>, vector<1x16xi32>,
      %scan3A_295 = arith.constant 0 : i32
      %scan3A_296 = arith.constant 5 : i32
      %mul3A_297 = arith.constant 128 : i32
      %mul3A_298 = arith.muli %scan3A_198, %mul3A_297 : i32
      %mul3A_299 = arith.constant 16 : i32
      %mul3A_300 = arith.muli %scan3A_296, %mul3A_299 : i32
      %add3A_301 = arith.addi %mul3A_298, %mul3A_300 : i32
      %get3A_302 = arith.constant 1 : i32
      %get3A_303 = arith.index_cast %get3A_302 : i32 to index
      %get3A_304 = arith.index_cast %add3A_301 : i32 to index
      %get3A_305 = tpu.vector_load %arg30[%get3A_303, %get3A_304] {strides = array<i32>} : memref<26x512xi32, #tpu.memory_space<vmem>>, vector<1x16xi32>,
      %get3A_306 = vector.shape_cast %get3A_305 : vector<1x16xi32> to vector<16xi32>
      %mul3A_307 = arith.constant 16 : i32
      %mul3A_308 = arith.muli %scan3A_296, %mul3A_307 : i32
      %swap3A_309 = arith.index_cast %add3A_201 : i32 to index
      %swap3A_310 = arith.index_cast %mul3A_308 : i32 to index
      %swap3A_311 = tpu.vector_load %arg31[%swap3A_309, %swap3A_310] {strides = array<i32>} : memref<104x128xi32, #tpu.memory_space<vmem>>, vector<1x16xi32>,
      %swap3A_312 = vector.shape_cast %swap3A_311 : vector<1x16xi32> to vector<16xi32>
      %swap3A_313 = vector.shape_cast %get3A_306 : vector<16xi32> to vector<1x16xi32>
      tpu.vector_store %arg31[%swap3A_309, %swap3A_310], %swap3A_313 {strides = array<i32>} : memref<104x128xi32, #tpu.memory_space<vmem>>, vector<1x16xi32>,
      %scan3A_314 = arith.constant 0 : i32
      %scan3A_315 = arith.constant 6 : i32
      %mul3A_316 = arith.constant 128 : i32
      %mul3A_317 = arith.muli %scan3A_198, %mul3A_316 : i32
      %mul3A_318 = arith.constant 16 : i32
      %mul3A_319 = arith.muli %scan3A_315, %mul3A_318 : i32
      %add3A_320 = arith.addi %mul3A_317, %mul3A_319 : i32
      %get3A_321 = arith.constant 1 : i32
      %get3A_322 = arith.index_cast %get3A_321 : i32 to index
      %get3A_323 = arith.index_cast %add3A_320 : i32 to index
      %get3A_324 = tpu.vector_load %arg30[%get3A_322, %get3A_323] {strides = array<i32>} : memref<26x512xi32, #tpu.memory_space<vmem>>, vector<1x16xi32>,
      %get3A_325 = vector.shape_cast %get3A_324 : vector<1x16xi32> to vector<16xi32>
      %mul3A_326 = arith.constant 16 : i32
      %mul3A_327 = arith.muli %scan3A_315, %mul3A_326 : i32
      %swap3A_328 = arith.index_cast %add3A_201 : i32 to index
      %swap3A_329 = arith.index_cast %mul3A_327 : i32 to index
      %swap3A_330 = tpu.vector_load %arg31[%swap3A_328, %swap3A_329] {strides = array<i32>} : memref<104x128xi32, #tpu.memory_space<vmem>>, vector<1x16xi32>,
      %swap3A_331 = vector.shape_cast %swap3A_330 : vector<1x16xi32> to vector<16xi32>
      %swap3A_332 = vector.shape_cast %get3A_325 : vector<16xi32> to vector<1x16xi32>
      tpu.vector_store %arg31[%swap3A_328, %swap3A_329], %swap3A_332 {strides = array<i32>} : memref<104x128xi32, #tpu.memory_space<vmem>>, vector<1x16xi32>,
      %scan3A_333 = arith.constant 0 : i32
      %scan3A_334 = arith.constant 7 : i32
      %mul3A_335 = arith.constant 128 : i32
      %mul3A_336 = arith.muli %scan3A_198, %mul3A_335 : i32
      %mul3A_337 = arith.constant 16 : i32
      %mul3A_338 = arith.muli %scan3A_334, %mul3A_337 : i32
      %add3A_339 = arith.addi %mul3A_336, %mul3A_338 : i32
      %get3A_340 = arith.constant 1 : i32
      %get3A_341 = arith.index_cast %get3A_340 : i32 to index
      %get3A_342 = arith.index_cast %add3A_339 : i32 to index
      %get3A_343 = tpu.vector_load %arg30[%get3A_341, %get3A_342] {strides = array<i32>} : memref<26x512xi32, #tpu.memory_space<vmem>>, vector<1x16xi32>,
      %get3A_344 = vector.shape_cast %get3A_343 : vector<1x16xi32> to vector<16xi32>
      %mul3A_345 = arith.constant 16 : i32
      %mul3A_346 = arith.muli %scan3A_334, %mul3A_345 : i32
      %swap3A_347 = arith.index_cast %add3A_201 : i32 to index
      %swap3A_348 = arith.index_cast %mul3A_346 : i32 to index
      %swap3A_349 = tpu.vector_load %arg31[%swap3A_347, %swap3A_348] {strides = array<i32>} : memref<104x128xi32, #tpu.memory_space<vmem>>, vector<1x16xi32>,
      %swap3A_350 = vector.shape_cast %swap3A_349 : vector<1x16xi32> to vector<16xi32>
      %swap3A_351 = vector.shape_cast %get3A_344 : vector<16xi32> to vector<1x16xi32>
      tpu.vector_store %arg31[%swap3A_347, %swap3A_348], %swap3A_351 {strides = array<i32>} : memref<104x128xi32, #tpu.memory_space<vmem>>, vector<1x16xi32>,
      %scan3A_352 = arith.constant 0 : i32
      %scan3A_353 = arith.constant 8 : i32
      %dma_start3A = arith.constant 0 : i32
      %dma_start3A_354 = tpu.memref_slice %arg32[%add3A_201, %dma_start3A] : memref<104x128xf32, #tpu.memory_space<vmem>> -> memref<1x128xf32, #tpu.memory_space<vmem>>
      %dma_start3A_355 = tpu.memref_squeeze %dma_start3A_354 : memref<1x128xf32, #tpu.memory_space<vmem>> -> memref<128xf32, #tpu.memory_space<vmem>>
      %dma_start3A_356 = arith.constant 0 : i32
      %dma_start3A_357 = tpu.memref_slice %arg31[%add3A_201, %dma_start3A_356] : memref<104x128xi32, #tpu.memory_space<vmem>> -> memref<1x128xi32, #tpu.memory_space<vmem>>
      %dma_start3A_358 = tpu.memref_squeeze %dma_start3A_357 : memref<1x128xi32, #tpu.memory_space<vmem>> -> memref<128xi32, #tpu.memory_space<vmem>>
      %dma_start3A_359 = arith.constant 0 : i32
      %dma_start3A_360 = tpu.memref_slice %arg4[%dma_start3A_359] : memref<1000000xf32, #tpu.memory_space<hbm>> -> memref<1000000xf32, #tpu.memory_space<hbm>>
      tpu.enqueue_indirect_dma source(%dma_start3A_360 : memref<1000000xf32, #tpu.memory_space<hbm>>) target(%dma_start3A_355 : memref<128xf32, #tpu.memory_space<vmem>>) offsets(%dma_start3A_358 : memref<128xi32, #tpu.memory_space<vmem>>) semaphore(%arg34 : memref<!tpu.dma_semaphore, #tpu.memory_space<semaphore_mem>>)
      %scan3A_361 = arith.constant 0 : i32
      scf.yield %scan3A_361 : i32
    }
    %scan3A_15 = arith.constant 4 : i32
    %scan3A_16 = arith.constant 0 : i32
    %scan3A_17 = arith.constant 0 : i32
    %scan3A_18 = arith.constant 4 : i32
    %scan3A_19 = arith.addi %scan3A_17, %scan3A_18 : i32
    %scan3A_20 = arith.constant 1 : i32
    %scan3A_21 = scf.for %scan3A_198 = %scan3A_17 to %scan3A_19 step %scan3A_20 iter_args(%scan3A_199 = %scan3A_16) -> (i32)  : i32 {
      %add3A_200 = arith.constant 8 : i32
      %add3A_201 = arith.addi %add3A_200, %scan3A_198 : i32
      %scan3A_202 = arith.constant 0 : i32
      %scan3A_203 = arith.constant 0 : i32
      %mul3A_204 = arith.constant 128 : i32
      %mul3A_205 = arith.muli %scan3A_198, %mul3A_204 : i32
      %mul3A_206 = arith.constant 16 : i32
      %mul3A_207 = arith.muli %scan3A_203, %mul3A_206 : i32
      %add3A_208 = arith.addi %mul3A_205, %mul3A_207 : i32
      %get3A = arith.constant 2 : i32
      %get3A_209 = arith.index_cast %get3A : i32 to index
      %get3A_210 = arith.index_cast %add3A_208 : i32 to index
      %get3A_211 = tpu.vector_load %arg30[%get3A_209, %get3A_210] {strides = array<i32>} : memref<26x512xi32, #tpu.memory_space<vmem>>, vector<1x16xi32>,
      %get3A_212 = vector.shape_cast %get3A_211 : vector<1x16xi32> to vector<16xi32>
      %mul3A_213 = arith.constant 16 : i32
      %mul3A_214 = arith.muli %scan3A_203, %mul3A_213 : i32
      %swap3A = arith.index_cast %add3A_201 : i32 to index
      %swap3A_215 = arith.index_cast %mul3A_214 : i32 to index
      %swap3A_216 = tpu.vector_load %arg31[%swap3A, %swap3A_215] {strides = array<i32>} : memref<104x128xi32, #tpu.memory_space<vmem>>, vector<1x16xi32>,
      %swap3A_217 = vector.shape_cast %swap3A_216 : vector<1x16xi32> to vector<16xi32>
      %swap3A_218 = vector.shape_cast %get3A_212 : vector<16xi32> to vector<1x16xi32>
      tpu.vector_store %arg31[%swap3A, %swap3A_215], %swap3A_218 {strides = array<i32>} : memref<104x128xi32, #tpu.memory_space<vmem>>, vector<1x16xi32>,
      %scan3A_219 = arith.constant 0 : i32
      %scan3A_220 = arith.constant 1 : i32
      %mul3A_221 = arith.constant 128 : i32
      %mul3A_222 = arith.muli %scan3A_198, %mul3A_221 : i32
      %mul3A_223 = arith.constant 16 : i32
      %mul3A_224 = arith.muli %scan3A_220, %mul3A_223 : i32
      %add3A_225 = arith.addi %mul3A_222, %mul3A_224 : i32
      %get3A_226 = arith.constant 2 : i32
      %get3A_227 = arith.index_cast %get3A_226 : i32 to index
      %get3A_228 = arith.index_cast %add3A_225 : i32 to index
      %get3A_229 = tpu.vector_load %arg30[%get3A_227, %get3A_228] {strides = array<i32>} : memref<26x512xi32, #tpu.memory_space<vmem>>, vector<1x16xi32>,
      %get3A_230 = vector.shape_cast %get3A_229 : vector<1x16xi32> to vector<16xi32>
      %mul3A_231 = arith.constant 16 : i32
      %mul3A_232 = arith.muli %scan3A_220, %mul3A_231 : i32
      %swap3A_233 = arith.index_cast %add3A_201 : i32 to index
      %swap3A_234 = arith.index_cast %mul3A_232 : i32 to index
      %swap3A_235 = tpu.vector_load %arg31[%swap3A_233, %swap3A_234] {strides = array<i32>} : memref<104x128xi32, #tpu.memory_space<vmem>>, vector<1x16xi32>,
      %swap3A_236 = vector.shape_cast %swap3A_235 : vector<1x16xi32> to vector<16xi32>
      %swap3A_237 = vector.shape_cast %get3A_230 : vector<16xi32> to vector<1x16xi32>
      tpu.vector_store %arg31[%swap3A_233, %swap3A_234], %swap3A_237 {strides = array<i32>} : memref<104x128xi32, #tpu.memory_space<vmem>>, vector<1x16xi32>,
      %scan3A_238 = arith.constant 0 : i32
      %scan3A_239 = arith.constant 2 : i32
      %mul3A_240 = arith.constant 128 : i32
      %mul3A_241 = arith.muli %scan3A_198, %mul3A_240 : i32
      %mul3A_242 = arith.constant 16 : i32
      %mul3A_243 = arith.muli %scan3A_239, %mul3A_242 : i32
      %add3A_244 = arith.addi %mul3A_241, %mul3A_243 : i32
      %get3A_245 = arith.constant 2 : i32
      %get3A_246 = arith.index_cast %get3A_245 : i32 to index
      %get3A_247 = arith.index_cast %add3A_244 : i32 to index
      %get3A_248 = tpu.vector_load %arg30[%get3A_246, %get3A_247] {strides = array<i32>} : memref<26x512xi32, #tpu.memory_space<vmem>>, vector<1x16xi32>,
      %get3A_249 = vector.shape_cast %get3A_248 : vector<1x16xi32> to vector<16xi32>
      %mul3A_250 = arith.constant 16 : i32
      %mul3A_251 = arith.muli %scan3A_239, %mul3A_250 : i32
      %swap3A_252 = arith.index_cast %add3A_201 : i32 to index
      %swap3A_253 = arith.index_cast %mul3A_251 : i32 to index
      %swap3A_254 = tpu.vector_load %arg31[%swap3A_252, %swap3A_253] {strides = array<i32>} : memref<104x128xi32, #tpu.memory_space<vmem>>, vector<1x16xi32>,
      %swap3A_255 = vector.shape_cast %swap3A_254 : vector<1x16xi32> to vector<16xi32>
      %swap3A_256 = vector.shape_cast %get3A_249 : vector<16xi32> to vector<1x16xi32>
      tpu.vector_store %arg31[%swap3A_252, %swap3A_253], %swap3A_256 {strides = array<i32>} : memref<104x128xi32, #tpu.memory_space<vmem>>, vector<1x16xi32>,
      %scan3A_257 = arith.constant 0 : i32
      %scan3A_258 = arith.constant 3 : i32
      %mul3A_259 = arith.constant 128 : i32
      %mul3A_260 = arith.muli %scan3A_198, %mul3A_259 : i32
      %mul3A_261 = arith.constant 16 : i32
      %mul3A_262 = arith.muli %scan3A_258, %mul3A_261 : i32
      %add3A_263 = arith.addi %mul3A_260, %mul3A_262 : i32
      %get3A_264 = arith.constant 2 : i32
      %get3A_265 = arith.index_cast %get3A_264 : i32 to index
      %get3A_266 = arith.index_cast %add3A_263 : i32 to index
      %get3A_267 = tpu.vector_load %arg30[%get3A_265, %get3A_266] {strides = array<i32>} : memref<26x512xi32, #tpu.memory_space<vmem>>, vector<1x16xi32>,
      %get3A_268 = vector.shape_cast %get3A_267 : vector<1x16xi32> to vector<16xi32>
      %mul3A_269 = arith.constant 16 : i32
      %mul3A_270 = arith.muli %scan3A_258, %mul3A_269 : i32
      %swap3A_271 = arith.index_cast %add3A_201 : i32 to index
      %swap3A_272 = arith.index_cast %mul3A_270 : i32 to index
      %swap3A_273 = tpu.vector_load %arg31[%swap3A_271, %swap3A_272] {strides = array<i32>} : memref<104x128xi32, #tpu.memory_space<vmem>>, vector<1x16xi32>,
      %swap3A_274 = vector.shape_cast %swap3A_273 : vector<1x16xi32> to vector<16xi32>
      %swap3A_275 = vector.shape_cast %get3A_268 : vector<16xi32> to vector<1x16xi32>
      tpu.vector_store %arg31[%swap3A_271, %swap3A_272], %swap3A_275 {strides = array<i32>} : memref<104x128xi32, #tpu.memory_space<vmem>>, vector<1x16xi32>,
      %scan3A_276 = arith.constant 0 : i32
      %scan3A_277 = arith.constant 4 : i32
      %mul3A_278 = arith.constant 128 : i32
      %mul3A_279 = arith.muli %scan3A_198, %mul3A_278 : i32
      %mul3A_280 = arith.constant 16 : i32
      %mul3A_281 = arith.muli %scan3A_277, %mul3A_280 : i32
      %add3A_282 = arith.addi %mul3A_279, %mul3A_281 : i32
      %get3A_283 = arith.constant 2 : i32
      %get3A_284 = arith.index_cast %get3A_283 : i32 to index
      %get3A_285 = arith.index_cast %add3A_282 : i32 to index
      %get3A_286 = tpu.vector_load %arg30[%get3A_284, %get3A_285] {strides = array<i32>} : memref<26x512xi32, #tpu.memory_space<vmem>>, vector<1x16xi32>,
      %get3A_287 = vector.shape_cast %get3A_286 : vector<1x16xi32> to vector<16xi32>
      %mul3A_288 = arith.constant 16 : i32
      %mul3A_289 = arith.muli %scan3A_277, %mul3A_288 : i32
      %swap3A_290 = arith.index_cast %add3A_201 : i32 to index
      %swap3A_291 = arith.index_cast %mul3A_289 : i32 to index
      %swap3A_292 = tpu.vector_load %arg31[%swap3A_290, %swap3A_291] {strides = array<i32>} : memref<104x128xi32, #tpu.memory_space<vmem>>, vector<1x16xi32>,
      %swap3A_293 = vector.shape_cast %swap3A_292 : vector<1x16xi32> to vector<16xi32>
      %swap3A_294 = vector.shape_cast %get3A_287 : vector<16xi32> to vector<1x16xi32>
      tpu.vector_store %arg31[%swap3A_290, %swap3A_291], %swap3A_294 {strides = array<i32>} : memref<104x128xi32, #tpu.memory_space<vmem>>, vector<1x16xi32>,
      %scan3A_295 = arith.constant 0 : i32
      %scan3A_296 = arith.constant 5 : i32
      %mul3A_297 = arith.constant 128 : i32
      %mul3A_298 = arith.muli %scan3A_198, %mul3A_297 : i32
      %mul3A_299 = arith.constant 16 : i32
      %mul3A_300 = arith.muli %scan3A_296, %mul3A_299 : i32
      %add3A_301 = arith.addi %mul3A_298, %mul3A_300 : i32
      %get3A_302 = arith.constant 2 : i32
      %get3A_303 = arith.index_cast %get3A_302 : i32 to index
      %get3A_304 = arith.index_cast %add3A_301 : i32 to index
      %get3A_305 = tpu.vector_load %arg30[%get3A_303, %get3A_304] {strides = array<i32>} : memref<26x512xi32, #tpu.memory_space<vmem>>, vector<1x16xi32>,
      %get3A_306 = vector.shape_cast %get3A_305 : vector<1x16xi32> to vector<16xi32>
      %mul3A_307 = arith.constant 16 : i32
      %mul3A_308 = arith.muli %scan3A_296, %mul3A_307 : i32
      %swap3A_309 = arith.index_cast %add3A_201 : i32 to index
      %swap3A_310 = arith.index_cast %mul3A_308 : i32 to index
      %swap3A_311 = tpu.vector_load %arg31[%swap3A_309, %swap3A_310] {strides = array<i32>} : memref<104x128xi32, #tpu.memory_space<vmem>>, vector<1x16xi32>,
      %swap3A_312 = vector.shape_cast %swap3A_311 : vector<1x16xi32> to vector<16xi32>
      %swap3A_313 = vector.shape_cast %get3A_306 : vector<16xi32> to vector<1x16xi32>
      tpu.vector_store %arg31[%swap3A_309, %swap3A_310], %swap3A_313 {strides = array<i32>} : memref<104x128xi32, #tpu.memory_space<vmem>>, vector<1x16xi32>,
      %scan3A_314 = arith.constant 0 : i32
      %scan3A_315 = arith.constant 6 : i32
      %mul3A_316 = arith.constant 128 : i32
      %mul3A_317 = arith.muli %scan3A_198, %mul3A_316 : i32
      %mul3A_318 = arith.constant 16 : i32
      %mul3A_319 = arith.muli %scan3A_315, %mul3A_318 : i32
      %add3A_320 = arith.addi %mul3A_317, %mul3A_319 : i32
      %get3A_321 = arith.constant 2 : i32
      %get3A_322 = arith.index_cast %get3A_321 : i32 to index
      %get3A_323 = arith.index_cast %add3A_320 : i32 to index
      %get3A_324 = tpu.vector_load %arg30[%get3A_322, %get3A_323] {strides = array<i32>} : memref<26x512xi32, #tpu.memory_space<vmem>>, vector<1x16xi32>,
      %get3A_325 = vector.shape_cast %get3A_324 : vector<1x16xi32> to vector<16xi32>
      %mul3A_326 = arith.constant 16 : i32
      %mul3A_327 = arith.muli %scan3A_315, %mul3A_326 : i32
      %swap3A_328 = arith.index_cast %add3A_201 : i32 to index
      %swap3A_329 = arith.index_cast %mul3A_327 : i32 to index
      %swap3A_330 = tpu.vector_load %arg31[%swap3A_328, %swap3A_329] {strides = array<i32>} : memref<104x128xi32, #tpu.memory_space<vmem>>, vector<1x16xi32>,
      %swap3A_331 = vector.shape_cast %swap3A_330 : vector<1x16xi32> to vector<16xi32>
      %swap3A_332 = vector.shape_cast %get3A_325 : vector<16xi32> to vector<1x16xi32>
      tpu.vector_store %arg31[%swap3A_328, %swap3A_329], %swap3A_332 {strides = array<i32>} : memref<104x128xi32, #tpu.memory_space<vmem>>, vector<1x16xi32>,
      %scan3A_333 = arith.constant 0 : i32
      %scan3A_334 = arith.constant 7 : i32
      %mul3A_335 = arith.constant 128 : i32
      %mul3A_336 = arith.muli %scan3A_198, %mul3A_335 : i32
      %mul3A_337 = arith.constant 16 : i32
      %mul3A_338 = arith.muli %scan3A_334, %mul3A_337 : i32
      %add3A_339 = arith.addi %mul3A_336, %mul3A_338 : i32
      %get3A_340 = arith.constant 2 : i32
      %get3A_341 = arith.index_cast %get3A_340 : i32 to index
      %get3A_342 = arith.index_cast %add3A_339 : i32 to index
      %get3A_343 = tpu.vector_load %arg30[%get3A_341, %get3A_342] {strides = array<i32>} : memref<26x512xi32, #tpu.memory_space<vmem>>, vector<1x16xi32>,
      %get3A_344 = vector.shape_cast %get3A_343 : vector<1x16xi32> to vector<16xi32>
      %mul3A_345 = arith.constant 16 : i32
      %mul3A_346 = arith.muli %scan3A_334, %mul3A_345 : i32
      %swap3A_347 = arith.index_cast %add3A_201 : i32 to index
      %swap3A_348 = arith.index_cast %mul3A_346 : i32 to index
      %swap3A_349 = tpu.vector_load %arg31[%swap3A_347, %swap3A_348] {strides = array<i32>} : memref<104x128xi32, #tpu.memory_space<vmem>>, vector<1x16xi32>,
      %swap3A_350 = vector.shape_cast %swap3A_349 : vector<1x16xi32> to vector<16xi32>
      %swap3A_351 = vector.shape_cast %get3A_344 : vector<16xi32> to vector<1x16xi32>
      tpu.vector_store %arg31[%swap3A_347, %swap3A_348], %swap3A_351 {strides = array<i32>} : memref<104x128xi32, #tpu.memory_space<vmem>>, vector<1x16xi32>,
      %scan3A_352 = arith.constant 0 : i32
      %scan3A_353 = arith.constant 8 : i32
      %dma_start3A = arith.constant 0 : i32
      %dma_start3A_354 = tpu.memref_slice %arg32[%add3A_201, %dma_start3A] : memref<104x128xf32, #tpu.memory_space<vmem>> -> memref<1x128xf32, #tpu.memory_space<vmem>>
      %dma_start3A_355 = tpu.memref_squeeze %dma_start3A_354 : memref<1x128xf32, #tpu.memory_space<vmem>> -> memref<128xf32, #tpu.memory_space<vmem>>
      %dma_start3A_356 = arith.constant 0 : i32
      %dma_start3A_357 = tpu.memref_slice %arg31[%add3A_201, %dma_start3A_356] : memref<104x128xi32, #tpu.memory_space<vmem>> -> memref<1x128xi32, #tpu.memory_space<vmem>>
      %dma_start3A_358 = tpu.memref_squeeze %dma_start3A_357 : memref<1x128xi32, #tpu.memory_space<vmem>> -> memref<128xi32, #tpu.memory_space<vmem>>
      %dma_start3A_359 = arith.constant 0 : i32
      %dma_start3A_360 = tpu.memref_slice %arg5[%dma_start3A_359] : memref<1000000xf32, #tpu.memory_space<hbm>> -> memref<1000000xf32, #tpu.memory_space<hbm>>
      tpu.enqueue_indirect_dma source(%dma_start3A_360 : memref<1000000xf32, #tpu.memory_space<hbm>>) target(%dma_start3A_355 : memref<128xf32, #tpu.memory_space<vmem>>) offsets(%dma_start3A_358 : memref<128xi32, #tpu.memory_space<vmem>>) semaphore(%arg34 : memref<!tpu.dma_semaphore, #tpu.memory_space<semaphore_mem>>)
      %scan3A_361 = arith.constant 0 : i32
      scf.yield %scan3A_361 : i32
    }
    %scan3A_22 = arith.constant 4 : i32
    %scan3A_23 = arith.constant 0 : i32
    %scan3A_24 = arith.constant 0 : i32
    %scan3A_25 = arith.constant 4 : i32
    %scan3A_26 = arith.addi %scan3A_24, %scan3A_25 : i32
    %scan3A_27 = arith.constant 1 : i32
    %scan3A_28 = scf.for %scan3A_198 = %scan3A_24 to %scan3A_26 step %scan3A_27 iter_args(%scan3A_199 = %scan3A_23) -> (i32)  : i32 {
      %add3A_200 = arith.constant 12 : i32
      %add3A_201 = arith.addi %add3A_200, %scan3A_198 : i32
      %scan3A_202 = arith.constant 0 : i32
      %scan3A_203 = arith.constant 0 : i32
      %mul3A_204 = arith.constant 128 : i32
      %mul3A_205 = arith.muli %scan3A_198, %mul3A_204 : i32
      %mul3A_206 = arith.constant 16 : i32
      %mul3A_207 = arith.muli %scan3A_203, %mul3A_206 : i32
      %add3A_208 = arith.addi %mul3A_205, %mul3A_207 : i32
      %get3A = arith.constant 3 : i32
      %get3A_209 = arith.index_cast %get3A : i32 to index
      %get3A_210 = arith.index_cast %add3A_208 : i32 to index
      %get3A_211 = tpu.vector_load %arg30[%get3A_209, %get3A_210] {strides = array<i32>} : memref<26x512xi32, #tpu.memory_space<vmem>>, vector<1x16xi32>,
      %get3A_212 = vector.shape_cast %get3A_211 : vector<1x16xi32> to vector<16xi32>
      %mul3A_213 = arith.constant 16 : i32
      %mul3A_214 = arith.muli %scan3A_203, %mul3A_213 : i32
      %swap3A = arith.index_cast %add3A_201 : i32 to index
      %swap3A_215 = arith.index_cast %mul3A_214 : i32 to index
      %swap3A_216 = tpu.vector_load %arg31[%swap3A, %swap3A_215] {strides = array<i32>} : memref<104x128xi32, #tpu.memory_space<vmem>>, vector<1x16xi32>,
      %swap3A_217 = vector.shape_cast %swap3A_216 : vector<1x16xi32> to vector<16xi32>
      %swap3A_218 = vector.shape_cast %get3A_212 : vector<16xi32> to vector<1x16xi32>
      tpu.vector_store %arg31[%swap3A, %swap3A_215], %swap3A_218 {strides = array<i32>} : memref<104x128xi32, #tpu.memory_space<vmem>>, vector<1x16xi32>,
      %scan3A_219 = arith.constant 0 : i32
      %scan3A_220 = arith.constant 1 : i32
      %mul3A_221 = arith.constant 128 : i32
      %mul3A_222 = arith.muli %scan3A_198, %mul3A_221 : i32
      %mul3A_223 = arith.constant 16 : i32
      %mul3A_224 = arith.muli %scan3A_220, %mul3A_223 : i32
      %add3A_225 = arith.addi %mul3A_222, %mul3A_224 : i32
      %get3A_226 = arith.constant 3 : i32
      %get3A_227 = arith.index_cast %get3A_226 : i32 to index
      %get3A_228 = arith.index_cast %add3A_225 : i32 to index
      %get3A_229 = tpu.vector_load %arg30[%get3A_227, %get3A_228] {strides = array<i32>} : memref<26x512xi32, #tpu.memory_space<vmem>>, vector<1x16xi32>,
      %get3A_230 = vector.shape_cast %get3A_229 : vector<1x16xi32> to vector<16xi32>
      %mul3A_231 = arith.constant 16 : i32
      %mul3A_232 = arith.muli %scan3A_220, %mul3A_231 : i32
      %swap3A_233 = arith.index_cast %add3A_201 : i32 to index
      %swap3A_234 = arith.index_cast %mul3A_232 : i32 to index
      %swap3A_235 = tpu.vector_load %arg31[%swap3A_233, %swap3A_234] {strides = array<i32>} : memref<104x128xi32, #tpu.memory_space<vmem>>, vector<1x16xi32>,
      %swap3A_236 = vector.shape_cast %swap3A_235 : vector<1x16xi32> to vector<16xi32>
      %swap3A_237 = vector.shape_cast %get3A_230 : vector<16xi32> to vector<1x16xi32>
      tpu.vector_store %arg31[%swap3A_233, %swap3A_234], %swap3A_237 {strides = array<i32>} : memref<104x128xi32, #tpu.memory_space<vmem>>, vector<1x16xi32>,
      %scan3A_238 = arith.constant 0 : i32
      %scan3A_239 = arith.constant 2 : i32
      %mul3A_240 = arith.constant 128 : i32
      %mul3A_241 = arith.muli %scan3A_198, %mul3A_240 : i32
      %mul3A_242 = arith.constant 16 : i32
      %mul3A_243 = arith.muli %scan3A_239, %mul3A_242 : i32
      %add3A_244 = arith.addi %mul3A_241, %mul3A_243 : i32
      %get3A_245 = arith.constant 3 : i32
      %get3A_246 = arith.index_cast %get3A_245 : i32 to index
      %get3A_247 = arith.index_cast %add3A_244 : i32 to index
      %get3A_248 = tpu.vector_load %arg30[%get3A_246, %get3A_247] {strides = array<i32>} : memref<26x512xi32, #tpu.memory_space<vmem>>, vector<1x16xi32>,
      %get3A_249 = vector.shape_cast %get3A_248 : vector<1x16xi32> to vector<16xi32>
      %mul3A_250 = arith.constant 16 : i32
      %mul3A_251 = arith.muli %scan3A_239, %mul3A_250 : i32
      %swap3A_252 = arith.index_cast %add3A_201 : i32 to index
      %swap3A_253 = arith.index_cast %mul3A_251 : i32 to index
      %swap3A_254 = tpu.vector_load %arg31[%swap3A_252, %swap3A_253] {strides = array<i32>} : memref<104x128xi32, #tpu.memory_space<vmem>>, vector<1x16xi32>,
      %swap3A_255 = vector.shape_cast %swap3A_254 : vector<1x16xi32> to vector<16xi32>
      %swap3A_256 = vector.shape_cast %get3A_249 : vector<16xi32> to vector<1x16xi32>
      tpu.vector_store %arg31[%swap3A_252, %swap3A_253], %swap3A_256 {strides = array<i32>} : memref<104x128xi32, #tpu.memory_space<vmem>>, vector<1x16xi32>,
      %scan3A_257 = arith.constant 0 : i32
      %scan3A_258 = arith.constant 3 : i32
      %mul3A_259 = arith.constant 128 : i32
      %mul3A_260 = arith.muli %scan3A_198, %mul3A_259 : i32
      %mul3A_261 = arith.constant 16 : i32
      %mul3A_262 = arith.muli %scan3A_258, %mul3A_261 : i32
      %add3A_263 = arith.addi %mul3A_260, %mul3A_262 : i32
      %get3A_264 = arith.constant 3 : i32
      %get3A_265 = arith.index_cast %get3A_264 : i32 to index
      %get3A_266 = arith.index_cast %add3A_263 : i32 to index
      %get3A_267 = tpu.vector_load %arg30[%get3A_265, %get3A_266] {strides = array<i32>} : memref<26x512xi32, #tpu.memory_space<vmem>>, vector<1x16xi32>,
      %get3A_268 = vector.shape_cast %get3A_267 : vector<1x16xi32> to vector<16xi32>
      %mul3A_269 = arith.constant 16 : i32
      %mul3A_270 = arith.muli %scan3A_258, %mul3A_269 : i32
      %swap3A_271 = arith.index_cast %add3A_201 : i32 to index
      %swap3A_272 = arith.index_cast %mul3A_270 : i32 to index
      %swap3A_273 = tpu.vector_load %arg31[%swap3A_271, %swap3A_272] {strides = array<i32>} : memref<104x128xi32, #tpu.memory_space<vmem>>, vector<1x16xi32>,
      %swap3A_274 = vector.shape_cast %swap3A_273 : vector<1x16xi32> to vector<16xi32>
      %swap3A_275 = vector.shape_cast %get3A_268 : vector<16xi32> to vector<1x16xi32>
      tpu.vector_store %arg31[%swap3A_271, %swap3A_272], %swap3A_275 {strides = array<i32>} : memref<104x128xi32, #tpu.memory_space<vmem>>, vector<1x16xi32>,
      %scan3A_276 = arith.constant 0 : i32
      %scan3A_277 = arith.constant 4 : i32
      %mul3A_278 = arith.constant 128 : i32
      %mul3A_279 = arith.muli %scan3A_198, %mul3A_278 : i32
      %mul3A_280 = arith.constant 16 : i32
      %mul3A_281 = arith.muli %scan3A_277, %mul3A_280 : i32
      %add3A_282 = arith.addi %mul3A_279, %mul3A_281 : i32
      %get3A_283 = arith.constant 3 : i32
      %get3A_284 = arith.index_cast %get3A_283 : i32 to index
      %get3A_285 = arith.index_cast %add3A_282 : i32 to index
      %get3A_286 = tpu.vector_load %arg30[%get3A_284, %get3A_285] {strides = array<i32>} : memref<26x512xi32, #tpu.memory_space<vmem>>, vector<1x16xi32>,
      %get3A_287 = vector.shape_cast %get3A_286 : vector<1x16xi32> to vector<16xi32>
      %mul3A_288 = arith.constant 16 : i32
      %mul3A_289 = arith.muli %scan3A_277, %mul3A_288 : i32
      %swap3A_290 = arith.index_cast %add3A_201 : i32 to index
      %swap3A_291 = arith.index_cast %mul3A_289 : i32 to index
      %swap3A_292 = tpu.vector_load %arg31[%swap3A_290, %swap3A_291] {strides = array<i32>} : memref<104x128xi32, #tpu.memory_space<vmem>>, vector<1x16xi32>,
      %swap3A_293 = vector.shape_cast %swap3A_292 : vector<1x16xi32> to vector<16xi32>
      %swap3A_294 = vector.shape_cast %get3A_287 : vector<16xi32> to vector<1x16xi32>
      tpu.vector_store %arg31[%swap3A_290, %swap3A_291], %swap3A_294 {strides = array<i32>} : memref<104x128xi32, #tpu.memory_space<vmem>>, vector<1x16xi32>,
      %scan3A_295 = arith.constant 0 : i32
      %scan3A_296 = arith.constant 5 : i32
      %mul3A_297 = arith.constant 128 : i32
      %mul3A_298 = arith.muli %scan3A_198, %mul3A_297 : i32
      %mul3A_299 = arith.constant 16 : i32
      %mul3A_300 = arith.muli %scan3A_296, %mul3A_299 : i32
      %add3A_301 = arith.addi %mul3A_298, %mul3A_300 : i32
      %get3A_302 = arith.constant 3 : i32
      %get3A_303 = arith.index_cast %get3A_302 : i32 to index
      %get3A_304 = arith.index_cast %add3A_301 : i32 to index
      %get3A_305 = tpu.vector_load %arg30[%get3A_303, %get3A_304] {strides = array<i32>} : memref<26x512xi32, #tpu.memory_space<vmem>>, vector<1x16xi32>,
      %get3A_306 = vector.shape_cast %get3A_305 : vector<1x16xi32> to vector<16xi32>
      %mul3A_307 = arith.constant 16 : i32
      %mul3A_308 = arith.muli %scan3A_296, %mul3A_307 : i32
      %swap3A_309 = arith.index_cast %add3A_201 : i32 to index
      %swap3A_310 = arith.index_cast %mul3A_308 : i32 to index
      %swap3A_311 = tpu.vector_load %arg31[%swap3A_309, %swap3A_310] {strides = array<i32>} : memref<104x128xi32, #tpu.memory_space<vmem>>, vector<1x16xi32>,
      %swap3A_312 = vector.shape_cast %swap3A_311 : vector<1x16xi32> to vector<16xi32>
      %swap3A_313 = vector.shape_cast %get3A_306 : vector<16xi32> to vector<1x16xi32>
      tpu.vector_store %arg31[%swap3A_309, %swap3A_310], %swap3A_313 {strides = array<i32>} : memref<104x128xi32, #tpu.memory_space<vmem>>, vector<1x16xi32>,
      %scan3A_314 = arith.constant 0 : i32
      %scan3A_315 = arith.constant 6 : i32
      %mul3A_316 = arith.constant 128 : i32
      %mul3A_317 = arith.muli %scan3A_198, %mul3A_316 : i32
      %mul3A_318 = arith.constant 16 : i32
      %mul3A_319 = arith.muli %scan3A_315, %mul3A_318 : i32
      %add3A_320 = arith.addi %mul3A_317, %mul3A_319 : i32
      %get3A_321 = arith.constant 3 : i32
      %get3A_322 = arith.index_cast %get3A_321 : i32 to index
      %get3A_323 = arith.index_cast %add3A_320 : i32 to index
      %get3A_324 = tpu.vector_load %arg30[%get3A_322, %get3A_323] {strides = array<i32>} : memref<26x512xi32, #tpu.memory_space<vmem>>, vector<1x16xi32>,
      %get3A_325 = vector.shape_cast %get3A_324 : vector<1x16xi32> to vector<16xi32>
      %mul3A_326 = arith.constant 16 : i32
      %mul3A_327 = arith.muli %scan3A_315, %mul3A_326 : i32
      %swap3A_328 = arith.index_cast %add3A_201 : i32 to index
      %swap3A_329 = arith.index_cast %mul3A_327 : i32 to index
      %swap3A_330 = tpu.vector_load %arg31[%swap3A_328, %swap3A_329] {strides = array<i32>} : memref<104x128xi32, #tpu.memory_space<vmem>>, vector<1x16xi32>,
      %swap3A_331 = vector.shape_cast %swap3A_330 : vector<1x16xi32> to vector<16xi32>
      %swap3A_332 = vector.shape_cast %get3A_325 : vector<16xi32> to vector<1x16xi32>
      tpu.vector_store %arg31[%swap3A_328, %swap3A_329], %swap3A_332 {strides = array<i32>} : memref<104x128xi32, #tpu.memory_space<vmem>>, vector<1x16xi32>,
      %scan3A_333 = arith.constant 0 : i32
      %scan3A_334 = arith.constant 7 : i32
      %mul3A_335 = arith.constant 128 : i32
      %mul3A_336 = arith.muli %scan3A_198, %mul3A_335 : i32
      %mul3A_337 = arith.constant 16 : i32
      %mul3A_338 = arith.muli %scan3A_334, %mul3A_337 : i32
      %add3A_339 = arith.addi %mul3A_336, %mul3A_338 : i32
      %get3A_340 = arith.constant 3 : i32
      %get3A_341 = arith.index_cast %get3A_340 : i32 to index
      %get3A_342 = arith.index_cast %add3A_339 : i32 to index
      %get3A_343 = tpu.vector_load %arg30[%get3A_341, %get3A_342] {strides = array<i32>} : memref<26x512xi32, #tpu.memory_space<vmem>>, vector<1x16xi32>,
      %get3A_344 = vector.shape_cast %get3A_343 : vector<1x16xi32> to vector<16xi32>
      %mul3A_345 = arith.constant 16 : i32
      %mul3A_346 = arith.muli %scan3A_334, %mul3A_345 : i32
      %swap3A_347 = arith.index_cast %add3A_201 : i32 to index
      %swap3A_348 = arith.index_cast %mul3A_346 : i32 to index
      %swap3A_349 = tpu.vector_load %arg31[%swap3A_347, %swap3A_348] {strides = array<i32>} : memref<104x128xi32, #tpu.memory_space<vmem>>, vector<1x16xi32>,
      %swap3A_350 = vector.shape_cast %swap3A_349 : vector<1x16xi32> to vector<16xi32>
      %swap3A_351 = vector.shape_cast %get3A_344 : vector<16xi32> to vector<1x16xi32>
      tpu.vector_store %arg31[%swap3A_347, %swap3A_348], %swap3A_351 {strides = array<i32>} : memref<104x128xi32, #tpu.memory_space<vmem>>, vector<1x16xi32>,
      %scan3A_352 = arith.constant 0 : i32
      %scan3A_353 = arith.constant 8 : i32
      %dma_start3A = arith.constant 0 : i32
      %dma_start3A_354 = tpu.memref_slice %arg32[%add3A_201, %dma_start3A] : memref<104x128xf32, #tpu.memory_space<vmem>> -> memref<1x128xf32, #tpu.memory_space<vmem>>
      %dma_start3A_355 = tpu.memref_squeeze %dma_start3A_354 : memref<1x128xf32, #tpu.memory_space<vmem>> -> memref<128xf32, #tpu.memory_space<vmem>>
      %dma_start3A_356 = arith.constant 0 : i32
      %dma_start3A_357 = tpu.memref_slice %arg31[%add3A_201, %dma_start3A_356] : memref<104x128xi32, #tpu.memory_space<vmem>> -> memref<1x128xi32, #tpu.memory_space<vmem>>
      %dma_start3A_358 = tpu.memref_squeeze %dma_start3A_357 : memref<1x128xi32, #tpu.memory_space<vmem>> -> memref<128xi32, #tpu.memory_space<vmem>>
      %dma_start3A_359 = arith.constant 0 : i32
      %dma_start3A_360 = tpu.memref_slice %arg6[%dma_start3A_359] : memref<1000000xf32, #tpu.memory_space<hbm>> -> memref<1000000xf32, #tpu.memory_space<hbm>>
      tpu.enqueue_indirect_dma source(%dma_start3A_360 : memref<1000000xf32, #tpu.memory_space<hbm>>) target(%dma_start3A_355 : memref<128xf32, #tpu.memory_space<vmem>>) offsets(%dma_start3A_358 : memref<128xi32, #tpu.memory_space<vmem>>) semaphore(%arg34 : memref<!tpu.dma_semaphore, #tpu.memory_space<semaphore_mem>>)
      %scan3A_361 = arith.constant 0 : i32
      scf.yield %scan3A_361 : i32
    }
    %scan3A_29 = arith.constant 4 : i32
    %scan3A_30 = arith.constant 0 : i32
    %scan3A_31 = arith.constant 0 : i32
    %scan3A_32 = arith.constant 4 : i32
    %scan3A_33 = arith.addi %scan3A_31, %scan3A_32 : i32
    %scan3A_34 = arith.constant 1 : i32
    %scan3A_35 = scf.for %scan3A_198 = %scan3A_31 to %scan3A_33 step %scan3A_34 iter_args(%scan3A_199 = %scan3A_30) -> (i32)  : i32 {
      %add3A_200 = arith.constant 16 : i32
      %add3A_201 = arith.addi %add3A_200, %scan3A_198 : i32
      %scan3A_202 = arith.constant 0 : i32
      %scan3A_203 = arith.constant 0 : i32
      %mul3A_204 = arith.constant 128 : i32
      %mul3A_205 = arith.muli %scan3A_198, %mul3A_204 : i32
      %mul3A_206 = arith.constant 16 : i32
      %mul3A_207 = arith.muli %scan3A_203, %mul3A_206 : i32
      %add3A_208 = arith.addi %mul3A_205, %mul3A_207 : i32
      %get3A = arith.constant 4 : i32
      %get3A_209 = arith.index_cast %get3A : i32 to index
      %get3A_210 = arith.index_cast %add3A_208 : i32 to index
      %get3A_211 = tpu.vector_load %arg30[%get3A_209, %get3A_210] {strides = array<i32>} : memref<26x512xi32, #tpu.memory_space<vmem>>, vector<1x16xi32>,
      %get3A_212 = vector.shape_cast %get3A_211 : vector<1x16xi32> to vector<16xi32>
      %mul3A_213 = arith.constant 16 : i32
      %mul3A_214 = arith.muli %scan3A_203, %mul3A_213 : i32
      %swap3A = arith.index_cast %add3A_201 : i32 to index
      %swap3A_215 = arith.index_cast %mul3A_214 : i32 to index
      %swap3A_216 = tpu.vector_load %arg31[%swap3A, %swap3A_215] {strides = array<i32>} : memref<104x128xi32, #tpu.memory_space<vmem>>, vector<1x16xi32>,
      %swap3A_217 = vector.shape_cast %swap3A_216 : vector<1x16xi32> to vector<16xi32>
      %swap3A_218 = vector.shape_cast %get3A_212 : vector<16xi32> to vector<1x16xi32>
      tpu.vector_store %arg31[%swap3A, %swap3A_215], %swap3A_218 {strides = array<i32>} : memref<104x128xi32, #tpu.memory_space<vmem>>, vector<1x16xi32>,
      %scan3A_219 = arith.constant 0 : i32
      %scan3A_220 = arith.constant 1 : i32
      %mul3A_221 = arith.constant 128 : i32
      %mul3A_222 = arith.muli %scan3A_198, %mul3A_221 : i32
      %mul3A_223 = arith.constant 16 : i32
      %mul3A_224 = arith.muli %scan3A_220, %mul3A_223 : i32
      %add3A_225 = arith.addi %mul3A_222, %mul3A_224 : i32
      %get3A_226 = arith.constant 4 : i32
      %get3A_227 = arith.index_cast %get3A_226 : i32 to index
      %get3A_228 = arith.index_cast %add3A_225 : i32 to index
      %get3A_229 = tpu.vector_load %arg30[%get3A_227, %get3A_228] {strides = array<i32>} : memref<26x512xi32, #tpu.memory_space<vmem>>, vector<1x16xi32>,
      %get3A_230 = vector.shape_cast %get3A_229 : vector<1x16xi32> to vector<16xi32>
      %mul3A_231 = arith.constant 16 : i32
      %mul3A_232 = arith.muli %scan3A_220, %mul3A_231 : i32
      %swap3A_233 = arith.index_cast %add3A_201 : i32 to index
      %swap3A_234 = arith.index_cast %mul3A_232 : i32 to index
      %swap3A_235 = tpu.vector_load %arg31[%swap3A_233, %swap3A_234] {strides = array<i32>} : memref<104x128xi32, #tpu.memory_space<vmem>>, vector<1x16xi32>,
      %swap3A_236 = vector.shape_cast %swap3A_235 : vector<1x16xi32> to vector<16xi32>
      %swap3A_237 = vector.shape_cast %get3A_230 : vector<16xi32> to vector<1x16xi32>
      tpu.vector_store %arg31[%swap3A_233, %swap3A_234], %swap3A_237 {strides = array<i32>} : memref<104x128xi32, #tpu.memory_space<vmem>>, vector<1x16xi32>,
      %scan3A_238 = arith.constant 0 : i32
      %scan3A_239 = arith.constant 2 : i32
      %mul3A_240 = arith.constant 128 : i32
      %mul3A_241 = arith.muli %scan3A_198, %mul3A_240 : i32
      %mul3A_242 = arith.constant 16 : i32
      %mul3A_243 = arith.muli %scan3A_239, %mul3A_242 : i32
      %add3A_244 = arith.addi %mul3A_241, %mul3A_243 : i32
      %get3A_245 = arith.constant 4 : i32
      %get3A_246 = arith.index_cast %get3A_245 : i32 to index
      %get3A_247 = arith.index_cast %add3A_244 : i32 to index
      %get3A_248 = tpu.vector_load %arg30[%get3A_246, %get3A_247] {strides = array<i32>} : memref<26x512xi32, #tpu.memory_space<vmem>>, vector<1x16xi32>,
      %get3A_249 = vector.shape_cast %get3A_248 : vector<1x16xi32> to vector<16xi32>
      %mul3A_250 = arith.constant 16 : i32
      %mul3A_251 = arith.muli %scan3A_239, %mul3A_250 : i32
      %swap3A_252 = arith.index_cast %add3A_201 : i32 to index
      %swap3A_253 = arith.index_cast %mul3A_251 : i32 to index
      %swap3A_254 = tpu.vector_load %arg31[%swap3A_252, %swap3A_253] {strides = array<i32>} : memref<104x128xi32, #tpu.memory_space<vmem>>, vector<1x16xi32>,
      %swap3A_255 = vector.shape_cast %swap3A_254 : vector<1x16xi32> to vector<16xi32>
      %swap3A_256 = vector.shape_cast %get3A_249 : vector<16xi32> to vector<1x16xi32>
      tpu.vector_store %arg31[%swap3A_252, %swap3A_253], %swap3A_256 {strides = array<i32>} : memref<104x128xi32, #tpu.memory_space<vmem>>, vector<1x16xi32>,
      %scan3A_257 = arith.constant 0 : i32
      %scan3A_258 = arith.constant 3 : i32
      %mul3A_259 = arith.constant 128 : i32
      %mul3A_260 = arith.muli %scan3A_198, %mul3A_259 : i32
      %mul3A_261 = arith.constant 16 : i32
      %mul3A_262 = arith.muli %scan3A_258, %mul3A_261 : i32
      %add3A_263 = arith.addi %mul3A_260, %mul3A_262 : i32
      %get3A_264 = arith.constant 4 : i32
      %get3A_265 = arith.index_cast %get3A_264 : i32 to index
      %get3A_266 = arith.index_cast %add3A_263 : i32 to index
      %get3A_267 = tpu.vector_load %arg30[%get3A_265, %get3A_266] {strides = array<i32>} : memref<26x512xi32, #tpu.memory_space<vmem>>, vector<1x16xi32>,
      %get3A_268 = vector.shape_cast %get3A_267 : vector<1x16xi32> to vector<16xi32>
      %mul3A_269 = arith.constant 16 : i32
      %mul3A_270 = arith.muli %scan3A_258, %mul3A_269 : i32
      %swap3A_271 = arith.index_cast %add3A_201 : i32 to index
      %swap3A_272 = arith.index_cast %mul3A_270 : i32 to index
      %swap3A_273 = tpu.vector_load %arg31[%swap3A_271, %swap3A_272] {strides = array<i32>} : memref<104x128xi32, #tpu.memory_space<vmem>>, vector<1x16xi32>,
      %swap3A_274 = vector.shape_cast %swap3A_273 : vector<1x16xi32> to vector<16xi32>
      %swap3A_275 = vector.shape_cast %get3A_268 : vector<16xi32> to vector<1x16xi32>
      tpu.vector_store %arg31[%swap3A_271, %swap3A_272], %swap3A_275 {strides = array<i32>} : memref<104x128xi32, #tpu.memory_space<vmem>>, vector<1x16xi32>,
      %scan3A_276 = arith.constant 0 : i32
      %scan3A_277 = arith.constant 4 : i32
      %mul3A_278 = arith.constant 128 : i32
      %mul3A_279 = arith.muli %scan3A_198, %mul3A_278 : i32
      %mul3A_280 = arith.constant 16 : i32
      %mul3A_281 = arith.muli %scan3A_277, %mul3A_280 : i32
      %add3A_282 = arith.addi %mul3A_279, %mul3A_281 : i32
      %get3A_283 = arith.constant 4 : i32
      %get3A_284 = arith.index_cast %get3A_283 : i32 to index
      %get3A_285 = arith.index_cast %add3A_282 : i32 to index
      %get3A_286 = tpu.vector_load %arg30[%get3A_284, %get3A_285] {strides = array<i32>} : memref<26x512xi32, #tpu.memory_space<vmem>>, vector<1x16xi32>,
      %get3A_287 = vector.shape_cast %get3A_286 : vector<1x16xi32> to vector<16xi32>
      %mul3A_288 = arith.constant 16 : i32
      %mul3A_289 = arith.muli %scan3A_277, %mul3A_288 : i32
      %swap3A_290 = arith.index_cast %add3A_201 : i32 to index
      %swap3A_291 = arith.index_cast %mul3A_289 : i32 to index
      %swap3A_292 = tpu.vector_load %arg31[%swap3A_290, %swap3A_291] {strides = array<i32>} : memref<104x128xi32, #tpu.memory_space<vmem>>, vector<1x16xi32>,
      %swap3A_293 = vector.shape_cast %swap3A_292 : vector<1x16xi32> to vector<16xi32>
      %swap3A_294 = vector.shape_cast %get3A_287 : vector<16xi32> to vector<1x16xi32>
      tpu.vector_store %arg31[%swap3A_290, %swap3A_291], %swap3A_294 {strides = array<i32>} : memref<104x128xi32, #tpu.memory_space<vmem>>, vector<1x16xi32>,
      %scan3A_295 = arith.constant 0 : i32
      %scan3A_296 = arith.constant 5 : i32
      %mul3A_297 = arith.constant 128 : i32
      %mul3A_298 = arith.muli %scan3A_198, %mul3A_297 : i32
      %mul3A_299 = arith.constant 16 : i32
      %mul3A_300 = arith.muli %scan3A_296, %mul3A_299 : i32
      %add3A_301 = arith.addi %mul3A_298, %mul3A_300 : i32
      %get3A_302 = arith.constant 4 : i32
      %get3A_303 = arith.index_cast %get3A_302 : i32 to index
      %get3A_304 = arith.index_cast %add3A_301 : i32 to index
      %get3A_305 = tpu.vector_load %arg30[%get3A_303, %get3A_304] {strides = array<i32>} : memref<26x512xi32, #tpu.memory_space<vmem>>, vector<1x16xi32>,
      %get3A_306 = vector.shape_cast %get3A_305 : vector<1x16xi32> to vector<16xi32>
      %mul3A_307 = arith.constant 16 : i32
      %mul3A_308 = arith.muli %scan3A_296, %mul3A_307 : i32
      %swap3A_309 = arith.index_cast %add3A_201 : i32 to index
      %swap3A_310 = arith.index_cast %mul3A_308 : i32 to index
      %swap3A_311 = tpu.vector_load %arg31[%swap3A_309, %swap3A_310] {strides = array<i32>} : memref<104x128xi32, #tpu.memory_space<vmem>>, vector<1x16xi32>,
      %swap3A_312 = vector.shape_cast %swap3A_311 : vector<1x16xi32> to vector<16xi32>
      %swap3A_313 = vector.shape_cast %get3A_306 : vector<16xi32> to vector<1x16xi32>
      tpu.vector_store %arg31[%swap3A_309, %swap3A_310], %swap3A_313 {strides = array<i32>} : memref<104x128xi32, #tpu.memory_space<vmem>>, vector<1x16xi32>,
      %scan3A_314 = arith.constant 0 : i32
      %scan3A_315 = arith.constant 6 : i32
      %mul3A_316 = arith.constant 128 : i32
      %mul3A_317 = arith.muli %scan3A_198, %mul3A_316 : i32
      %mul3A_318 = arith.constant 16 : i32
      %mul3A_319 = arith.muli %scan3A_315, %mul3A_318 : i32
      %add3A_320 = arith.addi %mul3A_317, %mul3A_319 : i32
      %get3A_321 = arith.constant 4 : i32
      %get3A_322 = arith.index_cast %get3A_321 : i32 to index
      %get3A_323 = arith.index_cast %add3A_320 : i32 to index
      %get3A_324 = tpu.vector_load %arg30[%get3A_322, %get3A_323] {strides = array<i32>} : memref<26x512xi32, #tpu.memory_space<vmem>>, vector<1x16xi32>,
      %get3A_325 = vector.shape_cast %get3A_324 : vector<1x16xi32> to vector<16xi32>
      %mul3A_326 = arith.constant 16 : i32
      %mul3A_327 = arith.muli %scan3A_315, %mul3A_326 : i32
      %swap3A_328 = arith.index_cast %add3A_201 : i32 to index
      %swap3A_329 = arith.index_cast %mul3A_327 : i32 to index
      %swap3A_330 = tpu.vector_load %arg31[%swap3A_328, %swap3A_329] {strides = array<i32>} : memref<104x128xi32, #tpu.memory_space<vmem>>, vector<1x16xi32>,
      %swap3A_331 = vector.shape_cast %swap3A_330 : vector<1x16xi32> to vector<16xi32>
      %swap3A_332 = vector.shape_cast %get3A_325 : vector<16xi32> to vector<1x16xi32>
      tpu.vector_store %arg31[%swap3A_328, %swap3A_329], %swap3A_332 {strides = array<i32>} : memref<104x128xi32, #tpu.memory_space<vmem>>, vector<1x16xi32>,
      %scan3A_333 = arith.constant 0 : i32
      %scan3A_334 = arith.constant 7 : i32
      %mul3A_335 = arith.constant 128 : i32
      %mul3A_336 = arith.muli %scan3A_198, %mul3A_335 : i32
      %mul3A_337 = arith.constant 16 : i32
      %mul3A_338 = arith.muli %scan3A_334, %mul3A_337 : i32
      %add3A_339 = arith.addi %mul3A_336, %mul3A_338 : i32
      %get3A_340 = arith.constant 4 : i32
      %get3A_341 = arith.index_cast %get3A_340 : i32 to index
      %get3A_342 = arith.index_cast %add3A_339 : i32 to index
      %get3A_343 = tpu.vector_load %arg30[%get3A_341, %get3A_342] {strides = array<i32>} : memref<26x512xi32, #tpu.memory_space<vmem>>, vector<1x16xi32>,
      %get3A_344 = vector.shape_cast %get3A_343 : vector<1x16xi32> to vector<16xi32>
      %mul3A_345 = arith.constant 16 : i32
      %mul3A_346 = arith.muli %scan3A_334, %mul3A_345 : i32
      %swap3A_347 = arith.index_cast %add3A_201 : i32 to index
      %swap3A_348 = arith.index_cast %mul3A_346 : i32 to index
      %swap3A_349 = tpu.vector_load %arg31[%swap3A_347, %swap3A_348] {strides = array<i32>} : memref<104x128xi32, #tpu.memory_space<vmem>>, vector<1x16xi32>,
      %swap3A_350 = vector.shape_cast %swap3A_349 : vector<1x16xi32> to vector<16xi32>
      %swap3A_351 = vector.shape_cast %get3A_344 : vector<16xi32> to vector<1x16xi32>
      tpu.vector_store %arg31[%swap3A_347, %swap3A_348], %swap3A_351 {strides = array<i32>} : memref<104x128xi32, #tpu.memory_space<vmem>>, vector<1x16xi32>,
      %scan3A_352 = arith.constant 0 : i32
      %scan3A_353 = arith.constant 8 : i32
      %dma_start3A = arith.constant 0 : i32
      %dma_start3A_354 = tpu.memref_slice %arg32[%add3A_201, %dma_start3A] : memref<104x128xf32, #tpu.memory_space<vmem>> -> memref<1x128xf32, #tpu.memory_space<vmem>>
      %dma_start3A_355 = tpu.memref_squeeze %dma_start3A_354 : memref<1x128xf32, #tpu.memory_space<vmem>> -> memref<128xf32, #tpu.memory_space<vmem>>
      %dma_start3A_356 = arith.constant 0 : i32
      %dma_start3A_357 = tpu.memref_slice %arg31[%add3A_201, %dma_start3A_356] : memref<104x128xi32, #tpu.memory_space<vmem>> -> memref<1x128xi32, #tpu.memory_space<vmem>>
      %dma_start3A_358 = tpu.memref_squeeze %dma_start3A_357 : memref<1x128xi32, #tpu.memory_space<vmem>> -> memref<128xi32, #tpu.memory_space<vmem>>
      %dma_start3A_359 = arith.constant 0 : i32
      %dma_start3A_360 = tpu.memref_slice %arg7[%dma_start3A_359] : memref<1000000xf32, #tpu.memory_space<hbm>> -> memref<1000000xf32, #tpu.memory_space<hbm>>
      tpu.enqueue_indirect_dma source(%dma_start3A_360 : memref<1000000xf32, #tpu.memory_space<hbm>>) target(%dma_start3A_355 : memref<128xf32, #tpu.memory_space<vmem>>) offsets(%dma_start3A_358 : memref<128xi32, #tpu.memory_space<vmem>>) semaphore(%arg34 : memref<!tpu.dma_semaphore, #tpu.memory_space<semaphore_mem>>)
      %scan3A_361 = arith.constant 0 : i32
      scf.yield %scan3A_361 : i32
    }
    %scan3A_36 = arith.constant 4 : i32
    %scan3A_37 = arith.constant 0 : i32
    %scan3A_38 = arith.constant 0 : i32
    %scan3A_39 = arith.constant 4 : i32
    %scan3A_40 = arith.addi %scan3A_38, %scan3A_39 : i32
    %scan3A_41 = arith.constant 1 : i32
    %scan3A_42 = scf.for %scan3A_198 = %scan3A_38 to %scan3A_40 step %scan3A_41 iter_args(%scan3A_199 = %scan3A_37) -> (i32)  : i32 {
      %add3A_200 = arith.constant 20 : i32
      %add3A_201 = arith.addi %add3A_200, %scan3A_198 : i32
      %scan3A_202 = arith.constant 0 : i32
      %scan3A_203 = arith.constant 0 : i32
      %mul3A_204 = arith.constant 128 : i32
      %mul3A_205 = arith.muli %scan3A_198, %mul3A_204 : i32
      %mul3A_206 = arith.constant 16 : i32
      %mul3A_207 = arith.muli %scan3A_203, %mul3A_206 : i32
      %add3A_208 = arith.addi %mul3A_205, %mul3A_207 : i32
      %get3A = arith.constant 5 : i32
      %get3A_209 = arith.index_cast %get3A : i32 to index
      %get3A_210 = arith.index_cast %add3A_208 : i32 to index
      %get3A_211 = tpu.vector_load %arg30[%get3A_209, %get3A_210] {strides = array<i32>} : memref<26x512xi32, #tpu.memory_space<vmem>>, vector<1x16xi32>,
      %get3A_212 = vector.shape_cast %get3A_211 : vector<1x16xi32> to vector<16xi32>
      %mul3A_213 = arith.constant 16 : i32
      %mul3A_214 = arith.muli %scan3A_203, %mul3A_213 : i32
      %swap3A = arith.index_cast %add3A_201 : i32 to index
      %swap3A_215 = arith.index_cast %mul3A_214 : i32 to index
      %swap3A_216 = tpu.vector_load %arg31[%swap3A, %swap3A_215] {strides = array<i32>} : memref<104x128xi32, #tpu.memory_space<vmem>>, vector<1x16xi32>,
      %swap3A_217 = vector.shape_cast %swap3A_216 : vector<1x16xi32> to vector<16xi32>
      %swap3A_218 = vector.shape_cast %get3A_212 : vector<16xi32> to vector<1x16xi32>
      tpu.vector_store %arg31[%swap3A, %swap3A_215], %swap3A_218 {strides = array<i32>} : memref<104x128xi32, #tpu.memory_space<vmem>>, vector<1x16xi32>,
      %scan3A_219 = arith.constant 0 : i32
      %scan3A_220 = arith.constant 1 : i32
      %mul3A_221 = arith.constant 128 : i32
      %mul3A_222 = arith.muli %scan3A_198, %mul3A_221 : i32
      %mul3A_223 = arith.constant 16 : i32
      %mul3A_224 = arith.muli %scan3A_220, %mul3A_223 : i32
      %add3A_225 = arith.addi %mul3A_222, %mul3A_224 : i32
      %get3A_226 = arith.constant 5 : i32
      %get3A_227 = arith.index_cast %get3A_226 : i32 to index
      %get3A_228 = arith.index_cast %add3A_225 : i32 to index
      %get3A_229 = tpu.vector_load %arg30[%get3A_227, %get3A_228] {strides = array<i32>} : memref<26x512xi32, #tpu.memory_space<vmem>>, vector<1x16xi32>,
      %get3A_230 = vector.shape_cast %get3A_229 : vector<1x16xi32> to vector<16xi32>
      %mul3A_231 = arith.constant 16 : i32
      %mul3A_232 = arith.muli %scan3A_220, %mul3A_231 : i32
      %swap3A_233 = arith.index_cast %add3A_201 : i32 to index
      %swap3A_234 = arith.index_cast %mul3A_232 : i32 to index
      %swap3A_235 = tpu.vector_load %arg31[%swap3A_233, %swap3A_234] {strides = array<i32>} : memref<104x128xi32, #tpu.memory_space<vmem>>, vector<1x16xi32>,
      %swap3A_236 = vector.shape_cast %swap3A_235 : vector<1x16xi32> to vector<16xi32>
      %swap3A_237 = vector.shape_cast %get3A_230 : vector<16xi32> to vector<1x16xi32>
      tpu.vector_store %arg31[%swap3A_233, %swap3A_234], %swap3A_237 {strides = array<i32>} : memref<104x128xi32, #tpu.memory_space<vmem>>, vector<1x16xi32>,
      %scan3A_238 = arith.constant 0 : i32
      %scan3A_239 = arith.constant 2 : i32
      %mul3A_240 = arith.constant 128 : i32
      %mul3A_241 = arith.muli %scan3A_198, %mul3A_240 : i32
      %mul3A_242 = arith.constant 16 : i32
      %mul3A_243 = arith.muli %scan3A_239, %mul3A_242 : i32
      %add3A_244 = arith.addi %mul3A_241, %mul3A_243 : i32
      %get3A_245 = arith.constant 5 : i32
      %get3A_246 = arith.index_cast %get3A_245 : i32 to index
      %get3A_247 = arith.index_cast %add3A_244 : i32 to index
      %get3A_248 = tpu.vector_load %arg30[%get3A_246, %get3A_247] {strides = array<i32>} : memref<26x512xi32, #tpu.memory_space<vmem>>, vector<1x16xi32>,
      %get3A_249 = vector.shape_cast %get3A_248 : vector<1x16xi32> to vector<16xi32>
      %mul3A_250 = arith.constant 16 : i32
      %mul3A_251 = arith.muli %scan3A_239, %mul3A_250 : i32
      %swap3A_252 = arith.index_cast %add3A_201 : i32 to index
      %swap3A_253 = arith.index_cast %mul3A_251 : i32 to index
      %swap3A_254 = tpu.vector_load %arg31[%swap3A_252, %swap3A_253] {strides = array<i32>} : memref<104x128xi32, #tpu.memory_space<vmem>>, vector<1x16xi32>,
      %swap3A_255 = vector.shape_cast %swap3A_254 : vector<1x16xi32> to vector<16xi32>
      %swap3A_256 = vector.shape_cast %get3A_249 : vector<16xi32> to vector<1x16xi32>
      tpu.vector_store %arg31[%swap3A_252, %swap3A_253], %swap3A_256 {strides = array<i32>} : memref<104x128xi32, #tpu.memory_space<vmem>>, vector<1x16xi32>,
      %scan3A_257 = arith.constant 0 : i32
      %scan3A_258 = arith.constant 3 : i32
      %mul3A_259 = arith.constant 128 : i32
      %mul3A_260 = arith.muli %scan3A_198, %mul3A_259 : i32
      %mul3A_261 = arith.constant 16 : i32
      %mul3A_262 = arith.muli %scan3A_258, %mul3A_261 : i32
      %add3A_263 = arith.addi %mul3A_260, %mul3A_262 : i32
      %get3A_264 = arith.constant 5 : i32
      %get3A_265 = arith.index_cast %get3A_264 : i32 to index
      %get3A_266 = arith.index_cast %add3A_263 : i32 to index
      %get3A_267 = tpu.vector_load %arg30[%get3A_265, %get3A_266] {strides = array<i32>} : memref<26x512xi32, #tpu.memory_space<vmem>>, vector<1x16xi32>,
      %get3A_268 = vector.shape_cast %get3A_267 : vector<1x16xi32> to vector<16xi32>
      %mul3A_269 = arith.constant 16 : i32
      %mul3A_270 = arith.muli %scan3A_258, %mul3A_269 : i32
      %swap3A_271 = arith.index_cast %add3A_201 : i32 to index
      %swap3A_272 = arith.index_cast %mul3A_270 : i32 to index
      %swap3A_273 = tpu.vector_load %arg31[%swap3A_271, %swap3A_272] {strides = array<i32>} : memref<104x128xi32, #tpu.memory_space<vmem>>, vector<1x16xi32>,
      %swap3A_274 = vector.shape_cast %swap3A_273 : vector<1x16xi32> to vector<16xi32>
      %swap3A_275 = vector.shape_cast %get3A_268 : vector<16xi32> to vector<1x16xi32>
      tpu.vector_store %arg31[%swap3A_271, %swap3A_272], %swap3A_275 {strides = array<i32>} : memref<104x128xi32, #tpu.memory_space<vmem>>, vector<1x16xi32>,
      %scan3A_276 = arith.constant 0 : i32
      %scan3A_277 = arith.constant 4 : i32
      %mul3A_278 = arith.constant 128 : i32
      %mul3A_279 = arith.muli %scan3A_198, %mul3A_278 : i32
      %mul3A_280 = arith.constant 16 : i32
      %mul3A_281 = arith.muli %scan3A_277, %mul3A_280 : i32
      %add3A_282 = arith.addi %mul3A_279, %mul3A_281 : i32
      %get3A_283 = arith.constant 5 : i32
      %get3A_284 = arith.index_cast %get3A_283 : i32 to index
      %get3A_285 = arith.index_cast %add3A_282 : i32 to index
      %get3A_286 = tpu.vector_load %arg30[%get3A_284, %get3A_285] {strides = array<i32>} : memref<26x512xi32, #tpu.memory_space<vmem>>, vector<1x16xi32>,
      %get3A_287 = vector.shape_cast %get3A_286 : vector<1x16xi32> to vector<16xi32>
      %mul3A_288 = arith.constant 16 : i32
      %mul3A_289 = arith.muli %scan3A_277, %mul3A_288 : i32
      %swap3A_290 = arith.index_cast %add3A_201 : i32 to index
      %swap3A_291 = arith.index_cast %mul3A_289 : i32 to index
      %swap3A_292 = tpu.vector_load %arg31[%swap3A_290, %swap3A_291] {strides = array<i32>} : memref<104x128xi32, #tpu.memory_space<vmem>>, vector<1x16xi32>,
      %swap3A_293 = vector.shape_cast %swap3A_292 : vector<1x16xi32> to vector<16xi32>
      %swap3A_294 = vector.shape_cast %get3A_287 : vector<16xi32> to vector<1x16xi32>
      tpu.vector_store %arg31[%swap3A_290, %swap3A_291], %swap3A_294 {strides = array<i32>} : memref<104x128xi32, #tpu.memory_space<vmem>>, vector<1x16xi32>,
      %scan3A_295 = arith.constant 0 : i32
      %scan3A_296 = arith.constant 5 : i32
      %mul3A_297 = arith.constant 128 : i32
      %mul3A_298 = arith.muli %scan3A_198, %mul3A_297 : i32
      %mul3A_299 = arith.constant 16 : i32
      %mul3A_300 = arith.muli %scan3A_296, %mul3A_299 : i32
      %add3A_301 = arith.addi %mul3A_298, %mul3A_300 : i32
      %get3A_302 = arith.constant 5 : i32
      %get3A_303 = arith.index_cast %get3A_302 : i32 to index
      %get3A_304 = arith.index_cast %add3A_301 : i32 to index
      %get3A_305 = tpu.vector_load %arg30[%get3A_303, %get3A_304] {strides = array<i32>} : memref<26x512xi32, #tpu.memory_space<vmem>>, vector<1x16xi32>,
      %get3A_306 = vector.shape_cast %get3A_305 : vector<1x16xi32> to vector<16xi32>
      %mul3A_307 = arith.constant 16 : i32
      %mul3A_308 = arith.muli %scan3A_296, %mul3A_307 : i32
      %swap3A_309 = arith.index_cast %add3A_201 : i32 to index
      %swap3A_310 = arith.index_cast %mul3A_308 : i32 to index
      %swap3A_311 = tpu.vector_load %arg31[%swap3A_309, %swap3A_310] {strides = array<i32>} : memref<104x128xi32, #tpu.memory_space<vmem>>, vector<1x16xi32>,
      %swap3A_312 = vector.shape_cast %swap3A_311 : vector<1x16xi32> to vector<16xi32>
      %swap3A_313 = vector.shape_cast %get3A_306 : vector<16xi32> to vector<1x16xi32>
      tpu.vector_store %arg31[%swap3A_309, %swap3A_310], %swap3A_313 {strides = array<i32>} : memref<104x128xi32, #tpu.memory_space<vmem>>, vector<1x16xi32>,
      %scan3A_314 = arith.constant 0 : i32
      %scan3A_315 = arith.constant 6 : i32
      %mul3A_316 = arith.constant 128 : i32
      %mul3A_317 = arith.muli %scan3A_198, %mul3A_316 : i32
      %mul3A_318 = arith.constant 16 : i32
      %mul3A_319 = arith.muli %scan3A_315, %mul3A_318 : i32
      %add3A_320 = arith.addi %mul3A_317, %mul3A_319 : i32
      %get3A_321 = arith.constant 5 : i32
      %get3A_322 = arith.index_cast %get3A_321 : i32 to index
      %get3A_323 = arith.index_cast %add3A_320 : i32 to index
      %get3A_324 = tpu.vector_load %arg30[%get3A_322, %get3A_323] {strides = array<i32>} : memref<26x512xi32, #tpu.memory_space<vmem>>, vector<1x16xi32>,
      %get3A_325 = vector.shape_cast %get3A_324 : vector<1x16xi32> to vector<16xi32>
      %mul3A_326 = arith.constant 16 : i32
      %mul3A_327 = arith.muli %scan3A_315, %mul3A_326 : i32
      %swap3A_328 = arith.index_cast %add3A_201 : i32 to index
      %swap3A_329 = arith.index_cast %mul3A_327 : i32 to index
      %swap3A_330 = tpu.vector_load %arg31[%swap3A_328, %swap3A_329] {strides = array<i32>} : memref<104x128xi32, #tpu.memory_space<vmem>>, vector<1x16xi32>,
      %swap3A_331 = vector.shape_cast %swap3A_330 : vector<1x16xi32> to vector<16xi32>
      %swap3A_332 = vector.shape_cast %get3A_325 : vector<16xi32> to vector<1x16xi32>
      tpu.vector_store %arg31[%swap3A_328, %swap3A_329], %swap3A_332 {strides = array<i32>} : memref<104x128xi32, #tpu.memory_space<vmem>>, vector<1x16xi32>,
      %scan3A_333 = arith.constant 0 : i32
      %scan3A_334 = arith.constant 7 : i32
      %mul3A_335 = arith.constant 128 : i32
      %mul3A_336 = arith.muli %scan3A_198, %mul3A_335 : i32
      %mul3A_337 = arith.constant 16 : i32
      %mul3A_338 = arith.muli %scan3A_334, %mul3A_337 : i32
      %add3A_339 = arith.addi %mul3A_336, %mul3A_338 : i32
      %get3A_340 = arith.constant 5 : i32
      %get3A_341 = arith.index_cast %get3A_340 : i32 to index
      %get3A_342 = arith.index_cast %add3A_339 : i32 to index
      %get3A_343 = tpu.vector_load %arg30[%get3A_341, %get3A_342] {strides = array<i32>} : memref<26x512xi32, #tpu.memory_space<vmem>>, vector<1x16xi32>,
      %get3A_344 = vector.shape_cast %get3A_343 : vector<1x16xi32> to vector<16xi32>
      %mul3A_345 = arith.constant 16 : i32
      %mul3A_346 = arith.muli %scan3A_334, %mul3A_345 : i32
      %swap3A_347 = arith.index_cast %add3A_201 : i32 to index
      %swap3A_348 = arith.index_cast %mul3A_346 : i32 to index
      %swap3A_349 = tpu.vector_load %arg31[%swap3A_347, %swap3A_348] {strides = array<i32>} : memref<104x128xi32, #tpu.memory_space<vmem>>, vector<1x16xi32>,
      %swap3A_350 = vector.shape_cast %swap3A_349 : vector<1x16xi32> to vector<16xi32>
      %swap3A_351 = vector.shape_cast %get3A_344 : vector<16xi32> to vector<1x16xi32>
      tpu.vector_store %arg31[%swap3A_347, %swap3A_348], %swap3A_351 {strides = array<i32>} : memref<104x128xi32, #tpu.memory_space<vmem>>, vector<1x16xi32>,
      %scan3A_352 = arith.constant 0 : i32
      %scan3A_353 = arith.constant 8 : i32
      %dma_start3A = arith.constant 0 : i32
      %dma_start3A_354 = tpu.memref_slice %arg32[%add3A_201, %dma_start3A] : memref<104x128xf32, #tpu.memory_space<vmem>> -> memref<1x128xf32, #tpu.memory_space<vmem>>
      %dma_start3A_355 = tpu.memref_squeeze %dma_start3A_354 : memref<1x128xf32, #tpu.memory_space<vmem>> -> memref<128xf32, #tpu.memory_space<vmem>>
      %dma_start3A_356 = arith.constant 0 : i32
      %dma_start3A_357 = tpu.memref_slice %arg31[%add3A_201, %dma_start3A_356] : memref<104x128xi32, #tpu.memory_space<vmem>> -> memref<1x128xi32, #tpu.memory_space<vmem>>
      %dma_start3A_358 = tpu.memref_squeeze %dma_start3A_357 : memref<1x128xi32, #tpu.memory_space<vmem>> -> memref<128xi32, #tpu.memory_space<vmem>>
      %dma_start3A_359 = arith.constant 0 : i32
      %dma_start3A_360 = tpu.memref_slice %arg8[%dma_start3A_359] : memref<1000000xf32, #tpu.memory_space<hbm>> -> memref<1000000xf32, #tpu.memory_space<hbm>>
      tpu.enqueue_indirect_dma source(%dma_start3A_360 : memref<1000000xf32, #tpu.memory_space<hbm>>) target(%dma_start3A_355 : memref<128xf32, #tpu.memory_space<vmem>>) offsets(%dma_start3A_358 : memref<128xi32, #tpu.memory_space<vmem>>) semaphore(%arg34 : memref<!tpu.dma_semaphore, #tpu.memory_space<semaphore_mem>>)
      %scan3A_361 = arith.constant 0 : i32
      scf.yield %scan3A_361 : i32
    }
    %scan3A_43 = arith.constant 4 : i32
    %scan3A_44 = arith.constant 0 : i32
    %scan3A_45 = arith.constant 0 : i32
    %scan3A_46 = arith.constant 4 : i32
    %scan3A_47 = arith.addi %scan3A_45, %scan3A_46 : i32
    %scan3A_48 = arith.constant 1 : i32
    %scan3A_49 = scf.for %scan3A_198 = %scan3A_45 to %scan3A_47 step %scan3A_48 iter_args(%scan3A_199 = %scan3A_44) -> (i32)  : i32 {
      %add3A_200 = arith.constant 24 : i32
      %add3A_201 = arith.addi %add3A_200, %scan3A_198 : i32
      %scan3A_202 = arith.constant 0 : i32
      %scan3A_203 = arith.constant 0 : i32
      %mul3A_204 = arith.constant 128 : i32
      %mul3A_205 = arith.muli %scan3A_198, %mul3A_204 : i32
      %mul3A_206 = arith.constant 16 : i32
      %mul3A_207 = arith.muli %scan3A_203, %mul3A_206 : i32
      %add3A_208 = arith.addi %mul3A_205, %mul3A_207 : i32
      %get3A = arith.constant 6 : i32
      %get3A_209 = arith.index_cast %get3A : i32 to index
      %get3A_210 = arith.index_cast %add3A_208 : i32 to index
      %get3A_211 = tpu.vector_load %arg30[%get3A_209, %get3A_210] {strides = array<i32>} : memref<26x512xi32, #tpu.memory_space<vmem>>, vector<1x16xi32>,
      %get3A_212 = vector.shape_cast %get3A_211 : vector<1x16xi32> to vector<16xi32>
      %mul3A_213 = arith.constant 16 : i32
      %mul3A_214 = arith.muli %scan3A_203, %mul3A_213 : i32
      %swap3A = arith.index_cast %add3A_201 : i32 to index
      %swap3A_215 = arith.index_cast %mul3A_214 : i32 to index
      %swap3A_216 = tpu.vector_load %arg31[%swap3A, %swap3A_215] {strides = array<i32>} : memref<104x128xi32, #tpu.memory_space<vmem>>, vector<1x16xi32>,
      %swap3A_217 = vector.shape_cast %swap3A_216 : vector<1x16xi32> to vector<16xi32>
      %swap3A_218 = vector.shape_cast %get3A_212 : vector<16xi32> to vector<1x16xi32>
      tpu.vector_store %arg31[%swap3A, %swap3A_215], %swap3A_218 {strides = array<i32>} : memref<104x128xi32, #tpu.memory_space<vmem>>, vector<1x16xi32>,
      %scan3A_219 = arith.constant 0 : i32
      %scan3A_220 = arith.constant 1 : i32
      %mul3A_221 = arith.constant 128 : i32
      %mul3A_222 = arith.muli %scan3A_198, %mul3A_221 : i32
      %mul3A_223 = arith.constant 16 : i32
      %mul3A_224 = arith.muli %scan3A_220, %mul3A_223 : i32
      %add3A_225 = arith.addi %mul3A_222, %mul3A_224 : i32
      %get3A_226 = arith.constant 6 : i32
      %get3A_227 = arith.index_cast %get3A_226 : i32 to index
      %get3A_228 = arith.index_cast %add3A_225 : i32 to index
      %get3A_229 = tpu.vector_load %arg30[%get3A_227, %get3A_228] {strides = array<i32>} : memref<26x512xi32, #tpu.memory_space<vmem>>, vector<1x16xi32>,
      %get3A_230 = vector.shape_cast %get3A_229 : vector<1x16xi32> to vector<16xi32>
      %mul3A_231 = arith.constant 16 : i32
      %mul3A_232 = arith.muli %scan3A_220, %mul3A_231 : i32
      %swap3A_233 = arith.index_cast %add3A_201 : i32 to index
      %swap3A_234 = arith.index_cast %mul3A_232 : i32 to index
      %swap3A_235 = tpu.vector_load %arg31[%swap3A_233, %swap3A_234] {strides = array<i32>} : memref<104x128xi32, #tpu.memory_space<vmem>>, vector<1x16xi32>,
      %swap3A_236 = vector.shape_cast %swap3A_235 : vector<1x16xi32> to vector<16xi32>
      %swap3A_237 = vector.shape_cast %get3A_230 : vector<16xi32> to vector<1x16xi32>
      tpu.vector_store %arg31[%swap3A_233, %swap3A_234], %swap3A_237 {strides = array<i32>} : memref<104x128xi32, #tpu.memory_space<vmem>>, vector<1x16xi32>,
      %scan3A_238 = arith.constant 0 : i32
      %scan3A_239 = arith.constant 2 : i32
      %mul3A_240 = arith.constant 128 : i32
      %mul3A_241 = arith.muli %scan3A_198, %mul3A_240 : i32
      %mul3A_242 = arith.constant 16 : i32
      %mul3A_243 = arith.muli %scan3A_239, %mul3A_242 : i32
      %add3A_244 = arith.addi %mul3A_241, %mul3A_243 : i32
      %get3A_245 = arith.constant 6 : i32
      %get3A_246 = arith.index_cast %get3A_245 : i32 to index
      %get3A_247 = arith.index_cast %add3A_244 : i32 to index
      %get3A_248 = tpu.vector_load %arg30[%get3A_246, %get3A_247] {strides = array<i32>} : memref<26x512xi32, #tpu.memory_space<vmem>>, vector<1x16xi32>,
      %get3A_249 = vector.shape_cast %get3A_248 : vector<1x16xi32> to vector<16xi32>
      %mul3A_250 = arith.constant 16 : i32
      %mul3A_251 = arith.muli %scan3A_239, %mul3A_250 : i32
      %swap3A_252 = arith.index_cast %add3A_201 : i32 to index
      %swap3A_253 = arith.index_cast %mul3A_251 : i32 to index
      %swap3A_254 = tpu.vector_load %arg31[%swap3A_252, %swap3A_253] {strides = array<i32>} : memref<104x128xi32, #tpu.memory_space<vmem>>, vector<1x16xi32>,
      %swap3A_255 = vector.shape_cast %swap3A_254 : vector<1x16xi32> to vector<16xi32>
      %swap3A_256 = vector.shape_cast %get3A_249 : vector<16xi32> to vector<1x16xi32>
      tpu.vector_store %arg31[%swap3A_252, %swap3A_253], %swap3A_256 {strides = array<i32>} : memref<104x128xi32, #tpu.memory_space<vmem>>, vector<1x16xi32>,
      %scan3A_257 = arith.constant 0 : i32
      %scan3A_258 = arith.constant 3 : i32
      %mul3A_259 = arith.constant 128 : i32
      %mul3A_260 = arith.muli %scan3A_198, %mul3A_259 : i32
      %mul3A_261 = arith.constant 16 : i32
      %mul3A_262 = arith.muli %scan3A_258, %mul3A_261 : i32
      %add3A_263 = arith.addi %mul3A_260, %mul3A_262 : i32
      %get3A_264 = arith.constant 6 : i32
      %get3A_265 = arith.index_cast %get3A_264 : i32 to index
      %get3A_266 = arith.index_cast %add3A_263 : i32 to index
      %get3A_267 = tpu.vector_load %arg30[%get3A_265, %get3A_266] {strides = array<i32>} : memref<26x512xi32, #tpu.memory_space<vmem>>, vector<1x16xi32>,
      %get3A_268 = vector.shape_cast %get3A_267 : vector<1x16xi32> to vector<16xi32>
      %mul3A_269 = arith.constant 16 : i32
      %mul3A_270 = arith.muli %scan3A_258, %mul3A_269 : i32
      %swap3A_271 = arith.index_cast %add3A_201 : i32 to index
      %swap3A_272 = arith.index_cast %mul3A_270 : i32 to index
      %swap3A_273 = tpu.vector_load %arg31[%swap3A_271, %swap3A_272] {strides = array<i32>} : memref<104x128xi32, #tpu.memory_space<vmem>>, vector<1x16xi32>,
      %swap3A_274 = vector.shape_cast %swap3A_273 : vector<1x16xi32> to vector<16xi32>
      %swap3A_275 = vector.shape_cast %get3A_268 : vector<16xi32> to vector<1x16xi32>
      tpu.vector_store %arg31[%swap3A_271, %swap3A_272], %swap3A_275 {strides = array<i32>} : memref<104x128xi32, #tpu.memory_space<vmem>>, vector<1x16xi32>,
      %scan3A_276 = arith.constant 0 : i32
      %scan3A_277 = arith.constant 4 : i32
      %mul3A_278 = arith.constant 128 : i32
      %mul3A_279 = arith.muli %scan3A_198, %mul3A_278 : i32
      %mul3A_280 = arith.constant 16 : i32
      %mul3A_281 = arith.muli %scan3A_277, %mul3A_280 : i32
      %add3A_282 = arith.addi %mul3A_279, %mul3A_281 : i32
      %get3A_283 = arith.constant 6 : i32
      %get3A_284 = arith.index_cast %get3A_283 : i32 to index
      %get3A_285 = arith.index_cast %add3A_282 : i32 to index
      %get3A_286 = tpu.vector_load %arg30[%get3A_284, %get3A_285] {strides = array<i32>} : memref<26x512xi32, #tpu.memory_space<vmem>>, vector<1x16xi32>,
      %get3A_287 = vector.shape_cast %get3A_286 : vector<1x16xi32> to vector<16xi32>
      %mul3A_288 = arith.constant 16 : i32
      %mul3A_289 = arith.muli %scan3A_277, %mul3A_288 : i32
      %swap3A_290 = arith.index_cast %add3A_201 : i32 to index
      %swap3A_291 = arith.index_cast %mul3A_289 : i32 to index
      %swap3A_292 = tpu.vector_load %arg31[%swap3A_290, %swap3A_291] {strides = array<i32>} : memref<104x128xi32, #tpu.memory_space<vmem>>, vector<1x16xi32>,
      %swap3A_293 = vector.shape_cast %swap3A_292 : vector<1x16xi32> to vector<16xi32>
      %swap3A_294 = vector.shape_cast %get3A_287 : vector<16xi32> to vector<1x16xi32>
      tpu.vector_store %arg31[%swap3A_290, %swap3A_291], %swap3A_294 {strides = array<i32>} : memref<104x128xi32, #tpu.memory_space<vmem>>, vector<1x16xi32>,
      %scan3A_295 = arith.constant 0 : i32
      %scan3A_296 = arith.constant 5 : i32
      %mul3A_297 = arith.constant 128 : i32
      %mul3A_298 = arith.muli %scan3A_198, %mul3A_297 : i32
      %mul3A_299 = arith.constant 16 : i32
      %mul3A_300 = arith.muli %scan3A_296, %mul3A_299 : i32
      %add3A_301 = arith.addi %mul3A_298, %mul3A_300 : i32
      %get3A_302 = arith.constant 6 : i32
      %get3A_303 = arith.index_cast %get3A_302 : i32 to index
      %get3A_304 = arith.index_cast %add3A_301 : i32 to index
      %get3A_305 = tpu.vector_load %arg30[%get3A_303, %get3A_304] {strides = array<i32>} : memref<26x512xi32, #tpu.memory_space<vmem>>, vector<1x16xi32>,
      %get3A_306 = vector.shape_cast %get3A_305 : vector<1x16xi32> to vector<16xi32>
      %mul3A_307 = arith.constant 16 : i32
      %mul3A_308 = arith.muli %scan3A_296, %mul3A_307 : i32
      %swap3A_309 = arith.index_cast %add3A_201 : i32 to index
      %swap3A_310 = arith.index_cast %mul3A_308 : i32 to index
      %swap3A_311 = tpu.vector_load %arg31[%swap3A_309, %swap3A_310] {strides = array<i32>} : memref<104x128xi32, #tpu.memory_space<vmem>>, vector<1x16xi32>,
      %swap3A_312 = vector.shape_cast %swap3A_311 : vector<1x16xi32> to vector<16xi32>
      %swap3A_313 = vector.shape_cast %get3A_306 : vector<16xi32> to vector<1x16xi32>
      tpu.vector_store %arg31[%swap3A_309, %swap3A_310], %swap3A_313 {strides = array<i32>} : memref<104x128xi32, #tpu.memory_space<vmem>>, vector<1x16xi32>,
      %scan3A_314 = arith.constant 0 : i32
      %scan3A_315 = arith.constant 6 : i32
      %mul3A_316 = arith.constant 128 : i32
      %mul3A_317 = arith.muli %scan3A_198, %mul3A_316 : i32
      %mul3A_318 = arith.constant 16 : i32
      %mul3A_319 = arith.muli %scan3A_315, %mul3A_318 : i32
      %add3A_320 = arith.addi %mul3A_317, %mul3A_319 : i32
      %get3A_321 = arith.constant 6 : i32
      %get3A_322 = arith.index_cast %get3A_321 : i32 to index
      %get3A_323 = arith.index_cast %add3A_320 : i32 to index
      %get3A_324 = tpu.vector_load %arg30[%get3A_322, %get3A_323] {strides = array<i32>} : memref<26x512xi32, #tpu.memory_space<vmem>>, vector<1x16xi32>,
      %get3A_325 = vector.shape_cast %get3A_324 : vector<1x16xi32> to vector<16xi32>
      %mul3A_326 = arith.constant 16 : i32
      %mul3A_327 = arith.muli %scan3A_315, %mul3A_326 : i32
      %swap3A_328 = arith.index_cast %add3A_201 : i32 to index
      %swap3A_329 = arith.index_cast %mul3A_327 : i32 to index
      %swap3A_330 = tpu.vector_load %arg31[%swap3A_328, %swap3A_329] {strides = array<i32>} : memref<104x128xi32, #tpu.memory_space<vmem>>, vector<1x16xi32>,
      %swap3A_331 = vector.shape_cast %swap3A_330 : vector<1x16xi32> to vector<16xi32>
      %swap3A_332 = vector.shape_cast %get3A_325 : vector<16xi32> to vector<1x16xi32>
      tpu.vector_store %arg31[%swap3A_328, %swap3A_329], %swap3A_332 {strides = array<i32>} : memref<104x128xi32, #tpu.memory_space<vmem>>, vector<1x16xi32>,
      %scan3A_333 = arith.constant 0 : i32
      %scan3A_334 = arith.constant 7 : i32
      %mul3A_335 = arith.constant 128 : i32
      %mul3A_336 = arith.muli %scan3A_198, %mul3A_335 : i32
      %mul3A_337 = arith.constant 16 : i32
      %mul3A_338 = arith.muli %scan3A_334, %mul3A_337 : i32
      %add3A_339 = arith.addi %mul3A_336, %mul3A_338 : i32
      %get3A_340 = arith.constant 6 : i32
      %get3A_341 = arith.index_cast %get3A_340 : i32 to index
      %get3A_342 = arith.index_cast %add3A_339 : i32 to index
      %get3A_343 = tpu.vector_load %arg30[%get3A_341, %get3A_342] {strides = array<i32>} : memref<26x512xi32, #tpu.memory_space<vmem>>, vector<1x16xi32>,
      %get3A_344 = vector.shape_cast %get3A_343 : vector<1x16xi32> to vector<16xi32>
      %mul3A_345 = arith.constant 16 : i32
      %mul3A_346 = arith.muli %scan3A_334, %mul3A_345 : i32
      %swap3A_347 = arith.index_cast %add3A_201 : i32 to index
      %swap3A_348 = arith.index_cast %mul3A_346 : i32 to index
      %swap3A_349 = tpu.vector_load %arg31[%swap3A_347, %swap3A_348] {strides = array<i32>} : memref<104x128xi32, #tpu.memory_space<vmem>>, vector<1x16xi32>,
      %swap3A_350 = vector.shape_cast %swap3A_349 : vector<1x16xi32> to vector<16xi32>
      %swap3A_351 = vector.shape_cast %get3A_344 : vector<16xi32> to vector<1x16xi32>
      tpu.vector_store %arg31[%swap3A_347, %swap3A_348], %swap3A_351 {strides = array<i32>} : memref<104x128xi32, #tpu.memory_space<vmem>>, vector<1x16xi32>,
      %scan3A_352 = arith.constant 0 : i32
      %scan3A_353 = arith.constant 8 : i32
      %dma_start3A = arith.constant 0 : i32
      %dma_start3A_354 = tpu.memref_slice %arg32[%add3A_201, %dma_start3A] : memref<104x128xf32, #tpu.memory_space<vmem>> -> memref<1x128xf32, #tpu.memory_space<vmem>>
      %dma_start3A_355 = tpu.memref_squeeze %dma_start3A_354 : memref<1x128xf32, #tpu.memory_space<vmem>> -> memref<128xf32, #tpu.memory_space<vmem>>
      %dma_start3A_356 = arith.constant 0 : i32
      %dma_start3A_357 = tpu.memref_slice %arg31[%add3A_201, %dma_start3A_356] : memref<104x128xi32, #tpu.memory_space<vmem>> -> memref<1x128xi32, #tpu.memory_space<vmem>>
      %dma_start3A_358 = tpu.memref_squeeze %dma_start3A_357 : memref<1x128xi32, #tpu.memory_space<vmem>> -> memref<128xi32, #tpu.memory_space<vmem>>
      %dma_start3A_359 = arith.constant 0 : i32
      %dma_start3A_360 = tpu.memref_slice %arg9[%dma_start3A_359] : memref<1000000xf32, #tpu.memory_space<hbm>> -> memref<1000000xf32, #tpu.memory_space<hbm>>
      tpu.enqueue_indirect_dma source(%dma_start3A_360 : memref<1000000xf32, #tpu.memory_space<hbm>>) target(%dma_start3A_355 : memref<128xf32, #tpu.memory_space<vmem>>) offsets(%dma_start3A_358 : memref<128xi32, #tpu.memory_space<vmem>>) semaphore(%arg34 : memref<!tpu.dma_semaphore, #tpu.memory_space<semaphore_mem>>)
      %scan3A_361 = arith.constant 0 : i32
      scf.yield %scan3A_361 : i32
    }
    %scan3A_50 = arith.constant 4 : i32
    %scan3A_51 = arith.constant 0 : i32
    %scan3A_52 = arith.constant 0 : i32
    %scan3A_53 = arith.constant 4 : i32
    %scan3A_54 = arith.addi %scan3A_52, %scan3A_53 : i32
    %scan3A_55 = arith.constant 1 : i32
    %scan3A_56 = scf.for %scan3A_198 = %scan3A_52 to %scan3A_54 step %scan3A_55 iter_args(%scan3A_199 = %scan3A_51) -> (i32)  : i32 {
      %add3A_200 = arith.constant 28 : i32
      %add3A_201 = arith.addi %add3A_200, %scan3A_198 : i32
      %scan3A_202 = arith.constant 0 : i32
      %scan3A_203 = arith.constant 0 : i32
      %mul3A_204 = arith.constant 128 : i32
      %mul3A_205 = arith.muli %scan3A_198, %mul3A_204 : i32
      %mul3A_206 = arith.constant 16 : i32
      %mul3A_207 = arith.muli %scan3A_203, %mul3A_206 : i32
      %add3A_208 = arith.addi %mul3A_205, %mul3A_207 : i32
      %get3A = arith.constant 7 : i32
      %get3A_209 = arith.index_cast %get3A : i32 to index
      %get3A_210 = arith.index_cast %add3A_208 : i32 to index
      %get3A_211 = tpu.vector_load %arg30[%get3A_209, %get3A_210] {strides = array<i32>} : memref<26x512xi32, #tpu.memory_space<vmem>>, vector<1x16xi32>,
      %get3A_212 = vector.shape_cast %get3A_211 : vector<1x16xi32> to vector<16xi32>
      %mul3A_213 = arith.constant 16 : i32
      %mul3A_214 = arith.muli %scan3A_203, %mul3A_213 : i32
      %swap3A = arith.index_cast %add3A_201 : i32 to index
      %swap3A_215 = arith.index_cast %mul3A_214 : i32 to index
      %swap3A_216 = tpu.vector_load %arg31[%swap3A, %swap3A_215] {strides = array<i32>} : memref<104x128xi32, #tpu.memory_space<vmem>>, vector<1x16xi32>,
      %swap3A_217 = vector.shape_cast %swap3A_216 : vector<1x16xi32> to vector<16xi32>
      %swap3A_218 = vector.shape_cast %get3A_212 : vector<16xi32> to vector<1x16xi32>
      tpu.vector_store %arg31[%swap3A, %swap3A_215], %swap3A_218 {strides = array<i32>} : memref<104x128xi32, #tpu.memory_space<vmem>>, vector<1x16xi32>,
      %scan3A_219 = arith.constant 0 : i32
      %scan3A_220 = arith.constant 1 : i32
      %mul3A_221 = arith.constant 128 : i32
      %mul3A_222 = arith.muli %scan3A_198, %mul3A_221 : i32
      %mul3A_223 = arith.constant 16 : i32
      %mul3A_224 = arith.muli %scan3A_220, %mul3A_223 : i32
      %add3A_225 = arith.addi %mul3A_222, %mul3A_224 : i32
      %get3A_226 = arith.constant 7 : i32
      %get3A_227 = arith.index_cast %get3A_226 : i32 to index
      %get3A_228 = arith.index_cast %add3A_225 : i32 to index
      %get3A_229 = tpu.vector_load %arg30[%get3A_227, %get3A_228] {strides = array<i32>} : memref<26x512xi32, #tpu.memory_space<vmem>>, vector<1x16xi32>,
      %get3A_230 = vector.shape_cast %get3A_229 : vector<1x16xi32> to vector<16xi32>
      %mul3A_231 = arith.constant 16 : i32
      %mul3A_232 = arith.muli %scan3A_220, %mul3A_231 : i32
      %swap3A_233 = arith.index_cast %add3A_201 : i32 to index
      %swap3A_234 = arith.index_cast %mul3A_232 : i32 to index
      %swap3A_235 = tpu.vector_load %arg31[%swap3A_233, %swap3A_234] {strides = array<i32>} : memref<104x128xi32, #tpu.memory_space<vmem>>, vector<1x16xi32>,
      %swap3A_236 = vector.shape_cast %swap3A_235 : vector<1x16xi32> to vector<16xi32>
      %swap3A_237 = vector.shape_cast %get3A_230 : vector<16xi32> to vector<1x16xi32>
      tpu.vector_store %arg31[%swap3A_233, %swap3A_234], %swap3A_237 {strides = array<i32>} : memref<104x128xi32, #tpu.memory_space<vmem>>, vector<1x16xi32>,
      %scan3A_238 = arith.constant 0 : i32
      %scan3A_239 = arith.constant 2 : i32
      %mul3A_240 = arith.constant 128 : i32
      %mul3A_241 = arith.muli %scan3A_198, %mul3A_240 : i32
      %mul3A_242 = arith.constant 16 : i32
      %mul3A_243 = arith.muli %scan3A_239, %mul3A_242 : i32
      %add3A_244 = arith.addi %mul3A_241, %mul3A_243 : i32
      %get3A_245 = arith.constant 7 : i32
      %get3A_246 = arith.index_cast %get3A_245 : i32 to index
      %get3A_247 = arith.index_cast %add3A_244 : i32 to index
      %get3A_248 = tpu.vector_load %arg30[%get3A_246, %get3A_247] {strides = array<i32>} : memref<26x512xi32, #tpu.memory_space<vmem>>, vector<1x16xi32>,
      %get3A_249 = vector.shape_cast %get3A_248 : vector<1x16xi32> to vector<16xi32>
      %mul3A_250 = arith.constant 16 : i32
      %mul3A_251 = arith.muli %scan3A_239, %mul3A_250 : i32
      %swap3A_252 = arith.index_cast %add3A_201 : i32 to index
      %swap3A_253 = arith.index_cast %mul3A_251 : i32 to index
      %swap3A_254 = tpu.vector_load %arg31[%swap3A_252, %swap3A_253] {strides = array<i32>} : memref<104x128xi32, #tpu.memory_space<vmem>>, vector<1x16xi32>,
      %swap3A_255 = vector.shape_cast %swap3A_254 : vector<1x16xi32> to vector<16xi32>
      %swap3A_256 = vector.shape_cast %get3A_249 : vector<16xi32> to vector<1x16xi32>
      tpu.vector_store %arg31[%swap3A_252, %swap3A_253], %swap3A_256 {strides = array<i32>} : memref<104x128xi32, #tpu.memory_space<vmem>>, vector<1x16xi32>,
      %scan3A_257 = arith.constant 0 : i32
      %scan3A_258 = arith.constant 3 : i32
      %mul3A_259 = arith.constant 128 : i32
      %mul3A_260 = arith.muli %scan3A_198, %mul3A_259 : i32
      %mul3A_261 = arith.constant 16 : i32
      %mul3A_262 = arith.muli %scan3A_258, %mul3A_261 : i32
      %add3A_263 = arith.addi %mul3A_260, %mul3A_262 : i32
      %get3A_264 = arith.constant 7 : i32
      %get3A_265 = arith.index_cast %get3A_264 : i32 to index
      %get3A_266 = arith.index_cast %add3A_263 : i32 to index
      %get3A_267 = tpu.vector_load %arg30[%get3A_265, %get3A_266] {strides = array<i32>} : memref<26x512xi32, #tpu.memory_space<vmem>>, vector<1x16xi32>,
      %get3A_268 = vector.shape_cast %get3A_267 : vector<1x16xi32> to vector<16xi32>
      %mul3A_269 = arith.constant 16 : i32
      %mul3A_270 = arith.muli %scan3A_258, %mul3A_269 : i32
      %swap3A_271 = arith.index_cast %add3A_201 : i32 to index
      %swap3A_272 = arith.index_cast %mul3A_270 : i32 to index
      %swap3A_273 = tpu.vector_load %arg31[%swap3A_271, %swap3A_272] {strides = array<i32>} : memref<104x128xi32, #tpu.memory_space<vmem>>, vector<1x16xi32>,
      %swap3A_274 = vector.shape_cast %swap3A_273 : vector<1x16xi32> to vector<16xi32>
      %swap3A_275 = vector.shape_cast %get3A_268 : vector<16xi32> to vector<1x16xi32>
      tpu.vector_store %arg31[%swap3A_271, %swap3A_272], %swap3A_275 {strides = array<i32>} : memref<104x128xi32, #tpu.memory_space<vmem>>, vector<1x16xi32>,
      %scan3A_276 = arith.constant 0 : i32
      %scan3A_277 = arith.constant 4 : i32
      %mul3A_278 = arith.constant 128 : i32
      %mul3A_279 = arith.muli %scan3A_198, %mul3A_278 : i32
      %mul3A_280 = arith.constant 16 : i32
      %mul3A_281 = arith.muli %scan3A_277, %mul3A_280 : i32
      %add3A_282 = arith.addi %mul3A_279, %mul3A_281 : i32
      %get3A_283 = arith.constant 7 : i32
      %get3A_284 = arith.index_cast %get3A_283 : i32 to index
      %get3A_285 = arith.index_cast %add3A_282 : i32 to index
      %get3A_286 = tpu.vector_load %arg30[%get3A_284, %get3A_285] {strides = array<i32>} : memref<26x512xi32, #tpu.memory_space<vmem>>, vector<1x16xi32>,
      %get3A_287 = vector.shape_cast %get3A_286 : vector<1x16xi32> to vector<16xi32>
      %mul3A_288 = arith.constant 16 : i32
      %mul3A_289 = arith.muli %scan3A_277, %mul3A_288 : i32
      %swap3A_290 = arith.index_cast %add3A_201 : i32 to index
      %swap3A_291 = arith.index_cast %mul3A_289 : i32 to index
      %swap3A_292 = tpu.vector_load %arg31[%swap3A_290, %swap3A_291] {strides = array<i32>} : memref<104x128xi32, #tpu.memory_space<vmem>>, vector<1x16xi32>,
      %swap3A_293 = vector.shape_cast %swap3A_292 : vector<1x16xi32> to vector<16xi32>
      %swap3A_294 = vector.shape_cast %get3A_287 : vector<16xi32> to vector<1x16xi32>
      tpu.vector_store %arg31[%swap3A_290, %swap3A_291], %swap3A_294 {strides = array<i32>} : memref<104x128xi32, #tpu.memory_space<vmem>>, vector<1x16xi32>,
      %scan3A_295 = arith.constant 0 : i32
      %scan3A_296 = arith.constant 5 : i32
      %mul3A_297 = arith.constant 128 : i32
      %mul3A_298 = arith.muli %scan3A_198, %mul3A_297 : i32
      %mul3A_299 = arith.constant 16 : i32
      %mul3A_300 = arith.muli %scan3A_296, %mul3A_299 : i32
      %add3A_301 = arith.addi %mul3A_298, %mul3A_300 : i32
      %get3A_302 = arith.constant 7 : i32
      %get3A_303 = arith.index_cast %get3A_302 : i32 to index
      %get3A_304 = arith.index_cast %add3A_301 : i32 to index
      %get3A_305 = tpu.vector_load %arg30[%get3A_303, %get3A_304] {strides = array<i32>} : memref<26x512xi32, #tpu.memory_space<vmem>>, vector<1x16xi32>,
      %get3A_306 = vector.shape_cast %get3A_305 : vector<1x16xi32> to vector<16xi32>
      %mul3A_307 = arith.constant 16 : i32
      %mul3A_308 = arith.muli %scan3A_296, %mul3A_307 : i32
      %swap3A_309 = arith.index_cast %add3A_201 : i32 to index
      %swap3A_310 = arith.index_cast %mul3A_308 : i32 to index
      %swap3A_311 = tpu.vector_load %arg31[%swap3A_309, %swap3A_310] {strides = array<i32>} : memref<104x128xi32, #tpu.memory_space<vmem>>, vector<1x16xi32>,
      %swap3A_312 = vector.shape_cast %swap3A_311 : vector<1x16xi32> to vector<16xi32>
      %swap3A_313 = vector.shape_cast %get3A_306 : vector<16xi32> to vector<1x16xi32>
      tpu.vector_store %arg31[%swap3A_309, %swap3A_310], %swap3A_313 {strides = array<i32>} : memref<104x128xi32, #tpu.memory_space<vmem>>, vector<1x16xi32>,
      %scan3A_314 = arith.constant 0 : i32
      %scan3A_315 = arith.constant 6 : i32
      %mul3A_316 = arith.constant 128 : i32
      %mul3A_317 = arith.muli %scan3A_198, %mul3A_316 : i32
      %mul3A_318 = arith.constant 16 : i32
      %mul3A_319 = arith.muli %scan3A_315, %mul3A_318 : i32
      %add3A_320 = arith.addi %mul3A_317, %mul3A_319 : i32
      %get3A_321 = arith.constant 7 : i32
      %get3A_322 = arith.index_cast %get3A_321 : i32 to index
      %get3A_323 = arith.index_cast %add3A_320 : i32 to index
      %get3A_324 = tpu.vector_load %arg30[%get3A_322, %get3A_323] {strides = array<i32>} : memref<26x512xi32, #tpu.memory_space<vmem>>, vector<1x16xi32>,
      %get3A_325 = vector.shape_cast %get3A_324 : vector<1x16xi32> to vector<16xi32>
      %mul3A_326 = arith.constant 16 : i32
      %mul3A_327 = arith.muli %scan3A_315, %mul3A_326 : i32
      %swap3A_328 = arith.index_cast %add3A_201 : i32 to index
      %swap3A_329 = arith.index_cast %mul3A_327 : i32 to index
      %swap3A_330 = tpu.vector_load %arg31[%swap3A_328, %swap3A_329] {strides = array<i32>} : memref<104x128xi32, #tpu.memory_space<vmem>>, vector<1x16xi32>,
      %swap3A_331 = vector.shape_cast %swap3A_330 : vector<1x16xi32> to vector<16xi32>
      %swap3A_332 = vector.shape_cast %get3A_325 : vector<16xi32> to vector<1x16xi32>
      tpu.vector_store %arg31[%swap3A_328, %swap3A_329], %swap3A_332 {strides = array<i32>} : memref<104x128xi32, #tpu.memory_space<vmem>>, vector<1x16xi32>,
      %scan3A_333 = arith.constant 0 : i32
      %scan3A_334 = arith.constant 7 : i32
      %mul3A_335 = arith.constant 128 : i32
      %mul3A_336 = arith.muli %scan3A_198, %mul3A_335 : i32
      %mul3A_337 = arith.constant 16 : i32
      %mul3A_338 = arith.muli %scan3A_334, %mul3A_337 : i32
      %add3A_339 = arith.addi %mul3A_336, %mul3A_338 : i32
      %get3A_340 = arith.constant 7 : i32
      %get3A_341 = arith.index_cast %get3A_340 : i32 to index
      %get3A_342 = arith.index_cast %add3A_339 : i32 to index
      %get3A_343 = tpu.vector_load %arg30[%get3A_341, %get3A_342] {strides = array<i32>} : memref<26x512xi32, #tpu.memory_space<vmem>>, vector<1x16xi32>,
      %get3A_344 = vector.shape_cast %get3A_343 : vector<1x16xi32> to vector<16xi32>
      %mul3A_345 = arith.constant 16 : i32
      %mul3A_346 = arith.muli %scan3A_334, %mul3A_345 : i32
      %swap3A_347 = arith.index_cast %add3A_201 : i32 to index
      %swap3A_348 = arith.index_cast %mul3A_346 : i32 to index
      %swap3A_349 = tpu.vector_load %arg31[%swap3A_347, %swap3A_348] {strides = array<i32>} : memref<104x128xi32, #tpu.memory_space<vmem>>, vector<1x16xi32>,
      %swap3A_350 = vector.shape_cast %swap3A_349 : vector<1x16xi32> to vector<16xi32>
      %swap3A_351 = vector.shape_cast %get3A_344 : vector<16xi32> to vector<1x16xi32>
      tpu.vector_store %arg31[%swap3A_347, %swap3A_348], %swap3A_351 {strides = array<i32>} : memref<104x128xi32, #tpu.memory_space<vmem>>, vector<1x16xi32>,
      %scan3A_352 = arith.constant 0 : i32
      %scan3A_353 = arith.constant 8 : i32
      %dma_start3A = arith.constant 0 : i32
      %dma_start3A_354 = tpu.memref_slice %arg32[%add3A_201, %dma_start3A] : memref<104x128xf32, #tpu.memory_space<vmem>> -> memref<1x128xf32, #tpu.memory_space<vmem>>
      %dma_start3A_355 = tpu.memref_squeeze %dma_start3A_354 : memref<1x128xf32, #tpu.memory_space<vmem>> -> memref<128xf32, #tpu.memory_space<vmem>>
      %dma_start3A_356 = arith.constant 0 : i32
      %dma_start3A_357 = tpu.memref_slice %arg31[%add3A_201, %dma_start3A_356] : memref<104x128xi32, #tpu.memory_space<vmem>> -> memref<1x128xi32, #tpu.memory_space<vmem>>
      %dma_start3A_358 = tpu.memref_squeeze %dma_start3A_357 : memref<1x128xi32, #tpu.memory_space<vmem>> -> memref<128xi32, #tpu.memory_space<vmem>>
      %dma_start3A_359 = arith.constant 0 : i32
      %dma_start3A_360 = tpu.memref_slice %arg10[%dma_start3A_359] : memref<1000000xf32, #tpu.memory_space<hbm>> -> memref<1000000xf32, #tpu.memory_space<hbm>>
      tpu.enqueue_indirect_dma source(%dma_start3A_360 : memref<1000000xf32, #tpu.memory_space<hbm>>) target(%dma_start3A_355 : memref<128xf32, #tpu.memory_space<vmem>>) offsets(%dma_start3A_358 : memref<128xi32, #tpu.memory_space<vmem>>) semaphore(%arg34 : memref<!tpu.dma_semaphore, #tpu.memory_space<semaphore_mem>>)
      %scan3A_361 = arith.constant 0 : i32
      scf.yield %scan3A_361 : i32
    }
    %scan3A_57 = arith.constant 4 : i32
    %scan3A_58 = arith.constant 0 : i32
    %scan3A_59 = arith.constant 0 : i32
    %scan3A_60 = arith.constant 4 : i32
    %scan3A_61 = arith.addi %scan3A_59, %scan3A_60 : i32
    %scan3A_62 = arith.constant 1 : i32
    %scan3A_63 = scf.for %scan3A_198 = %scan3A_59 to %scan3A_61 step %scan3A_62 iter_args(%scan3A_199 = %scan3A_58) -> (i32)  : i32 {
      %add3A_200 = arith.constant 32 : i32
      %add3A_201 = arith.addi %add3A_200, %scan3A_198 : i32
      %scan3A_202 = arith.constant 0 : i32
      %scan3A_203 = arith.constant 0 : i32
      %mul3A_204 = arith.constant 128 : i32
      %mul3A_205 = arith.muli %scan3A_198, %mul3A_204 : i32
      %mul3A_206 = arith.constant 16 : i32
      %mul3A_207 = arith.muli %scan3A_203, %mul3A_206 : i32
      %add3A_208 = arith.addi %mul3A_205, %mul3A_207 : i32
      %get3A = arith.constant 8 : i32
      %get3A_209 = arith.index_cast %get3A : i32 to index
      %get3A_210 = arith.index_cast %add3A_208 : i32 to index
      %get3A_211 = tpu.vector_load %arg30[%get3A_209, %get3A_210] {strides = array<i32>} : memref<26x512xi32, #tpu.memory_space<vmem>>, vector<1x16xi32>,
      %get3A_212 = vector.shape_cast %get3A_211 : vector<1x16xi32> to vector<16xi32>
      %mul3A_213 = arith.constant 16 : i32
      %mul3A_214 = arith.muli %scan3A_203, %mul3A_213 : i32
      %swap3A = arith.index_cast %add3A_201 : i32 to index
      %swap3A_215 = arith.index_cast %mul3A_214 : i32 to index
      %swap3A_216 = tpu.vector_load %arg31[%swap3A, %swap3A_215] {strides = array<i32>} : memref<104x128xi32, #tpu.memory_space<vmem>>, vector<1x16xi32>,
      %swap3A_217 = vector.shape_cast %swap3A_216 : vector<1x16xi32> to vector<16xi32>
      %swap3A_218 = vector.shape_cast %get3A_212 : vector<16xi32> to vector<1x16xi32>
      tpu.vector_store %arg31[%swap3A, %swap3A_215], %swap3A_218 {strides = array<i32>} : memref<104x128xi32, #tpu.memory_space<vmem>>, vector<1x16xi32>,
      %scan3A_219 = arith.constant 0 : i32
      %scan3A_220 = arith.constant 1 : i32
      %mul3A_221 = arith.constant 128 : i32
      %mul3A_222 = arith.muli %scan3A_198, %mul3A_221 : i32
      %mul3A_223 = arith.constant 16 : i32
      %mul3A_224 = arith.muli %scan3A_220, %mul3A_223 : i32
      %add3A_225 = arith.addi %mul3A_222, %mul3A_224 : i32
      %get3A_226 = arith.constant 8 : i32
      %get3A_227 = arith.index_cast %get3A_226 : i32 to index
      %get3A_228 = arith.index_cast %add3A_225 : i32 to index
      %get3A_229 = tpu.vector_load %arg30[%get3A_227, %get3A_228] {strides = array<i32>} : memref<26x512xi32, #tpu.memory_space<vmem>>, vector<1x16xi32>,
      %get3A_230 = vector.shape_cast %get3A_229 : vector<1x16xi32> to vector<16xi32>
      %mul3A_231 = arith.constant 16 : i32
      %mul3A_232 = arith.muli %scan3A_220, %mul3A_231 : i32
      %swap3A_233 = arith.index_cast %add3A_201 : i32 to index
      %swap3A_234 = arith.index_cast %mul3A_232 : i32 to index
      %swap3A_235 = tpu.vector_load %arg31[%swap3A_233, %swap3A_234] {strides = array<i32>} : memref<104x128xi32, #tpu.memory_space<vmem>>, vector<1x16xi32>,
      %swap3A_236 = vector.shape_cast %swap3A_235 : vector<1x16xi32> to vector<16xi32>
      %swap3A_237 = vector.shape_cast %get3A_230 : vector<16xi32> to vector<1x16xi32>
      tpu.vector_store %arg31[%swap3A_233, %swap3A_234], %swap3A_237 {strides = array<i32>} : memref<104x128xi32, #tpu.memory_space<vmem>>, vector<1x16xi32>,
      %scan3A_238 = arith.constant 0 : i32
      %scan3A_239 = arith.constant 2 : i32
      %mul3A_240 = arith.constant 128 : i32
      %mul3A_241 = arith.muli %scan3A_198, %mul3A_240 : i32
      %mul3A_242 = arith.constant 16 : i32
      %mul3A_243 = arith.muli %scan3A_239, %mul3A_242 : i32
      %add3A_244 = arith.addi %mul3A_241, %mul3A_243 : i32
      %get3A_245 = arith.constant 8 : i32
      %get3A_246 = arith.index_cast %get3A_245 : i32 to index
      %get3A_247 = arith.index_cast %add3A_244 : i32 to index
      %get3A_248 = tpu.vector_load %arg30[%get3A_246, %get3A_247] {strides = array<i32>} : memref<26x512xi32, #tpu.memory_space<vmem>>, vector<1x16xi32>,
      %get3A_249 = vector.shape_cast %get3A_248 : vector<1x16xi32> to vector<16xi32>
      %mul3A_250 = arith.constant 16 : i32
      %mul3A_251 = arith.muli %scan3A_239, %mul3A_250 : i32
      %swap3A_252 = arith.index_cast %add3A_201 : i32 to index
      %swap3A_253 = arith.index_cast %mul3A_251 : i32 to index
      %swap3A_254 = tpu.vector_load %arg31[%swap3A_252, %swap3A_253] {strides = array<i32>} : memref<104x128xi32, #tpu.memory_space<vmem>>, vector<1x16xi32>,
      %swap3A_255 = vector.shape_cast %swap3A_254 : vector<1x16xi32> to vector<16xi32>
      %swap3A_256 = vector.shape_cast %get3A_249 : vector<16xi32> to vector<1x16xi32>
      tpu.vector_store %arg31[%swap3A_252, %swap3A_253], %swap3A_256 {strides = array<i32>} : memref<104x128xi32, #tpu.memory_space<vmem>>, vector<1x16xi32>,
      %scan3A_257 = arith.constant 0 : i32
      %scan3A_258 = arith.constant 3 : i32
      %mul3A_259 = arith.constant 128 : i32
      %mul3A_260 = arith.muli %scan3A_198, %mul3A_259 : i32
      %mul3A_261 = arith.constant 16 : i32
      %mul3A_262 = arith.muli %scan3A_258, %mul3A_261 : i32
      %add3A_263 = arith.addi %mul3A_260, %mul3A_262 : i32
      %get3A_264 = arith.constant 8 : i32
      %get3A_265 = arith.index_cast %get3A_264 : i32 to index
      %get3A_266 = arith.index_cast %add3A_263 : i32 to index
      %get3A_267 = tpu.vector_load %arg30[%get3A_265, %get3A_266] {strides = array<i32>} : memref<26x512xi32, #tpu.memory_space<vmem>>, vector<1x16xi32>,
      %get3A_268 = vector.shape_cast %get3A_267 : vector<1x16xi32> to vector<16xi32>
      %mul3A_269 = arith.constant 16 : i32
      %mul3A_270 = arith.muli %scan3A_258, %mul3A_269 : i32
      %swap3A_271 = arith.index_cast %add3A_201 : i32 to index
      %swap3A_272 = arith.index_cast %mul3A_270 : i32 to index
      %swap3A_273 = tpu.vector_load %arg31[%swap3A_271, %swap3A_272] {strides = array<i32>} : memref<104x128xi32, #tpu.memory_space<vmem>>, vector<1x16xi32>,
      %swap3A_274 = vector.shape_cast %swap3A_273 : vector<1x16xi32> to vector<16xi32>
      %swap3A_275 = vector.shape_cast %get3A_268 : vector<16xi32> to vector<1x16xi32>
      tpu.vector_store %arg31[%swap3A_271, %swap3A_272], %swap3A_275 {strides = array<i32>} : memref<104x128xi32, #tpu.memory_space<vmem>>, vector<1x16xi32>,
      %scan3A_276 = arith.constant 0 : i32
      %scan3A_277 = arith.constant 4 : i32
      %mul3A_278 = arith.constant 128 : i32
      %mul3A_279 = arith.muli %scan3A_198, %mul3A_278 : i32
      %mul3A_280 = arith.constant 16 : i32
      %mul3A_281 = arith.muli %scan3A_277, %mul3A_280 : i32
      %add3A_282 = arith.addi %mul3A_279, %mul3A_281 : i32
      %get3A_283 = arith.constant 8 : i32
      %get3A_284 = arith.index_cast %get3A_283 : i32 to index
      %get3A_285 = arith.index_cast %add3A_282 : i32 to index
      %get3A_286 = tpu.vector_load %arg30[%get3A_284, %get3A_285] {strides = array<i32>} : memref<26x512xi32, #tpu.memory_space<vmem>>, vector<1x16xi32>,
      %get3A_287 = vector.shape_cast %get3A_286 : vector<1x16xi32> to vector<16xi32>
      %mul3A_288 = arith.constant 16 : i32
      %mul3A_289 = arith.muli %scan3A_277, %mul3A_288 : i32
      %swap3A_290 = arith.index_cast %add3A_201 : i32 to index
      %swap3A_291 = arith.index_cast %mul3A_289 : i32 to index
      %swap3A_292 = tpu.vector_load %arg31[%swap3A_290, %swap3A_291] {strides = array<i32>} : memref<104x128xi32, #tpu.memory_space<vmem>>, vector<1x16xi32>,
      %swap3A_293 = vector.shape_cast %swap3A_292 : vector<1x16xi32> to vector<16xi32>
      %swap3A_294 = vector.shape_cast %get3A_287 : vector<16xi32> to vector<1x16xi32>
      tpu.vector_store %arg31[%swap3A_290, %swap3A_291], %swap3A_294 {strides = array<i32>} : memref<104x128xi32, #tpu.memory_space<vmem>>, vector<1x16xi32>,
      %scan3A_295 = arith.constant 0 : i32
      %scan3A_296 = arith.constant 5 : i32
      %mul3A_297 = arith.constant 128 : i32
      %mul3A_298 = arith.muli %scan3A_198, %mul3A_297 : i32
      %mul3A_299 = arith.constant 16 : i32
      %mul3A_300 = arith.muli %scan3A_296, %mul3A_299 : i32
      %add3A_301 = arith.addi %mul3A_298, %mul3A_300 : i32
      %get3A_302 = arith.constant 8 : i32
      %get3A_303 = arith.index_cast %get3A_302 : i32 to index
      %get3A_304 = arith.index_cast %add3A_301 : i32 to index
      %get3A_305 = tpu.vector_load %arg30[%get3A_303, %get3A_304] {strides = array<i32>} : memref<26x512xi32, #tpu.memory_space<vmem>>, vector<1x16xi32>,
      %get3A_306 = vector.shape_cast %get3A_305 : vector<1x16xi32> to vector<16xi32>
      %mul3A_307 = arith.constant 16 : i32
      %mul3A_308 = arith.muli %scan3A_296, %mul3A_307 : i32
      %swap3A_309 = arith.index_cast %add3A_201 : i32 to index
      %swap3A_310 = arith.index_cast %mul3A_308 : i32 to index
      %swap3A_311 = tpu.vector_load %arg31[%swap3A_309, %swap3A_310] {strides = array<i32>} : memref<104x128xi32, #tpu.memory_space<vmem>>, vector<1x16xi32>,
      %swap3A_312 = vector.shape_cast %swap3A_311 : vector<1x16xi32> to vector<16xi32>
      %swap3A_313 = vector.shape_cast %get3A_306 : vector<16xi32> to vector<1x16xi32>
      tpu.vector_store %arg31[%swap3A_309, %swap3A_310], %swap3A_313 {strides = array<i32>} : memref<104x128xi32, #tpu.memory_space<vmem>>, vector<1x16xi32>,
      %scan3A_314 = arith.constant 0 : i32
      %scan3A_315 = arith.constant 6 : i32
      %mul3A_316 = arith.constant 128 : i32
      %mul3A_317 = arith.muli %scan3A_198, %mul3A_316 : i32
      %mul3A_318 = arith.constant 16 : i32
      %mul3A_319 = arith.muli %scan3A_315, %mul3A_318 : i32
      %add3A_320 = arith.addi %mul3A_317, %mul3A_319 : i32
      %get3A_321 = arith.constant 8 : i32
      %get3A_322 = arith.index_cast %get3A_321 : i32 to index
      %get3A_323 = arith.index_cast %add3A_320 : i32 to index
      %get3A_324 = tpu.vector_load %arg30[%get3A_322, %get3A_323] {strides = array<i32>} : memref<26x512xi32, #tpu.memory_space<vmem>>, vector<1x16xi32>,
      %get3A_325 = vector.shape_cast %get3A_324 : vector<1x16xi32> to vector<16xi32>
      %mul3A_326 = arith.constant 16 : i32
      %mul3A_327 = arith.muli %scan3A_315, %mul3A_326 : i32
      %swap3A_328 = arith.index_cast %add3A_201 : i32 to index
      %swap3A_329 = arith.index_cast %mul3A_327 : i32 to index
      %swap3A_330 = tpu.vector_load %arg31[%swap3A_328, %swap3A_329] {strides = array<i32>} : memref<104x128xi32, #tpu.memory_space<vmem>>, vector<1x16xi32>,
      %swap3A_331 = vector.shape_cast %swap3A_330 : vector<1x16xi32> to vector<16xi32>
      %swap3A_332 = vector.shape_cast %get3A_325 : vector<16xi32> to vector<1x16xi32>
      tpu.vector_store %arg31[%swap3A_328, %swap3A_329], %swap3A_332 {strides = array<i32>} : memref<104x128xi32, #tpu.memory_space<vmem>>, vector<1x16xi32>,
      %scan3A_333 = arith.constant 0 : i32
      %scan3A_334 = arith.constant 7 : i32
      %mul3A_335 = arith.constant 128 : i32
      %mul3A_336 = arith.muli %scan3A_198, %mul3A_335 : i32
      %mul3A_337 = arith.constant 16 : i32
      %mul3A_338 = arith.muli %scan3A_334, %mul3A_337 : i32
      %add3A_339 = arith.addi %mul3A_336, %mul3A_338 : i32
      %get3A_340 = arith.constant 8 : i32
      %get3A_341 = arith.index_cast %get3A_340 : i32 to index
      %get3A_342 = arith.index_cast %add3A_339 : i32 to index
      %get3A_343 = tpu.vector_load %arg30[%get3A_341, %get3A_342] {strides = array<i32>} : memref<26x512xi32, #tpu.memory_space<vmem>>, vector<1x16xi32>,
      %get3A_344 = vector.shape_cast %get3A_343 : vector<1x16xi32> to vector<16xi32>
      %mul3A_345 = arith.constant 16 : i32
      %mul3A_346 = arith.muli %scan3A_334, %mul3A_345 : i32
      %swap3A_347 = arith.index_cast %add3A_201 : i32 to index
      %swap3A_348 = arith.index_cast %mul3A_346 : i32 to index
      %swap3A_349 = tpu.vector_load %arg31[%swap3A_347, %swap3A_348] {strides = array<i32>} : memref<104x128xi32, #tpu.memory_space<vmem>>, vector<1x16xi32>,
      %swap3A_350 = vector.shape_cast %swap3A_349 : vector<1x16xi32> to vector<16xi32>
      %swap3A_351 = vector.shape_cast %get3A_344 : vector<16xi32> to vector<1x16xi32>
      tpu.vector_store %arg31[%swap3A_347, %swap3A_348], %swap3A_351 {strides = array<i32>} : memref<104x128xi32, #tpu.memory_space<vmem>>, vector<1x16xi32>,
      %scan3A_352 = arith.constant 0 : i32
      %scan3A_353 = arith.constant 8 : i32
      %dma_start3A = arith.constant 0 : i32
      %dma_start3A_354 = tpu.memref_slice %arg32[%add3A_201, %dma_start3A] : memref<104x128xf32, #tpu.memory_space<vmem>> -> memref<1x128xf32, #tpu.memory_space<vmem>>
      %dma_start3A_355 = tpu.memref_squeeze %dma_start3A_354 : memref<1x128xf32, #tpu.memory_space<vmem>> -> memref<128xf32, #tpu.memory_space<vmem>>
      %dma_start3A_356 = arith.constant 0 : i32
      %dma_start3A_357 = tpu.memref_slice %arg31[%add3A_201, %dma_start3A_356] : memref<104x128xi32, #tpu.memory_space<vmem>> -> memref<1x128xi32, #tpu.memory_space<vmem>>
      %dma_start3A_358 = tpu.memref_squeeze %dma_start3A_357 : memref<1x128xi32, #tpu.memory_space<vmem>> -> memref<128xi32, #tpu.memory_space<vmem>>
      %dma_start3A_359 = arith.constant 0 : i32
      %dma_start3A_360 = tpu.memref_slice %arg11[%dma_start3A_359] : memref<1000000xf32, #tpu.memory_space<hbm>> -> memref<1000000xf32, #tpu.memory_space<hbm>>
      tpu.enqueue_indirect_dma source(%dma_start3A_360 : memref<1000000xf32, #tpu.memory_space<hbm>>) target(%dma_start3A_355 : memref<128xf32, #tpu.memory_space<vmem>>) offsets(%dma_start3A_358 : memref<128xi32, #tpu.memory_space<vmem>>) semaphore(%arg34 : memref<!tpu.dma_semaphore, #tpu.memory_space<semaphore_mem>>)
      %scan3A_361 = arith.constant 0 : i32
      scf.yield %scan3A_361 : i32
    }
    %scan3A_64 = arith.constant 4 : i32
    %scan3A_65 = arith.constant 0 : i32
    %scan3A_66 = arith.constant 0 : i32
    %scan3A_67 = arith.constant 4 : i32
    %scan3A_68 = arith.addi %scan3A_66, %scan3A_67 : i32
    %scan3A_69 = arith.constant 1 : i32
    %scan3A_70 = scf.for %scan3A_198 = %scan3A_66 to %scan3A_68 step %scan3A_69 iter_args(%scan3A_199 = %scan3A_65) -> (i32)  : i32 {
      %add3A_200 = arith.constant 36 : i32
      %add3A_201 = arith.addi %add3A_200, %scan3A_198 : i32
      %scan3A_202 = arith.constant 0 : i32
      %scan3A_203 = arith.constant 0 : i32
      %mul3A_204 = arith.constant 128 : i32
      %mul3A_205 = arith.muli %scan3A_198, %mul3A_204 : i32
      %mul3A_206 = arith.constant 16 : i32
      %mul3A_207 = arith.muli %scan3A_203, %mul3A_206 : i32
      %add3A_208 = arith.addi %mul3A_205, %mul3A_207 : i32
      %get3A = arith.constant 9 : i32
      %get3A_209 = arith.index_cast %get3A : i32 to index
      %get3A_210 = arith.index_cast %add3A_208 : i32 to index
      %get3A_211 = tpu.vector_load %arg30[%get3A_209, %get3A_210] {strides = array<i32>} : memref<26x512xi32, #tpu.memory_space<vmem>>, vector<1x16xi32>,
      %get3A_212 = vector.shape_cast %get3A_211 : vector<1x16xi32> to vector<16xi32>
      %mul3A_213 = arith.constant 16 : i32
      %mul3A_214 = arith.muli %scan3A_203, %mul3A_213 : i32
      %swap3A = arith.index_cast %add3A_201 : i32 to index
      %swap3A_215 = arith.index_cast %mul3A_214 : i32 to index
      %swap3A_216 = tpu.vector_load %arg31[%swap3A, %swap3A_215] {strides = array<i32>} : memref<104x128xi32, #tpu.memory_space<vmem>>, vector<1x16xi32>,
      %swap3A_217 = vector.shape_cast %swap3A_216 : vector<1x16xi32> to vector<16xi32>
      %swap3A_218 = vector.shape_cast %get3A_212 : vector<16xi32> to vector<1x16xi32>
      tpu.vector_store %arg31[%swap3A, %swap3A_215], %swap3A_218 {strides = array<i32>} : memref<104x128xi32, #tpu.memory_space<vmem>>, vector<1x16xi32>,
      %scan3A_219 = arith.constant 0 : i32
      %scan3A_220 = arith.constant 1 : i32
      %mul3A_221 = arith.constant 128 : i32
      %mul3A_222 = arith.muli %scan3A_198, %mul3A_221 : i32
      %mul3A_223 = arith.constant 16 : i32
      %mul3A_224 = arith.muli %scan3A_220, %mul3A_223 : i32
      %add3A_225 = arith.addi %mul3A_222, %mul3A_224 : i32
      %get3A_226 = arith.constant 9 : i32
      %get3A_227 = arith.index_cast %get3A_226 : i32 to index
      %get3A_228 = arith.index_cast %add3A_225 : i32 to index
      %get3A_229 = tpu.vector_load %arg30[%get3A_227, %get3A_228] {strides = array<i32>} : memref<26x512xi32, #tpu.memory_space<vmem>>, vector<1x16xi32>,
      %get3A_230 = vector.shape_cast %get3A_229 : vector<1x16xi32> to vector<16xi32>
      %mul3A_231 = arith.constant 16 : i32
      %mul3A_232 = arith.muli %scan3A_220, %mul3A_231 : i32
      %swap3A_233 = arith.index_cast %add3A_201 : i32 to index
      %swap3A_234 = arith.index_cast %mul3A_232 : i32 to index
      %swap3A_235 = tpu.vector_load %arg31[%swap3A_233, %swap3A_234] {strides = array<i32>} : memref<104x128xi32, #tpu.memory_space<vmem>>, vector<1x16xi32>,
      %swap3A_236 = vector.shape_cast %swap3A_235 : vector<1x16xi32> to vector<16xi32>
      %swap3A_237 = vector.shape_cast %get3A_230 : vector<16xi32> to vector<1x16xi32>
      tpu.vector_store %arg31[%swap3A_233, %swap3A_234], %swap3A_237 {strides = array<i32>} : memref<104x128xi32, #tpu.memory_space<vmem>>, vector<1x16xi32>,
      %scan3A_238 = arith.constant 0 : i32
      %scan3A_239 = arith.constant 2 : i32
      %mul3A_240 = arith.constant 128 : i32
      %mul3A_241 = arith.muli %scan3A_198, %mul3A_240 : i32
      %mul3A_242 = arith.constant 16 : i32
      %mul3A_243 = arith.muli %scan3A_239, %mul3A_242 : i32
      %add3A_244 = arith.addi %mul3A_241, %mul3A_243 : i32
      %get3A_245 = arith.constant 9 : i32
      %get3A_246 = arith.index_cast %get3A_245 : i32 to index
      %get3A_247 = arith.index_cast %add3A_244 : i32 to index
      %get3A_248 = tpu.vector_load %arg30[%get3A_246, %get3A_247] {strides = array<i32>} : memref<26x512xi32, #tpu.memory_space<vmem>>, vector<1x16xi32>,
      %get3A_249 = vector.shape_cast %get3A_248 : vector<1x16xi32> to vector<16xi32>
      %mul3A_250 = arith.constant 16 : i32
      %mul3A_251 = arith.muli %scan3A_239, %mul3A_250 : i32
      %swap3A_252 = arith.index_cast %add3A_201 : i32 to index
      %swap3A_253 = arith.index_cast %mul3A_251 : i32 to index
      %swap3A_254 = tpu.vector_load %arg31[%swap3A_252, %swap3A_253] {strides = array<i32>} : memref<104x128xi32, #tpu.memory_space<vmem>>, vector<1x16xi32>,
      %swap3A_255 = vector.shape_cast %swap3A_254 : vector<1x16xi32> to vector<16xi32>
      %swap3A_256 = vector.shape_cast %get3A_249 : vector<16xi32> to vector<1x16xi32>
      tpu.vector_store %arg31[%swap3A_252, %swap3A_253], %swap3A_256 {strides = array<i32>} : memref<104x128xi32, #tpu.memory_space<vmem>>, vector<1x16xi32>,
      %scan3A_257 = arith.constant 0 : i32
      %scan3A_258 = arith.constant 3 : i32
      %mul3A_259 = arith.constant 128 : i32
      %mul3A_260 = arith.muli %scan3A_198, %mul3A_259 : i32
      %mul3A_261 = arith.constant 16 : i32
      %mul3A_262 = arith.muli %scan3A_258, %mul3A_261 : i32
      %add3A_263 = arith.addi %mul3A_260, %mul3A_262 : i32
      %get3A_264 = arith.constant 9 : i32
      %get3A_265 = arith.index_cast %get3A_264 : i32 to index
      %get3A_266 = arith.index_cast %add3A_263 : i32 to index
      %get3A_267 = tpu.vector_load %arg30[%get3A_265, %get3A_266] {strides = array<i32>} : memref<26x512xi32, #tpu.memory_space<vmem>>, vector<1x16xi32>,
      %get3A_268 = vector.shape_cast %get3A_267 : vector<1x16xi32> to vector<16xi32>
      %mul3A_269 = arith.constant 16 : i32
      %mul3A_270 = arith.muli %scan3A_258, %mul3A_269 : i32
      %swap3A_271 = arith.index_cast %add3A_201 : i32 to index
      %swap3A_272 = arith.index_cast %mul3A_270 : i32 to index
      %swap3A_273 = tpu.vector_load %arg31[%swap3A_271, %swap3A_272] {strides = array<i32>} : memref<104x128xi32, #tpu.memory_space<vmem>>, vector<1x16xi32>,
      %swap3A_274 = vector.shape_cast %swap3A_273 : vector<1x16xi32> to vector<16xi32>
      %swap3A_275 = vector.shape_cast %get3A_268 : vector<16xi32> to vector<1x16xi32>
      tpu.vector_store %arg31[%swap3A_271, %swap3A_272], %swap3A_275 {strides = array<i32>} : memref<104x128xi32, #tpu.memory_space<vmem>>, vector<1x16xi32>,
      %scan3A_276 = arith.constant 0 : i32
      %scan3A_277 = arith.constant 4 : i32
      %mul3A_278 = arith.constant 128 : i32
      %mul3A_279 = arith.muli %scan3A_198, %mul3A_278 : i32
      %mul3A_280 = arith.constant 16 : i32
      %mul3A_281 = arith.muli %scan3A_277, %mul3A_280 : i32
      %add3A_282 = arith.addi %mul3A_279, %mul3A_281 : i32
      %get3A_283 = arith.constant 9 : i32
      %get3A_284 = arith.index_cast %get3A_283 : i32 to index
      %get3A_285 = arith.index_cast %add3A_282 : i32 to index
      %get3A_286 = tpu.vector_load %arg30[%get3A_284, %get3A_285] {strides = array<i32>} : memref<26x512xi32, #tpu.memory_space<vmem>>, vector<1x16xi32>,
      %get3A_287 = vector.shape_cast %get3A_286 : vector<1x16xi32> to vector<16xi32>
      %mul3A_288 = arith.constant 16 : i32
      %mul3A_289 = arith.muli %scan3A_277, %mul3A_288 : i32
      %swap3A_290 = arith.index_cast %add3A_201 : i32 to index
      %swap3A_291 = arith.index_cast %mul3A_289 : i32 to index
      %swap3A_292 = tpu.vector_load %arg31[%swap3A_290, %swap3A_291] {strides = array<i32>} : memref<104x128xi32, #tpu.memory_space<vmem>>, vector<1x16xi32>,
      %swap3A_293 = vector.shape_cast %swap3A_292 : vector<1x16xi32> to vector<16xi32>
      %swap3A_294 = vector.shape_cast %get3A_287 : vector<16xi32> to vector<1x16xi32>
      tpu.vector_store %arg31[%swap3A_290, %swap3A_291], %swap3A_294 {strides = array<i32>} : memref<104x128xi32, #tpu.memory_space<vmem>>, vector<1x16xi32>,
      %scan3A_295 = arith.constant 0 : i32
      %scan3A_296 = arith.constant 5 : i32
      %mul3A_297 = arith.constant 128 : i32
      %mul3A_298 = arith.muli %scan3A_198, %mul3A_297 : i32
      %mul3A_299 = arith.constant 16 : i32
      %mul3A_300 = arith.muli %scan3A_296, %mul3A_299 : i32
      %add3A_301 = arith.addi %mul3A_298, %mul3A_300 : i32
      %get3A_302 = arith.constant 9 : i32
      %get3A_303 = arith.index_cast %get3A_302 : i32 to index
      %get3A_304 = arith.index_cast %add3A_301 : i32 to index
      %get3A_305 = tpu.vector_load %arg30[%get3A_303, %get3A_304] {strides = array<i32>} : memref<26x512xi32, #tpu.memory_space<vmem>>, vector<1x16xi32>,
      %get3A_306 = vector.shape_cast %get3A_305 : vector<1x16xi32> to vector<16xi32>
      %mul3A_307 = arith.constant 16 : i32
      %mul3A_308 = arith.muli %scan3A_296, %mul3A_307 : i32
      %swap3A_309 = arith.index_cast %add3A_201 : i32 to index
      %swap3A_310 = arith.index_cast %mul3A_308 : i32 to index
      %swap3A_311 = tpu.vector_load %arg31[%swap3A_309, %swap3A_310] {strides = array<i32>} : memref<104x128xi32, #tpu.memory_space<vmem>>, vector<1x16xi32>,
      %swap3A_312 = vector.shape_cast %swap3A_311 : vector<1x16xi32> to vector<16xi32>
      %swap3A_313 = vector.shape_cast %get3A_306 : vector<16xi32> to vector<1x16xi32>
      tpu.vector_store %arg31[%swap3A_309, %swap3A_310], %swap3A_313 {strides = array<i32>} : memref<104x128xi32, #tpu.memory_space<vmem>>, vector<1x16xi32>,
      %scan3A_314 = arith.constant 0 : i32
      %scan3A_315 = arith.constant 6 : i32
      %mul3A_316 = arith.constant 128 : i32
      %mul3A_317 = arith.muli %scan3A_198, %mul3A_316 : i32
      %mul3A_318 = arith.constant 16 : i32
      %mul3A_319 = arith.muli %scan3A_315, %mul3A_318 : i32
      %add3A_320 = arith.addi %mul3A_317, %mul3A_319 : i32
      %get3A_321 = arith.constant 9 : i32
      %get3A_322 = arith.index_cast %get3A_321 : i32 to index
      %get3A_323 = arith.index_cast %add3A_320 : i32 to index
      %get3A_324 = tpu.vector_load %arg30[%get3A_322, %get3A_323] {strides = array<i32>} : memref<26x512xi32, #tpu.memory_space<vmem>>, vector<1x16xi32>,
      %get3A_325 = vector.shape_cast %get3A_324 : vector<1x16xi32> to vector<16xi32>
      %mul3A_326 = arith.constant 16 : i32
      %mul3A_327 = arith.muli %scan3A_315, %mul3A_326 : i32
      %swap3A_328 = arith.index_cast %add3A_201 : i32 to index
      %swap3A_329 = arith.index_cast %mul3A_327 : i32 to index
      %swap3A_330 = tpu.vector_load %arg31[%swap3A_328, %swap3A_329] {strides = array<i32>} : memref<104x128xi32, #tpu.memory_space<vmem>>, vector<1x16xi32>,
      %swap3A_331 = vector.shape_cast %swap3A_330 : vector<1x16xi32> to vector<16xi32>
      %swap3A_332 = vector.shape_cast %get3A_325 : vector<16xi32> to vector<1x16xi32>
      tpu.vector_store %arg31[%swap3A_328, %swap3A_329], %swap3A_332 {strides = array<i32>} : memref<104x128xi32, #tpu.memory_space<vmem>>, vector<1x16xi32>,
      %scan3A_333 = arith.constant 0 : i32
      %scan3A_334 = arith.constant 7 : i32
      %mul3A_335 = arith.constant 128 : i32
      %mul3A_336 = arith.muli %scan3A_198, %mul3A_335 : i32
      %mul3A_337 = arith.constant 16 : i32
      %mul3A_338 = arith.muli %scan3A_334, %mul3A_337 : i32
      %add3A_339 = arith.addi %mul3A_336, %mul3A_338 : i32
      %get3A_340 = arith.constant 9 : i32
      %get3A_341 = arith.index_cast %get3A_340 : i32 to index
      %get3A_342 = arith.index_cast %add3A_339 : i32 to index
      %get3A_343 = tpu.vector_load %arg30[%get3A_341, %get3A_342] {strides = array<i32>} : memref<26x512xi32, #tpu.memory_space<vmem>>, vector<1x16xi32>,
      %get3A_344 = vector.shape_cast %get3A_343 : vector<1x16xi32> to vector<16xi32>
      %mul3A_345 = arith.constant 16 : i32
      %mul3A_346 = arith.muli %scan3A_334, %mul3A_345 : i32
      %swap3A_347 = arith.index_cast %add3A_201 : i32 to index
      %swap3A_348 = arith.index_cast %mul3A_346 : i32 to index
      %swap3A_349 = tpu.vector_load %arg31[%swap3A_347, %swap3A_348] {strides = array<i32>} : memref<104x128xi32, #tpu.memory_space<vmem>>, vector<1x16xi32>,
      %swap3A_350 = vector.shape_cast %swap3A_349 : vector<1x16xi32> to vector<16xi32>
      %swap3A_351 = vector.shape_cast %get3A_344 : vector<16xi32> to vector<1x16xi32>
      tpu.vector_store %arg31[%swap3A_347, %swap3A_348], %swap3A_351 {strides = array<i32>} : memref<104x128xi32, #tpu.memory_space<vmem>>, vector<1x16xi32>,
      %scan3A_352 = arith.constant 0 : i32
      %scan3A_353 = arith.constant 8 : i32
      %dma_start3A = arith.constant 0 : i32
      %dma_start3A_354 = tpu.memref_slice %arg32[%add3A_201, %dma_start3A] : memref<104x128xf32, #tpu.memory_space<vmem>> -> memref<1x128xf32, #tpu.memory_space<vmem>>
      %dma_start3A_355 = tpu.memref_squeeze %dma_start3A_354 : memref<1x128xf32, #tpu.memory_space<vmem>> -> memref<128xf32, #tpu.memory_space<vmem>>
      %dma_start3A_356 = arith.constant 0 : i32
      %dma_start3A_357 = tpu.memref_slice %arg31[%add3A_201, %dma_start3A_356] : memref<104x128xi32, #tpu.memory_space<vmem>> -> memref<1x128xi32, #tpu.memory_space<vmem>>
      %dma_start3A_358 = tpu.memref_squeeze %dma_start3A_357 : memref<1x128xi32, #tpu.memory_space<vmem>> -> memref<128xi32, #tpu.memory_space<vmem>>
      %dma_start3A_359 = arith.constant 0 : i32
      %dma_start3A_360 = tpu.memref_slice %arg12[%dma_start3A_359] : memref<1000000xf32, #tpu.memory_space<hbm>> -> memref<1000000xf32, #tpu.memory_space<hbm>>
      tpu.enqueue_indirect_dma source(%dma_start3A_360 : memref<1000000xf32, #tpu.memory_space<hbm>>) target(%dma_start3A_355 : memref<128xf32, #tpu.memory_space<vmem>>) offsets(%dma_start3A_358 : memref<128xi32, #tpu.memory_space<vmem>>) semaphore(%arg34 : memref<!tpu.dma_semaphore, #tpu.memory_space<semaphore_mem>>)
      %scan3A_361 = arith.constant 0 : i32
      scf.yield %scan3A_361 : i32
    }
    %scan3A_71 = arith.constant 4 : i32
    %scan3A_72 = arith.constant 0 : i32
    %scan3A_73 = arith.constant 0 : i32
    %scan3A_74 = arith.constant 4 : i32
    %scan3A_75 = arith.addi %scan3A_73, %scan3A_74 : i32
    %scan3A_76 = arith.constant 1 : i32
    %scan3A_77 = scf.for %scan3A_198 = %scan3A_73 to %scan3A_75 step %scan3A_76 iter_args(%scan3A_199 = %scan3A_72) -> (i32)  : i32 {
      %add3A_200 = arith.constant 40 : i32
      %add3A_201 = arith.addi %add3A_200, %scan3A_198 : i32
      %scan3A_202 = arith.constant 0 : i32
      %scan3A_203 = arith.constant 0 : i32
      %mul3A_204 = arith.constant 128 : i32
      %mul3A_205 = arith.muli %scan3A_198, %mul3A_204 : i32
      %mul3A_206 = arith.constant 16 : i32
      %mul3A_207 = arith.muli %scan3A_203, %mul3A_206 : i32
      %add3A_208 = arith.addi %mul3A_205, %mul3A_207 : i32
      %get3A = arith.constant 10 : i32
      %get3A_209 = arith.index_cast %get3A : i32 to index
      %get3A_210 = arith.index_cast %add3A_208 : i32 to index
      %get3A_211 = tpu.vector_load %arg30[%get3A_209, %get3A_210] {strides = array<i32>} : memref<26x512xi32, #tpu.memory_space<vmem>>, vector<1x16xi32>,
      %get3A_212 = vector.shape_cast %get3A_211 : vector<1x16xi32> to vector<16xi32>
      %mul3A_213 = arith.constant 16 : i32
      %mul3A_214 = arith.muli %scan3A_203, %mul3A_213 : i32
      %swap3A = arith.index_cast %add3A_201 : i32 to index
      %swap3A_215 = arith.index_cast %mul3A_214 : i32 to index
      %swap3A_216 = tpu.vector_load %arg31[%swap3A, %swap3A_215] {strides = array<i32>} : memref<104x128xi32, #tpu.memory_space<vmem>>, vector<1x16xi32>,
      %swap3A_217 = vector.shape_cast %swap3A_216 : vector<1x16xi32> to vector<16xi32>
      %swap3A_218 = vector.shape_cast %get3A_212 : vector<16xi32> to vector<1x16xi32>
      tpu.vector_store %arg31[%swap3A, %swap3A_215], %swap3A_218 {strides = array<i32>} : memref<104x128xi32, #tpu.memory_space<vmem>>, vector<1x16xi32>,
      %scan3A_219 = arith.constant 0 : i32
      %scan3A_220 = arith.constant 1 : i32
      %mul3A_221 = arith.constant 128 : i32
      %mul3A_222 = arith.muli %scan3A_198, %mul3A_221 : i32
      %mul3A_223 = arith.constant 16 : i32
      %mul3A_224 = arith.muli %scan3A_220, %mul3A_223 : i32
      %add3A_225 = arith.addi %mul3A_222, %mul3A_224 : i32
      %get3A_226 = arith.constant 10 : i32
      %get3A_227 = arith.index_cast %get3A_226 : i32 to index
      %get3A_228 = arith.index_cast %add3A_225 : i32 to index
      %get3A_229 = tpu.vector_load %arg30[%get3A_227, %get3A_228] {strides = array<i32>} : memref<26x512xi32, #tpu.memory_space<vmem>>, vector<1x16xi32>,
      %get3A_230 = vector.shape_cast %get3A_229 : vector<1x16xi32> to vector<16xi32>
      %mul3A_231 = arith.constant 16 : i32
      %mul3A_232 = arith.muli %scan3A_220, %mul3A_231 : i32
      %swap3A_233 = arith.index_cast %add3A_201 : i32 to index
      %swap3A_234 = arith.index_cast %mul3A_232 : i32 to index
      %swap3A_235 = tpu.vector_load %arg31[%swap3A_233, %swap3A_234] {strides = array<i32>} : memref<104x128xi32, #tpu.memory_space<vmem>>, vector<1x16xi32>,
      %swap3A_236 = vector.shape_cast %swap3A_235 : vector<1x16xi32> to vector<16xi32>
      %swap3A_237 = vector.shape_cast %get3A_230 : vector<16xi32> to vector<1x16xi32>
      tpu.vector_store %arg31[%swap3A_233, %swap3A_234], %swap3A_237 {strides = array<i32>} : memref<104x128xi32, #tpu.memory_space<vmem>>, vector<1x16xi32>,
      %scan3A_238 = arith.constant 0 : i32
      %scan3A_239 = arith.constant 2 : i32
      %mul3A_240 = arith.constant 128 : i32
      %mul3A_241 = arith.muli %scan3A_198, %mul3A_240 : i32
      %mul3A_242 = arith.constant 16 : i32
      %mul3A_243 = arith.muli %scan3A_239, %mul3A_242 : i32
      %add3A_244 = arith.addi %mul3A_241, %mul3A_243 : i32
      %get3A_245 = arith.constant 10 : i32
      %get3A_246 = arith.index_cast %get3A_245 : i32 to index
      %get3A_247 = arith.index_cast %add3A_244 : i32 to index
      %get3A_248 = tpu.vector_load %arg30[%get3A_246, %get3A_247] {strides = array<i32>} : memref<26x512xi32, #tpu.memory_space<vmem>>, vector<1x16xi32>,
      %get3A_249 = vector.shape_cast %get3A_248 : vector<1x16xi32> to vector<16xi32>
      %mul3A_250 = arith.constant 16 : i32
      %mul3A_251 = arith.muli %scan3A_239, %mul3A_250 : i32
      %swap3A_252 = arith.index_cast %add3A_201 : i32 to index
      %swap3A_253 = arith.index_cast %mul3A_251 : i32 to index
      %swap3A_254 = tpu.vector_load %arg31[%swap3A_252, %swap3A_253] {strides = array<i32>} : memref<104x128xi32, #tpu.memory_space<vmem>>, vector<1x16xi32>,
      %swap3A_255 = vector.shape_cast %swap3A_254 : vector<1x16xi32> to vector<16xi32>
      %swap3A_256 = vector.shape_cast %get3A_249 : vector<16xi32> to vector<1x16xi32>
      tpu.vector_store %arg31[%swap3A_252, %swap3A_253], %swap3A_256 {strides = array<i32>} : memref<104x128xi32, #tpu.memory_space<vmem>>, vector<1x16xi32>,
      %scan3A_257 = arith.constant 0 : i32
      %scan3A_258 = arith.constant 3 : i32
      %mul3A_259 = arith.constant 128 : i32
      %mul3A_260 = arith.muli %scan3A_198, %mul3A_259 : i32
      %mul3A_261 = arith.constant 16 : i32
      %mul3A_262 = arith.muli %scan3A_258, %mul3A_261 : i32
      %add3A_263 = arith.addi %mul3A_260, %mul3A_262 : i32
      %get3A_264 = arith.constant 10 : i32
      %get3A_265 = arith.index_cast %get3A_264 : i32 to index
      %get3A_266 = arith.index_cast %add3A_263 : i32 to index
      %get3A_267 = tpu.vector_load %arg30[%get3A_265, %get3A_266] {strides = array<i32>} : memref<26x512xi32, #tpu.memory_space<vmem>>, vector<1x16xi32>,
      %get3A_268 = vector.shape_cast %get3A_267 : vector<1x16xi32> to vector<16xi32>
      %mul3A_269 = arith.constant 16 : i32
      %mul3A_270 = arith.muli %scan3A_258, %mul3A_269 : i32
      %swap3A_271 = arith.index_cast %add3A_201 : i32 to index
      %swap3A_272 = arith.index_cast %mul3A_270 : i32 to index
      %swap3A_273 = tpu.vector_load %arg31[%swap3A_271, %swap3A_272] {strides = array<i32>} : memref<104x128xi32, #tpu.memory_space<vmem>>, vector<1x16xi32>,
      %swap3A_274 = vector.shape_cast %swap3A_273 : vector<1x16xi32> to vector<16xi32>
      %swap3A_275 = vector.shape_cast %get3A_268 : vector<16xi32> to vector<1x16xi32>
      tpu.vector_store %arg31[%swap3A_271, %swap3A_272], %swap3A_275 {strides = array<i32>} : memref<104x128xi32, #tpu.memory_space<vmem>>, vector<1x16xi32>,
      %scan3A_276 = arith.constant 0 : i32
      %scan3A_277 = arith.constant 4 : i32
      %mul3A_278 = arith.constant 128 : i32
      %mul3A_279 = arith.muli %scan3A_198, %mul3A_278 : i32
      %mul3A_280 = arith.constant 16 : i32
      %mul3A_281 = arith.muli %scan3A_277, %mul3A_280 : i32
      %add3A_282 = arith.addi %mul3A_279, %mul3A_281 : i32
      %get3A_283 = arith.constant 10 : i32
      %get3A_284 = arith.index_cast %get3A_283 : i32 to index
      %get3A_285 = arith.index_cast %add3A_282 : i32 to index
      %get3A_286 = tpu.vector_load %arg30[%get3A_284, %get3A_285] {strides = array<i32>} : memref<26x512xi32, #tpu.memory_space<vmem>>, vector<1x16xi32>,
      %get3A_287 = vector.shape_cast %get3A_286 : vector<1x16xi32> to vector<16xi32>
      %mul3A_288 = arith.constant 16 : i32
      %mul3A_289 = arith.muli %scan3A_277, %mul3A_288 : i32
      %swap3A_290 = arith.index_cast %add3A_201 : i32 to index
      %swap3A_291 = arith.index_cast %mul3A_289 : i32 to index
      %swap3A_292 = tpu.vector_load %arg31[%swap3A_290, %swap3A_291] {strides = array<i32>} : memref<104x128xi32, #tpu.memory_space<vmem>>, vector<1x16xi32>,
      %swap3A_293 = vector.shape_cast %swap3A_292 : vector<1x16xi32> to vector<16xi32>
      %swap3A_294 = vector.shape_cast %get3A_287 : vector<16xi32> to vector<1x16xi32>
      tpu.vector_store %arg31[%swap3A_290, %swap3A_291], %swap3A_294 {strides = array<i32>} : memref<104x128xi32, #tpu.memory_space<vmem>>, vector<1x16xi32>,
      %scan3A_295 = arith.constant 0 : i32
      %scan3A_296 = arith.constant 5 : i32
      %mul3A_297 = arith.constant 128 : i32
      %mul3A_298 = arith.muli %scan3A_198, %mul3A_297 : i32
      %mul3A_299 = arith.constant 16 : i32
      %mul3A_300 = arith.muli %scan3A_296, %mul3A_299 : i32
      %add3A_301 = arith.addi %mul3A_298, %mul3A_300 : i32
      %get3A_302 = arith.constant 10 : i32
      %get3A_303 = arith.index_cast %get3A_302 : i32 to index
      %get3A_304 = arith.index_cast %add3A_301 : i32 to index
      %get3A_305 = tpu.vector_load %arg30[%get3A_303, %get3A_304] {strides = array<i32>} : memref<26x512xi32, #tpu.memory_space<vmem>>, vector<1x16xi32>,
      %get3A_306 = vector.shape_cast %get3A_305 : vector<1x16xi32> to vector<16xi32>
      %mul3A_307 = arith.constant 16 : i32
      %mul3A_308 = arith.muli %scan3A_296, %mul3A_307 : i32
      %swap3A_309 = arith.index_cast %add3A_201 : i32 to index
      %swap3A_310 = arith.index_cast %mul3A_308 : i32 to index
      %swap3A_311 = tpu.vector_load %arg31[%swap3A_309, %swap3A_310] {strides = array<i32>} : memref<104x128xi32, #tpu.memory_space<vmem>>, vector<1x16xi32>,
      %swap3A_312 = vector.shape_cast %swap3A_311 : vector<1x16xi32> to vector<16xi32>
      %swap3A_313 = vector.shape_cast %get3A_306 : vector<16xi32> to vector<1x16xi32>
      tpu.vector_store %arg31[%swap3A_309, %swap3A_310], %swap3A_313 {strides = array<i32>} : memref<104x128xi32, #tpu.memory_space<vmem>>, vector<1x16xi32>,
      %scan3A_314 = arith.constant 0 : i32
      %scan3A_315 = arith.constant 6 : i32
      %mul3A_316 = arith.constant 128 : i32
      %mul3A_317 = arith.muli %scan3A_198, %mul3A_316 : i32
      %mul3A_318 = arith.constant 16 : i32
      %mul3A_319 = arith.muli %scan3A_315, %mul3A_318 : i32
      %add3A_320 = arith.addi %mul3A_317, %mul3A_319 : i32
      %get3A_321 = arith.constant 10 : i32
      %get3A_322 = arith.index_cast %get3A_321 : i32 to index
      %get3A_323 = arith.index_cast %add3A_320 : i32 to index
      %get3A_324 = tpu.vector_load %arg30[%get3A_322, %get3A_323] {strides = array<i32>} : memref<26x512xi32, #tpu.memory_space<vmem>>, vector<1x16xi32>,
      %get3A_325 = vector.shape_cast %get3A_324 : vector<1x16xi32> to vector<16xi32>
      %mul3A_326 = arith.constant 16 : i32
      %mul3A_327 = arith.muli %scan3A_315, %mul3A_326 : i32
      %swap3A_328 = arith.index_cast %add3A_201 : i32 to index
      %swap3A_329 = arith.index_cast %mul3A_327 : i32 to index
      %swap3A_330 = tpu.vector_load %arg31[%swap3A_328, %swap3A_329] {strides = array<i32>} : memref<104x128xi32, #tpu.memory_space<vmem>>, vector<1x16xi32>,
      %swap3A_331 = vector.shape_cast %swap3A_330 : vector<1x16xi32> to vector<16xi32>
      %swap3A_332 = vector.shape_cast %get3A_325 : vector<16xi32> to vector<1x16xi32>
      tpu.vector_store %arg31[%swap3A_328, %swap3A_329], %swap3A_332 {strides = array<i32>} : memref<104x128xi32, #tpu.memory_space<vmem>>, vector<1x16xi32>,
      %scan3A_333 = arith.constant 0 : i32
      %scan3A_334 = arith.constant 7 : i32
      %mul3A_335 = arith.constant 128 : i32
      %mul3A_336 = arith.muli %scan3A_198, %mul3A_335 : i32
      %mul3A_337 = arith.constant 16 : i32
      %mul3A_338 = arith.muli %scan3A_334, %mul3A_337 : i32
      %add3A_339 = arith.addi %mul3A_336, %mul3A_338 : i32
      %get3A_340 = arith.constant 10 : i32
      %get3A_341 = arith.index_cast %get3A_340 : i32 to index
      %get3A_342 = arith.index_cast %add3A_339 : i32 to index
      %get3A_343 = tpu.vector_load %arg30[%get3A_341, %get3A_342] {strides = array<i32>} : memref<26x512xi32, #tpu.memory_space<vmem>>, vector<1x16xi32>,
      %get3A_344 = vector.shape_cast %get3A_343 : vector<1x16xi32> to vector<16xi32>
      %mul3A_345 = arith.constant 16 : i32
      %mul3A_346 = arith.muli %scan3A_334, %mul3A_345 : i32
      %swap3A_347 = arith.index_cast %add3A_201 : i32 to index
      %swap3A_348 = arith.index_cast %mul3A_346 : i32 to index
      %swap3A_349 = tpu.vector_load %arg31[%swap3A_347, %swap3A_348] {strides = array<i32>} : memref<104x128xi32, #tpu.memory_space<vmem>>, vector<1x16xi32>,
      %swap3A_350 = vector.shape_cast %swap3A_349 : vector<1x16xi32> to vector<16xi32>
      %swap3A_351 = vector.shape_cast %get3A_344 : vector<16xi32> to vector<1x16xi32>
      tpu.vector_store %arg31[%swap3A_347, %swap3A_348], %swap3A_351 {strides = array<i32>} : memref<104x128xi32, #tpu.memory_space<vmem>>, vector<1x16xi32>,
      %scan3A_352 = arith.constant 0 : i32
      %scan3A_353 = arith.constant 8 : i32
      %dma_start3A = arith.constant 0 : i32
      %dma_start3A_354 = tpu.memref_slice %arg32[%add3A_201, %dma_start3A] : memref<104x128xf32, #tpu.memory_space<vmem>> -> memref<1x128xf32, #tpu.memory_space<vmem>>
      %dma_start3A_355 = tpu.memref_squeeze %dma_start3A_354 : memref<1x128xf32, #tpu.memory_space<vmem>> -> memref<128xf32, #tpu.memory_space<vmem>>
      %dma_start3A_356 = arith.constant 0 : i32
      %dma_start3A_357 = tpu.memref_slice %arg31[%add3A_201, %dma_start3A_356] : memref<104x128xi32, #tpu.memory_space<vmem>> -> memref<1x128xi32, #tpu.memory_space<vmem>>
      %dma_start3A_358 = tpu.memref_squeeze %dma_start3A_357 : memref<1x128xi32, #tpu.memory_space<vmem>> -> memref<128xi32, #tpu.memory_space<vmem>>
      %dma_start3A_359 = arith.constant 0 : i32
      %dma_start3A_360 = tpu.memref_slice %arg13[%dma_start3A_359] : memref<1000000xf32, #tpu.memory_space<hbm>> -> memref<1000000xf32, #tpu.memory_space<hbm>>
      tpu.enqueue_indirect_dma source(%dma_start3A_360 : memref<1000000xf32, #tpu.memory_space<hbm>>) target(%dma_start3A_355 : memref<128xf32, #tpu.memory_space<vmem>>) offsets(%dma_start3A_358 : memref<128xi32, #tpu.memory_space<vmem>>) semaphore(%arg34 : memref<!tpu.dma_semaphore, #tpu.memory_space<semaphore_mem>>)
      %scan3A_361 = arith.constant 0 : i32
      scf.yield %scan3A_361 : i32
    }
    %scan3A_78 = arith.constant 4 : i32
    %scan3A_79 = arith.constant 0 : i32
    %scan3A_80 = arith.constant 0 : i32
    %scan3A_81 = arith.constant 4 : i32
    %scan3A_82 = arith.addi %scan3A_80, %scan3A_81 : i32
    %scan3A_83 = arith.constant 1 : i32
    %scan3A_84 = scf.for %scan3A_198 = %scan3A_80 to %scan3A_82 step %scan3A_83 iter_args(%scan3A_199 = %scan3A_79) -> (i32)  : i32 {
      %add3A_200 = arith.constant 44 : i32
      %add3A_201 = arith.addi %add3A_200, %scan3A_198 : i32
      %scan3A_202 = arith.constant 0 : i32
      %scan3A_203 = arith.constant 0 : i32
      %mul3A_204 = arith.constant 128 : i32
      %mul3A_205 = arith.muli %scan3A_198, %mul3A_204 : i32
      %mul3A_206 = arith.constant 16 : i32
      %mul3A_207 = arith.muli %scan3A_203, %mul3A_206 : i32
      %add3A_208 = arith.addi %mul3A_205, %mul3A_207 : i32
      %get3A = arith.constant 11 : i32
      %get3A_209 = arith.index_cast %get3A : i32 to index
      %get3A_210 = arith.index_cast %add3A_208 : i32 to index
      %get3A_211 = tpu.vector_load %arg30[%get3A_209, %get3A_210] {strides = array<i32>} : memref<26x512xi32, #tpu.memory_space<vmem>>, vector<1x16xi32>,
      %get3A_212 = vector.shape_cast %get3A_211 : vector<1x16xi32> to vector<16xi32>
      %mul3A_213 = arith.constant 16 : i32
      %mul3A_214 = arith.muli %scan3A_203, %mul3A_213 : i32
      %swap3A = arith.index_cast %add3A_201 : i32 to index
      %swap3A_215 = arith.index_cast %mul3A_214 : i32 to index
      %swap3A_216 = tpu.vector_load %arg31[%swap3A, %swap3A_215] {strides = array<i32>} : memref<104x128xi32, #tpu.memory_space<vmem>>, vector<1x16xi32>,
      %swap3A_217 = vector.shape_cast %swap3A_216 : vector<1x16xi32> to vector<16xi32>
      %swap3A_218 = vector.shape_cast %get3A_212 : vector<16xi32> to vector<1x16xi32>
      tpu.vector_store %arg31[%swap3A, %swap3A_215], %swap3A_218 {strides = array<i32>} : memref<104x128xi32, #tpu.memory_space<vmem>>, vector<1x16xi32>,
      %scan3A_219 = arith.constant 0 : i32
      %scan3A_220 = arith.constant 1 : i32
      %mul3A_221 = arith.constant 128 : i32
      %mul3A_222 = arith.muli %scan3A_198, %mul3A_221 : i32
      %mul3A_223 = arith.constant 16 : i32
      %mul3A_224 = arith.muli %scan3A_220, %mul3A_223 : i32
      %add3A_225 = arith.addi %mul3A_222, %mul3A_224 : i32
      %get3A_226 = arith.constant 11 : i32
      %get3A_227 = arith.index_cast %get3A_226 : i32 to index
      %get3A_228 = arith.index_cast %add3A_225 : i32 to index
      %get3A_229 = tpu.vector_load %arg30[%get3A_227, %get3A_228] {strides = array<i32>} : memref<26x512xi32, #tpu.memory_space<vmem>>, vector<1x16xi32>,
      %get3A_230 = vector.shape_cast %get3A_229 : vector<1x16xi32> to vector<16xi32>
      %mul3A_231 = arith.constant 16 : i32
      %mul3A_232 = arith.muli %scan3A_220, %mul3A_231 : i32
      %swap3A_233 = arith.index_cast %add3A_201 : i32 to index
      %swap3A_234 = arith.index_cast %mul3A_232 : i32 to index
      %swap3A_235 = tpu.vector_load %arg31[%swap3A_233, %swap3A_234] {strides = array<i32>} : memref<104x128xi32, #tpu.memory_space<vmem>>, vector<1x16xi32>,
      %swap3A_236 = vector.shape_cast %swap3A_235 : vector<1x16xi32> to vector<16xi32>
      %swap3A_237 = vector.shape_cast %get3A_230 : vector<16xi32> to vector<1x16xi32>
      tpu.vector_store %arg31[%swap3A_233, %swap3A_234], %swap3A_237 {strides = array<i32>} : memref<104x128xi32, #tpu.memory_space<vmem>>, vector<1x16xi32>,
      %scan3A_238 = arith.constant 0 : i32
      %scan3A_239 = arith.constant 2 : i32
      %mul3A_240 = arith.constant 128 : i32
      %mul3A_241 = arith.muli %scan3A_198, %mul3A_240 : i32
      %mul3A_242 = arith.constant 16 : i32
      %mul3A_243 = arith.muli %scan3A_239, %mul3A_242 : i32
      %add3A_244 = arith.addi %mul3A_241, %mul3A_243 : i32
      %get3A_245 = arith.constant 11 : i32
      %get3A_246 = arith.index_cast %get3A_245 : i32 to index
      %get3A_247 = arith.index_cast %add3A_244 : i32 to index
      %get3A_248 = tpu.vector_load %arg30[%get3A_246, %get3A_247] {strides = array<i32>} : memref<26x512xi32, #tpu.memory_space<vmem>>, vector<1x16xi32>,
      %get3A_249 = vector.shape_cast %get3A_248 : vector<1x16xi32> to vector<16xi32>
      %mul3A_250 = arith.constant 16 : i32
      %mul3A_251 = arith.muli %scan3A_239, %mul3A_250 : i32
      %swap3A_252 = arith.index_cast %add3A_201 : i32 to index
      %swap3A_253 = arith.index_cast %mul3A_251 : i32 to index
      %swap3A_254 = tpu.vector_load %arg31[%swap3A_252, %swap3A_253] {strides = array<i32>} : memref<104x128xi32, #tpu.memory_space<vmem>>, vector<1x16xi32>,
      %swap3A_255 = vector.shape_cast %swap3A_254 : vector<1x16xi32> to vector<16xi32>
      %swap3A_256 = vector.shape_cast %get3A_249 : vector<16xi32> to vector<1x16xi32>
      tpu.vector_store %arg31[%swap3A_252, %swap3A_253], %swap3A_256 {strides = array<i32>} : memref<104x128xi32, #tpu.memory_space<vmem>>, vector<1x16xi32>,
      %scan3A_257 = arith.constant 0 : i32
      %scan3A_258 = arith.constant 3 : i32
      %mul3A_259 = arith.constant 128 : i32
      %mul3A_260 = arith.muli %scan3A_198, %mul3A_259 : i32
      %mul3A_261 = arith.constant 16 : i32
      %mul3A_262 = arith.muli %scan3A_258, %mul3A_261 : i32
      %add3A_263 = arith.addi %mul3A_260, %mul3A_262 : i32
      %get3A_264 = arith.constant 11 : i32
      %get3A_265 = arith.index_cast %get3A_264 : i32 to index
      %get3A_266 = arith.index_cast %add3A_263 : i32 to index
      %get3A_267 = tpu.vector_load %arg30[%get3A_265, %get3A_266] {strides = array<i32>} : memref<26x512xi32, #tpu.memory_space<vmem>>, vector<1x16xi32>,
      %get3A_268 = vector.shape_cast %get3A_267 : vector<1x16xi32> to vector<16xi32>
      %mul3A_269 = arith.constant 16 : i32
      %mul3A_270 = arith.muli %scan3A_258, %mul3A_269 : i32
      %swap3A_271 = arith.index_cast %add3A_201 : i32 to index
      %swap3A_272 = arith.index_cast %mul3A_270 : i32 to index
      %swap3A_273 = tpu.vector_load %arg31[%swap3A_271, %swap3A_272] {strides = array<i32>} : memref<104x128xi32, #tpu.memory_space<vmem>>, vector<1x16xi32>,
      %swap3A_274 = vector.shape_cast %swap3A_273 : vector<1x16xi32> to vector<16xi32>
      %swap3A_275 = vector.shape_cast %get3A_268 : vector<16xi32> to vector<1x16xi32>
      tpu.vector_store %arg31[%swap3A_271, %swap3A_272], %swap3A_275 {strides = array<i32>} : memref<104x128xi32, #tpu.memory_space<vmem>>, vector<1x16xi32>,
      %scan3A_276 = arith.constant 0 : i32
      %scan3A_277 = arith.constant 4 : i32
      %mul3A_278 = arith.constant 128 : i32
      %mul3A_279 = arith.muli %scan3A_198, %mul3A_278 : i32
      %mul3A_280 = arith.constant 16 : i32
      %mul3A_281 = arith.muli %scan3A_277, %mul3A_280 : i32
      %add3A_282 = arith.addi %mul3A_279, %mul3A_281 : i32
      %get3A_283 = arith.constant 11 : i32
      %get3A_284 = arith.index_cast %get3A_283 : i32 to index
      %get3A_285 = arith.index_cast %add3A_282 : i32 to index
      %get3A_286 = tpu.vector_load %arg30[%get3A_284, %get3A_285] {strides = array<i32>} : memref<26x512xi32, #tpu.memory_space<vmem>>, vector<1x16xi32>,
      %get3A_287 = vector.shape_cast %get3A_286 : vector<1x16xi32> to vector<16xi32>
      %mul3A_288 = arith.constant 16 : i32
      %mul3A_289 = arith.muli %scan3A_277, %mul3A_288 : i32
      %swap3A_290 = arith.index_cast %add3A_201 : i32 to index
      %swap3A_291 = arith.index_cast %mul3A_289 : i32 to index
      %swap3A_292 = tpu.vector_load %arg31[%swap3A_290, %swap3A_291] {strides = array<i32>} : memref<104x128xi32, #tpu.memory_space<vmem>>, vector<1x16xi32>,
      %swap3A_293 = vector.shape_cast %swap3A_292 : vector<1x16xi32> to vector<16xi32>
      %swap3A_294 = vector.shape_cast %get3A_287 : vector<16xi32> to vector<1x16xi32>
      tpu.vector_store %arg31[%swap3A_290, %swap3A_291], %swap3A_294 {strides = array<i32>} : memref<104x128xi32, #tpu.memory_space<vmem>>, vector<1x16xi32>,
      %scan3A_295 = arith.constant 0 : i32
      %scan3A_296 = arith.constant 5 : i32
      %mul3A_297 = arith.constant 128 : i32
      %mul3A_298 = arith.muli %scan3A_198, %mul3A_297 : i32
      %mul3A_299 = arith.constant 16 : i32
      %mul3A_300 = arith.muli %scan3A_296, %mul3A_299 : i32
      %add3A_301 = arith.addi %mul3A_298, %mul3A_300 : i32
      %get3A_302 = arith.constant 11 : i32
      %get3A_303 = arith.index_cast %get3A_302 : i32 to index
      %get3A_304 = arith.index_cast %add3A_301 : i32 to index
      %get3A_305 = tpu.vector_load %arg30[%get3A_303, %get3A_304] {strides = array<i32>} : memref<26x512xi32, #tpu.memory_space<vmem>>, vector<1x16xi32>,
      %get3A_306 = vector.shape_cast %get3A_305 : vector<1x16xi32> to vector<16xi32>
      %mul3A_307 = arith.constant 16 : i32
      %mul3A_308 = arith.muli %scan3A_296, %mul3A_307 : i32
      %swap3A_309 = arith.index_cast %add3A_201 : i32 to index
      %swap3A_310 = arith.index_cast %mul3A_308 : i32 to index
      %swap3A_311 = tpu.vector_load %arg31[%swap3A_309, %swap3A_310] {strides = array<i32>} : memref<104x128xi32, #tpu.memory_space<vmem>>, vector<1x16xi32>,
      %swap3A_312 = vector.shape_cast %swap3A_311 : vector<1x16xi32> to vector<16xi32>
      %swap3A_313 = vector.shape_cast %get3A_306 : vector<16xi32> to vector<1x16xi32>
      tpu.vector_store %arg31[%swap3A_309, %swap3A_310], %swap3A_313 {strides = array<i32>} : memref<104x128xi32, #tpu.memory_space<vmem>>, vector<1x16xi32>,
      %scan3A_314 = arith.constant 0 : i32
      %scan3A_315 = arith.constant 6 : i32
      %mul3A_316 = arith.constant 128 : i32
      %mul3A_317 = arith.muli %scan3A_198, %mul3A_316 : i32
      %mul3A_318 = arith.constant 16 : i32
      %mul3A_319 = arith.muli %scan3A_315, %mul3A_318 : i32
      %add3A_320 = arith.addi %mul3A_317, %mul3A_319 : i32
      %get3A_321 = arith.constant 11 : i32
      %get3A_322 = arith.index_cast %get3A_321 : i32 to index
      %get3A_323 = arith.index_cast %add3A_320 : i32 to index
      %get3A_324 = tpu.vector_load %arg30[%get3A_322, %get3A_323] {strides = array<i32>} : memref<26x512xi32, #tpu.memory_space<vmem>>, vector<1x16xi32>,
      %get3A_325 = vector.shape_cast %get3A_324 : vector<1x16xi32> to vector<16xi32>
      %mul3A_326 = arith.constant 16 : i32
      %mul3A_327 = arith.muli %scan3A_315, %mul3A_326 : i32
      %swap3A_328 = arith.index_cast %add3A_201 : i32 to index
      %swap3A_329 = arith.index_cast %mul3A_327 : i32 to index
      %swap3A_330 = tpu.vector_load %arg31[%swap3A_328, %swap3A_329] {strides = array<i32>} : memref<104x128xi32, #tpu.memory_space<vmem>>, vector<1x16xi32>,
      %swap3A_331 = vector.shape_cast %swap3A_330 : vector<1x16xi32> to vector<16xi32>
      %swap3A_332 = vector.shape_cast %get3A_325 : vector<16xi32> to vector<1x16xi32>
      tpu.vector_store %arg31[%swap3A_328, %swap3A_329], %swap3A_332 {strides = array<i32>} : memref<104x128xi32, #tpu.memory_space<vmem>>, vector<1x16xi32>,
      %scan3A_333 = arith.constant 0 : i32
      %scan3A_334 = arith.constant 7 : i32
      %mul3A_335 = arith.constant 128 : i32
      %mul3A_336 = arith.muli %scan3A_198, %mul3A_335 : i32
      %mul3A_337 = arith.constant 16 : i32
      %mul3A_338 = arith.muli %scan3A_334, %mul3A_337 : i32
      %add3A_339 = arith.addi %mul3A_336, %mul3A_338 : i32
      %get3A_340 = arith.constant 11 : i32
      %get3A_341 = arith.index_cast %get3A_340 : i32 to index
      %get3A_342 = arith.index_cast %add3A_339 : i32 to index
      %get3A_343 = tpu.vector_load %arg30[%get3A_341, %get3A_342] {strides = array<i32>} : memref<26x512xi32, #tpu.memory_space<vmem>>, vector<1x16xi32>,
      %get3A_344 = vector.shape_cast %get3A_343 : vector<1x16xi32> to vector<16xi32>
      %mul3A_345 = arith.constant 16 : i32
      %mul3A_346 = arith.muli %scan3A_334, %mul3A_345 : i32
      %swap3A_347 = arith.index_cast %add3A_201 : i32 to index
      %swap3A_348 = arith.index_cast %mul3A_346 : i32 to index
      %swap3A_349 = tpu.vector_load %arg31[%swap3A_347, %swap3A_348] {strides = array<i32>} : memref<104x128xi32, #tpu.memory_space<vmem>>, vector<1x16xi32>,
      %swap3A_350 = vector.shape_cast %swap3A_349 : vector<1x16xi32> to vector<16xi32>
      %swap3A_351 = vector.shape_cast %get3A_344 : vector<16xi32> to vector<1x16xi32>
      tpu.vector_store %arg31[%swap3A_347, %swap3A_348], %swap3A_351 {strides = array<i32>} : memref<104x128xi32, #tpu.memory_space<vmem>>, vector<1x16xi32>,
      %scan3A_352 = arith.constant 0 : i32
      %scan3A_353 = arith.constant 8 : i32
      %dma_start3A = arith.constant 0 : i32
      %dma_start3A_354 = tpu.memref_slice %arg32[%add3A_201, %dma_start3A] : memref<104x128xf32, #tpu.memory_space<vmem>> -> memref<1x128xf32, #tpu.memory_space<vmem>>
      %dma_start3A_355 = tpu.memref_squeeze %dma_start3A_354 : memref<1x128xf32, #tpu.memory_space<vmem>> -> memref<128xf32, #tpu.memory_space<vmem>>
      %dma_start3A_356 = arith.constant 0 : i32
      %dma_start3A_357 = tpu.memref_slice %arg31[%add3A_201, %dma_start3A_356] : memref<104x128xi32, #tpu.memory_space<vmem>> -> memref<1x128xi32, #tpu.memory_space<vmem>>
      %dma_start3A_358 = tpu.memref_squeeze %dma_start3A_357 : memref<1x128xi32, #tpu.memory_space<vmem>> -> memref<128xi32, #tpu.memory_space<vmem>>
      %dma_start3A_359 = arith.constant 0 : i32
      %dma_start3A_360 = tpu.memref_slice %arg14[%dma_start3A_359] : memref<1000000xf32, #tpu.memory_space<hbm>> -> memref<1000000xf32, #tpu.memory_space<hbm>>
      tpu.enqueue_indirect_dma source(%dma_start3A_360 : memref<1000000xf32, #tpu.memory_space<hbm>>) target(%dma_start3A_355 : memref<128xf32, #tpu.memory_space<vmem>>) offsets(%dma_start3A_358 : memref<128xi32, #tpu.memory_space<vmem>>) semaphore(%arg34 : memref<!tpu.dma_semaphore, #tpu.memory_space<semaphore_mem>>)
      %scan3A_361 = arith.constant 0 : i32
      scf.yield %scan3A_361 : i32
    }
    %scan3A_85 = arith.constant 4 : i32
    %scan3A_86 = arith.constant 0 : i32
    %scan3A_87 = arith.constant 0 : i32
    %scan3A_88 = arith.constant 4 : i32
    %scan3A_89 = arith.addi %scan3A_87, %scan3A_88 : i32
    %scan3A_90 = arith.constant 1 : i32
    %scan3A_91 = scf.for %scan3A_198 = %scan3A_87 to %scan3A_89 step %scan3A_90 iter_args(%scan3A_199 = %scan3A_86) -> (i32)  : i32 {
      %add3A_200 = arith.constant 48 : i32
      %add3A_201 = arith.addi %add3A_200, %scan3A_198 : i32
      %scan3A_202 = arith.constant 0 : i32
      %scan3A_203 = arith.constant 0 : i32
      %mul3A_204 = arith.constant 128 : i32
      %mul3A_205 = arith.muli %scan3A_198, %mul3A_204 : i32
      %mul3A_206 = arith.constant 16 : i32
      %mul3A_207 = arith.muli %scan3A_203, %mul3A_206 : i32
      %add3A_208 = arith.addi %mul3A_205, %mul3A_207 : i32
      %get3A = arith.constant 12 : i32
      %get3A_209 = arith.index_cast %get3A : i32 to index
      %get3A_210 = arith.index_cast %add3A_208 : i32 to index
      %get3A_211 = tpu.vector_load %arg30[%get3A_209, %get3A_210] {strides = array<i32>} : memref<26x512xi32, #tpu.memory_space<vmem>>, vector<1x16xi32>,
      %get3A_212 = vector.shape_cast %get3A_211 : vector<1x16xi32> to vector<16xi32>
      %mul3A_213 = arith.constant 16 : i32
      %mul3A_214 = arith.muli %scan3A_203, %mul3A_213 : i32
      %swap3A = arith.index_cast %add3A_201 : i32 to index
      %swap3A_215 = arith.index_cast %mul3A_214 : i32 to index
      %swap3A_216 = tpu.vector_load %arg31[%swap3A, %swap3A_215] {strides = array<i32>} : memref<104x128xi32, #tpu.memory_space<vmem>>, vector<1x16xi32>,
      %swap3A_217 = vector.shape_cast %swap3A_216 : vector<1x16xi32> to vector<16xi32>
      %swap3A_218 = vector.shape_cast %get3A_212 : vector<16xi32> to vector<1x16xi32>
      tpu.vector_store %arg31[%swap3A, %swap3A_215], %swap3A_218 {strides = array<i32>} : memref<104x128xi32, #tpu.memory_space<vmem>>, vector<1x16xi32>,
      %scan3A_219 = arith.constant 0 : i32
      %scan3A_220 = arith.constant 1 : i32
      %mul3A_221 = arith.constant 128 : i32
      %mul3A_222 = arith.muli %scan3A_198, %mul3A_221 : i32
      %mul3A_223 = arith.constant 16 : i32
      %mul3A_224 = arith.muli %scan3A_220, %mul3A_223 : i32
      %add3A_225 = arith.addi %mul3A_222, %mul3A_224 : i32
      %get3A_226 = arith.constant 12 : i32
      %get3A_227 = arith.index_cast %get3A_226 : i32 to index
      %get3A_228 = arith.index_cast %add3A_225 : i32 to index
      %get3A_229 = tpu.vector_load %arg30[%get3A_227, %get3A_228] {strides = array<i32>} : memref<26x512xi32, #tpu.memory_space<vmem>>, vector<1x16xi32>,
      %get3A_230 = vector.shape_cast %get3A_229 : vector<1x16xi32> to vector<16xi32>
      %mul3A_231 = arith.constant 16 : i32
      %mul3A_232 = arith.muli %scan3A_220, %mul3A_231 : i32
      %swap3A_233 = arith.index_cast %add3A_201 : i32 to index
      %swap3A_234 = arith.index_cast %mul3A_232 : i32 to index
      %swap3A_235 = tpu.vector_load %arg31[%swap3A_233, %swap3A_234] {strides = array<i32>} : memref<104x128xi32, #tpu.memory_space<vmem>>, vector<1x16xi32>,
      %swap3A_236 = vector.shape_cast %swap3A_235 : vector<1x16xi32> to vector<16xi32>
      %swap3A_237 = vector.shape_cast %get3A_230 : vector<16xi32> to vector<1x16xi32>
      tpu.vector_store %arg31[%swap3A_233, %swap3A_234], %swap3A_237 {strides = array<i32>} : memref<104x128xi32, #tpu.memory_space<vmem>>, vector<1x16xi32>,
      %scan3A_238 = arith.constant 0 : i32
      %scan3A_239 = arith.constant 2 : i32
      %mul3A_240 = arith.constant 128 : i32
      %mul3A_241 = arith.muli %scan3A_198, %mul3A_240 : i32
      %mul3A_242 = arith.constant 16 : i32
      %mul3A_243 = arith.muli %scan3A_239, %mul3A_242 : i32
      %add3A_244 = arith.addi %mul3A_241, %mul3A_243 : i32
      %get3A_245 = arith.constant 12 : i32
      %get3A_246 = arith.index_cast %get3A_245 : i32 to index
      %get3A_247 = arith.index_cast %add3A_244 : i32 to index
      %get3A_248 = tpu.vector_load %arg30[%get3A_246, %get3A_247] {strides = array<i32>} : memref<26x512xi32, #tpu.memory_space<vmem>>, vector<1x16xi32>,
      %get3A_249 = vector.shape_cast %get3A_248 : vector<1x16xi32> to vector<16xi32>
      %mul3A_250 = arith.constant 16 : i32
      %mul3A_251 = arith.muli %scan3A_239, %mul3A_250 : i32
      %swap3A_252 = arith.index_cast %add3A_201 : i32 to index
      %swap3A_253 = arith.index_cast %mul3A_251 : i32 to index
      %swap3A_254 = tpu.vector_load %arg31[%swap3A_252, %swap3A_253] {strides = array<i32>} : memref<104x128xi32, #tpu.memory_space<vmem>>, vector<1x16xi32>,
      %swap3A_255 = vector.shape_cast %swap3A_254 : vector<1x16xi32> to vector<16xi32>
      %swap3A_256 = vector.shape_cast %get3A_249 : vector<16xi32> to vector<1x16xi32>
      tpu.vector_store %arg31[%swap3A_252, %swap3A_253], %swap3A_256 {strides = array<i32>} : memref<104x128xi32, #tpu.memory_space<vmem>>, vector<1x16xi32>,
      %scan3A_257 = arith.constant 0 : i32
      %scan3A_258 = arith.constant 3 : i32
      %mul3A_259 = arith.constant 128 : i32
      %mul3A_260 = arith.muli %scan3A_198, %mul3A_259 : i32
      %mul3A_261 = arith.constant 16 : i32
      %mul3A_262 = arith.muli %scan3A_258, %mul3A_261 : i32
      %add3A_263 = arith.addi %mul3A_260, %mul3A_262 : i32
      %get3A_264 = arith.constant 12 : i32
      %get3A_265 = arith.index_cast %get3A_264 : i32 to index
      %get3A_266 = arith.index_cast %add3A_263 : i32 to index
      %get3A_267 = tpu.vector_load %arg30[%get3A_265, %get3A_266] {strides = array<i32>} : memref<26x512xi32, #tpu.memory_space<vmem>>, vector<1x16xi32>,
      %get3A_268 = vector.shape_cast %get3A_267 : vector<1x16xi32> to vector<16xi32>
      %mul3A_269 = arith.constant 16 : i32
      %mul3A_270 = arith.muli %scan3A_258, %mul3A_269 : i32
      %swap3A_271 = arith.index_cast %add3A_201 : i32 to index
      %swap3A_272 = arith.index_cast %mul3A_270 : i32 to index
      %swap3A_273 = tpu.vector_load %arg31[%swap3A_271, %swap3A_272] {strides = array<i32>} : memref<104x128xi32, #tpu.memory_space<vmem>>, vector<1x16xi32>,
      %swap3A_274 = vector.shape_cast %swap3A_273 : vector<1x16xi32> to vector<16xi32>
      %swap3A_275 = vector.shape_cast %get3A_268 : vector<16xi32> to vector<1x16xi32>
      tpu.vector_store %arg31[%swap3A_271, %swap3A_272], %swap3A_275 {strides = array<i32>} : memref<104x128xi32, #tpu.memory_space<vmem>>, vector<1x16xi32>,
      %scan3A_276 = arith.constant 0 : i32
      %scan3A_277 = arith.constant 4 : i32
      %mul3A_278 = arith.constant 128 : i32
      %mul3A_279 = arith.muli %scan3A_198, %mul3A_278 : i32
      %mul3A_280 = arith.constant 16 : i32
      %mul3A_281 = arith.muli %scan3A_277, %mul3A_280 : i32
      %add3A_282 = arith.addi %mul3A_279, %mul3A_281 : i32
      %get3A_283 = arith.constant 12 : i32
      %get3A_284 = arith.index_cast %get3A_283 : i32 to index
      %get3A_285 = arith.index_cast %add3A_282 : i32 to index
      %get3A_286 = tpu.vector_load %arg30[%get3A_284, %get3A_285] {strides = array<i32>} : memref<26x512xi32, #tpu.memory_space<vmem>>, vector<1x16xi32>,
      %get3A_287 = vector.shape_cast %get3A_286 : vector<1x16xi32> to vector<16xi32>
      %mul3A_288 = arith.constant 16 : i32
      %mul3A_289 = arith.muli %scan3A_277, %mul3A_288 : i32
      %swap3A_290 = arith.index_cast %add3A_201 : i32 to index
      %swap3A_291 = arith.index_cast %mul3A_289 : i32 to index
      %swap3A_292 = tpu.vector_load %arg31[%swap3A_290, %swap3A_291] {strides = array<i32>} : memref<104x128xi32, #tpu.memory_space<vmem>>, vector<1x16xi32>,
      %swap3A_293 = vector.shape_cast %swap3A_292 : vector<1x16xi32> to vector<16xi32>
      %swap3A_294 = vector.shape_cast %get3A_287 : vector<16xi32> to vector<1x16xi32>
      tpu.vector_store %arg31[%swap3A_290, %swap3A_291], %swap3A_294 {strides = array<i32>} : memref<104x128xi32, #tpu.memory_space<vmem>>, vector<1x16xi32>,
      %scan3A_295 = arith.constant 0 : i32
      %scan3A_296 = arith.constant 5 : i32
      %mul3A_297 = arith.constant 128 : i32
      %mul3A_298 = arith.muli %scan3A_198, %mul3A_297 : i32
      %mul3A_299 = arith.constant 16 : i32
      %mul3A_300 = arith.muli %scan3A_296, %mul3A_299 : i32
      %add3A_301 = arith.addi %mul3A_298, %mul3A_300 : i32
      %get3A_302 = arith.constant 12 : i32
      %get3A_303 = arith.index_cast %get3A_302 : i32 to index
      %get3A_304 = arith.index_cast %add3A_301 : i32 to index
      %get3A_305 = tpu.vector_load %arg30[%get3A_303, %get3A_304] {strides = array<i32>} : memref<26x512xi32, #tpu.memory_space<vmem>>, vector<1x16xi32>,
      %get3A_306 = vector.shape_cast %get3A_305 : vector<1x16xi32> to vector<16xi32>
      %mul3A_307 = arith.constant 16 : i32
      %mul3A_308 = arith.muli %scan3A_296, %mul3A_307 : i32
      %swap3A_309 = arith.index_cast %add3A_201 : i32 to index
      %swap3A_310 = arith.index_cast %mul3A_308 : i32 to index
      %swap3A_311 = tpu.vector_load %arg31[%swap3A_309, %swap3A_310] {strides = array<i32>} : memref<104x128xi32, #tpu.memory_space<vmem>>, vector<1x16xi32>,
      %swap3A_312 = vector.shape_cast %swap3A_311 : vector<1x16xi32> to vector<16xi32>
      %swap3A_313 = vector.shape_cast %get3A_306 : vector<16xi32> to vector<1x16xi32>
      tpu.vector_store %arg31[%swap3A_309, %swap3A_310], %swap3A_313 {strides = array<i32>} : memref<104x128xi32, #tpu.memory_space<vmem>>, vector<1x16xi32>,
      %scan3A_314 = arith.constant 0 : i32
      %scan3A_315 = arith.constant 6 : i32
      %mul3A_316 = arith.constant 128 : i32
      %mul3A_317 = arith.muli %scan3A_198, %mul3A_316 : i32
      %mul3A_318 = arith.constant 16 : i32
      %mul3A_319 = arith.muli %scan3A_315, %mul3A_318 : i32
      %add3A_320 = arith.addi %mul3A_317, %mul3A_319 : i32
      %get3A_321 = arith.constant 12 : i32
      %get3A_322 = arith.index_cast %get3A_321 : i32 to index
      %get3A_323 = arith.index_cast %add3A_320 : i32 to index
      %get3A_324 = tpu.vector_load %arg30[%get3A_322, %get3A_323] {strides = array<i32>} : memref<26x512xi32, #tpu.memory_space<vmem>>, vector<1x16xi32>,
      %get3A_325 = vector.shape_cast %get3A_324 : vector<1x16xi32> to vector<16xi32>
      %mul3A_326 = arith.constant 16 : i32
      %mul3A_327 = arith.muli %scan3A_315, %mul3A_326 : i32
      %swap3A_328 = arith.index_cast %add3A_201 : i32 to index
      %swap3A_329 = arith.index_cast %mul3A_327 : i32 to index
      %swap3A_330 = tpu.vector_load %arg31[%swap3A_328, %swap3A_329] {strides = array<i32>} : memref<104x128xi32, #tpu.memory_space<vmem>>, vector<1x16xi32>,
      %swap3A_331 = vector.shape_cast %swap3A_330 : vector<1x16xi32> to vector<16xi32>
      %swap3A_332 = vector.shape_cast %get3A_325 : vector<16xi32> to vector<1x16xi32>
      tpu.vector_store %arg31[%swap3A_328, %swap3A_329], %swap3A_332 {strides = array<i32>} : memref<104x128xi32, #tpu.memory_space<vmem>>, vector<1x16xi32>,
      %scan3A_333 = arith.constant 0 : i32
      %scan3A_334 = arith.constant 7 : i32
      %mul3A_335 = arith.constant 128 : i32
      %mul3A_336 = arith.muli %scan3A_198, %mul3A_335 : i32
      %mul3A_337 = arith.constant 16 : i32
      %mul3A_338 = arith.muli %scan3A_334, %mul3A_337 : i32
      %add3A_339 = arith.addi %mul3A_336, %mul3A_338 : i32
      %get3A_340 = arith.constant 12 : i32
      %get3A_341 = arith.index_cast %get3A_340 : i32 to index
      %get3A_342 = arith.index_cast %add3A_339 : i32 to index
      %get3A_343 = tpu.vector_load %arg30[%get3A_341, %get3A_342] {strides = array<i32>} : memref<26x512xi32, #tpu.memory_space<vmem>>, vector<1x16xi32>,
      %get3A_344 = vector.shape_cast %get3A_343 : vector<1x16xi32> to vector<16xi32>
      %mul3A_345 = arith.constant 16 : i32
      %mul3A_346 = arith.muli %scan3A_334, %mul3A_345 : i32
      %swap3A_347 = arith.index_cast %add3A_201 : i32 to index
      %swap3A_348 = arith.index_cast %mul3A_346 : i32 to index
      %swap3A_349 = tpu.vector_load %arg31[%swap3A_347, %swap3A_348] {strides = array<i32>} : memref<104x128xi32, #tpu.memory_space<vmem>>, vector<1x16xi32>,
      %swap3A_350 = vector.shape_cast %swap3A_349 : vector<1x16xi32> to vector<16xi32>
      %swap3A_351 = vector.shape_cast %get3A_344 : vector<16xi32> to vector<1x16xi32>
      tpu.vector_store %arg31[%swap3A_347, %swap3A_348], %swap3A_351 {strides = array<i32>} : memref<104x128xi32, #tpu.memory_space<vmem>>, vector<1x16xi32>,
      %scan3A_352 = arith.constant 0 : i32
      %scan3A_353 = arith.constant 8 : i32
      %dma_start3A = arith.constant 0 : i32
      %dma_start3A_354 = tpu.memref_slice %arg32[%add3A_201, %dma_start3A] : memref<104x128xf32, #tpu.memory_space<vmem>> -> memref<1x128xf32, #tpu.memory_space<vmem>>
      %dma_start3A_355 = tpu.memref_squeeze %dma_start3A_354 : memref<1x128xf32, #tpu.memory_space<vmem>> -> memref<128xf32, #tpu.memory_space<vmem>>
      %dma_start3A_356 = arith.constant 0 : i32
      %dma_start3A_357 = tpu.memref_slice %arg31[%add3A_201, %dma_start3A_356] : memref<104x128xi32, #tpu.memory_space<vmem>> -> memref<1x128xi32, #tpu.memory_space<vmem>>
      %dma_start3A_358 = tpu.memref_squeeze %dma_start3A_357 : memref<1x128xi32, #tpu.memory_space<vmem>> -> memref<128xi32, #tpu.memory_space<vmem>>
      %dma_start3A_359 = arith.constant 0 : i32
      %dma_start3A_360 = tpu.memref_slice %arg15[%dma_start3A_359] : memref<1000000xf32, #tpu.memory_space<hbm>> -> memref<1000000xf32, #tpu.memory_space<hbm>>
      tpu.enqueue_indirect_dma source(%dma_start3A_360 : memref<1000000xf32, #tpu.memory_space<hbm>>) target(%dma_start3A_355 : memref<128xf32, #tpu.memory_space<vmem>>) offsets(%dma_start3A_358 : memref<128xi32, #tpu.memory_space<vmem>>) semaphore(%arg34 : memref<!tpu.dma_semaphore, #tpu.memory_space<semaphore_mem>>)
      %scan3A_361 = arith.constant 0 : i32
      scf.yield %scan3A_361 : i32
    }
    %scan3A_92 = arith.constant 4 : i32
    %scan3A_93 = arith.constant 0 : i32
    %scan3A_94 = arith.constant 0 : i32
    %scan3A_95 = arith.constant 4 : i32
    %scan3A_96 = arith.addi %scan3A_94, %scan3A_95 : i32
    %scan3A_97 = arith.constant 1 : i32
    %scan3A_98 = scf.for %scan3A_198 = %scan3A_94 to %scan3A_96 step %scan3A_97 iter_args(%scan3A_199 = %scan3A_93) -> (i32)  : i32 {
      %add3A_200 = arith.constant 52 : i32
      %add3A_201 = arith.addi %add3A_200, %scan3A_198 : i32
      %scan3A_202 = arith.constant 0 : i32
      %scan3A_203 = arith.constant 0 : i32
      %mul3A_204 = arith.constant 128 : i32
      %mul3A_205 = arith.muli %scan3A_198, %mul3A_204 : i32
      %mul3A_206 = arith.constant 16 : i32
      %mul3A_207 = arith.muli %scan3A_203, %mul3A_206 : i32
      %add3A_208 = arith.addi %mul3A_205, %mul3A_207 : i32
      %get3A = arith.constant 13 : i32
      %get3A_209 = arith.index_cast %get3A : i32 to index
      %get3A_210 = arith.index_cast %add3A_208 : i32 to index
      %get3A_211 = tpu.vector_load %arg30[%get3A_209, %get3A_210] {strides = array<i32>} : memref<26x512xi32, #tpu.memory_space<vmem>>, vector<1x16xi32>,
      %get3A_212 = vector.shape_cast %get3A_211 : vector<1x16xi32> to vector<16xi32>
      %mul3A_213 = arith.constant 16 : i32
      %mul3A_214 = arith.muli %scan3A_203, %mul3A_213 : i32
      %swap3A = arith.index_cast %add3A_201 : i32 to index
      %swap3A_215 = arith.index_cast %mul3A_214 : i32 to index
      %swap3A_216 = tpu.vector_load %arg31[%swap3A, %swap3A_215] {strides = array<i32>} : memref<104x128xi32, #tpu.memory_space<vmem>>, vector<1x16xi32>,
      %swap3A_217 = vector.shape_cast %swap3A_216 : vector<1x16xi32> to vector<16xi32>
      %swap3A_218 = vector.shape_cast %get3A_212 : vector<16xi32> to vector<1x16xi32>
      tpu.vector_store %arg31[%swap3A, %swap3A_215], %swap3A_218 {strides = array<i32>} : memref<104x128xi32, #tpu.memory_space<vmem>>, vector<1x16xi32>,
      %scan3A_219 = arith.constant 0 : i32
      %scan3A_220 = arith.constant 1 : i32
      %mul3A_221 = arith.constant 128 : i32
      %mul3A_222 = arith.muli %scan3A_198, %mul3A_221 : i32
      %mul3A_223 = arith.constant 16 : i32
      %mul3A_224 = arith.muli %scan3A_220, %mul3A_223 : i32
      %add3A_225 = arith.addi %mul3A_222, %mul3A_224 : i32
      %get3A_226 = arith.constant 13 : i32
      %get3A_227 = arith.index_cast %get3A_226 : i32 to index
      %get3A_228 = arith.index_cast %add3A_225 : i32 to index
      %get3A_229 = tpu.vector_load %arg30[%get3A_227, %get3A_228] {strides = array<i32>} : memref<26x512xi32, #tpu.memory_space<vmem>>, vector<1x16xi32>,
      %get3A_230 = vector.shape_cast %get3A_229 : vector<1x16xi32> to vector<16xi32>
      %mul3A_231 = arith.constant 16 : i32
      %mul3A_232 = arith.muli %scan3A_220, %mul3A_231 : i32
      %swap3A_233 = arith.index_cast %add3A_201 : i32 to index
      %swap3A_234 = arith.index_cast %mul3A_232 : i32 to index
      %swap3A_235 = tpu.vector_load %arg31[%swap3A_233, %swap3A_234] {strides = array<i32>} : memref<104x128xi32, #tpu.memory_space<vmem>>, vector<1x16xi32>,
      %swap3A_236 = vector.shape_cast %swap3A_235 : vector<1x16xi32> to vector<16xi32>
      %swap3A_237 = vector.shape_cast %get3A_230 : vector<16xi32> to vector<1x16xi32>
      tpu.vector_store %arg31[%swap3A_233, %swap3A_234], %swap3A_237 {strides = array<i32>} : memref<104x128xi32, #tpu.memory_space<vmem>>, vector<1x16xi32>,
      %scan3A_238 = arith.constant 0 : i32
      %scan3A_239 = arith.constant 2 : i32
      %mul3A_240 = arith.constant 128 : i32
      %mul3A_241 = arith.muli %scan3A_198, %mul3A_240 : i32
      %mul3A_242 = arith.constant 16 : i32
      %mul3A_243 = arith.muli %scan3A_239, %mul3A_242 : i32
      %add3A_244 = arith.addi %mul3A_241, %mul3A_243 : i32
      %get3A_245 = arith.constant 13 : i32
      %get3A_246 = arith.index_cast %get3A_245 : i32 to index
      %get3A_247 = arith.index_cast %add3A_244 : i32 to index
      %get3A_248 = tpu.vector_load %arg30[%get3A_246, %get3A_247] {strides = array<i32>} : memref<26x512xi32, #tpu.memory_space<vmem>>, vector<1x16xi32>,
      %get3A_249 = vector.shape_cast %get3A_248 : vector<1x16xi32> to vector<16xi32>
      %mul3A_250 = arith.constant 16 : i32
      %mul3A_251 = arith.muli %scan3A_239, %mul3A_250 : i32
      %swap3A_252 = arith.index_cast %add3A_201 : i32 to index
      %swap3A_253 = arith.index_cast %mul3A_251 : i32 to index
      %swap3A_254 = tpu.vector_load %arg31[%swap3A_252, %swap3A_253] {strides = array<i32>} : memref<104x128xi32, #tpu.memory_space<vmem>>, vector<1x16xi32>,
      %swap3A_255 = vector.shape_cast %swap3A_254 : vector<1x16xi32> to vector<16xi32>
      %swap3A_256 = vector.shape_cast %get3A_249 : vector<16xi32> to vector<1x16xi32>
      tpu.vector_store %arg31[%swap3A_252, %swap3A_253], %swap3A_256 {strides = array<i32>} : memref<104x128xi32, #tpu.memory_space<vmem>>, vector<1x16xi32>,
      %scan3A_257 = arith.constant 0 : i32
      %scan3A_258 = arith.constant 3 : i32
      %mul3A_259 = arith.constant 128 : i32
      %mul3A_260 = arith.muli %scan3A_198, %mul3A_259 : i32
      %mul3A_261 = arith.constant 16 : i32
      %mul3A_262 = arith.muli %scan3A_258, %mul3A_261 : i32
      %add3A_263 = arith.addi %mul3A_260, %mul3A_262 : i32
      %get3A_264 = arith.constant 13 : i32
      %get3A_265 = arith.index_cast %get3A_264 : i32 to index
      %get3A_266 = arith.index_cast %add3A_263 : i32 to index
      %get3A_267 = tpu.vector_load %arg30[%get3A_265, %get3A_266] {strides = array<i32>} : memref<26x512xi32, #tpu.memory_space<vmem>>, vector<1x16xi32>,
      %get3A_268 = vector.shape_cast %get3A_267 : vector<1x16xi32> to vector<16xi32>
      %mul3A_269 = arith.constant 16 : i32
      %mul3A_270 = arith.muli %scan3A_258, %mul3A_269 : i32
      %swap3A_271 = arith.index_cast %add3A_201 : i32 to index
      %swap3A_272 = arith.index_cast %mul3A_270 : i32 to index
      %swap3A_273 = tpu.vector_load %arg31[%swap3A_271, %swap3A_272] {strides = array<i32>} : memref<104x128xi32, #tpu.memory_space<vmem>>, vector<1x16xi32>,
      %swap3A_274 = vector.shape_cast %swap3A_273 : vector<1x16xi32> to vector<16xi32>
      %swap3A_275 = vector.shape_cast %get3A_268 : vector<16xi32> to vector<1x16xi32>
      tpu.vector_store %arg31[%swap3A_271, %swap3A_272], %swap3A_275 {strides = array<i32>} : memref<104x128xi32, #tpu.memory_space<vmem>>, vector<1x16xi32>,
      %scan3A_276 = arith.constant 0 : i32
      %scan3A_277 = arith.constant 4 : i32
      %mul3A_278 = arith.constant 128 : i32
      %mul3A_279 = arith.muli %scan3A_198, %mul3A_278 : i32
      %mul3A_280 = arith.constant 16 : i32
      %mul3A_281 = arith.muli %scan3A_277, %mul3A_280 : i32
      %add3A_282 = arith.addi %mul3A_279, %mul3A_281 : i32
      %get3A_283 = arith.constant 13 : i32
      %get3A_284 = arith.index_cast %get3A_283 : i32 to index
      %get3A_285 = arith.index_cast %add3A_282 : i32 to index
      %get3A_286 = tpu.vector_load %arg30[%get3A_284, %get3A_285] {strides = array<i32>} : memref<26x512xi32, #tpu.memory_space<vmem>>, vector<1x16xi32>,
      %get3A_287 = vector.shape_cast %get3A_286 : vector<1x16xi32> to vector<16xi32>
      %mul3A_288 = arith.constant 16 : i32
      %mul3A_289 = arith.muli %scan3A_277, %mul3A_288 : i32
      %swap3A_290 = arith.index_cast %add3A_201 : i32 to index
      %swap3A_291 = arith.index_cast %mul3A_289 : i32 to index
      %swap3A_292 = tpu.vector_load %arg31[%swap3A_290, %swap3A_291] {strides = array<i32>} : memref<104x128xi32, #tpu.memory_space<vmem>>, vector<1x16xi32>,
      %swap3A_293 = vector.shape_cast %swap3A_292 : vector<1x16xi32> to vector<16xi32>
      %swap3A_294 = vector.shape_cast %get3A_287 : vector<16xi32> to vector<1x16xi32>
      tpu.vector_store %arg31[%swap3A_290, %swap3A_291], %swap3A_294 {strides = array<i32>} : memref<104x128xi32, #tpu.memory_space<vmem>>, vector<1x16xi32>,
      %scan3A_295 = arith.constant 0 : i32
      %scan3A_296 = arith.constant 5 : i32
      %mul3A_297 = arith.constant 128 : i32
      %mul3A_298 = arith.muli %scan3A_198, %mul3A_297 : i32
      %mul3A_299 = arith.constant 16 : i32
      %mul3A_300 = arith.muli %scan3A_296, %mul3A_299 : i32
      %add3A_301 = arith.addi %mul3A_298, %mul3A_300 : i32
      %get3A_302 = arith.constant 13 : i32
      %get3A_303 = arith.index_cast %get3A_302 : i32 to index
      %get3A_304 = arith.index_cast %add3A_301 : i32 to index
      %get3A_305 = tpu.vector_load %arg30[%get3A_303, %get3A_304] {strides = array<i32>} : memref<26x512xi32, #tpu.memory_space<vmem>>, vector<1x16xi32>,
      %get3A_306 = vector.shape_cast %get3A_305 : vector<1x16xi32> to vector<16xi32>
      %mul3A_307 = arith.constant 16 : i32
      %mul3A_308 = arith.muli %scan3A_296, %mul3A_307 : i32
      %swap3A_309 = arith.index_cast %add3A_201 : i32 to index
      %swap3A_310 = arith.index_cast %mul3A_308 : i32 to index
      %swap3A_311 = tpu.vector_load %arg31[%swap3A_309, %swap3A_310] {strides = array<i32>} : memref<104x128xi32, #tpu.memory_space<vmem>>, vector<1x16xi32>,
      %swap3A_312 = vector.shape_cast %swap3A_311 : vector<1x16xi32> to vector<16xi32>
      %swap3A_313 = vector.shape_cast %get3A_306 : vector<16xi32> to vector<1x16xi32>
      tpu.vector_store %arg31[%swap3A_309, %swap3A_310], %swap3A_313 {strides = array<i32>} : memref<104x128xi32, #tpu.memory_space<vmem>>, vector<1x16xi32>,
      %scan3A_314 = arith.constant 0 : i32
      %scan3A_315 = arith.constant 6 : i32
      %mul3A_316 = arith.constant 128 : i32
      %mul3A_317 = arith.muli %scan3A_198, %mul3A_316 : i32
      %mul3A_318 = arith.constant 16 : i32
      %mul3A_319 = arith.muli %scan3A_315, %mul3A_318 : i32
      %add3A_320 = arith.addi %mul3A_317, %mul3A_319 : i32
      %get3A_321 = arith.constant 13 : i32
      %get3A_322 = arith.index_cast %get3A_321 : i32 to index
      %get3A_323 = arith.index_cast %add3A_320 : i32 to index
      %get3A_324 = tpu.vector_load %arg30[%get3A_322, %get3A_323] {strides = array<i32>} : memref<26x512xi32, #tpu.memory_space<vmem>>, vector<1x16xi32>,
      %get3A_325 = vector.shape_cast %get3A_324 : vector<1x16xi32> to vector<16xi32>
      %mul3A_326 = arith.constant 16 : i32
      %mul3A_327 = arith.muli %scan3A_315, %mul3A_326 : i32
      %swap3A_328 = arith.index_cast %add3A_201 : i32 to index
      %swap3A_329 = arith.index_cast %mul3A_327 : i32 to index
      %swap3A_330 = tpu.vector_load %arg31[%swap3A_328, %swap3A_329] {strides = array<i32>} : memref<104x128xi32, #tpu.memory_space<vmem>>, vector<1x16xi32>,
      %swap3A_331 = vector.shape_cast %swap3A_330 : vector<1x16xi32> to vector<16xi32>
      %swap3A_332 = vector.shape_cast %get3A_325 : vector<16xi32> to vector<1x16xi32>
      tpu.vector_store %arg31[%swap3A_328, %swap3A_329], %swap3A_332 {strides = array<i32>} : memref<104x128xi32, #tpu.memory_space<vmem>>, vector<1x16xi32>,
      %scan3A_333 = arith.constant 0 : i32
      %scan3A_334 = arith.constant 7 : i32
      %mul3A_335 = arith.constant 128 : i32
      %mul3A_336 = arith.muli %scan3A_198, %mul3A_335 : i32
      %mul3A_337 = arith.constant 16 : i32
      %mul3A_338 = arith.muli %scan3A_334, %mul3A_337 : i32
      %add3A_339 = arith.addi %mul3A_336, %mul3A_338 : i32
      %get3A_340 = arith.constant 13 : i32
      %get3A_341 = arith.index_cast %get3A_340 : i32 to index
      %get3A_342 = arith.index_cast %add3A_339 : i32 to index
      %get3A_343 = tpu.vector_load %arg30[%get3A_341, %get3A_342] {strides = array<i32>} : memref<26x512xi32, #tpu.memory_space<vmem>>, vector<1x16xi32>,
      %get3A_344 = vector.shape_cast %get3A_343 : vector<1x16xi32> to vector<16xi32>
      %mul3A_345 = arith.constant 16 : i32
      %mul3A_346 = arith.muli %scan3A_334, %mul3A_345 : i32
      %swap3A_347 = arith.index_cast %add3A_201 : i32 to index
      %swap3A_348 = arith.index_cast %mul3A_346 : i32 to index
      %swap3A_349 = tpu.vector_load %arg31[%swap3A_347, %swap3A_348] {strides = array<i32>} : memref<104x128xi32, #tpu.memory_space<vmem>>, vector<1x16xi32>,
      %swap3A_350 = vector.shape_cast %swap3A_349 : vector<1x16xi32> to vector<16xi32>
      %swap3A_351 = vector.shape_cast %get3A_344 : vector<16xi32> to vector<1x16xi32>
      tpu.vector_store %arg31[%swap3A_347, %swap3A_348], %swap3A_351 {strides = array<i32>} : memref<104x128xi32, #tpu.memory_space<vmem>>, vector<1x16xi32>,
      %scan3A_352 = arith.constant 0 : i32
      %scan3A_353 = arith.constant 8 : i32
      %dma_start3A = arith.constant 0 : i32
      %dma_start3A_354 = tpu.memref_slice %arg32[%add3A_201, %dma_start3A] : memref<104x128xf32, #tpu.memory_space<vmem>> -> memref<1x128xf32, #tpu.memory_space<vmem>>
      %dma_start3A_355 = tpu.memref_squeeze %dma_start3A_354 : memref<1x128xf32, #tpu.memory_space<vmem>> -> memref<128xf32, #tpu.memory_space<vmem>>
      %dma_start3A_356 = arith.constant 0 : i32
      %dma_start3A_357 = tpu.memref_slice %arg31[%add3A_201, %dma_start3A_356] : memref<104x128xi32, #tpu.memory_space<vmem>> -> memref<1x128xi32, #tpu.memory_space<vmem>>
      %dma_start3A_358 = tpu.memref_squeeze %dma_start3A_357 : memref<1x128xi32, #tpu.memory_space<vmem>> -> memref<128xi32, #tpu.memory_space<vmem>>
      %dma_start3A_359 = arith.constant 0 : i32
      %dma_start3A_360 = tpu.memref_slice %arg16[%dma_start3A_359] : memref<1000000xf32, #tpu.memory_space<hbm>> -> memref<1000000xf32, #tpu.memory_space<hbm>>
      tpu.enqueue_indirect_dma source(%dma_start3A_360 : memref<1000000xf32, #tpu.memory_space<hbm>>) target(%dma_start3A_355 : memref<128xf32, #tpu.memory_space<vmem>>) offsets(%dma_start3A_358 : memref<128xi32, #tpu.memory_space<vmem>>) semaphore(%arg34 : memref<!tpu.dma_semaphore, #tpu.memory_space<semaphore_mem>>)
      %scan3A_361 = arith.constant 0 : i32
      scf.yield %scan3A_361 : i32
    }
    %scan3A_99 = arith.constant 4 : i32
    %scan3A_100 = arith.constant 0 : i32
    %scan3A_101 = arith.constant 0 : i32
    %scan3A_102 = arith.constant 4 : i32
    %scan3A_103 = arith.addi %scan3A_101, %scan3A_102 : i32
    %scan3A_104 = arith.constant 1 : i32
    %scan3A_105 = scf.for %scan3A_198 = %scan3A_101 to %scan3A_103 step %scan3A_104 iter_args(%scan3A_199 = %scan3A_100) -> (i32)  : i32 {
      %add3A_200 = arith.constant 56 : i32
      %add3A_201 = arith.addi %add3A_200, %scan3A_198 : i32
      %scan3A_202 = arith.constant 0 : i32
      %scan3A_203 = arith.constant 0 : i32
      %mul3A_204 = arith.constant 128 : i32
      %mul3A_205 = arith.muli %scan3A_198, %mul3A_204 : i32
      %mul3A_206 = arith.constant 16 : i32
      %mul3A_207 = arith.muli %scan3A_203, %mul3A_206 : i32
      %add3A_208 = arith.addi %mul3A_205, %mul3A_207 : i32
      %get3A = arith.constant 14 : i32
      %get3A_209 = arith.index_cast %get3A : i32 to index
      %get3A_210 = arith.index_cast %add3A_208 : i32 to index
      %get3A_211 = tpu.vector_load %arg30[%get3A_209, %get3A_210] {strides = array<i32>} : memref<26x512xi32, #tpu.memory_space<vmem>>, vector<1x16xi32>,
      %get3A_212 = vector.shape_cast %get3A_211 : vector<1x16xi32> to vector<16xi32>
      %mul3A_213 = arith.constant 16 : i32
      %mul3A_214 = arith.muli %scan3A_203, %mul3A_213 : i32
      %swap3A = arith.index_cast %add3A_201 : i32 to index
      %swap3A_215 = arith.index_cast %mul3A_214 : i32 to index
      %swap3A_216 = tpu.vector_load %arg31[%swap3A, %swap3A_215] {strides = array<i32>} : memref<104x128xi32, #tpu.memory_space<vmem>>, vector<1x16xi32>,
      %swap3A_217 = vector.shape_cast %swap3A_216 : vector<1x16xi32> to vector<16xi32>
      %swap3A_218 = vector.shape_cast %get3A_212 : vector<16xi32> to vector<1x16xi32>
      tpu.vector_store %arg31[%swap3A, %swap3A_215], %swap3A_218 {strides = array<i32>} : memref<104x128xi32, #tpu.memory_space<vmem>>, vector<1x16xi32>,
      %scan3A_219 = arith.constant 0 : i32
      %scan3A_220 = arith.constant 1 : i32
      %mul3A_221 = arith.constant 128 : i32
      %mul3A_222 = arith.muli %scan3A_198, %mul3A_221 : i32
      %mul3A_223 = arith.constant 16 : i32
      %mul3A_224 = arith.muli %scan3A_220, %mul3A_223 : i32
      %add3A_225 = arith.addi %mul3A_222, %mul3A_224 : i32
      %get3A_226 = arith.constant 14 : i32
      %get3A_227 = arith.index_cast %get3A_226 : i32 to index
      %get3A_228 = arith.index_cast %add3A_225 : i32 to index
      %get3A_229 = tpu.vector_load %arg30[%get3A_227, %get3A_228] {strides = array<i32>} : memref<26x512xi32, #tpu.memory_space<vmem>>, vector<1x16xi32>,
      %get3A_230 = vector.shape_cast %get3A_229 : vector<1x16xi32> to vector<16xi32>
      %mul3A_231 = arith.constant 16 : i32
      %mul3A_232 = arith.muli %scan3A_220, %mul3A_231 : i32
      %swap3A_233 = arith.index_cast %add3A_201 : i32 to index
      %swap3A_234 = arith.index_cast %mul3A_232 : i32 to index
      %swap3A_235 = tpu.vector_load %arg31[%swap3A_233, %swap3A_234] {strides = array<i32>} : memref<104x128xi32, #tpu.memory_space<vmem>>, vector<1x16xi32>,
      %swap3A_236 = vector.shape_cast %swap3A_235 : vector<1x16xi32> to vector<16xi32>
      %swap3A_237 = vector.shape_cast %get3A_230 : vector<16xi32> to vector<1x16xi32>
      tpu.vector_store %arg31[%swap3A_233, %swap3A_234], %swap3A_237 {strides = array<i32>} : memref<104x128xi32, #tpu.memory_space<vmem>>, vector<1x16xi32>,
      %scan3A_238 = arith.constant 0 : i32
      %scan3A_239 = arith.constant 2 : i32
      %mul3A_240 = arith.constant 128 : i32
      %mul3A_241 = arith.muli %scan3A_198, %mul3A_240 : i32
      %mul3A_242 = arith.constant 16 : i32
      %mul3A_243 = arith.muli %scan3A_239, %mul3A_242 : i32
      %add3A_244 = arith.addi %mul3A_241, %mul3A_243 : i32
      %get3A_245 = arith.constant 14 : i32
      %get3A_246 = arith.index_cast %get3A_245 : i32 to index
      %get3A_247 = arith.index_cast %add3A_244 : i32 to index
      %get3A_248 = tpu.vector_load %arg30[%get3A_246, %get3A_247] {strides = array<i32>} : memref<26x512xi32, #tpu.memory_space<vmem>>, vector<1x16xi32>,
      %get3A_249 = vector.shape_cast %get3A_248 : vector<1x16xi32> to vector<16xi32>
      %mul3A_250 = arith.constant 16 : i32
      %mul3A_251 = arith.muli %scan3A_239, %mul3A_250 : i32
      %swap3A_252 = arith.index_cast %add3A_201 : i32 to index
      %swap3A_253 = arith.index_cast %mul3A_251 : i32 to index
      %swap3A_254 = tpu.vector_load %arg31[%swap3A_252, %swap3A_253] {strides = array<i32>} : memref<104x128xi32, #tpu.memory_space<vmem>>, vector<1x16xi32>,
      %swap3A_255 = vector.shape_cast %swap3A_254 : vector<1x16xi32> to vector<16xi32>
      %swap3A_256 = vector.shape_cast %get3A_249 : vector<16xi32> to vector<1x16xi32>
      tpu.vector_store %arg31[%swap3A_252, %swap3A_253], %swap3A_256 {strides = array<i32>} : memref<104x128xi32, #tpu.memory_space<vmem>>, vector<1x16xi32>,
      %scan3A_257 = arith.constant 0 : i32
      %scan3A_258 = arith.constant 3 : i32
      %mul3A_259 = arith.constant 128 : i32
      %mul3A_260 = arith.muli %scan3A_198, %mul3A_259 : i32
      %mul3A_261 = arith.constant 16 : i32
      %mul3A_262 = arith.muli %scan3A_258, %mul3A_261 : i32
      %add3A_263 = arith.addi %mul3A_260, %mul3A_262 : i32
      %get3A_264 = arith.constant 14 : i32
      %get3A_265 = arith.index_cast %get3A_264 : i32 to index
      %get3A_266 = arith.index_cast %add3A_263 : i32 to index
      %get3A_267 = tpu.vector_load %arg30[%get3A_265, %get3A_266] {strides = array<i32>} : memref<26x512xi32, #tpu.memory_space<vmem>>, vector<1x16xi32>,
      %get3A_268 = vector.shape_cast %get3A_267 : vector<1x16xi32> to vector<16xi32>
      %mul3A_269 = arith.constant 16 : i32
      %mul3A_270 = arith.muli %scan3A_258, %mul3A_269 : i32
      %swap3A_271 = arith.index_cast %add3A_201 : i32 to index
      %swap3A_272 = arith.index_cast %mul3A_270 : i32 to index
      %swap3A_273 = tpu.vector_load %arg31[%swap3A_271, %swap3A_272] {strides = array<i32>} : memref<104x128xi32, #tpu.memory_space<vmem>>, vector<1x16xi32>,
      %swap3A_274 = vector.shape_cast %swap3A_273 : vector<1x16xi32> to vector<16xi32>
      %swap3A_275 = vector.shape_cast %get3A_268 : vector<16xi32> to vector<1x16xi32>
      tpu.vector_store %arg31[%swap3A_271, %swap3A_272], %swap3A_275 {strides = array<i32>} : memref<104x128xi32, #tpu.memory_space<vmem>>, vector<1x16xi32>,
      %scan3A_276 = arith.constant 0 : i32
      %scan3A_277 = arith.constant 4 : i32
      %mul3A_278 = arith.constant 128 : i32
      %mul3A_279 = arith.muli %scan3A_198, %mul3A_278 : i32
      %mul3A_280 = arith.constant 16 : i32
      %mul3A_281 = arith.muli %scan3A_277, %mul3A_280 : i32
      %add3A_282 = arith.addi %mul3A_279, %mul3A_281 : i32
      %get3A_283 = arith.constant 14 : i32
      %get3A_284 = arith.index_cast %get3A_283 : i32 to index
      %get3A_285 = arith.index_cast %add3A_282 : i32 to index
      %get3A_286 = tpu.vector_load %arg30[%get3A_284, %get3A_285] {strides = array<i32>} : memref<26x512xi32, #tpu.memory_space<vmem>>, vector<1x16xi32>,
      %get3A_287 = vector.shape_cast %get3A_286 : vector<1x16xi32> to vector<16xi32>
      %mul3A_288 = arith.constant 16 : i32
      %mul3A_289 = arith.muli %scan3A_277, %mul3A_288 : i32
      %swap3A_290 = arith.index_cast %add3A_201 : i32 to index
      %swap3A_291 = arith.index_cast %mul3A_289 : i32 to index
      %swap3A_292 = tpu.vector_load %arg31[%swap3A_290, %swap3A_291] {strides = array<i32>} : memref<104x128xi32, #tpu.memory_space<vmem>>, vector<1x16xi32>,
      %swap3A_293 = vector.shape_cast %swap3A_292 : vector<1x16xi32> to vector<16xi32>
      %swap3A_294 = vector.shape_cast %get3A_287 : vector<16xi32> to vector<1x16xi32>
      tpu.vector_store %arg31[%swap3A_290, %swap3A_291], %swap3A_294 {strides = array<i32>} : memref<104x128xi32, #tpu.memory_space<vmem>>, vector<1x16xi32>,
      %scan3A_295 = arith.constant 0 : i32
      %scan3A_296 = arith.constant 5 : i32
      %mul3A_297 = arith.constant 128 : i32
      %mul3A_298 = arith.muli %scan3A_198, %mul3A_297 : i32
      %mul3A_299 = arith.constant 16 : i32
      %mul3A_300 = arith.muli %scan3A_296, %mul3A_299 : i32
      %add3A_301 = arith.addi %mul3A_298, %mul3A_300 : i32
      %get3A_302 = arith.constant 14 : i32
      %get3A_303 = arith.index_cast %get3A_302 : i32 to index
      %get3A_304 = arith.index_cast %add3A_301 : i32 to index
      %get3A_305 = tpu.vector_load %arg30[%get3A_303, %get3A_304] {strides = array<i32>} : memref<26x512xi32, #tpu.memory_space<vmem>>, vector<1x16xi32>,
      %get3A_306 = vector.shape_cast %get3A_305 : vector<1x16xi32> to vector<16xi32>
      %mul3A_307 = arith.constant 16 : i32
      %mul3A_308 = arith.muli %scan3A_296, %mul3A_307 : i32
      %swap3A_309 = arith.index_cast %add3A_201 : i32 to index
      %swap3A_310 = arith.index_cast %mul3A_308 : i32 to index
      %swap3A_311 = tpu.vector_load %arg31[%swap3A_309, %swap3A_310] {strides = array<i32>} : memref<104x128xi32, #tpu.memory_space<vmem>>, vector<1x16xi32>,
      %swap3A_312 = vector.shape_cast %swap3A_311 : vector<1x16xi32> to vector<16xi32>
      %swap3A_313 = vector.shape_cast %get3A_306 : vector<16xi32> to vector<1x16xi32>
      tpu.vector_store %arg31[%swap3A_309, %swap3A_310], %swap3A_313 {strides = array<i32>} : memref<104x128xi32, #tpu.memory_space<vmem>>, vector<1x16xi32>,
      %scan3A_314 = arith.constant 0 : i32
      %scan3A_315 = arith.constant 6 : i32
      %mul3A_316 = arith.constant 128 : i32
      %mul3A_317 = arith.muli %scan3A_198, %mul3A_316 : i32
      %mul3A_318 = arith.constant 16 : i32
      %mul3A_319 = arith.muli %scan3A_315, %mul3A_318 : i32
      %add3A_320 = arith.addi %mul3A_317, %mul3A_319 : i32
      %get3A_321 = arith.constant 14 : i32
      %get3A_322 = arith.index_cast %get3A_321 : i32 to index
      %get3A_323 = arith.index_cast %add3A_320 : i32 to index
      %get3A_324 = tpu.vector_load %arg30[%get3A_322, %get3A_323] {strides = array<i32>} : memref<26x512xi32, #tpu.memory_space<vmem>>, vector<1x16xi32>,
      %get3A_325 = vector.shape_cast %get3A_324 : vector<1x16xi32> to vector<16xi32>
      %mul3A_326 = arith.constant 16 : i32
      %mul3A_327 = arith.muli %scan3A_315, %mul3A_326 : i32
      %swap3A_328 = arith.index_cast %add3A_201 : i32 to index
      %swap3A_329 = arith.index_cast %mul3A_327 : i32 to index
      %swap3A_330 = tpu.vector_load %arg31[%swap3A_328, %swap3A_329] {strides = array<i32>} : memref<104x128xi32, #tpu.memory_space<vmem>>, vector<1x16xi32>,
      %swap3A_331 = vector.shape_cast %swap3A_330 : vector<1x16xi32> to vector<16xi32>
      %swap3A_332 = vector.shape_cast %get3A_325 : vector<16xi32> to vector<1x16xi32>
      tpu.vector_store %arg31[%swap3A_328, %swap3A_329], %swap3A_332 {strides = array<i32>} : memref<104x128xi32, #tpu.memory_space<vmem>>, vector<1x16xi32>,
      %scan3A_333 = arith.constant 0 : i32
      %scan3A_334 = arith.constant 7 : i32
      %mul3A_335 = arith.constant 128 : i32
      %mul3A_336 = arith.muli %scan3A_198, %mul3A_335 : i32
      %mul3A_337 = arith.constant 16 : i32
      %mul3A_338 = arith.muli %scan3A_334, %mul3A_337 : i32
      %add3A_339 = arith.addi %mul3A_336, %mul3A_338 : i32
      %get3A_340 = arith.constant 14 : i32
      %get3A_341 = arith.index_cast %get3A_340 : i32 to index
      %get3A_342 = arith.index_cast %add3A_339 : i32 to index
      %get3A_343 = tpu.vector_load %arg30[%get3A_341, %get3A_342] {strides = array<i32>} : memref<26x512xi32, #tpu.memory_space<vmem>>, vector<1x16xi32>,
      %get3A_344 = vector.shape_cast %get3A_343 : vector<1x16xi32> to vector<16xi32>
      %mul3A_345 = arith.constant 16 : i32
      %mul3A_346 = arith.muli %scan3A_334, %mul3A_345 : i32
      %swap3A_347 = arith.index_cast %add3A_201 : i32 to index
      %swap3A_348 = arith.index_cast %mul3A_346 : i32 to index
      %swap3A_349 = tpu.vector_load %arg31[%swap3A_347, %swap3A_348] {strides = array<i32>} : memref<104x128xi32, #tpu.memory_space<vmem>>, vector<1x16xi32>,
      %swap3A_350 = vector.shape_cast %swap3A_349 : vector<1x16xi32> to vector<16xi32>
      %swap3A_351 = vector.shape_cast %get3A_344 : vector<16xi32> to vector<1x16xi32>
      tpu.vector_store %arg31[%swap3A_347, %swap3A_348], %swap3A_351 {strides = array<i32>} : memref<104x128xi32, #tpu.memory_space<vmem>>, vector<1x16xi32>,
      %scan3A_352 = arith.constant 0 : i32
      %scan3A_353 = arith.constant 8 : i32
      %dma_start3A = arith.constant 0 : i32
      %dma_start3A_354 = tpu.memref_slice %arg32[%add3A_201, %dma_start3A] : memref<104x128xf32, #tpu.memory_space<vmem>> -> memref<1x128xf32, #tpu.memory_space<vmem>>
      %dma_start3A_355 = tpu.memref_squeeze %dma_start3A_354 : memref<1x128xf32, #tpu.memory_space<vmem>> -> memref<128xf32, #tpu.memory_space<vmem>>
      %dma_start3A_356 = arith.constant 0 : i32
      %dma_start3A_357 = tpu.memref_slice %arg31[%add3A_201, %dma_start3A_356] : memref<104x128xi32, #tpu.memory_space<vmem>> -> memref<1x128xi32, #tpu.memory_space<vmem>>
      %dma_start3A_358 = tpu.memref_squeeze %dma_start3A_357 : memref<1x128xi32, #tpu.memory_space<vmem>> -> memref<128xi32, #tpu.memory_space<vmem>>
      %dma_start3A_359 = arith.constant 0 : i32
      %dma_start3A_360 = tpu.memref_slice %arg17[%dma_start3A_359] : memref<1000000xf32, #tpu.memory_space<hbm>> -> memref<1000000xf32, #tpu.memory_space<hbm>>
      tpu.enqueue_indirect_dma source(%dma_start3A_360 : memref<1000000xf32, #tpu.memory_space<hbm>>) target(%dma_start3A_355 : memref<128xf32, #tpu.memory_space<vmem>>) offsets(%dma_start3A_358 : memref<128xi32, #tpu.memory_space<vmem>>) semaphore(%arg34 : memref<!tpu.dma_semaphore, #tpu.memory_space<semaphore_mem>>)
      %scan3A_361 = arith.constant 0 : i32
      scf.yield %scan3A_361 : i32
    }
    %scan3A_106 = arith.constant 4 : i32
    %scan3A_107 = arith.constant 0 : i32
    %scan3A_108 = arith.constant 0 : i32
    %scan3A_109 = arith.constant 4 : i32
    %scan3A_110 = arith.addi %scan3A_108, %scan3A_109 : i32
    %scan3A_111 = arith.constant 1 : i32
    %scan3A_112 = scf.for %scan3A_198 = %scan3A_108 to %scan3A_110 step %scan3A_111 iter_args(%scan3A_199 = %scan3A_107) -> (i32)  : i32 {
      %add3A_200 = arith.constant 60 : i32
      %add3A_201 = arith.addi %add3A_200, %scan3A_198 : i32
      %scan3A_202 = arith.constant 0 : i32
      %scan3A_203 = arith.constant 0 : i32
      %mul3A_204 = arith.constant 128 : i32
      %mul3A_205 = arith.muli %scan3A_198, %mul3A_204 : i32
      %mul3A_206 = arith.constant 16 : i32
      %mul3A_207 = arith.muli %scan3A_203, %mul3A_206 : i32
      %add3A_208 = arith.addi %mul3A_205, %mul3A_207 : i32
      %get3A = arith.constant 15 : i32
      %get3A_209 = arith.index_cast %get3A : i32 to index
      %get3A_210 = arith.index_cast %add3A_208 : i32 to index
      %get3A_211 = tpu.vector_load %arg30[%get3A_209, %get3A_210] {strides = array<i32>} : memref<26x512xi32, #tpu.memory_space<vmem>>, vector<1x16xi32>,
      %get3A_212 = vector.shape_cast %get3A_211 : vector<1x16xi32> to vector<16xi32>
      %mul3A_213 = arith.constant 16 : i32
      %mul3A_214 = arith.muli %scan3A_203, %mul3A_213 : i32
      %swap3A = arith.index_cast %add3A_201 : i32 to index
      %swap3A_215 = arith.index_cast %mul3A_214 : i32 to index
      %swap3A_216 = tpu.vector_load %arg31[%swap3A, %swap3A_215] {strides = array<i32>} : memref<104x128xi32, #tpu.memory_space<vmem>>, vector<1x16xi32>,
      %swap3A_217 = vector.shape_cast %swap3A_216 : vector<1x16xi32> to vector<16xi32>
      %swap3A_218 = vector.shape_cast %get3A_212 : vector<16xi32> to vector<1x16xi32>
      tpu.vector_store %arg31[%swap3A, %swap3A_215], %swap3A_218 {strides = array<i32>} : memref<104x128xi32, #tpu.memory_space<vmem>>, vector<1x16xi32>,
      %scan3A_219 = arith.constant 0 : i32
      %scan3A_220 = arith.constant 1 : i32
      %mul3A_221 = arith.constant 128 : i32
      %mul3A_222 = arith.muli %scan3A_198, %mul3A_221 : i32
      %mul3A_223 = arith.constant 16 : i32
      %mul3A_224 = arith.muli %scan3A_220, %mul3A_223 : i32
      %add3A_225 = arith.addi %mul3A_222, %mul3A_224 : i32
      %get3A_226 = arith.constant 15 : i32
      %get3A_227 = arith.index_cast %get3A_226 : i32 to index
      %get3A_228 = arith.index_cast %add3A_225 : i32 to index
      %get3A_229 = tpu.vector_load %arg30[%get3A_227, %get3A_228] {strides = array<i32>} : memref<26x512xi32, #tpu.memory_space<vmem>>, vector<1x16xi32>,
      %get3A_230 = vector.shape_cast %get3A_229 : vector<1x16xi32> to vector<16xi32>
      %mul3A_231 = arith.constant 16 : i32
      %mul3A_232 = arith.muli %scan3A_220, %mul3A_231 : i32
      %swap3A_233 = arith.index_cast %add3A_201 : i32 to index
      %swap3A_234 = arith.index_cast %mul3A_232 : i32 to index
      %swap3A_235 = tpu.vector_load %arg31[%swap3A_233, %swap3A_234] {strides = array<i32>} : memref<104x128xi32, #tpu.memory_space<vmem>>, vector<1x16xi32>,
      %swap3A_236 = vector.shape_cast %swap3A_235 : vector<1x16xi32> to vector<16xi32>
      %swap3A_237 = vector.shape_cast %get3A_230 : vector<16xi32> to vector<1x16xi32>
      tpu.vector_store %arg31[%swap3A_233, %swap3A_234], %swap3A_237 {strides = array<i32>} : memref<104x128xi32, #tpu.memory_space<vmem>>, vector<1x16xi32>,
      %scan3A_238 = arith.constant 0 : i32
      %scan3A_239 = arith.constant 2 : i32
      %mul3A_240 = arith.constant 128 : i32
      %mul3A_241 = arith.muli %scan3A_198, %mul3A_240 : i32
      %mul3A_242 = arith.constant 16 : i32
      %mul3A_243 = arith.muli %scan3A_239, %mul3A_242 : i32
      %add3A_244 = arith.addi %mul3A_241, %mul3A_243 : i32
      %get3A_245 = arith.constant 15 : i32
      %get3A_246 = arith.index_cast %get3A_245 : i32 to index
      %get3A_247 = arith.index_cast %add3A_244 : i32 to index
      %get3A_248 = tpu.vector_load %arg30[%get3A_246, %get3A_247] {strides = array<i32>} : memref<26x512xi32, #tpu.memory_space<vmem>>, vector<1x16xi32>,
      %get3A_249 = vector.shape_cast %get3A_248 : vector<1x16xi32> to vector<16xi32>
      %mul3A_250 = arith.constant 16 : i32
      %mul3A_251 = arith.muli %scan3A_239, %mul3A_250 : i32
      %swap3A_252 = arith.index_cast %add3A_201 : i32 to index
      %swap3A_253 = arith.index_cast %mul3A_251 : i32 to index
      %swap3A_254 = tpu.vector_load %arg31[%swap3A_252, %swap3A_253] {strides = array<i32>} : memref<104x128xi32, #tpu.memory_space<vmem>>, vector<1x16xi32>,
      %swap3A_255 = vector.shape_cast %swap3A_254 : vector<1x16xi32> to vector<16xi32>
      %swap3A_256 = vector.shape_cast %get3A_249 : vector<16xi32> to vector<1x16xi32>
      tpu.vector_store %arg31[%swap3A_252, %swap3A_253], %swap3A_256 {strides = array<i32>} : memref<104x128xi32, #tpu.memory_space<vmem>>, vector<1x16xi32>,
      %scan3A_257 = arith.constant 0 : i32
      %scan3A_258 = arith.constant 3 : i32
      %mul3A_259 = arith.constant 128 : i32
      %mul3A_260 = arith.muli %scan3A_198, %mul3A_259 : i32
      %mul3A_261 = arith.constant 16 : i32
      %mul3A_262 = arith.muli %scan3A_258, %mul3A_261 : i32
      %add3A_263 = arith.addi %mul3A_260, %mul3A_262 : i32
      %get3A_264 = arith.constant 15 : i32
      %get3A_265 = arith.index_cast %get3A_264 : i32 to index
      %get3A_266 = arith.index_cast %add3A_263 : i32 to index
      %get3A_267 = tpu.vector_load %arg30[%get3A_265, %get3A_266] {strides = array<i32>} : memref<26x512xi32, #tpu.memory_space<vmem>>, vector<1x16xi32>,
      %get3A_268 = vector.shape_cast %get3A_267 : vector<1x16xi32> to vector<16xi32>
      %mul3A_269 = arith.constant 16 : i32
      %mul3A_270 = arith.muli %scan3A_258, %mul3A_269 : i32
      %swap3A_271 = arith.index_cast %add3A_201 : i32 to index
      %swap3A_272 = arith.index_cast %mul3A_270 : i32 to index
      %swap3A_273 = tpu.vector_load %arg31[%swap3A_271, %swap3A_272] {strides = array<i32>} : memref<104x128xi32, #tpu.memory_space<vmem>>, vector<1x16xi32>,
      %swap3A_274 = vector.shape_cast %swap3A_273 : vector<1x16xi32> to vector<16xi32>
      %swap3A_275 = vector.shape_cast %get3A_268 : vector<16xi32> to vector<1x16xi32>
      tpu.vector_store %arg31[%swap3A_271, %swap3A_272], %swap3A_275 {strides = array<i32>} : memref<104x128xi32, #tpu.memory_space<vmem>>, vector<1x16xi32>,
      %scan3A_276 = arith.constant 0 : i32
      %scan3A_277 = arith.constant 4 : i32
      %mul3A_278 = arith.constant 128 : i32
      %mul3A_279 = arith.muli %scan3A_198, %mul3A_278 : i32
      %mul3A_280 = arith.constant 16 : i32
      %mul3A_281 = arith.muli %scan3A_277, %mul3A_280 : i32
      %add3A_282 = arith.addi %mul3A_279, %mul3A_281 : i32
      %get3A_283 = arith.constant 15 : i32
      %get3A_284 = arith.index_cast %get3A_283 : i32 to index
      %get3A_285 = arith.index_cast %add3A_282 : i32 to index
      %get3A_286 = tpu.vector_load %arg30[%get3A_284, %get3A_285] {strides = array<i32>} : memref<26x512xi32, #tpu.memory_space<vmem>>, vector<1x16xi32>,
      %get3A_287 = vector.shape_cast %get3A_286 : vector<1x16xi32> to vector<16xi32>
      %mul3A_288 = arith.constant 16 : i32
      %mul3A_289 = arith.muli %scan3A_277, %mul3A_288 : i32
      %swap3A_290 = arith.index_cast %add3A_201 : i32 to index
      %swap3A_291 = arith.index_cast %mul3A_289 : i32 to index
      %swap3A_292 = tpu.vector_load %arg31[%swap3A_290, %swap3A_291] {strides = array<i32>} : memref<104x128xi32, #tpu.memory_space<vmem>>, vector<1x16xi32>,
      %swap3A_293 = vector.shape_cast %swap3A_292 : vector<1x16xi32> to vector<16xi32>
      %swap3A_294 = vector.shape_cast %get3A_287 : vector<16xi32> to vector<1x16xi32>
      tpu.vector_store %arg31[%swap3A_290, %swap3A_291], %swap3A_294 {strides = array<i32>} : memref<104x128xi32, #tpu.memory_space<vmem>>, vector<1x16xi32>,
      %scan3A_295 = arith.constant 0 : i32
      %scan3A_296 = arith.constant 5 : i32
      %mul3A_297 = arith.constant 128 : i32
      %mul3A_298 = arith.muli %scan3A_198, %mul3A_297 : i32
      %mul3A_299 = arith.constant 16 : i32
      %mul3A_300 = arith.muli %scan3A_296, %mul3A_299 : i32
      %add3A_301 = arith.addi %mul3A_298, %mul3A_300 : i32
      %get3A_302 = arith.constant 15 : i32
      %get3A_303 = arith.index_cast %get3A_302 : i32 to index
      %get3A_304 = arith.index_cast %add3A_301 : i32 to index
      %get3A_305 = tpu.vector_load %arg30[%get3A_303, %get3A_304] {strides = array<i32>} : memref<26x512xi32, #tpu.memory_space<vmem>>, vector<1x16xi32>,
      %get3A_306 = vector.shape_cast %get3A_305 : vector<1x16xi32> to vector<16xi32>
      %mul3A_307 = arith.constant 16 : i32
      %mul3A_308 = arith.muli %scan3A_296, %mul3A_307 : i32
      %swap3A_309 = arith.index_cast %add3A_201 : i32 to index
      %swap3A_310 = arith.index_cast %mul3A_308 : i32 to index
      %swap3A_311 = tpu.vector_load %arg31[%swap3A_309, %swap3A_310] {strides = array<i32>} : memref<104x128xi32, #tpu.memory_space<vmem>>, vector<1x16xi32>,
      %swap3A_312 = vector.shape_cast %swap3A_311 : vector<1x16xi32> to vector<16xi32>
      %swap3A_313 = vector.shape_cast %get3A_306 : vector<16xi32> to vector<1x16xi32>
      tpu.vector_store %arg31[%swap3A_309, %swap3A_310], %swap3A_313 {strides = array<i32>} : memref<104x128xi32, #tpu.memory_space<vmem>>, vector<1x16xi32>,
      %scan3A_314 = arith.constant 0 : i32
      %scan3A_315 = arith.constant 6 : i32
      %mul3A_316 = arith.constant 128 : i32
      %mul3A_317 = arith.muli %scan3A_198, %mul3A_316 : i32
      %mul3A_318 = arith.constant 16 : i32
      %mul3A_319 = arith.muli %scan3A_315, %mul3A_318 : i32
      %add3A_320 = arith.addi %mul3A_317, %mul3A_319 : i32
      %get3A_321 = arith.constant 15 : i32
      %get3A_322 = arith.index_cast %get3A_321 : i32 to index
      %get3A_323 = arith.index_cast %add3A_320 : i32 to index
      %get3A_324 = tpu.vector_load %arg30[%get3A_322, %get3A_323] {strides = array<i32>} : memref<26x512xi32, #tpu.memory_space<vmem>>, vector<1x16xi32>,
      %get3A_325 = vector.shape_cast %get3A_324 : vector<1x16xi32> to vector<16xi32>
      %mul3A_326 = arith.constant 16 : i32
      %mul3A_327 = arith.muli %scan3A_315, %mul3A_326 : i32
      %swap3A_328 = arith.index_cast %add3A_201 : i32 to index
      %swap3A_329 = arith.index_cast %mul3A_327 : i32 to index
      %swap3A_330 = tpu.vector_load %arg31[%swap3A_328, %swap3A_329] {strides = array<i32>} : memref<104x128xi32, #tpu.memory_space<vmem>>, vector<1x16xi32>,
      %swap3A_331 = vector.shape_cast %swap3A_330 : vector<1x16xi32> to vector<16xi32>
      %swap3A_332 = vector.shape_cast %get3A_325 : vector<16xi32> to vector<1x16xi32>
      tpu.vector_store %arg31[%swap3A_328, %swap3A_329], %swap3A_332 {strides = array<i32>} : memref<104x128xi32, #tpu.memory_space<vmem>>, vector<1x16xi32>,
      %scan3A_333 = arith.constant 0 : i32
      %scan3A_334 = arith.constant 7 : i32
      %mul3A_335 = arith.constant 128 : i32
      %mul3A_336 = arith.muli %scan3A_198, %mul3A_335 : i32
      %mul3A_337 = arith.constant 16 : i32
      %mul3A_338 = arith.muli %scan3A_334, %mul3A_337 : i32
      %add3A_339 = arith.addi %mul3A_336, %mul3A_338 : i32
      %get3A_340 = arith.constant 15 : i32
      %get3A_341 = arith.index_cast %get3A_340 : i32 to index
      %get3A_342 = arith.index_cast %add3A_339 : i32 to index
      %get3A_343 = tpu.vector_load %arg30[%get3A_341, %get3A_342] {strides = array<i32>} : memref<26x512xi32, #tpu.memory_space<vmem>>, vector<1x16xi32>,
      %get3A_344 = vector.shape_cast %get3A_343 : vector<1x16xi32> to vector<16xi32>
      %mul3A_345 = arith.constant 16 : i32
      %mul3A_346 = arith.muli %scan3A_334, %mul3A_345 : i32
      %swap3A_347 = arith.index_cast %add3A_201 : i32 to index
      %swap3A_348 = arith.index_cast %mul3A_346 : i32 to index
      %swap3A_349 = tpu.vector_load %arg31[%swap3A_347, %swap3A_348] {strides = array<i32>} : memref<104x128xi32, #tpu.memory_space<vmem>>, vector<1x16xi32>,
      %swap3A_350 = vector.shape_cast %swap3A_349 : vector<1x16xi32> to vector<16xi32>
      %swap3A_351 = vector.shape_cast %get3A_344 : vector<16xi32> to vector<1x16xi32>
      tpu.vector_store %arg31[%swap3A_347, %swap3A_348], %swap3A_351 {strides = array<i32>} : memref<104x128xi32, #tpu.memory_space<vmem>>, vector<1x16xi32>,
      %scan3A_352 = arith.constant 0 : i32
      %scan3A_353 = arith.constant 8 : i32
      %dma_start3A = arith.constant 0 : i32
      %dma_start3A_354 = tpu.memref_slice %arg32[%add3A_201, %dma_start3A] : memref<104x128xf32, #tpu.memory_space<vmem>> -> memref<1x128xf32, #tpu.memory_space<vmem>>
      %dma_start3A_355 = tpu.memref_squeeze %dma_start3A_354 : memref<1x128xf32, #tpu.memory_space<vmem>> -> memref<128xf32, #tpu.memory_space<vmem>>
      %dma_start3A_356 = arith.constant 0 : i32
      %dma_start3A_357 = tpu.memref_slice %arg31[%add3A_201, %dma_start3A_356] : memref<104x128xi32, #tpu.memory_space<vmem>> -> memref<1x128xi32, #tpu.memory_space<vmem>>
      %dma_start3A_358 = tpu.memref_squeeze %dma_start3A_357 : memref<1x128xi32, #tpu.memory_space<vmem>> -> memref<128xi32, #tpu.memory_space<vmem>>
      %dma_start3A_359 = arith.constant 0 : i32
      %dma_start3A_360 = tpu.memref_slice %arg18[%dma_start3A_359] : memref<1000000xf32, #tpu.memory_space<hbm>> -> memref<1000000xf32, #tpu.memory_space<hbm>>
      tpu.enqueue_indirect_dma source(%dma_start3A_360 : memref<1000000xf32, #tpu.memory_space<hbm>>) target(%dma_start3A_355 : memref<128xf32, #tpu.memory_space<vmem>>) offsets(%dma_start3A_358 : memref<128xi32, #tpu.memory_space<vmem>>) semaphore(%arg34 : memref<!tpu.dma_semaphore, #tpu.memory_space<semaphore_mem>>)
      %scan3A_361 = arith.constant 0 : i32
      scf.yield %scan3A_361 : i32
    }
    %scan3A_113 = arith.constant 4 : i32
    %scan3A_114 = arith.constant 0 : i32
    %scan3A_115 = arith.constant 0 : i32
    %scan3A_116 = arith.constant 4 : i32
    %scan3A_117 = arith.addi %scan3A_115, %scan3A_116 : i32
    %scan3A_118 = arith.constant 1 : i32
    %scan3A_119 = scf.for %scan3A_198 = %scan3A_115 to %scan3A_117 step %scan3A_118 iter_args(%scan3A_199 = %scan3A_114) -> (i32)  : i32 {
      %add3A_200 = arith.constant 64 : i32
      %add3A_201 = arith.addi %add3A_200, %scan3A_198 : i32
      %scan3A_202 = arith.constant 0 : i32
      %scan3A_203 = arith.constant 0 : i32
      %mul3A_204 = arith.constant 128 : i32
      %mul3A_205 = arith.muli %scan3A_198, %mul3A_204 : i32
      %mul3A_206 = arith.constant 16 : i32
      %mul3A_207 = arith.muli %scan3A_203, %mul3A_206 : i32
      %add3A_208 = arith.addi %mul3A_205, %mul3A_207 : i32
      %get3A = arith.constant 16 : i32
      %get3A_209 = arith.index_cast %get3A : i32 to index
      %get3A_210 = arith.index_cast %add3A_208 : i32 to index
      %get3A_211 = tpu.vector_load %arg30[%get3A_209, %get3A_210] {strides = array<i32>} : memref<26x512xi32, #tpu.memory_space<vmem>>, vector<1x16xi32>,
      %get3A_212 = vector.shape_cast %get3A_211 : vector<1x16xi32> to vector<16xi32>
      %mul3A_213 = arith.constant 16 : i32
      %mul3A_214 = arith.muli %scan3A_203, %mul3A_213 : i32
      %swap3A = arith.index_cast %add3A_201 : i32 to index
      %swap3A_215 = arith.index_cast %mul3A_214 : i32 to index
      %swap3A_216 = tpu.vector_load %arg31[%swap3A, %swap3A_215] {strides = array<i32>} : memref<104x128xi32, #tpu.memory_space<vmem>>, vector<1x16xi32>,
      %swap3A_217 = vector.shape_cast %swap3A_216 : vector<1x16xi32> to vector<16xi32>
      %swap3A_218 = vector.shape_cast %get3A_212 : vector<16xi32> to vector<1x16xi32>
      tpu.vector_store %arg31[%swap3A, %swap3A_215], %swap3A_218 {strides = array<i32>} : memref<104x128xi32, #tpu.memory_space<vmem>>, vector<1x16xi32>,
      %scan3A_219 = arith.constant 0 : i32
      %scan3A_220 = arith.constant 1 : i32
      %mul3A_221 = arith.constant 128 : i32
      %mul3A_222 = arith.muli %scan3A_198, %mul3A_221 : i32
      %mul3A_223 = arith.constant 16 : i32
      %mul3A_224 = arith.muli %scan3A_220, %mul3A_223 : i32
      %add3A_225 = arith.addi %mul3A_222, %mul3A_224 : i32
      %get3A_226 = arith.constant 16 : i32
      %get3A_227 = arith.index_cast %get3A_226 : i32 to index
      %get3A_228 = arith.index_cast %add3A_225 : i32 to index
      %get3A_229 = tpu.vector_load %arg30[%get3A_227, %get3A_228] {strides = array<i32>} : memref<26x512xi32, #tpu.memory_space<vmem>>, vector<1x16xi32>,
      %get3A_230 = vector.shape_cast %get3A_229 : vector<1x16xi32> to vector<16xi32>
      %mul3A_231 = arith.constant 16 : i32
      %mul3A_232 = arith.muli %scan3A_220, %mul3A_231 : i32
      %swap3A_233 = arith.index_cast %add3A_201 : i32 to index
      %swap3A_234 = arith.index_cast %mul3A_232 : i32 to index
      %swap3A_235 = tpu.vector_load %arg31[%swap3A_233, %swap3A_234] {strides = array<i32>} : memref<104x128xi32, #tpu.memory_space<vmem>>, vector<1x16xi32>,
      %swap3A_236 = vector.shape_cast %swap3A_235 : vector<1x16xi32> to vector<16xi32>
      %swap3A_237 = vector.shape_cast %get3A_230 : vector<16xi32> to vector<1x16xi32>
      tpu.vector_store %arg31[%swap3A_233, %swap3A_234], %swap3A_237 {strides = array<i32>} : memref<104x128xi32, #tpu.memory_space<vmem>>, vector<1x16xi32>,
      %scan3A_238 = arith.constant 0 : i32
      %scan3A_239 = arith.constant 2 : i32
      %mul3A_240 = arith.constant 128 : i32
      %mul3A_241 = arith.muli %scan3A_198, %mul3A_240 : i32
      %mul3A_242 = arith.constant 16 : i32
      %mul3A_243 = arith.muli %scan3A_239, %mul3A_242 : i32
      %add3A_244 = arith.addi %mul3A_241, %mul3A_243 : i32
      %get3A_245 = arith.constant 16 : i32
      %get3A_246 = arith.index_cast %get3A_245 : i32 to index
      %get3A_247 = arith.index_cast %add3A_244 : i32 to index
      %get3A_248 = tpu.vector_load %arg30[%get3A_246, %get3A_247] {strides = array<i32>} : memref<26x512xi32, #tpu.memory_space<vmem>>, vector<1x16xi32>,
      %get3A_249 = vector.shape_cast %get3A_248 : vector<1x16xi32> to vector<16xi32>
      %mul3A_250 = arith.constant 16 : i32
      %mul3A_251 = arith.muli %scan3A_239, %mul3A_250 : i32
      %swap3A_252 = arith.index_cast %add3A_201 : i32 to index
      %swap3A_253 = arith.index_cast %mul3A_251 : i32 to index
      %swap3A_254 = tpu.vector_load %arg31[%swap3A_252, %swap3A_253] {strides = array<i32>} : memref<104x128xi32, #tpu.memory_space<vmem>>, vector<1x16xi32>,
      %swap3A_255 = vector.shape_cast %swap3A_254 : vector<1x16xi32> to vector<16xi32>
      %swap3A_256 = vector.shape_cast %get3A_249 : vector<16xi32> to vector<1x16xi32>
      tpu.vector_store %arg31[%swap3A_252, %swap3A_253], %swap3A_256 {strides = array<i32>} : memref<104x128xi32, #tpu.memory_space<vmem>>, vector<1x16xi32>,
      %scan3A_257 = arith.constant 0 : i32
      %scan3A_258 = arith.constant 3 : i32
      %mul3A_259 = arith.constant 128 : i32
      %mul3A_260 = arith.muli %scan3A_198, %mul3A_259 : i32
      %mul3A_261 = arith.constant 16 : i32
      %mul3A_262 = arith.muli %scan3A_258, %mul3A_261 : i32
      %add3A_263 = arith.addi %mul3A_260, %mul3A_262 : i32
      %get3A_264 = arith.constant 16 : i32
      %get3A_265 = arith.index_cast %get3A_264 : i32 to index
      %get3A_266 = arith.index_cast %add3A_263 : i32 to index
      %get3A_267 = tpu.vector_load %arg30[%get3A_265, %get3A_266] {strides = array<i32>} : memref<26x512xi32, #tpu.memory_space<vmem>>, vector<1x16xi32>,
      %get3A_268 = vector.shape_cast %get3A_267 : vector<1x16xi32> to vector<16xi32>
      %mul3A_269 = arith.constant 16 : i32
      %mul3A_270 = arith.muli %scan3A_258, %mul3A_269 : i32
      %swap3A_271 = arith.index_cast %add3A_201 : i32 to index
      %swap3A_272 = arith.index_cast %mul3A_270 : i32 to index
      %swap3A_273 = tpu.vector_load %arg31[%swap3A_271, %swap3A_272] {strides = array<i32>} : memref<104x128xi32, #tpu.memory_space<vmem>>, vector<1x16xi32>,
      %swap3A_274 = vector.shape_cast %swap3A_273 : vector<1x16xi32> to vector<16xi32>
      %swap3A_275 = vector.shape_cast %get3A_268 : vector<16xi32> to vector<1x16xi32>
      tpu.vector_store %arg31[%swap3A_271, %swap3A_272], %swap3A_275 {strides = array<i32>} : memref<104x128xi32, #tpu.memory_space<vmem>>, vector<1x16xi32>,
      %scan3A_276 = arith.constant 0 : i32
      %scan3A_277 = arith.constant 4 : i32
      %mul3A_278 = arith.constant 128 : i32
      %mul3A_279 = arith.muli %scan3A_198, %mul3A_278 : i32
      %mul3A_280 = arith.constant 16 : i32
      %mul3A_281 = arith.muli %scan3A_277, %mul3A_280 : i32
      %add3A_282 = arith.addi %mul3A_279, %mul3A_281 : i32
      %get3A_283 = arith.constant 16 : i32
      %get3A_284 = arith.index_cast %get3A_283 : i32 to index
      %get3A_285 = arith.index_cast %add3A_282 : i32 to index
      %get3A_286 = tpu.vector_load %arg30[%get3A_284, %get3A_285] {strides = array<i32>} : memref<26x512xi32, #tpu.memory_space<vmem>>, vector<1x16xi32>,
      %get3A_287 = vector.shape_cast %get3A_286 : vector<1x16xi32> to vector<16xi32>
      %mul3A_288 = arith.constant 16 : i32
      %mul3A_289 = arith.muli %scan3A_277, %mul3A_288 : i32
      %swap3A_290 = arith.index_cast %add3A_201 : i32 to index
      %swap3A_291 = arith.index_cast %mul3A_289 : i32 to index
      %swap3A_292 = tpu.vector_load %arg31[%swap3A_290, %swap3A_291] {strides = array<i32>} : memref<104x128xi32, #tpu.memory_space<vmem>>, vector<1x16xi32>,
      %swap3A_293 = vector.shape_cast %swap3A_292 : vector<1x16xi32> to vector<16xi32>
      %swap3A_294 = vector.shape_cast %get3A_287 : vector<16xi32> to vector<1x16xi32>
      tpu.vector_store %arg31[%swap3A_290, %swap3A_291], %swap3A_294 {strides = array<i32>} : memref<104x128xi32, #tpu.memory_space<vmem>>, vector<1x16xi32>,
      %scan3A_295 = arith.constant 0 : i32
      %scan3A_296 = arith.constant 5 : i32
      %mul3A_297 = arith.constant 128 : i32
      %mul3A_298 = arith.muli %scan3A_198, %mul3A_297 : i32
      %mul3A_299 = arith.constant 16 : i32
      %mul3A_300 = arith.muli %scan3A_296, %mul3A_299 : i32
      %add3A_301 = arith.addi %mul3A_298, %mul3A_300 : i32
      %get3A_302 = arith.constant 16 : i32
      %get3A_303 = arith.index_cast %get3A_302 : i32 to index
      %get3A_304 = arith.index_cast %add3A_301 : i32 to index
      %get3A_305 = tpu.vector_load %arg30[%get3A_303, %get3A_304] {strides = array<i32>} : memref<26x512xi32, #tpu.memory_space<vmem>>, vector<1x16xi32>,
      %get3A_306 = vector.shape_cast %get3A_305 : vector<1x16xi32> to vector<16xi32>
      %mul3A_307 = arith.constant 16 : i32
      %mul3A_308 = arith.muli %scan3A_296, %mul3A_307 : i32
      %swap3A_309 = arith.index_cast %add3A_201 : i32 to index
      %swap3A_310 = arith.index_cast %mul3A_308 : i32 to index
      %swap3A_311 = tpu.vector_load %arg31[%swap3A_309, %swap3A_310] {strides = array<i32>} : memref<104x128xi32, #tpu.memory_space<vmem>>, vector<1x16xi32>,
      %swap3A_312 = vector.shape_cast %swap3A_311 : vector<1x16xi32> to vector<16xi32>
      %swap3A_313 = vector.shape_cast %get3A_306 : vector<16xi32> to vector<1x16xi32>
      tpu.vector_store %arg31[%swap3A_309, %swap3A_310], %swap3A_313 {strides = array<i32>} : memref<104x128xi32, #tpu.memory_space<vmem>>, vector<1x16xi32>,
      %scan3A_314 = arith.constant 0 : i32
      %scan3A_315 = arith.constant 6 : i32
      %mul3A_316 = arith.constant 128 : i32
      %mul3A_317 = arith.muli %scan3A_198, %mul3A_316 : i32
      %mul3A_318 = arith.constant 16 : i32
      %mul3A_319 = arith.muli %scan3A_315, %mul3A_318 : i32
      %add3A_320 = arith.addi %mul3A_317, %mul3A_319 : i32
      %get3A_321 = arith.constant 16 : i32
      %get3A_322 = arith.index_cast %get3A_321 : i32 to index
      %get3A_323 = arith.index_cast %add3A_320 : i32 to index
      %get3A_324 = tpu.vector_load %arg30[%get3A_322, %get3A_323] {strides = array<i32>} : memref<26x512xi32, #tpu.memory_space<vmem>>, vector<1x16xi32>,
      %get3A_325 = vector.shape_cast %get3A_324 : vector<1x16xi32> to vector<16xi32>
      %mul3A_326 = arith.constant 16 : i32
      %mul3A_327 = arith.muli %scan3A_315, %mul3A_326 : i32
      %swap3A_328 = arith.index_cast %add3A_201 : i32 to index
      %swap3A_329 = arith.index_cast %mul3A_327 : i32 to index
      %swap3A_330 = tpu.vector_load %arg31[%swap3A_328, %swap3A_329] {strides = array<i32>} : memref<104x128xi32, #tpu.memory_space<vmem>>, vector<1x16xi32>,
      %swap3A_331 = vector.shape_cast %swap3A_330 : vector<1x16xi32> to vector<16xi32>
      %swap3A_332 = vector.shape_cast %get3A_325 : vector<16xi32> to vector<1x16xi32>
      tpu.vector_store %arg31[%swap3A_328, %swap3A_329], %swap3A_332 {strides = array<i32>} : memref<104x128xi32, #tpu.memory_space<vmem>>, vector<1x16xi32>,
      %scan3A_333 = arith.constant 0 : i32
      %scan3A_334 = arith.constant 7 : i32
      %mul3A_335 = arith.constant 128 : i32
      %mul3A_336 = arith.muli %scan3A_198, %mul3A_335 : i32
      %mul3A_337 = arith.constant 16 : i32
      %mul3A_338 = arith.muli %scan3A_334, %mul3A_337 : i32
      %add3A_339 = arith.addi %mul3A_336, %mul3A_338 : i32
      %get3A_340 = arith.constant 16 : i32
      %get3A_341 = arith.index_cast %get3A_340 : i32 to index
      %get3A_342 = arith.index_cast %add3A_339 : i32 to index
      %get3A_343 = tpu.vector_load %arg30[%get3A_341, %get3A_342] {strides = array<i32>} : memref<26x512xi32, #tpu.memory_space<vmem>>, vector<1x16xi32>,
      %get3A_344 = vector.shape_cast %get3A_343 : vector<1x16xi32> to vector<16xi32>
      %mul3A_345 = arith.constant 16 : i32
      %mul3A_346 = arith.muli %scan3A_334, %mul3A_345 : i32
      %swap3A_347 = arith.index_cast %add3A_201 : i32 to index
      %swap3A_348 = arith.index_cast %mul3A_346 : i32 to index
      %swap3A_349 = tpu.vector_load %arg31[%swap3A_347, %swap3A_348] {strides = array<i32>} : memref<104x128xi32, #tpu.memory_space<vmem>>, vector<1x16xi32>,
      %swap3A_350 = vector.shape_cast %swap3A_349 : vector<1x16xi32> to vector<16xi32>
      %swap3A_351 = vector.shape_cast %get3A_344 : vector<16xi32> to vector<1x16xi32>
      tpu.vector_store %arg31[%swap3A_347, %swap3A_348], %swap3A_351 {strides = array<i32>} : memref<104x128xi32, #tpu.memory_space<vmem>>, vector<1x16xi32>,
      %scan3A_352 = arith.constant 0 : i32
      %scan3A_353 = arith.constant 8 : i32
      %dma_start3A = arith.constant 0 : i32
      %dma_start3A_354 = tpu.memref_slice %arg32[%add3A_201, %dma_start3A] : memref<104x128xf32, #tpu.memory_space<vmem>> -> memref<1x128xf32, #tpu.memory_space<vmem>>
      %dma_start3A_355 = tpu.memref_squeeze %dma_start3A_354 : memref<1x128xf32, #tpu.memory_space<vmem>> -> memref<128xf32, #tpu.memory_space<vmem>>
      %dma_start3A_356 = arith.constant 0 : i32
      %dma_start3A_357 = tpu.memref_slice %arg31[%add3A_201, %dma_start3A_356] : memref<104x128xi32, #tpu.memory_space<vmem>> -> memref<1x128xi32, #tpu.memory_space<vmem>>
      %dma_start3A_358 = tpu.memref_squeeze %dma_start3A_357 : memref<1x128xi32, #tpu.memory_space<vmem>> -> memref<128xi32, #tpu.memory_space<vmem>>
      %dma_start3A_359 = arith.constant 0 : i32
      %dma_start3A_360 = tpu.memref_slice %arg19[%dma_start3A_359] : memref<1000000xf32, #tpu.memory_space<hbm>> -> memref<1000000xf32, #tpu.memory_space<hbm>>
      tpu.enqueue_indirect_dma source(%dma_start3A_360 : memref<1000000xf32, #tpu.memory_space<hbm>>) target(%dma_start3A_355 : memref<128xf32, #tpu.memory_space<vmem>>) offsets(%dma_start3A_358 : memref<128xi32, #tpu.memory_space<vmem>>) semaphore(%arg34 : memref<!tpu.dma_semaphore, #tpu.memory_space<semaphore_mem>>)
      %scan3A_361 = arith.constant 0 : i32
      scf.yield %scan3A_361 : i32
    }
    %scan3A_120 = arith.constant 4 : i32
    %scan3A_121 = arith.constant 0 : i32
    %scan3A_122 = arith.constant 0 : i32
    %scan3A_123 = arith.constant 4 : i32
    %scan3A_124 = arith.addi %scan3A_122, %scan3A_123 : i32
    %scan3A_125 = arith.constant 1 : i32
    %scan3A_126 = scf.for %scan3A_198 = %scan3A_122 to %scan3A_124 step %scan3A_125 iter_args(%scan3A_199 = %scan3A_121) -> (i32)  : i32 {
      %add3A_200 = arith.constant 68 : i32
      %add3A_201 = arith.addi %add3A_200, %scan3A_198 : i32
      %scan3A_202 = arith.constant 0 : i32
      %scan3A_203 = arith.constant 0 : i32
      %mul3A_204 = arith.constant 128 : i32
      %mul3A_205 = arith.muli %scan3A_198, %mul3A_204 : i32
      %mul3A_206 = arith.constant 16 : i32
      %mul3A_207 = arith.muli %scan3A_203, %mul3A_206 : i32
      %add3A_208 = arith.addi %mul3A_205, %mul3A_207 : i32
      %get3A = arith.constant 17 : i32
      %get3A_209 = arith.index_cast %get3A : i32 to index
      %get3A_210 = arith.index_cast %add3A_208 : i32 to index
      %get3A_211 = tpu.vector_load %arg30[%get3A_209, %get3A_210] {strides = array<i32>} : memref<26x512xi32, #tpu.memory_space<vmem>>, vector<1x16xi32>,
      %get3A_212 = vector.shape_cast %get3A_211 : vector<1x16xi32> to vector<16xi32>
      %mul3A_213 = arith.constant 16 : i32
      %mul3A_214 = arith.muli %scan3A_203, %mul3A_213 : i32
      %swap3A = arith.index_cast %add3A_201 : i32 to index
      %swap3A_215 = arith.index_cast %mul3A_214 : i32 to index
      %swap3A_216 = tpu.vector_load %arg31[%swap3A, %swap3A_215] {strides = array<i32>} : memref<104x128xi32, #tpu.memory_space<vmem>>, vector<1x16xi32>,
      %swap3A_217 = vector.shape_cast %swap3A_216 : vector<1x16xi32> to vector<16xi32>
      %swap3A_218 = vector.shape_cast %get3A_212 : vector<16xi32> to vector<1x16xi32>
      tpu.vector_store %arg31[%swap3A, %swap3A_215], %swap3A_218 {strides = array<i32>} : memref<104x128xi32, #tpu.memory_space<vmem>>, vector<1x16xi32>,
      %scan3A_219 = arith.constant 0 : i32
      %scan3A_220 = arith.constant 1 : i32
      %mul3A_221 = arith.constant 128 : i32
      %mul3A_222 = arith.muli %scan3A_198, %mul3A_221 : i32
      %mul3A_223 = arith.constant 16 : i32
      %mul3A_224 = arith.muli %scan3A_220, %mul3A_223 : i32
      %add3A_225 = arith.addi %mul3A_222, %mul3A_224 : i32
      %get3A_226 = arith.constant 17 : i32
      %get3A_227 = arith.index_cast %get3A_226 : i32 to index
      %get3A_228 = arith.index_cast %add3A_225 : i32 to index
      %get3A_229 = tpu.vector_load %arg30[%get3A_227, %get3A_228] {strides = array<i32>} : memref<26x512xi32, #tpu.memory_space<vmem>>, vector<1x16xi32>,
      %get3A_230 = vector.shape_cast %get3A_229 : vector<1x16xi32> to vector<16xi32>
      %mul3A_231 = arith.constant 16 : i32
      %mul3A_232 = arith.muli %scan3A_220, %mul3A_231 : i32
      %swap3A_233 = arith.index_cast %add3A_201 : i32 to index
      %swap3A_234 = arith.index_cast %mul3A_232 : i32 to index
      %swap3A_235 = tpu.vector_load %arg31[%swap3A_233, %swap3A_234] {strides = array<i32>} : memref<104x128xi32, #tpu.memory_space<vmem>>, vector<1x16xi32>,
      %swap3A_236 = vector.shape_cast %swap3A_235 : vector<1x16xi32> to vector<16xi32>
      %swap3A_237 = vector.shape_cast %get3A_230 : vector<16xi32> to vector<1x16xi32>
      tpu.vector_store %arg31[%swap3A_233, %swap3A_234], %swap3A_237 {strides = array<i32>} : memref<104x128xi32, #tpu.memory_space<vmem>>, vector<1x16xi32>,
      %scan3A_238 = arith.constant 0 : i32
      %scan3A_239 = arith.constant 2 : i32
      %mul3A_240 = arith.constant 128 : i32
      %mul3A_241 = arith.muli %scan3A_198, %mul3A_240 : i32
      %mul3A_242 = arith.constant 16 : i32
      %mul3A_243 = arith.muli %scan3A_239, %mul3A_242 : i32
      %add3A_244 = arith.addi %mul3A_241, %mul3A_243 : i32
      %get3A_245 = arith.constant 17 : i32
      %get3A_246 = arith.index_cast %get3A_245 : i32 to index
      %get3A_247 = arith.index_cast %add3A_244 : i32 to index
      %get3A_248 = tpu.vector_load %arg30[%get3A_246, %get3A_247] {strides = array<i32>} : memref<26x512xi32, #tpu.memory_space<vmem>>, vector<1x16xi32>,
      %get3A_249 = vector.shape_cast %get3A_248 : vector<1x16xi32> to vector<16xi32>
      %mul3A_250 = arith.constant 16 : i32
      %mul3A_251 = arith.muli %scan3A_239, %mul3A_250 : i32
      %swap3A_252 = arith.index_cast %add3A_201 : i32 to index
      %swap3A_253 = arith.index_cast %mul3A_251 : i32 to index
      %swap3A_254 = tpu.vector_load %arg31[%swap3A_252, %swap3A_253] {strides = array<i32>} : memref<104x128xi32, #tpu.memory_space<vmem>>, vector<1x16xi32>,
      %swap3A_255 = vector.shape_cast %swap3A_254 : vector<1x16xi32> to vector<16xi32>
      %swap3A_256 = vector.shape_cast %get3A_249 : vector<16xi32> to vector<1x16xi32>
      tpu.vector_store %arg31[%swap3A_252, %swap3A_253], %swap3A_256 {strides = array<i32>} : memref<104x128xi32, #tpu.memory_space<vmem>>, vector<1x16xi32>,
      %scan3A_257 = arith.constant 0 : i32
      %scan3A_258 = arith.constant 3 : i32
      %mul3A_259 = arith.constant 128 : i32
      %mul3A_260 = arith.muli %scan3A_198, %mul3A_259 : i32
      %mul3A_261 = arith.constant 16 : i32
      %mul3A_262 = arith.muli %scan3A_258, %mul3A_261 : i32
      %add3A_263 = arith.addi %mul3A_260, %mul3A_262 : i32
      %get3A_264 = arith.constant 17 : i32
      %get3A_265 = arith.index_cast %get3A_264 : i32 to index
      %get3A_266 = arith.index_cast %add3A_263 : i32 to index
      %get3A_267 = tpu.vector_load %arg30[%get3A_265, %get3A_266] {strides = array<i32>} : memref<26x512xi32, #tpu.memory_space<vmem>>, vector<1x16xi32>,
      %get3A_268 = vector.shape_cast %get3A_267 : vector<1x16xi32> to vector<16xi32>
      %mul3A_269 = arith.constant 16 : i32
      %mul3A_270 = arith.muli %scan3A_258, %mul3A_269 : i32
      %swap3A_271 = arith.index_cast %add3A_201 : i32 to index
      %swap3A_272 = arith.index_cast %mul3A_270 : i32 to index
      %swap3A_273 = tpu.vector_load %arg31[%swap3A_271, %swap3A_272] {strides = array<i32>} : memref<104x128xi32, #tpu.memory_space<vmem>>, vector<1x16xi32>,
      %swap3A_274 = vector.shape_cast %swap3A_273 : vector<1x16xi32> to vector<16xi32>
      %swap3A_275 = vector.shape_cast %get3A_268 : vector<16xi32> to vector<1x16xi32>
      tpu.vector_store %arg31[%swap3A_271, %swap3A_272], %swap3A_275 {strides = array<i32>} : memref<104x128xi32, #tpu.memory_space<vmem>>, vector<1x16xi32>,
      %scan3A_276 = arith.constant 0 : i32
      %scan3A_277 = arith.constant 4 : i32
      %mul3A_278 = arith.constant 128 : i32
      %mul3A_279 = arith.muli %scan3A_198, %mul3A_278 : i32
      %mul3A_280 = arith.constant 16 : i32
      %mul3A_281 = arith.muli %scan3A_277, %mul3A_280 : i32
      %add3A_282 = arith.addi %mul3A_279, %mul3A_281 : i32
      %get3A_283 = arith.constant 17 : i32
      %get3A_284 = arith.index_cast %get3A_283 : i32 to index
      %get3A_285 = arith.index_cast %add3A_282 : i32 to index
      %get3A_286 = tpu.vector_load %arg30[%get3A_284, %get3A_285] {strides = array<i32>} : memref<26x512xi32, #tpu.memory_space<vmem>>, vector<1x16xi32>,
      %get3A_287 = vector.shape_cast %get3A_286 : vector<1x16xi32> to vector<16xi32>
      %mul3A_288 = arith.constant 16 : i32
      %mul3A_289 = arith.muli %scan3A_277, %mul3A_288 : i32
      %swap3A_290 = arith.index_cast %add3A_201 : i32 to index
      %swap3A_291 = arith.index_cast %mul3A_289 : i32 to index
      %swap3A_292 = tpu.vector_load %arg31[%swap3A_290, %swap3A_291] {strides = array<i32>} : memref<104x128xi32, #tpu.memory_space<vmem>>, vector<1x16xi32>,
      %swap3A_293 = vector.shape_cast %swap3A_292 : vector<1x16xi32> to vector<16xi32>
      %swap3A_294 = vector.shape_cast %get3A_287 : vector<16xi32> to vector<1x16xi32>
      tpu.vector_store %arg31[%swap3A_290, %swap3A_291], %swap3A_294 {strides = array<i32>} : memref<104x128xi32, #tpu.memory_space<vmem>>, vector<1x16xi32>,
      %scan3A_295 = arith.constant 0 : i32
      %scan3A_296 = arith.constant 5 : i32
      %mul3A_297 = arith.constant 128 : i32
      %mul3A_298 = arith.muli %scan3A_198, %mul3A_297 : i32
      %mul3A_299 = arith.constant 16 : i32
      %mul3A_300 = arith.muli %scan3A_296, %mul3A_299 : i32
      %add3A_301 = arith.addi %mul3A_298, %mul3A_300 : i32
      %get3A_302 = arith.constant 17 : i32
      %get3A_303 = arith.index_cast %get3A_302 : i32 to index
      %get3A_304 = arith.index_cast %add3A_301 : i32 to index
      %get3A_305 = tpu.vector_load %arg30[%get3A_303, %get3A_304] {strides = array<i32>} : memref<26x512xi32, #tpu.memory_space<vmem>>, vector<1x16xi32>,
      %get3A_306 = vector.shape_cast %get3A_305 : vector<1x16xi32> to vector<16xi32>
      %mul3A_307 = arith.constant 16 : i32
      %mul3A_308 = arith.muli %scan3A_296, %mul3A_307 : i32
      %swap3A_309 = arith.index_cast %add3A_201 : i32 to index
      %swap3A_310 = arith.index_cast %mul3A_308 : i32 to index
      %swap3A_311 = tpu.vector_load %arg31[%swap3A_309, %swap3A_310] {strides = array<i32>} : memref<104x128xi32, #tpu.memory_space<vmem>>, vector<1x16xi32>,
      %swap3A_312 = vector.shape_cast %swap3A_311 : vector<1x16xi32> to vector<16xi32>
      %swap3A_313 = vector.shape_cast %get3A_306 : vector<16xi32> to vector<1x16xi32>
      tpu.vector_store %arg31[%swap3A_309, %swap3A_310], %swap3A_313 {strides = array<i32>} : memref<104x128xi32, #tpu.memory_space<vmem>>, vector<1x16xi32>,
      %scan3A_314 = arith.constant 0 : i32
      %scan3A_315 = arith.constant 6 : i32
      %mul3A_316 = arith.constant 128 : i32
      %mul3A_317 = arith.muli %scan3A_198, %mul3A_316 : i32
      %mul3A_318 = arith.constant 16 : i32
      %mul3A_319 = arith.muli %scan3A_315, %mul3A_318 : i32
      %add3A_320 = arith.addi %mul3A_317, %mul3A_319 : i32
      %get3A_321 = arith.constant 17 : i32
      %get3A_322 = arith.index_cast %get3A_321 : i32 to index
      %get3A_323 = arith.index_cast %add3A_320 : i32 to index
      %get3A_324 = tpu.vector_load %arg30[%get3A_322, %get3A_323] {strides = array<i32>} : memref<26x512xi32, #tpu.memory_space<vmem>>, vector<1x16xi32>,
      %get3A_325 = vector.shape_cast %get3A_324 : vector<1x16xi32> to vector<16xi32>
      %mul3A_326 = arith.constant 16 : i32
      %mul3A_327 = arith.muli %scan3A_315, %mul3A_326 : i32
      %swap3A_328 = arith.index_cast %add3A_201 : i32 to index
      %swap3A_329 = arith.index_cast %mul3A_327 : i32 to index
      %swap3A_330 = tpu.vector_load %arg31[%swap3A_328, %swap3A_329] {strides = array<i32>} : memref<104x128xi32, #tpu.memory_space<vmem>>, vector<1x16xi32>,
      %swap3A_331 = vector.shape_cast %swap3A_330 : vector<1x16xi32> to vector<16xi32>
      %swap3A_332 = vector.shape_cast %get3A_325 : vector<16xi32> to vector<1x16xi32>
      tpu.vector_store %arg31[%swap3A_328, %swap3A_329], %swap3A_332 {strides = array<i32>} : memref<104x128xi32, #tpu.memory_space<vmem>>, vector<1x16xi32>,
      %scan3A_333 = arith.constant 0 : i32
      %scan3A_334 = arith.constant 7 : i32
      %mul3A_335 = arith.constant 128 : i32
      %mul3A_336 = arith.muli %scan3A_198, %mul3A_335 : i32
      %mul3A_337 = arith.constant 16 : i32
      %mul3A_338 = arith.muli %scan3A_334, %mul3A_337 : i32
      %add3A_339 = arith.addi %mul3A_336, %mul3A_338 : i32
      %get3A_340 = arith.constant 17 : i32
      %get3A_341 = arith.index_cast %get3A_340 : i32 to index
      %get3A_342 = arith.index_cast %add3A_339 : i32 to index
      %get3A_343 = tpu.vector_load %arg30[%get3A_341, %get3A_342] {strides = array<i32>} : memref<26x512xi32, #tpu.memory_space<vmem>>, vector<1x16xi32>,
      %get3A_344 = vector.shape_cast %get3A_343 : vector<1x16xi32> to vector<16xi32>
      %mul3A_345 = arith.constant 16 : i32
      %mul3A_346 = arith.muli %scan3A_334, %mul3A_345 : i32
      %swap3A_347 = arith.index_cast %add3A_201 : i32 to index
      %swap3A_348 = arith.index_cast %mul3A_346 : i32 to index
      %swap3A_349 = tpu.vector_load %arg31[%swap3A_347, %swap3A_348] {strides = array<i32>} : memref<104x128xi32, #tpu.memory_space<vmem>>, vector<1x16xi32>,
      %swap3A_350 = vector.shape_cast %swap3A_349 : vector<1x16xi32> to vector<16xi32>
      %swap3A_351 = vector.shape_cast %get3A_344 : vector<16xi32> to vector<1x16xi32>
      tpu.vector_store %arg31[%swap3A_347, %swap3A_348], %swap3A_351 {strides = array<i32>} : memref<104x128xi32, #tpu.memory_space<vmem>>, vector<1x16xi32>,
      %scan3A_352 = arith.constant 0 : i32
      %scan3A_353 = arith.constant 8 : i32
      %dma_start3A = arith.constant 0 : i32
      %dma_start3A_354 = tpu.memref_slice %arg32[%add3A_201, %dma_start3A] : memref<104x128xf32, #tpu.memory_space<vmem>> -> memref<1x128xf32, #tpu.memory_space<vmem>>
      %dma_start3A_355 = tpu.memref_squeeze %dma_start3A_354 : memref<1x128xf32, #tpu.memory_space<vmem>> -> memref<128xf32, #tpu.memory_space<vmem>>
      %dma_start3A_356 = arith.constant 0 : i32
      %dma_start3A_357 = tpu.memref_slice %arg31[%add3A_201, %dma_start3A_356] : memref<104x128xi32, #tpu.memory_space<vmem>> -> memref<1x128xi32, #tpu.memory_space<vmem>>
      %dma_start3A_358 = tpu.memref_squeeze %dma_start3A_357 : memref<1x128xi32, #tpu.memory_space<vmem>> -> memref<128xi32, #tpu.memory_space<vmem>>
      %dma_start3A_359 = arith.constant 0 : i32
      %dma_start3A_360 = tpu.memref_slice %arg20[%dma_start3A_359] : memref<1000000xf32, #tpu.memory_space<hbm>> -> memref<1000000xf32, #tpu.memory_space<hbm>>
      tpu.enqueue_indirect_dma source(%dma_start3A_360 : memref<1000000xf32, #tpu.memory_space<hbm>>) target(%dma_start3A_355 : memref<128xf32, #tpu.memory_space<vmem>>) offsets(%dma_start3A_358 : memref<128xi32, #tpu.memory_space<vmem>>) semaphore(%arg34 : memref<!tpu.dma_semaphore, #tpu.memory_space<semaphore_mem>>)
      %scan3A_361 = arith.constant 0 : i32
      scf.yield %scan3A_361 : i32
    }
    %scan3A_127 = arith.constant 4 : i32
    %scan3A_128 = arith.constant 0 : i32
    %scan3A_129 = arith.constant 0 : i32
    %scan3A_130 = arith.constant 4 : i32
    %scan3A_131 = arith.addi %scan3A_129, %scan3A_130 : i32
    %scan3A_132 = arith.constant 1 : i32
    %scan3A_133 = scf.for %scan3A_198 = %scan3A_129 to %scan3A_131 step %scan3A_132 iter_args(%scan3A_199 = %scan3A_128) -> (i32)  : i32 {
      %add3A_200 = arith.constant 72 : i32
      %add3A_201 = arith.addi %add3A_200, %scan3A_198 : i32
      %scan3A_202 = arith.constant 0 : i32
      %scan3A_203 = arith.constant 0 : i32
      %mul3A_204 = arith.constant 128 : i32
      %mul3A_205 = arith.muli %scan3A_198, %mul3A_204 : i32
      %mul3A_206 = arith.constant 16 : i32
      %mul3A_207 = arith.muli %scan3A_203, %mul3A_206 : i32
      %add3A_208 = arith.addi %mul3A_205, %mul3A_207 : i32
      %get3A = arith.constant 18 : i32
      %get3A_209 = arith.index_cast %get3A : i32 to index
      %get3A_210 = arith.index_cast %add3A_208 : i32 to index
      %get3A_211 = tpu.vector_load %arg30[%get3A_209, %get3A_210] {strides = array<i32>} : memref<26x512xi32, #tpu.memory_space<vmem>>, vector<1x16xi32>,
      %get3A_212 = vector.shape_cast %get3A_211 : vector<1x16xi32> to vector<16xi32>
      %mul3A_213 = arith.constant 16 : i32
      %mul3A_214 = arith.muli %scan3A_203, %mul3A_213 : i32
      %swap3A = arith.index_cast %add3A_201 : i32 to index
      %swap3A_215 = arith.index_cast %mul3A_214 : i32 to index
      %swap3A_216 = tpu.vector_load %arg31[%swap3A, %swap3A_215] {strides = array<i32>} : memref<104x128xi32, #tpu.memory_space<vmem>>, vector<1x16xi32>,
      %swap3A_217 = vector.shape_cast %swap3A_216 : vector<1x16xi32> to vector<16xi32>
      %swap3A_218 = vector.shape_cast %get3A_212 : vector<16xi32> to vector<1x16xi32>
      tpu.vector_store %arg31[%swap3A, %swap3A_215], %swap3A_218 {strides = array<i32>} : memref<104x128xi32, #tpu.memory_space<vmem>>, vector<1x16xi32>,
      %scan3A_219 = arith.constant 0 : i32
      %scan3A_220 = arith.constant 1 : i32
      %mul3A_221 = arith.constant 128 : i32
      %mul3A_222 = arith.muli %scan3A_198, %mul3A_221 : i32
      %mul3A_223 = arith.constant 16 : i32
      %mul3A_224 = arith.muli %scan3A_220, %mul3A_223 : i32
      %add3A_225 = arith.addi %mul3A_222, %mul3A_224 : i32
      %get3A_226 = arith.constant 18 : i32
      %get3A_227 = arith.index_cast %get3A_226 : i32 to index
      %get3A_228 = arith.index_cast %add3A_225 : i32 to index
      %get3A_229 = tpu.vector_load %arg30[%get3A_227, %get3A_228] {strides = array<i32>} : memref<26x512xi32, #tpu.memory_space<vmem>>, vector<1x16xi32>,
      %get3A_230 = vector.shape_cast %get3A_229 : vector<1x16xi32> to vector<16xi32>
      %mul3A_231 = arith.constant 16 : i32
      %mul3A_232 = arith.muli %scan3A_220, %mul3A_231 : i32
      %swap3A_233 = arith.index_cast %add3A_201 : i32 to index
      %swap3A_234 = arith.index_cast %mul3A_232 : i32 to index
      %swap3A_235 = tpu.vector_load %arg31[%swap3A_233, %swap3A_234] {strides = array<i32>} : memref<104x128xi32, #tpu.memory_space<vmem>>, vector<1x16xi32>,
      %swap3A_236 = vector.shape_cast %swap3A_235 : vector<1x16xi32> to vector<16xi32>
      %swap3A_237 = vector.shape_cast %get3A_230 : vector<16xi32> to vector<1x16xi32>
      tpu.vector_store %arg31[%swap3A_233, %swap3A_234], %swap3A_237 {strides = array<i32>} : memref<104x128xi32, #tpu.memory_space<vmem>>, vector<1x16xi32>,
      %scan3A_238 = arith.constant 0 : i32
      %scan3A_239 = arith.constant 2 : i32
      %mul3A_240 = arith.constant 128 : i32
      %mul3A_241 = arith.muli %scan3A_198, %mul3A_240 : i32
      %mul3A_242 = arith.constant 16 : i32
      %mul3A_243 = arith.muli %scan3A_239, %mul3A_242 : i32
      %add3A_244 = arith.addi %mul3A_241, %mul3A_243 : i32
      %get3A_245 = arith.constant 18 : i32
      %get3A_246 = arith.index_cast %get3A_245 : i32 to index
      %get3A_247 = arith.index_cast %add3A_244 : i32 to index
      %get3A_248 = tpu.vector_load %arg30[%get3A_246, %get3A_247] {strides = array<i32>} : memref<26x512xi32, #tpu.memory_space<vmem>>, vector<1x16xi32>,
      %get3A_249 = vector.shape_cast %get3A_248 : vector<1x16xi32> to vector<16xi32>
      %mul3A_250 = arith.constant 16 : i32
      %mul3A_251 = arith.muli %scan3A_239, %mul3A_250 : i32
      %swap3A_252 = arith.index_cast %add3A_201 : i32 to index
      %swap3A_253 = arith.index_cast %mul3A_251 : i32 to index
      %swap3A_254 = tpu.vector_load %arg31[%swap3A_252, %swap3A_253] {strides = array<i32>} : memref<104x128xi32, #tpu.memory_space<vmem>>, vector<1x16xi32>,
      %swap3A_255 = vector.shape_cast %swap3A_254 : vector<1x16xi32> to vector<16xi32>
      %swap3A_256 = vector.shape_cast %get3A_249 : vector<16xi32> to vector<1x16xi32>
      tpu.vector_store %arg31[%swap3A_252, %swap3A_253], %swap3A_256 {strides = array<i32>} : memref<104x128xi32, #tpu.memory_space<vmem>>, vector<1x16xi32>,
      %scan3A_257 = arith.constant 0 : i32
      %scan3A_258 = arith.constant 3 : i32
      %mul3A_259 = arith.constant 128 : i32
      %mul3A_260 = arith.muli %scan3A_198, %mul3A_259 : i32
      %mul3A_261 = arith.constant 16 : i32
      %mul3A_262 = arith.muli %scan3A_258, %mul3A_261 : i32
      %add3A_263 = arith.addi %mul3A_260, %mul3A_262 : i32
      %get3A_264 = arith.constant 18 : i32
      %get3A_265 = arith.index_cast %get3A_264 : i32 to index
      %get3A_266 = arith.index_cast %add3A_263 : i32 to index
      %get3A_267 = tpu.vector_load %arg30[%get3A_265, %get3A_266] {strides = array<i32>} : memref<26x512xi32, #tpu.memory_space<vmem>>, vector<1x16xi32>,
      %get3A_268 = vector.shape_cast %get3A_267 : vector<1x16xi32> to vector<16xi32>
      %mul3A_269 = arith.constant 16 : i32
      %mul3A_270 = arith.muli %scan3A_258, %mul3A_269 : i32
      %swap3A_271 = arith.index_cast %add3A_201 : i32 to index
      %swap3A_272 = arith.index_cast %mul3A_270 : i32 to index
      %swap3A_273 = tpu.vector_load %arg31[%swap3A_271, %swap3A_272] {strides = array<i32>} : memref<104x128xi32, #tpu.memory_space<vmem>>, vector<1x16xi32>,
      %swap3A_274 = vector.shape_cast %swap3A_273 : vector<1x16xi32> to vector<16xi32>
      %swap3A_275 = vector.shape_cast %get3A_268 : vector<16xi32> to vector<1x16xi32>
      tpu.vector_store %arg31[%swap3A_271, %swap3A_272], %swap3A_275 {strides = array<i32>} : memref<104x128xi32, #tpu.memory_space<vmem>>, vector<1x16xi32>,
      %scan3A_276 = arith.constant 0 : i32
      %scan3A_277 = arith.constant 4 : i32
      %mul3A_278 = arith.constant 128 : i32
      %mul3A_279 = arith.muli %scan3A_198, %mul3A_278 : i32
      %mul3A_280 = arith.constant 16 : i32
      %mul3A_281 = arith.muli %scan3A_277, %mul3A_280 : i32
      %add3A_282 = arith.addi %mul3A_279, %mul3A_281 : i32
      %get3A_283 = arith.constant 18 : i32
      %get3A_284 = arith.index_cast %get3A_283 : i32 to index
      %get3A_285 = arith.index_cast %add3A_282 : i32 to index
      %get3A_286 = tpu.vector_load %arg30[%get3A_284, %get3A_285] {strides = array<i32>} : memref<26x512xi32, #tpu.memory_space<vmem>>, vector<1x16xi32>,
      %get3A_287 = vector.shape_cast %get3A_286 : vector<1x16xi32> to vector<16xi32>
      %mul3A_288 = arith.constant 16 : i32
      %mul3A_289 = arith.muli %scan3A_277, %mul3A_288 : i32
      %swap3A_290 = arith.index_cast %add3A_201 : i32 to index
      %swap3A_291 = arith.index_cast %mul3A_289 : i32 to index
      %swap3A_292 = tpu.vector_load %arg31[%swap3A_290, %swap3A_291] {strides = array<i32>} : memref<104x128xi32, #tpu.memory_space<vmem>>, vector<1x16xi32>,
      %swap3A_293 = vector.shape_cast %swap3A_292 : vector<1x16xi32> to vector<16xi32>
      %swap3A_294 = vector.shape_cast %get3A_287 : vector<16xi32> to vector<1x16xi32>
      tpu.vector_store %arg31[%swap3A_290, %swap3A_291], %swap3A_294 {strides = array<i32>} : memref<104x128xi32, #tpu.memory_space<vmem>>, vector<1x16xi32>,
      %scan3A_295 = arith.constant 0 : i32
      %scan3A_296 = arith.constant 5 : i32
      %mul3A_297 = arith.constant 128 : i32
      %mul3A_298 = arith.muli %scan3A_198, %mul3A_297 : i32
      %mul3A_299 = arith.constant 16 : i32
      %mul3A_300 = arith.muli %scan3A_296, %mul3A_299 : i32
      %add3A_301 = arith.addi %mul3A_298, %mul3A_300 : i32
      %get3A_302 = arith.constant 18 : i32
      %get3A_303 = arith.index_cast %get3A_302 : i32 to index
      %get3A_304 = arith.index_cast %add3A_301 : i32 to index
      %get3A_305 = tpu.vector_load %arg30[%get3A_303, %get3A_304] {strides = array<i32>} : memref<26x512xi32, #tpu.memory_space<vmem>>, vector<1x16xi32>,
      %get3A_306 = vector.shape_cast %get3A_305 : vector<1x16xi32> to vector<16xi32>
      %mul3A_307 = arith.constant 16 : i32
      %mul3A_308 = arith.muli %scan3A_296, %mul3A_307 : i32
      %swap3A_309 = arith.index_cast %add3A_201 : i32 to index
      %swap3A_310 = arith.index_cast %mul3A_308 : i32 to index
      %swap3A_311 = tpu.vector_load %arg31[%swap3A_309, %swap3A_310] {strides = array<i32>} : memref<104x128xi32, #tpu.memory_space<vmem>>, vector<1x16xi32>,
      %swap3A_312 = vector.shape_cast %swap3A_311 : vector<1x16xi32> to vector<16xi32>
      %swap3A_313 = vector.shape_cast %get3A_306 : vector<16xi32> to vector<1x16xi32>
      tpu.vector_store %arg31[%swap3A_309, %swap3A_310], %swap3A_313 {strides = array<i32>} : memref<104x128xi32, #tpu.memory_space<vmem>>, vector<1x16xi32>,
      %scan3A_314 = arith.constant 0 : i32
      %scan3A_315 = arith.constant 6 : i32
      %mul3A_316 = arith.constant 128 : i32
      %mul3A_317 = arith.muli %scan3A_198, %mul3A_316 : i32
      %mul3A_318 = arith.constant 16 : i32
      %mul3A_319 = arith.muli %scan3A_315, %mul3A_318 : i32
      %add3A_320 = arith.addi %mul3A_317, %mul3A_319 : i32
      %get3A_321 = arith.constant 18 : i32
      %get3A_322 = arith.index_cast %get3A_321 : i32 to index
      %get3A_323 = arith.index_cast %add3A_320 : i32 to index
      %get3A_324 = tpu.vector_load %arg30[%get3A_322, %get3A_323] {strides = array<i32>} : memref<26x512xi32, #tpu.memory_space<vmem>>, vector<1x16xi32>,
      %get3A_325 = vector.shape_cast %get3A_324 : vector<1x16xi32> to vector<16xi32>
      %mul3A_326 = arith.constant 16 : i32
      %mul3A_327 = arith.muli %scan3A_315, %mul3A_326 : i32
      %swap3A_328 = arith.index_cast %add3A_201 : i32 to index
      %swap3A_329 = arith.index_cast %mul3A_327 : i32 to index
      %swap3A_330 = tpu.vector_load %arg31[%swap3A_328, %swap3A_329] {strides = array<i32>} : memref<104x128xi32, #tpu.memory_space<vmem>>, vector<1x16xi32>,
      %swap3A_331 = vector.shape_cast %swap3A_330 : vector<1x16xi32> to vector<16xi32>
      %swap3A_332 = vector.shape_cast %get3A_325 : vector<16xi32> to vector<1x16xi32>
      tpu.vector_store %arg31[%swap3A_328, %swap3A_329], %swap3A_332 {strides = array<i32>} : memref<104x128xi32, #tpu.memory_space<vmem>>, vector<1x16xi32>,
      %scan3A_333 = arith.constant 0 : i32
      %scan3A_334 = arith.constant 7 : i32
      %mul3A_335 = arith.constant 128 : i32
      %mul3A_336 = arith.muli %scan3A_198, %mul3A_335 : i32
      %mul3A_337 = arith.constant 16 : i32
      %mul3A_338 = arith.muli %scan3A_334, %mul3A_337 : i32
      %add3A_339 = arith.addi %mul3A_336, %mul3A_338 : i32
      %get3A_340 = arith.constant 18 : i32
      %get3A_341 = arith.index_cast %get3A_340 : i32 to index
      %get3A_342 = arith.index_cast %add3A_339 : i32 to index
      %get3A_343 = tpu.vector_load %arg30[%get3A_341, %get3A_342] {strides = array<i32>} : memref<26x512xi32, #tpu.memory_space<vmem>>, vector<1x16xi32>,
      %get3A_344 = vector.shape_cast %get3A_343 : vector<1x16xi32> to vector<16xi32>
      %mul3A_345 = arith.constant 16 : i32
      %mul3A_346 = arith.muli %scan3A_334, %mul3A_345 : i32
      %swap3A_347 = arith.index_cast %add3A_201 : i32 to index
      %swap3A_348 = arith.index_cast %mul3A_346 : i32 to index
      %swap3A_349 = tpu.vector_load %arg31[%swap3A_347, %swap3A_348] {strides = array<i32>} : memref<104x128xi32, #tpu.memory_space<vmem>>, vector<1x16xi32>,
      %swap3A_350 = vector.shape_cast %swap3A_349 : vector<1x16xi32> to vector<16xi32>
      %swap3A_351 = vector.shape_cast %get3A_344 : vector<16xi32> to vector<1x16xi32>
      tpu.vector_store %arg31[%swap3A_347, %swap3A_348], %swap3A_351 {strides = array<i32>} : memref<104x128xi32, #tpu.memory_space<vmem>>, vector<1x16xi32>,
      %scan3A_352 = arith.constant 0 : i32
      %scan3A_353 = arith.constant 8 : i32
      %dma_start3A = arith.constant 0 : i32
      %dma_start3A_354 = tpu.memref_slice %arg32[%add3A_201, %dma_start3A] : memref<104x128xf32, #tpu.memory_space<vmem>> -> memref<1x128xf32, #tpu.memory_space<vmem>>
      %dma_start3A_355 = tpu.memref_squeeze %dma_start3A_354 : memref<1x128xf32, #tpu.memory_space<vmem>> -> memref<128xf32, #tpu.memory_space<vmem>>
      %dma_start3A_356 = arith.constant 0 : i32
      %dma_start3A_357 = tpu.memref_slice %arg31[%add3A_201, %dma_start3A_356] : memref<104x128xi32, #tpu.memory_space<vmem>> -> memref<1x128xi32, #tpu.memory_space<vmem>>
      %dma_start3A_358 = tpu.memref_squeeze %dma_start3A_357 : memref<1x128xi32, #tpu.memory_space<vmem>> -> memref<128xi32, #tpu.memory_space<vmem>>
      %dma_start3A_359 = arith.constant 0 : i32
      %dma_start3A_360 = tpu.memref_slice %arg21[%dma_start3A_359] : memref<1000000xf32, #tpu.memory_space<hbm>> -> memref<1000000xf32, #tpu.memory_space<hbm>>
      tpu.enqueue_indirect_dma source(%dma_start3A_360 : memref<1000000xf32, #tpu.memory_space<hbm>>) target(%dma_start3A_355 : memref<128xf32, #tpu.memory_space<vmem>>) offsets(%dma_start3A_358 : memref<128xi32, #tpu.memory_space<vmem>>) semaphore(%arg34 : memref<!tpu.dma_semaphore, #tpu.memory_space<semaphore_mem>>)
      %scan3A_361 = arith.constant 0 : i32
      scf.yield %scan3A_361 : i32
    }
    %scan3A_134 = arith.constant 4 : i32
    %scan3A_135 = arith.constant 0 : i32
    %scan3A_136 = arith.constant 0 : i32
    %scan3A_137 = arith.constant 4 : i32
    %scan3A_138 = arith.addi %scan3A_136, %scan3A_137 : i32
    %scan3A_139 = arith.constant 1 : i32
    %scan3A_140 = scf.for %scan3A_198 = %scan3A_136 to %scan3A_138 step %scan3A_139 iter_args(%scan3A_199 = %scan3A_135) -> (i32)  : i32 {
      %add3A_200 = arith.constant 76 : i32
      %add3A_201 = arith.addi %add3A_200, %scan3A_198 : i32
      %scan3A_202 = arith.constant 0 : i32
      %scan3A_203 = arith.constant 0 : i32
      %mul3A_204 = arith.constant 128 : i32
      %mul3A_205 = arith.muli %scan3A_198, %mul3A_204 : i32
      %mul3A_206 = arith.constant 16 : i32
      %mul3A_207 = arith.muli %scan3A_203, %mul3A_206 : i32
      %add3A_208 = arith.addi %mul3A_205, %mul3A_207 : i32
      %get3A = arith.constant 19 : i32
      %get3A_209 = arith.index_cast %get3A : i32 to index
      %get3A_210 = arith.index_cast %add3A_208 : i32 to index
      %get3A_211 = tpu.vector_load %arg30[%get3A_209, %get3A_210] {strides = array<i32>} : memref<26x512xi32, #tpu.memory_space<vmem>>, vector<1x16xi32>,
      %get3A_212 = vector.shape_cast %get3A_211 : vector<1x16xi32> to vector<16xi32>
      %mul3A_213 = arith.constant 16 : i32
      %mul3A_214 = arith.muli %scan3A_203, %mul3A_213 : i32
      %swap3A = arith.index_cast %add3A_201 : i32 to index
      %swap3A_215 = arith.index_cast %mul3A_214 : i32 to index
      %swap3A_216 = tpu.vector_load %arg31[%swap3A, %swap3A_215] {strides = array<i32>} : memref<104x128xi32, #tpu.memory_space<vmem>>, vector<1x16xi32>,
      %swap3A_217 = vector.shape_cast %swap3A_216 : vector<1x16xi32> to vector<16xi32>
      %swap3A_218 = vector.shape_cast %get3A_212 : vector<16xi32> to vector<1x16xi32>
      tpu.vector_store %arg31[%swap3A, %swap3A_215], %swap3A_218 {strides = array<i32>} : memref<104x128xi32, #tpu.memory_space<vmem>>, vector<1x16xi32>,
      %scan3A_219 = arith.constant 0 : i32
      %scan3A_220 = arith.constant 1 : i32
      %mul3A_221 = arith.constant 128 : i32
      %mul3A_222 = arith.muli %scan3A_198, %mul3A_221 : i32
      %mul3A_223 = arith.constant 16 : i32
      %mul3A_224 = arith.muli %scan3A_220, %mul3A_223 : i32
      %add3A_225 = arith.addi %mul3A_222, %mul3A_224 : i32
      %get3A_226 = arith.constant 19 : i32
      %get3A_227 = arith.index_cast %get3A_226 : i32 to index
      %get3A_228 = arith.index_cast %add3A_225 : i32 to index
      %get3A_229 = tpu.vector_load %arg30[%get3A_227, %get3A_228] {strides = array<i32>} : memref<26x512xi32, #tpu.memory_space<vmem>>, vector<1x16xi32>,
      %get3A_230 = vector.shape_cast %get3A_229 : vector<1x16xi32> to vector<16xi32>
      %mul3A_231 = arith.constant 16 : i32
      %mul3A_232 = arith.muli %scan3A_220, %mul3A_231 : i32
      %swap3A_233 = arith.index_cast %add3A_201 : i32 to index
      %swap3A_234 = arith.index_cast %mul3A_232 : i32 to index
      %swap3A_235 = tpu.vector_load %arg31[%swap3A_233, %swap3A_234] {strides = array<i32>} : memref<104x128xi32, #tpu.memory_space<vmem>>, vector<1x16xi32>,
      %swap3A_236 = vector.shape_cast %swap3A_235 : vector<1x16xi32> to vector<16xi32>
      %swap3A_237 = vector.shape_cast %get3A_230 : vector<16xi32> to vector<1x16xi32>
      tpu.vector_store %arg31[%swap3A_233, %swap3A_234], %swap3A_237 {strides = array<i32>} : memref<104x128xi32, #tpu.memory_space<vmem>>, vector<1x16xi32>,
      %scan3A_238 = arith.constant 0 : i32
      %scan3A_239 = arith.constant 2 : i32
      %mul3A_240 = arith.constant 128 : i32
      %mul3A_241 = arith.muli %scan3A_198, %mul3A_240 : i32
      %mul3A_242 = arith.constant 16 : i32
      %mul3A_243 = arith.muli %scan3A_239, %mul3A_242 : i32
      %add3A_244 = arith.addi %mul3A_241, %mul3A_243 : i32
      %get3A_245 = arith.constant 19 : i32
      %get3A_246 = arith.index_cast %get3A_245 : i32 to index
      %get3A_247 = arith.index_cast %add3A_244 : i32 to index
      %get3A_248 = tpu.vector_load %arg30[%get3A_246, %get3A_247] {strides = array<i32>} : memref<26x512xi32, #tpu.memory_space<vmem>>, vector<1x16xi32>,
      %get3A_249 = vector.shape_cast %get3A_248 : vector<1x16xi32> to vector<16xi32>
      %mul3A_250 = arith.constant 16 : i32
      %mul3A_251 = arith.muli %scan3A_239, %mul3A_250 : i32
      %swap3A_252 = arith.index_cast %add3A_201 : i32 to index
      %swap3A_253 = arith.index_cast %mul3A_251 : i32 to index
      %swap3A_254 = tpu.vector_load %arg31[%swap3A_252, %swap3A_253] {strides = array<i32>} : memref<104x128xi32, #tpu.memory_space<vmem>>, vector<1x16xi32>,
      %swap3A_255 = vector.shape_cast %swap3A_254 : vector<1x16xi32> to vector<16xi32>
      %swap3A_256 = vector.shape_cast %get3A_249 : vector<16xi32> to vector<1x16xi32>
      tpu.vector_store %arg31[%swap3A_252, %swap3A_253], %swap3A_256 {strides = array<i32>} : memref<104x128xi32, #tpu.memory_space<vmem>>, vector<1x16xi32>,
      %scan3A_257 = arith.constant 0 : i32
      %scan3A_258 = arith.constant 3 : i32
      %mul3A_259 = arith.constant 128 : i32
      %mul3A_260 = arith.muli %scan3A_198, %mul3A_259 : i32
      %mul3A_261 = arith.constant 16 : i32
      %mul3A_262 = arith.muli %scan3A_258, %mul3A_261 : i32
      %add3A_263 = arith.addi %mul3A_260, %mul3A_262 : i32
      %get3A_264 = arith.constant 19 : i32
      %get3A_265 = arith.index_cast %get3A_264 : i32 to index
      %get3A_266 = arith.index_cast %add3A_263 : i32 to index
      %get3A_267 = tpu.vector_load %arg30[%get3A_265, %get3A_266] {strides = array<i32>} : memref<26x512xi32, #tpu.memory_space<vmem>>, vector<1x16xi32>,
      %get3A_268 = vector.shape_cast %get3A_267 : vector<1x16xi32> to vector<16xi32>
      %mul3A_269 = arith.constant 16 : i32
      %mul3A_270 = arith.muli %scan3A_258, %mul3A_269 : i32
      %swap3A_271 = arith.index_cast %add3A_201 : i32 to index
      %swap3A_272 = arith.index_cast %mul3A_270 : i32 to index
      %swap3A_273 = tpu.vector_load %arg31[%swap3A_271, %swap3A_272] {strides = array<i32>} : memref<104x128xi32, #tpu.memory_space<vmem>>, vector<1x16xi32>,
      %swap3A_274 = vector.shape_cast %swap3A_273 : vector<1x16xi32> to vector<16xi32>
      %swap3A_275 = vector.shape_cast %get3A_268 : vector<16xi32> to vector<1x16xi32>
      tpu.vector_store %arg31[%swap3A_271, %swap3A_272], %swap3A_275 {strides = array<i32>} : memref<104x128xi32, #tpu.memory_space<vmem>>, vector<1x16xi32>,
      %scan3A_276 = arith.constant 0 : i32
      %scan3A_277 = arith.constant 4 : i32
      %mul3A_278 = arith.constant 128 : i32
      %mul3A_279 = arith.muli %scan3A_198, %mul3A_278 : i32
      %mul3A_280 = arith.constant 16 : i32
      %mul3A_281 = arith.muli %scan3A_277, %mul3A_280 : i32
      %add3A_282 = arith.addi %mul3A_279, %mul3A_281 : i32
      %get3A_283 = arith.constant 19 : i32
      %get3A_284 = arith.index_cast %get3A_283 : i32 to index
      %get3A_285 = arith.index_cast %add3A_282 : i32 to index
      %get3A_286 = tpu.vector_load %arg30[%get3A_284, %get3A_285] {strides = array<i32>} : memref<26x512xi32, #tpu.memory_space<vmem>>, vector<1x16xi32>,
      %get3A_287 = vector.shape_cast %get3A_286 : vector<1x16xi32> to vector<16xi32>
      %mul3A_288 = arith.constant 16 : i32
      %mul3A_289 = arith.muli %scan3A_277, %mul3A_288 : i32
      %swap3A_290 = arith.index_cast %add3A_201 : i32 to index
      %swap3A_291 = arith.index_cast %mul3A_289 : i32 to index
      %swap3A_292 = tpu.vector_load %arg31[%swap3A_290, %swap3A_291] {strides = array<i32>} : memref<104x128xi32, #tpu.memory_space<vmem>>, vector<1x16xi32>,
      %swap3A_293 = vector.shape_cast %swap3A_292 : vector<1x16xi32> to vector<16xi32>
      %swap3A_294 = vector.shape_cast %get3A_287 : vector<16xi32> to vector<1x16xi32>
      tpu.vector_store %arg31[%swap3A_290, %swap3A_291], %swap3A_294 {strides = array<i32>} : memref<104x128xi32, #tpu.memory_space<vmem>>, vector<1x16xi32>,
      %scan3A_295 = arith.constant 0 : i32
      %scan3A_296 = arith.constant 5 : i32
      %mul3A_297 = arith.constant 128 : i32
      %mul3A_298 = arith.muli %scan3A_198, %mul3A_297 : i32
      %mul3A_299 = arith.constant 16 : i32
      %mul3A_300 = arith.muli %scan3A_296, %mul3A_299 : i32
      %add3A_301 = arith.addi %mul3A_298, %mul3A_300 : i32
      %get3A_302 = arith.constant 19 : i32
      %get3A_303 = arith.index_cast %get3A_302 : i32 to index
      %get3A_304 = arith.index_cast %add3A_301 : i32 to index
      %get3A_305 = tpu.vector_load %arg30[%get3A_303, %get3A_304] {strides = array<i32>} : memref<26x512xi32, #tpu.memory_space<vmem>>, vector<1x16xi32>,
      %get3A_306 = vector.shape_cast %get3A_305 : vector<1x16xi32> to vector<16xi32>
      %mul3A_307 = arith.constant 16 : i32
      %mul3A_308 = arith.muli %scan3A_296, %mul3A_307 : i32
      %swap3A_309 = arith.index_cast %add3A_201 : i32 to index
      %swap3A_310 = arith.index_cast %mul3A_308 : i32 to index
      %swap3A_311 = tpu.vector_load %arg31[%swap3A_309, %swap3A_310] {strides = array<i32>} : memref<104x128xi32, #tpu.memory_space<vmem>>, vector<1x16xi32>,
      %swap3A_312 = vector.shape_cast %swap3A_311 : vector<1x16xi32> to vector<16xi32>
      %swap3A_313 = vector.shape_cast %get3A_306 : vector<16xi32> to vector<1x16xi32>
      tpu.vector_store %arg31[%swap3A_309, %swap3A_310], %swap3A_313 {strides = array<i32>} : memref<104x128xi32, #tpu.memory_space<vmem>>, vector<1x16xi32>,
      %scan3A_314 = arith.constant 0 : i32
      %scan3A_315 = arith.constant 6 : i32
      %mul3A_316 = arith.constant 128 : i32
      %mul3A_317 = arith.muli %scan3A_198, %mul3A_316 : i32
      %mul3A_318 = arith.constant 16 : i32
      %mul3A_319 = arith.muli %scan3A_315, %mul3A_318 : i32
      %add3A_320 = arith.addi %mul3A_317, %mul3A_319 : i32
      %get3A_321 = arith.constant 19 : i32
      %get3A_322 = arith.index_cast %get3A_321 : i32 to index
      %get3A_323 = arith.index_cast %add3A_320 : i32 to index
      %get3A_324 = tpu.vector_load %arg30[%get3A_322, %get3A_323] {strides = array<i32>} : memref<26x512xi32, #tpu.memory_space<vmem>>, vector<1x16xi32>,
      %get3A_325 = vector.shape_cast %get3A_324 : vector<1x16xi32> to vector<16xi32>
      %mul3A_326 = arith.constant 16 : i32
      %mul3A_327 = arith.muli %scan3A_315, %mul3A_326 : i32
      %swap3A_328 = arith.index_cast %add3A_201 : i32 to index
      %swap3A_329 = arith.index_cast %mul3A_327 : i32 to index
      %swap3A_330 = tpu.vector_load %arg31[%swap3A_328, %swap3A_329] {strides = array<i32>} : memref<104x128xi32, #tpu.memory_space<vmem>>, vector<1x16xi32>,
      %swap3A_331 = vector.shape_cast %swap3A_330 : vector<1x16xi32> to vector<16xi32>
      %swap3A_332 = vector.shape_cast %get3A_325 : vector<16xi32> to vector<1x16xi32>
      tpu.vector_store %arg31[%swap3A_328, %swap3A_329], %swap3A_332 {strides = array<i32>} : memref<104x128xi32, #tpu.memory_space<vmem>>, vector<1x16xi32>,
      %scan3A_333 = arith.constant 0 : i32
      %scan3A_334 = arith.constant 7 : i32
      %mul3A_335 = arith.constant 128 : i32
      %mul3A_336 = arith.muli %scan3A_198, %mul3A_335 : i32
      %mul3A_337 = arith.constant 16 : i32
      %mul3A_338 = arith.muli %scan3A_334, %mul3A_337 : i32
      %add3A_339 = arith.addi %mul3A_336, %mul3A_338 : i32
      %get3A_340 = arith.constant 19 : i32
      %get3A_341 = arith.index_cast %get3A_340 : i32 to index
      %get3A_342 = arith.index_cast %add3A_339 : i32 to index
      %get3A_343 = tpu.vector_load %arg30[%get3A_341, %get3A_342] {strides = array<i32>} : memref<26x512xi32, #tpu.memory_space<vmem>>, vector<1x16xi32>,
      %get3A_344 = vector.shape_cast %get3A_343 : vector<1x16xi32> to vector<16xi32>
      %mul3A_345 = arith.constant 16 : i32
      %mul3A_346 = arith.muli %scan3A_334, %mul3A_345 : i32
      %swap3A_347 = arith.index_cast %add3A_201 : i32 to index
      %swap3A_348 = arith.index_cast %mul3A_346 : i32 to index
      %swap3A_349 = tpu.vector_load %arg31[%swap3A_347, %swap3A_348] {strides = array<i32>} : memref<104x128xi32, #tpu.memory_space<vmem>>, vector<1x16xi32>,
      %swap3A_350 = vector.shape_cast %swap3A_349 : vector<1x16xi32> to vector<16xi32>
      %swap3A_351 = vector.shape_cast %get3A_344 : vector<16xi32> to vector<1x16xi32>
      tpu.vector_store %arg31[%swap3A_347, %swap3A_348], %swap3A_351 {strides = array<i32>} : memref<104x128xi32, #tpu.memory_space<vmem>>, vector<1x16xi32>,
      %scan3A_352 = arith.constant 0 : i32
      %scan3A_353 = arith.constant 8 : i32
      %dma_start3A = arith.constant 0 : i32
      %dma_start3A_354 = tpu.memref_slice %arg32[%add3A_201, %dma_start3A] : memref<104x128xf32, #tpu.memory_space<vmem>> -> memref<1x128xf32, #tpu.memory_space<vmem>>
      %dma_start3A_355 = tpu.memref_squeeze %dma_start3A_354 : memref<1x128xf32, #tpu.memory_space<vmem>> -> memref<128xf32, #tpu.memory_space<vmem>>
      %dma_start3A_356 = arith.constant 0 : i32
      %dma_start3A_357 = tpu.memref_slice %arg31[%add3A_201, %dma_start3A_356] : memref<104x128xi32, #tpu.memory_space<vmem>> -> memref<1x128xi32, #tpu.memory_space<vmem>>
      %dma_start3A_358 = tpu.memref_squeeze %dma_start3A_357 : memref<1x128xi32, #tpu.memory_space<vmem>> -> memref<128xi32, #tpu.memory_space<vmem>>
      %dma_start3A_359 = arith.constant 0 : i32
      %dma_start3A_360 = tpu.memref_slice %arg22[%dma_start3A_359] : memref<1000000xf32, #tpu.memory_space<hbm>> -> memref<1000000xf32, #tpu.memory_space<hbm>>
      tpu.enqueue_indirect_dma source(%dma_start3A_360 : memref<1000000xf32, #tpu.memory_space<hbm>>) target(%dma_start3A_355 : memref<128xf32, #tpu.memory_space<vmem>>) offsets(%dma_start3A_358 : memref<128xi32, #tpu.memory_space<vmem>>) semaphore(%arg34 : memref<!tpu.dma_semaphore, #tpu.memory_space<semaphore_mem>>)
      %scan3A_361 = arith.constant 0 : i32
      scf.yield %scan3A_361 : i32
    }
    %scan3A_141 = arith.constant 4 : i32
    %scan3A_142 = arith.constant 0 : i32
    %scan3A_143 = arith.constant 0 : i32
    %scan3A_144 = arith.constant 4 : i32
    %scan3A_145 = arith.addi %scan3A_143, %scan3A_144 : i32
    %scan3A_146 = arith.constant 1 : i32
    %scan3A_147 = scf.for %scan3A_198 = %scan3A_143 to %scan3A_145 step %scan3A_146 iter_args(%scan3A_199 = %scan3A_142) -> (i32)  : i32 {
      %add3A_200 = arith.constant 80 : i32
      %add3A_201 = arith.addi %add3A_200, %scan3A_198 : i32
      %scan3A_202 = arith.constant 0 : i32
      %scan3A_203 = arith.constant 0 : i32
      %mul3A_204 = arith.constant 128 : i32
      %mul3A_205 = arith.muli %scan3A_198, %mul3A_204 : i32
      %mul3A_206 = arith.constant 16 : i32
      %mul3A_207 = arith.muli %scan3A_203, %mul3A_206 : i32
      %add3A_208 = arith.addi %mul3A_205, %mul3A_207 : i32
      %get3A = arith.constant 20 : i32
      %get3A_209 = arith.index_cast %get3A : i32 to index
      %get3A_210 = arith.index_cast %add3A_208 : i32 to index
      %get3A_211 = tpu.vector_load %arg30[%get3A_209, %get3A_210] {strides = array<i32>} : memref<26x512xi32, #tpu.memory_space<vmem>>, vector<1x16xi32>,
      %get3A_212 = vector.shape_cast %get3A_211 : vector<1x16xi32> to vector<16xi32>
      %mul3A_213 = arith.constant 16 : i32
      %mul3A_214 = arith.muli %scan3A_203, %mul3A_213 : i32
      %swap3A = arith.index_cast %add3A_201 : i32 to index
      %swap3A_215 = arith.index_cast %mul3A_214 : i32 to index
      %swap3A_216 = tpu.vector_load %arg31[%swap3A, %swap3A_215] {strides = array<i32>} : memref<104x128xi32, #tpu.memory_space<vmem>>, vector<1x16xi32>,
      %swap3A_217 = vector.shape_cast %swap3A_216 : vector<1x16xi32> to vector<16xi32>
      %swap3A_218 = vector.shape_cast %get3A_212 : vector<16xi32> to vector<1x16xi32>
      tpu.vector_store %arg31[%swap3A, %swap3A_215], %swap3A_218 {strides = array<i32>} : memref<104x128xi32, #tpu.memory_space<vmem>>, vector<1x16xi32>,
      %scan3A_219 = arith.constant 0 : i32
      %scan3A_220 = arith.constant 1 : i32
      %mul3A_221 = arith.constant 128 : i32
      %mul3A_222 = arith.muli %scan3A_198, %mul3A_221 : i32
      %mul3A_223 = arith.constant 16 : i32
      %mul3A_224 = arith.muli %scan3A_220, %mul3A_223 : i32
      %add3A_225 = arith.addi %mul3A_222, %mul3A_224 : i32
      %get3A_226 = arith.constant 20 : i32
      %get3A_227 = arith.index_cast %get3A_226 : i32 to index
      %get3A_228 = arith.index_cast %add3A_225 : i32 to index
      %get3A_229 = tpu.vector_load %arg30[%get3A_227, %get3A_228] {strides = array<i32>} : memref<26x512xi32, #tpu.memory_space<vmem>>, vector<1x16xi32>,
      %get3A_230 = vector.shape_cast %get3A_229 : vector<1x16xi32> to vector<16xi32>
      %mul3A_231 = arith.constant 16 : i32
      %mul3A_232 = arith.muli %scan3A_220, %mul3A_231 : i32
      %swap3A_233 = arith.index_cast %add3A_201 : i32 to index
      %swap3A_234 = arith.index_cast %mul3A_232 : i32 to index
      %swap3A_235 = tpu.vector_load %arg31[%swap3A_233, %swap3A_234] {strides = array<i32>} : memref<104x128xi32, #tpu.memory_space<vmem>>, vector<1x16xi32>,
      %swap3A_236 = vector.shape_cast %swap3A_235 : vector<1x16xi32> to vector<16xi32>
      %swap3A_237 = vector.shape_cast %get3A_230 : vector<16xi32> to vector<1x16xi32>
      tpu.vector_store %arg31[%swap3A_233, %swap3A_234], %swap3A_237 {strides = array<i32>} : memref<104x128xi32, #tpu.memory_space<vmem>>, vector<1x16xi32>,
      %scan3A_238 = arith.constant 0 : i32
      %scan3A_239 = arith.constant 2 : i32
      %mul3A_240 = arith.constant 128 : i32
      %mul3A_241 = arith.muli %scan3A_198, %mul3A_240 : i32
      %mul3A_242 = arith.constant 16 : i32
      %mul3A_243 = arith.muli %scan3A_239, %mul3A_242 : i32
      %add3A_244 = arith.addi %mul3A_241, %mul3A_243 : i32
      %get3A_245 = arith.constant 20 : i32
      %get3A_246 = arith.index_cast %get3A_245 : i32 to index
      %get3A_247 = arith.index_cast %add3A_244 : i32 to index
      %get3A_248 = tpu.vector_load %arg30[%get3A_246, %get3A_247] {strides = array<i32>} : memref<26x512xi32, #tpu.memory_space<vmem>>, vector<1x16xi32>,
      %get3A_249 = vector.shape_cast %get3A_248 : vector<1x16xi32> to vector<16xi32>
      %mul3A_250 = arith.constant 16 : i32
      %mul3A_251 = arith.muli %scan3A_239, %mul3A_250 : i32
      %swap3A_252 = arith.index_cast %add3A_201 : i32 to index
      %swap3A_253 = arith.index_cast %mul3A_251 : i32 to index
      %swap3A_254 = tpu.vector_load %arg31[%swap3A_252, %swap3A_253] {strides = array<i32>} : memref<104x128xi32, #tpu.memory_space<vmem>>, vector<1x16xi32>,
      %swap3A_255 = vector.shape_cast %swap3A_254 : vector<1x16xi32> to vector<16xi32>
      %swap3A_256 = vector.shape_cast %get3A_249 : vector<16xi32> to vector<1x16xi32>
      tpu.vector_store %arg31[%swap3A_252, %swap3A_253], %swap3A_256 {strides = array<i32>} : memref<104x128xi32, #tpu.memory_space<vmem>>, vector<1x16xi32>,
      %scan3A_257 = arith.constant 0 : i32
      %scan3A_258 = arith.constant 3 : i32
      %mul3A_259 = arith.constant 128 : i32
      %mul3A_260 = arith.muli %scan3A_198, %mul3A_259 : i32
      %mul3A_261 = arith.constant 16 : i32
      %mul3A_262 = arith.muli %scan3A_258, %mul3A_261 : i32
      %add3A_263 = arith.addi %mul3A_260, %mul3A_262 : i32
      %get3A_264 = arith.constant 20 : i32
      %get3A_265 = arith.index_cast %get3A_264 : i32 to index
      %get3A_266 = arith.index_cast %add3A_263 : i32 to index
      %get3A_267 = tpu.vector_load %arg30[%get3A_265, %get3A_266] {strides = array<i32>} : memref<26x512xi32, #tpu.memory_space<vmem>>, vector<1x16xi32>,
      %get3A_268 = vector.shape_cast %get3A_267 : vector<1x16xi32> to vector<16xi32>
      %mul3A_269 = arith.constant 16 : i32
      %mul3A_270 = arith.muli %scan3A_258, %mul3A_269 : i32
      %swap3A_271 = arith.index_cast %add3A_201 : i32 to index
      %swap3A_272 = arith.index_cast %mul3A_270 : i32 to index
      %swap3A_273 = tpu.vector_load %arg31[%swap3A_271, %swap3A_272] {strides = array<i32>} : memref<104x128xi32, #tpu.memory_space<vmem>>, vector<1x16xi32>,
      %swap3A_274 = vector.shape_cast %swap3A_273 : vector<1x16xi32> to vector<16xi32>
      %swap3A_275 = vector.shape_cast %get3A_268 : vector<16xi32> to vector<1x16xi32>
      tpu.vector_store %arg31[%swap3A_271, %swap3A_272], %swap3A_275 {strides = array<i32>} : memref<104x128xi32, #tpu.memory_space<vmem>>, vector<1x16xi32>,
      %scan3A_276 = arith.constant 0 : i32
      %scan3A_277 = arith.constant 4 : i32
      %mul3A_278 = arith.constant 128 : i32
      %mul3A_279 = arith.muli %scan3A_198, %mul3A_278 : i32
      %mul3A_280 = arith.constant 16 : i32
      %mul3A_281 = arith.muli %scan3A_277, %mul3A_280 : i32
      %add3A_282 = arith.addi %mul3A_279, %mul3A_281 : i32
      %get3A_283 = arith.constant 20 : i32
      %get3A_284 = arith.index_cast %get3A_283 : i32 to index
      %get3A_285 = arith.index_cast %add3A_282 : i32 to index
      %get3A_286 = tpu.vector_load %arg30[%get3A_284, %get3A_285] {strides = array<i32>} : memref<26x512xi32, #tpu.memory_space<vmem>>, vector<1x16xi32>,
      %get3A_287 = vector.shape_cast %get3A_286 : vector<1x16xi32> to vector<16xi32>
      %mul3A_288 = arith.constant 16 : i32
      %mul3A_289 = arith.muli %scan3A_277, %mul3A_288 : i32
      %swap3A_290 = arith.index_cast %add3A_201 : i32 to index
      %swap3A_291 = arith.index_cast %mul3A_289 : i32 to index
      %swap3A_292 = tpu.vector_load %arg31[%swap3A_290, %swap3A_291] {strides = array<i32>} : memref<104x128xi32, #tpu.memory_space<vmem>>, vector<1x16xi32>,
      %swap3A_293 = vector.shape_cast %swap3A_292 : vector<1x16xi32> to vector<16xi32>
      %swap3A_294 = vector.shape_cast %get3A_287 : vector<16xi32> to vector<1x16xi32>
      tpu.vector_store %arg31[%swap3A_290, %swap3A_291], %swap3A_294 {strides = array<i32>} : memref<104x128xi32, #tpu.memory_space<vmem>>, vector<1x16xi32>,
      %scan3A_295 = arith.constant 0 : i32
      %scan3A_296 = arith.constant 5 : i32
      %mul3A_297 = arith.constant 128 : i32
      %mul3A_298 = arith.muli %scan3A_198, %mul3A_297 : i32
      %mul3A_299 = arith.constant 16 : i32
      %mul3A_300 = arith.muli %scan3A_296, %mul3A_299 : i32
      %add3A_301 = arith.addi %mul3A_298, %mul3A_300 : i32
      %get3A_302 = arith.constant 20 : i32
      %get3A_303 = arith.index_cast %get3A_302 : i32 to index
      %get3A_304 = arith.index_cast %add3A_301 : i32 to index
      %get3A_305 = tpu.vector_load %arg30[%get3A_303, %get3A_304] {strides = array<i32>} : memref<26x512xi32, #tpu.memory_space<vmem>>, vector<1x16xi32>,
      %get3A_306 = vector.shape_cast %get3A_305 : vector<1x16xi32> to vector<16xi32>
      %mul3A_307 = arith.constant 16 : i32
      %mul3A_308 = arith.muli %scan3A_296, %mul3A_307 : i32
      %swap3A_309 = arith.index_cast %add3A_201 : i32 to index
      %swap3A_310 = arith.index_cast %mul3A_308 : i32 to index
      %swap3A_311 = tpu.vector_load %arg31[%swap3A_309, %swap3A_310] {strides = array<i32>} : memref<104x128xi32, #tpu.memory_space<vmem>>, vector<1x16xi32>,
      %swap3A_312 = vector.shape_cast %swap3A_311 : vector<1x16xi32> to vector<16xi32>
      %swap3A_313 = vector.shape_cast %get3A_306 : vector<16xi32> to vector<1x16xi32>
      tpu.vector_store %arg31[%swap3A_309, %swap3A_310], %swap3A_313 {strides = array<i32>} : memref<104x128xi32, #tpu.memory_space<vmem>>, vector<1x16xi32>,
      %scan3A_314 = arith.constant 0 : i32
      %scan3A_315 = arith.constant 6 : i32
      %mul3A_316 = arith.constant 128 : i32
      %mul3A_317 = arith.muli %scan3A_198, %mul3A_316 : i32
      %mul3A_318 = arith.constant 16 : i32
      %mul3A_319 = arith.muli %scan3A_315, %mul3A_318 : i32
      %add3A_320 = arith.addi %mul3A_317, %mul3A_319 : i32
      %get3A_321 = arith.constant 20 : i32
      %get3A_322 = arith.index_cast %get3A_321 : i32 to index
      %get3A_323 = arith.index_cast %add3A_320 : i32 to index
      %get3A_324 = tpu.vector_load %arg30[%get3A_322, %get3A_323] {strides = array<i32>} : memref<26x512xi32, #tpu.memory_space<vmem>>, vector<1x16xi32>,
      %get3A_325 = vector.shape_cast %get3A_324 : vector<1x16xi32> to vector<16xi32>
      %mul3A_326 = arith.constant 16 : i32
      %mul3A_327 = arith.muli %scan3A_315, %mul3A_326 : i32
      %swap3A_328 = arith.index_cast %add3A_201 : i32 to index
      %swap3A_329 = arith.index_cast %mul3A_327 : i32 to index
      %swap3A_330 = tpu.vector_load %arg31[%swap3A_328, %swap3A_329] {strides = array<i32>} : memref<104x128xi32, #tpu.memory_space<vmem>>, vector<1x16xi32>,
      %swap3A_331 = vector.shape_cast %swap3A_330 : vector<1x16xi32> to vector<16xi32>
      %swap3A_332 = vector.shape_cast %get3A_325 : vector<16xi32> to vector<1x16xi32>
      tpu.vector_store %arg31[%swap3A_328, %swap3A_329], %swap3A_332 {strides = array<i32>} : memref<104x128xi32, #tpu.memory_space<vmem>>, vector<1x16xi32>,
      %scan3A_333 = arith.constant 0 : i32
      %scan3A_334 = arith.constant 7 : i32
      %mul3A_335 = arith.constant 128 : i32
      %mul3A_336 = arith.muli %scan3A_198, %mul3A_335 : i32
      %mul3A_337 = arith.constant 16 : i32
      %mul3A_338 = arith.muli %scan3A_334, %mul3A_337 : i32
      %add3A_339 = arith.addi %mul3A_336, %mul3A_338 : i32
      %get3A_340 = arith.constant 20 : i32
      %get3A_341 = arith.index_cast %get3A_340 : i32 to index
      %get3A_342 = arith.index_cast %add3A_339 : i32 to index
      %get3A_343 = tpu.vector_load %arg30[%get3A_341, %get3A_342] {strides = array<i32>} : memref<26x512xi32, #tpu.memory_space<vmem>>, vector<1x16xi32>,
      %get3A_344 = vector.shape_cast %get3A_343 : vector<1x16xi32> to vector<16xi32>
      %mul3A_345 = arith.constant 16 : i32
      %mul3A_346 = arith.muli %scan3A_334, %mul3A_345 : i32
      %swap3A_347 = arith.index_cast %add3A_201 : i32 to index
      %swap3A_348 = arith.index_cast %mul3A_346 : i32 to index
      %swap3A_349 = tpu.vector_load %arg31[%swap3A_347, %swap3A_348] {strides = array<i32>} : memref<104x128xi32, #tpu.memory_space<vmem>>, vector<1x16xi32>,
      %swap3A_350 = vector.shape_cast %swap3A_349 : vector<1x16xi32> to vector<16xi32>
      %swap3A_351 = vector.shape_cast %get3A_344 : vector<16xi32> to vector<1x16xi32>
      tpu.vector_store %arg31[%swap3A_347, %swap3A_348], %swap3A_351 {strides = array<i32>} : memref<104x128xi32, #tpu.memory_space<vmem>>, vector<1x16xi32>,
      %scan3A_352 = arith.constant 0 : i32
      %scan3A_353 = arith.constant 8 : i32
      %dma_start3A = arith.constant 0 : i32
      %dma_start3A_354 = tpu.memref_slice %arg32[%add3A_201, %dma_start3A] : memref<104x128xf32, #tpu.memory_space<vmem>> -> memref<1x128xf32, #tpu.memory_space<vmem>>
      %dma_start3A_355 = tpu.memref_squeeze %dma_start3A_354 : memref<1x128xf32, #tpu.memory_space<vmem>> -> memref<128xf32, #tpu.memory_space<vmem>>
      %dma_start3A_356 = arith.constant 0 : i32
      %dma_start3A_357 = tpu.memref_slice %arg31[%add3A_201, %dma_start3A_356] : memref<104x128xi32, #tpu.memory_space<vmem>> -> memref<1x128xi32, #tpu.memory_space<vmem>>
      %dma_start3A_358 = tpu.memref_squeeze %dma_start3A_357 : memref<1x128xi32, #tpu.memory_space<vmem>> -> memref<128xi32, #tpu.memory_space<vmem>>
      %dma_start3A_359 = arith.constant 0 : i32
      %dma_start3A_360 = tpu.memref_slice %arg23[%dma_start3A_359] : memref<1000000xf32, #tpu.memory_space<hbm>> -> memref<1000000xf32, #tpu.memory_space<hbm>>
      tpu.enqueue_indirect_dma source(%dma_start3A_360 : memref<1000000xf32, #tpu.memory_space<hbm>>) target(%dma_start3A_355 : memref<128xf32, #tpu.memory_space<vmem>>) offsets(%dma_start3A_358 : memref<128xi32, #tpu.memory_space<vmem>>) semaphore(%arg34 : memref<!tpu.dma_semaphore, #tpu.memory_space<semaphore_mem>>)
      %scan3A_361 = arith.constant 0 : i32
      scf.yield %scan3A_361 : i32
    }
    %scan3A_148 = arith.constant 4 : i32
    %scan3A_149 = arith.constant 0 : i32
    %scan3A_150 = arith.constant 0 : i32
    %scan3A_151 = arith.constant 4 : i32
    %scan3A_152 = arith.addi %scan3A_150, %scan3A_151 : i32
    %scan3A_153 = arith.constant 1 : i32
    %scan3A_154 = scf.for %scan3A_198 = %scan3A_150 to %scan3A_152 step %scan3A_153 iter_args(%scan3A_199 = %scan3A_149) -> (i32)  : i32 {
      %add3A_200 = arith.constant 84 : i32
      %add3A_201 = arith.addi %add3A_200, %scan3A_198 : i32
      %scan3A_202 = arith.constant 0 : i32
      %scan3A_203 = arith.constant 0 : i32
      %mul3A_204 = arith.constant 128 : i32
      %mul3A_205 = arith.muli %scan3A_198, %mul3A_204 : i32
      %mul3A_206 = arith.constant 16 : i32
      %mul3A_207 = arith.muli %scan3A_203, %mul3A_206 : i32
      %add3A_208 = arith.addi %mul3A_205, %mul3A_207 : i32
      %get3A = arith.constant 21 : i32
      %get3A_209 = arith.index_cast %get3A : i32 to index
      %get3A_210 = arith.index_cast %add3A_208 : i32 to index
      %get3A_211 = tpu.vector_load %arg30[%get3A_209, %get3A_210] {strides = array<i32>} : memref<26x512xi32, #tpu.memory_space<vmem>>, vector<1x16xi32>,
      %get3A_212 = vector.shape_cast %get3A_211 : vector<1x16xi32> to vector<16xi32>
      %mul3A_213 = arith.constant 16 : i32
      %mul3A_214 = arith.muli %scan3A_203, %mul3A_213 : i32
      %swap3A = arith.index_cast %add3A_201 : i32 to index
      %swap3A_215 = arith.index_cast %mul3A_214 : i32 to index
      %swap3A_216 = tpu.vector_load %arg31[%swap3A, %swap3A_215] {strides = array<i32>} : memref<104x128xi32, #tpu.memory_space<vmem>>, vector<1x16xi32>,
      %swap3A_217 = vector.shape_cast %swap3A_216 : vector<1x16xi32> to vector<16xi32>
      %swap3A_218 = vector.shape_cast %get3A_212 : vector<16xi32> to vector<1x16xi32>
      tpu.vector_store %arg31[%swap3A, %swap3A_215], %swap3A_218 {strides = array<i32>} : memref<104x128xi32, #tpu.memory_space<vmem>>, vector<1x16xi32>,
      %scan3A_219 = arith.constant 0 : i32
      %scan3A_220 = arith.constant 1 : i32
      %mul3A_221 = arith.constant 128 : i32
      %mul3A_222 = arith.muli %scan3A_198, %mul3A_221 : i32
      %mul3A_223 = arith.constant 16 : i32
      %mul3A_224 = arith.muli %scan3A_220, %mul3A_223 : i32
      %add3A_225 = arith.addi %mul3A_222, %mul3A_224 : i32
      %get3A_226 = arith.constant 21 : i32
      %get3A_227 = arith.index_cast %get3A_226 : i32 to index
      %get3A_228 = arith.index_cast %add3A_225 : i32 to index
      %get3A_229 = tpu.vector_load %arg30[%get3A_227, %get3A_228] {strides = array<i32>} : memref<26x512xi32, #tpu.memory_space<vmem>>, vector<1x16xi32>,
      %get3A_230 = vector.shape_cast %get3A_229 : vector<1x16xi32> to vector<16xi32>
      %mul3A_231 = arith.constant 16 : i32
      %mul3A_232 = arith.muli %scan3A_220, %mul3A_231 : i32
      %swap3A_233 = arith.index_cast %add3A_201 : i32 to index
      %swap3A_234 = arith.index_cast %mul3A_232 : i32 to index
      %swap3A_235 = tpu.vector_load %arg31[%swap3A_233, %swap3A_234] {strides = array<i32>} : memref<104x128xi32, #tpu.memory_space<vmem>>, vector<1x16xi32>,
      %swap3A_236 = vector.shape_cast %swap3A_235 : vector<1x16xi32> to vector<16xi32>
      %swap3A_237 = vector.shape_cast %get3A_230 : vector<16xi32> to vector<1x16xi32>
      tpu.vector_store %arg31[%swap3A_233, %swap3A_234], %swap3A_237 {strides = array<i32>} : memref<104x128xi32, #tpu.memory_space<vmem>>, vector<1x16xi32>,
      %scan3A_238 = arith.constant 0 : i32
      %scan3A_239 = arith.constant 2 : i32
      %mul3A_240 = arith.constant 128 : i32
      %mul3A_241 = arith.muli %scan3A_198, %mul3A_240 : i32
      %mul3A_242 = arith.constant 16 : i32
      %mul3A_243 = arith.muli %scan3A_239, %mul3A_242 : i32
      %add3A_244 = arith.addi %mul3A_241, %mul3A_243 : i32
      %get3A_245 = arith.constant 21 : i32
      %get3A_246 = arith.index_cast %get3A_245 : i32 to index
      %get3A_247 = arith.index_cast %add3A_244 : i32 to index
      %get3A_248 = tpu.vector_load %arg30[%get3A_246, %get3A_247] {strides = array<i32>} : memref<26x512xi32, #tpu.memory_space<vmem>>, vector<1x16xi32>,
      %get3A_249 = vector.shape_cast %get3A_248 : vector<1x16xi32> to vector<16xi32>
      %mul3A_250 = arith.constant 16 : i32
      %mul3A_251 = arith.muli %scan3A_239, %mul3A_250 : i32
      %swap3A_252 = arith.index_cast %add3A_201 : i32 to index
      %swap3A_253 = arith.index_cast %mul3A_251 : i32 to index
      %swap3A_254 = tpu.vector_load %arg31[%swap3A_252, %swap3A_253] {strides = array<i32>} : memref<104x128xi32, #tpu.memory_space<vmem>>, vector<1x16xi32>,
      %swap3A_255 = vector.shape_cast %swap3A_254 : vector<1x16xi32> to vector<16xi32>
      %swap3A_256 = vector.shape_cast %get3A_249 : vector<16xi32> to vector<1x16xi32>
      tpu.vector_store %arg31[%swap3A_252, %swap3A_253], %swap3A_256 {strides = array<i32>} : memref<104x128xi32, #tpu.memory_space<vmem>>, vector<1x16xi32>,
      %scan3A_257 = arith.constant 0 : i32
      %scan3A_258 = arith.constant 3 : i32
      %mul3A_259 = arith.constant 128 : i32
      %mul3A_260 = arith.muli %scan3A_198, %mul3A_259 : i32
      %mul3A_261 = arith.constant 16 : i32
      %mul3A_262 = arith.muli %scan3A_258, %mul3A_261 : i32
      %add3A_263 = arith.addi %mul3A_260, %mul3A_262 : i32
      %get3A_264 = arith.constant 21 : i32
      %get3A_265 = arith.index_cast %get3A_264 : i32 to index
      %get3A_266 = arith.index_cast %add3A_263 : i32 to index
      %get3A_267 = tpu.vector_load %arg30[%get3A_265, %get3A_266] {strides = array<i32>} : memref<26x512xi32, #tpu.memory_space<vmem>>, vector<1x16xi32>,
      %get3A_268 = vector.shape_cast %get3A_267 : vector<1x16xi32> to vector<16xi32>
      %mul3A_269 = arith.constant 16 : i32
      %mul3A_270 = arith.muli %scan3A_258, %mul3A_269 : i32
      %swap3A_271 = arith.index_cast %add3A_201 : i32 to index
      %swap3A_272 = arith.index_cast %mul3A_270 : i32 to index
      %swap3A_273 = tpu.vector_load %arg31[%swap3A_271, %swap3A_272] {strides = array<i32>} : memref<104x128xi32, #tpu.memory_space<vmem>>, vector<1x16xi32>,
      %swap3A_274 = vector.shape_cast %swap3A_273 : vector<1x16xi32> to vector<16xi32>
      %swap3A_275 = vector.shape_cast %get3A_268 : vector<16xi32> to vector<1x16xi32>
      tpu.vector_store %arg31[%swap3A_271, %swap3A_272], %swap3A_275 {strides = array<i32>} : memref<104x128xi32, #tpu.memory_space<vmem>>, vector<1x16xi32>,
      %scan3A_276 = arith.constant 0 : i32
      %scan3A_277 = arith.constant 4 : i32
      %mul3A_278 = arith.constant 128 : i32
      %mul3A_279 = arith.muli %scan3A_198, %mul3A_278 : i32
      %mul3A_280 = arith.constant 16 : i32
      %mul3A_281 = arith.muli %scan3A_277, %mul3A_280 : i32
      %add3A_282 = arith.addi %mul3A_279, %mul3A_281 : i32
      %get3A_283 = arith.constant 21 : i32
      %get3A_284 = arith.index_cast %get3A_283 : i32 to index
      %get3A_285 = arith.index_cast %add3A_282 : i32 to index
      %get3A_286 = tpu.vector_load %arg30[%get3A_284, %get3A_285] {strides = array<i32>} : memref<26x512xi32, #tpu.memory_space<vmem>>, vector<1x16xi32>,
      %get3A_287 = vector.shape_cast %get3A_286 : vector<1x16xi32> to vector<16xi32>
      %mul3A_288 = arith.constant 16 : i32
      %mul3A_289 = arith.muli %scan3A_277, %mul3A_288 : i32
      %swap3A_290 = arith.index_cast %add3A_201 : i32 to index
      %swap3A_291 = arith.index_cast %mul3A_289 : i32 to index
      %swap3A_292 = tpu.vector_load %arg31[%swap3A_290, %swap3A_291] {strides = array<i32>} : memref<104x128xi32, #tpu.memory_space<vmem>>, vector<1x16xi32>,
      %swap3A_293 = vector.shape_cast %swap3A_292 : vector<1x16xi32> to vector<16xi32>
      %swap3A_294 = vector.shape_cast %get3A_287 : vector<16xi32> to vector<1x16xi32>
      tpu.vector_store %arg31[%swap3A_290, %swap3A_291], %swap3A_294 {strides = array<i32>} : memref<104x128xi32, #tpu.memory_space<vmem>>, vector<1x16xi32>,
      %scan3A_295 = arith.constant 0 : i32
      %scan3A_296 = arith.constant 5 : i32
      %mul3A_297 = arith.constant 128 : i32
      %mul3A_298 = arith.muli %scan3A_198, %mul3A_297 : i32
      %mul3A_299 = arith.constant 16 : i32
      %mul3A_300 = arith.muli %scan3A_296, %mul3A_299 : i32
      %add3A_301 = arith.addi %mul3A_298, %mul3A_300 : i32
      %get3A_302 = arith.constant 21 : i32
      %get3A_303 = arith.index_cast %get3A_302 : i32 to index
      %get3A_304 = arith.index_cast %add3A_301 : i32 to index
      %get3A_305 = tpu.vector_load %arg30[%get3A_303, %get3A_304] {strides = array<i32>} : memref<26x512xi32, #tpu.memory_space<vmem>>, vector<1x16xi32>,
      %get3A_306 = vector.shape_cast %get3A_305 : vector<1x16xi32> to vector<16xi32>
      %mul3A_307 = arith.constant 16 : i32
      %mul3A_308 = arith.muli %scan3A_296, %mul3A_307 : i32
      %swap3A_309 = arith.index_cast %add3A_201 : i32 to index
      %swap3A_310 = arith.index_cast %mul3A_308 : i32 to index
      %swap3A_311 = tpu.vector_load %arg31[%swap3A_309, %swap3A_310] {strides = array<i32>} : memref<104x128xi32, #tpu.memory_space<vmem>>, vector<1x16xi32>,
      %swap3A_312 = vector.shape_cast %swap3A_311 : vector<1x16xi32> to vector<16xi32>
      %swap3A_313 = vector.shape_cast %get3A_306 : vector<16xi32> to vector<1x16xi32>
      tpu.vector_store %arg31[%swap3A_309, %swap3A_310], %swap3A_313 {strides = array<i32>} : memref<104x128xi32, #tpu.memory_space<vmem>>, vector<1x16xi32>,
      %scan3A_314 = arith.constant 0 : i32
      %scan3A_315 = arith.constant 6 : i32
      %mul3A_316 = arith.constant 128 : i32
      %mul3A_317 = arith.muli %scan3A_198, %mul3A_316 : i32
      %mul3A_318 = arith.constant 16 : i32
      %mul3A_319 = arith.muli %scan3A_315, %mul3A_318 : i32
      %add3A_320 = arith.addi %mul3A_317, %mul3A_319 : i32
      %get3A_321 = arith.constant 21 : i32
      %get3A_322 = arith.index_cast %get3A_321 : i32 to index
      %get3A_323 = arith.index_cast %add3A_320 : i32 to index
      %get3A_324 = tpu.vector_load %arg30[%get3A_322, %get3A_323] {strides = array<i32>} : memref<26x512xi32, #tpu.memory_space<vmem>>, vector<1x16xi32>,
      %get3A_325 = vector.shape_cast %get3A_324 : vector<1x16xi32> to vector<16xi32>
      %mul3A_326 = arith.constant 16 : i32
      %mul3A_327 = arith.muli %scan3A_315, %mul3A_326 : i32
      %swap3A_328 = arith.index_cast %add3A_201 : i32 to index
      %swap3A_329 = arith.index_cast %mul3A_327 : i32 to index
      %swap3A_330 = tpu.vector_load %arg31[%swap3A_328, %swap3A_329] {strides = array<i32>} : memref<104x128xi32, #tpu.memory_space<vmem>>, vector<1x16xi32>,
      %swap3A_331 = vector.shape_cast %swap3A_330 : vector<1x16xi32> to vector<16xi32>
      %swap3A_332 = vector.shape_cast %get3A_325 : vector<16xi32> to vector<1x16xi32>
      tpu.vector_store %arg31[%swap3A_328, %swap3A_329], %swap3A_332 {strides = array<i32>} : memref<104x128xi32, #tpu.memory_space<vmem>>, vector<1x16xi32>,
      %scan3A_333 = arith.constant 0 : i32
      %scan3A_334 = arith.constant 7 : i32
      %mul3A_335 = arith.constant 128 : i32
      %mul3A_336 = arith.muli %scan3A_198, %mul3A_335 : i32
      %mul3A_337 = arith.constant 16 : i32
      %mul3A_338 = arith.muli %scan3A_334, %mul3A_337 : i32
      %add3A_339 = arith.addi %mul3A_336, %mul3A_338 : i32
      %get3A_340 = arith.constant 21 : i32
      %get3A_341 = arith.index_cast %get3A_340 : i32 to index
      %get3A_342 = arith.index_cast %add3A_339 : i32 to index
      %get3A_343 = tpu.vector_load %arg30[%get3A_341, %get3A_342] {strides = array<i32>} : memref<26x512xi32, #tpu.memory_space<vmem>>, vector<1x16xi32>,
      %get3A_344 = vector.shape_cast %get3A_343 : vector<1x16xi32> to vector<16xi32>
      %mul3A_345 = arith.constant 16 : i32
      %mul3A_346 = arith.muli %scan3A_334, %mul3A_345 : i32
      %swap3A_347 = arith.index_cast %add3A_201 : i32 to index
      %swap3A_348 = arith.index_cast %mul3A_346 : i32 to index
      %swap3A_349 = tpu.vector_load %arg31[%swap3A_347, %swap3A_348] {strides = array<i32>} : memref<104x128xi32, #tpu.memory_space<vmem>>, vector<1x16xi32>,
      %swap3A_350 = vector.shape_cast %swap3A_349 : vector<1x16xi32> to vector<16xi32>
      %swap3A_351 = vector.shape_cast %get3A_344 : vector<16xi32> to vector<1x16xi32>
      tpu.vector_store %arg31[%swap3A_347, %swap3A_348], %swap3A_351 {strides = array<i32>} : memref<104x128xi32, #tpu.memory_space<vmem>>, vector<1x16xi32>,
      %scan3A_352 = arith.constant 0 : i32
      %scan3A_353 = arith.constant 8 : i32
      %dma_start3A = arith.constant 0 : i32
      %dma_start3A_354 = tpu.memref_slice %arg32[%add3A_201, %dma_start3A] : memref<104x128xf32, #tpu.memory_space<vmem>> -> memref<1x128xf32, #tpu.memory_space<vmem>>
      %dma_start3A_355 = tpu.memref_squeeze %dma_start3A_354 : memref<1x128xf32, #tpu.memory_space<vmem>> -> memref<128xf32, #tpu.memory_space<vmem>>
      %dma_start3A_356 = arith.constant 0 : i32
      %dma_start3A_357 = tpu.memref_slice %arg31[%add3A_201, %dma_start3A_356] : memref<104x128xi32, #tpu.memory_space<vmem>> -> memref<1x128xi32, #tpu.memory_space<vmem>>
      %dma_start3A_358 = tpu.memref_squeeze %dma_start3A_357 : memref<1x128xi32, #tpu.memory_space<vmem>> -> memref<128xi32, #tpu.memory_space<vmem>>
      %dma_start3A_359 = arith.constant 0 : i32
      %dma_start3A_360 = tpu.memref_slice %arg24[%dma_start3A_359] : memref<1000000xf32, #tpu.memory_space<hbm>> -> memref<1000000xf32, #tpu.memory_space<hbm>>
      tpu.enqueue_indirect_dma source(%dma_start3A_360 : memref<1000000xf32, #tpu.memory_space<hbm>>) target(%dma_start3A_355 : memref<128xf32, #tpu.memory_space<vmem>>) offsets(%dma_start3A_358 : memref<128xi32, #tpu.memory_space<vmem>>) semaphore(%arg34 : memref<!tpu.dma_semaphore, #tpu.memory_space<semaphore_mem>>)
      %scan3A_361 = arith.constant 0 : i32
      scf.yield %scan3A_361 : i32
    }
    %scan3A_155 = arith.constant 4 : i32
    %scan3A_156 = arith.constant 0 : i32
    %scan3A_157 = arith.constant 0 : i32
    %scan3A_158 = arith.constant 4 : i32
    %scan3A_159 = arith.addi %scan3A_157, %scan3A_158 : i32
    %scan3A_160 = arith.constant 1 : i32
    %scan3A_161 = scf.for %scan3A_198 = %scan3A_157 to %scan3A_159 step %scan3A_160 iter_args(%scan3A_199 = %scan3A_156) -> (i32)  : i32 {
      %add3A_200 = arith.constant 88 : i32
      %add3A_201 = arith.addi %add3A_200, %scan3A_198 : i32
      %scan3A_202 = arith.constant 0 : i32
      %scan3A_203 = arith.constant 0 : i32
      %mul3A_204 = arith.constant 128 : i32
      %mul3A_205 = arith.muli %scan3A_198, %mul3A_204 : i32
      %mul3A_206 = arith.constant 16 : i32
      %mul3A_207 = arith.muli %scan3A_203, %mul3A_206 : i32
      %add3A_208 = arith.addi %mul3A_205, %mul3A_207 : i32
      %get3A = arith.constant 22 : i32
      %get3A_209 = arith.index_cast %get3A : i32 to index
      %get3A_210 = arith.index_cast %add3A_208 : i32 to index
      %get3A_211 = tpu.vector_load %arg30[%get3A_209, %get3A_210] {strides = array<i32>} : memref<26x512xi32, #tpu.memory_space<vmem>>, vector<1x16xi32>,
      %get3A_212 = vector.shape_cast %get3A_211 : vector<1x16xi32> to vector<16xi32>
      %mul3A_213 = arith.constant 16 : i32
      %mul3A_214 = arith.muli %scan3A_203, %mul3A_213 : i32
      %swap3A = arith.index_cast %add3A_201 : i32 to index
      %swap3A_215 = arith.index_cast %mul3A_214 : i32 to index
      %swap3A_216 = tpu.vector_load %arg31[%swap3A, %swap3A_215] {strides = array<i32>} : memref<104x128xi32, #tpu.memory_space<vmem>>, vector<1x16xi32>,
      %swap3A_217 = vector.shape_cast %swap3A_216 : vector<1x16xi32> to vector<16xi32>
      %swap3A_218 = vector.shape_cast %get3A_212 : vector<16xi32> to vector<1x16xi32>
      tpu.vector_store %arg31[%swap3A, %swap3A_215], %swap3A_218 {strides = array<i32>} : memref<104x128xi32, #tpu.memory_space<vmem>>, vector<1x16xi32>,
      %scan3A_219 = arith.constant 0 : i32
      %scan3A_220 = arith.constant 1 : i32
      %mul3A_221 = arith.constant 128 : i32
      %mul3A_222 = arith.muli %scan3A_198, %mul3A_221 : i32
      %mul3A_223 = arith.constant 16 : i32
      %mul3A_224 = arith.muli %scan3A_220, %mul3A_223 : i32
      %add3A_225 = arith.addi %mul3A_222, %mul3A_224 : i32
      %get3A_226 = arith.constant 22 : i32
      %get3A_227 = arith.index_cast %get3A_226 : i32 to index
      %get3A_228 = arith.index_cast %add3A_225 : i32 to index
      %get3A_229 = tpu.vector_load %arg30[%get3A_227, %get3A_228] {strides = array<i32>} : memref<26x512xi32, #tpu.memory_space<vmem>>, vector<1x16xi32>,
      %get3A_230 = vector.shape_cast %get3A_229 : vector<1x16xi32> to vector<16xi32>
      %mul3A_231 = arith.constant 16 : i32
      %mul3A_232 = arith.muli %scan3A_220, %mul3A_231 : i32
      %swap3A_233 = arith.index_cast %add3A_201 : i32 to index
      %swap3A_234 = arith.index_cast %mul3A_232 : i32 to index
      %swap3A_235 = tpu.vector_load %arg31[%swap3A_233, %swap3A_234] {strides = array<i32>} : memref<104x128xi32, #tpu.memory_space<vmem>>, vector<1x16xi32>,
      %swap3A_236 = vector.shape_cast %swap3A_235 : vector<1x16xi32> to vector<16xi32>
      %swap3A_237 = vector.shape_cast %get3A_230 : vector<16xi32> to vector<1x16xi32>
      tpu.vector_store %arg31[%swap3A_233, %swap3A_234], %swap3A_237 {strides = array<i32>} : memref<104x128xi32, #tpu.memory_space<vmem>>, vector<1x16xi32>,
      %scan3A_238 = arith.constant 0 : i32
      %scan3A_239 = arith.constant 2 : i32
      %mul3A_240 = arith.constant 128 : i32
      %mul3A_241 = arith.muli %scan3A_198, %mul3A_240 : i32
      %mul3A_242 = arith.constant 16 : i32
      %mul3A_243 = arith.muli %scan3A_239, %mul3A_242 : i32
      %add3A_244 = arith.addi %mul3A_241, %mul3A_243 : i32
      %get3A_245 = arith.constant 22 : i32
      %get3A_246 = arith.index_cast %get3A_245 : i32 to index
      %get3A_247 = arith.index_cast %add3A_244 : i32 to index
      %get3A_248 = tpu.vector_load %arg30[%get3A_246, %get3A_247] {strides = array<i32>} : memref<26x512xi32, #tpu.memory_space<vmem>>, vector<1x16xi32>,
      %get3A_249 = vector.shape_cast %get3A_248 : vector<1x16xi32> to vector<16xi32>
      %mul3A_250 = arith.constant 16 : i32
      %mul3A_251 = arith.muli %scan3A_239, %mul3A_250 : i32
      %swap3A_252 = arith.index_cast %add3A_201 : i32 to index
      %swap3A_253 = arith.index_cast %mul3A_251 : i32 to index
      %swap3A_254 = tpu.vector_load %arg31[%swap3A_252, %swap3A_253] {strides = array<i32>} : memref<104x128xi32, #tpu.memory_space<vmem>>, vector<1x16xi32>,
      %swap3A_255 = vector.shape_cast %swap3A_254 : vector<1x16xi32> to vector<16xi32>
      %swap3A_256 = vector.shape_cast %get3A_249 : vector<16xi32> to vector<1x16xi32>
      tpu.vector_store %arg31[%swap3A_252, %swap3A_253], %swap3A_256 {strides = array<i32>} : memref<104x128xi32, #tpu.memory_space<vmem>>, vector<1x16xi32>,
      %scan3A_257 = arith.constant 0 : i32
      %scan3A_258 = arith.constant 3 : i32
      %mul3A_259 = arith.constant 128 : i32
      %mul3A_260 = arith.muli %scan3A_198, %mul3A_259 : i32
      %mul3A_261 = arith.constant 16 : i32
      %mul3A_262 = arith.muli %scan3A_258, %mul3A_261 : i32
      %add3A_263 = arith.addi %mul3A_260, %mul3A_262 : i32
      %get3A_264 = arith.constant 22 : i32
      %get3A_265 = arith.index_cast %get3A_264 : i32 to index
      %get3A_266 = arith.index_cast %add3A_263 : i32 to index
      %get3A_267 = tpu.vector_load %arg30[%get3A_265, %get3A_266] {strides = array<i32>} : memref<26x512xi32, #tpu.memory_space<vmem>>, vector<1x16xi32>,
      %get3A_268 = vector.shape_cast %get3A_267 : vector<1x16xi32> to vector<16xi32>
      %mul3A_269 = arith.constant 16 : i32
      %mul3A_270 = arith.muli %scan3A_258, %mul3A_269 : i32
      %swap3A_271 = arith.index_cast %add3A_201 : i32 to index
      %swap3A_272 = arith.index_cast %mul3A_270 : i32 to index
      %swap3A_273 = tpu.vector_load %arg31[%swap3A_271, %swap3A_272] {strides = array<i32>} : memref<104x128xi32, #tpu.memory_space<vmem>>, vector<1x16xi32>,
      %swap3A_274 = vector.shape_cast %swap3A_273 : vector<1x16xi32> to vector<16xi32>
      %swap3A_275 = vector.shape_cast %get3A_268 : vector<16xi32> to vector<1x16xi32>
      tpu.vector_store %arg31[%swap3A_271, %swap3A_272], %swap3A_275 {strides = array<i32>} : memref<104x128xi32, #tpu.memory_space<vmem>>, vector<1x16xi32>,
      %scan3A_276 = arith.constant 0 : i32
      %scan3A_277 = arith.constant 4 : i32
      %mul3A_278 = arith.constant 128 : i32
      %mul3A_279 = arith.muli %scan3A_198, %mul3A_278 : i32
      %mul3A_280 = arith.constant 16 : i32
      %mul3A_281 = arith.muli %scan3A_277, %mul3A_280 : i32
      %add3A_282 = arith.addi %mul3A_279, %mul3A_281 : i32
      %get3A_283 = arith.constant 22 : i32
      %get3A_284 = arith.index_cast %get3A_283 : i32 to index
      %get3A_285 = arith.index_cast %add3A_282 : i32 to index
      %get3A_286 = tpu.vector_load %arg30[%get3A_284, %get3A_285] {strides = array<i32>} : memref<26x512xi32, #tpu.memory_space<vmem>>, vector<1x16xi32>,
      %get3A_287 = vector.shape_cast %get3A_286 : vector<1x16xi32> to vector<16xi32>
      %mul3A_288 = arith.constant 16 : i32
      %mul3A_289 = arith.muli %scan3A_277, %mul3A_288 : i32
      %swap3A_290 = arith.index_cast %add3A_201 : i32 to index
      %swap3A_291 = arith.index_cast %mul3A_289 : i32 to index
      %swap3A_292 = tpu.vector_load %arg31[%swap3A_290, %swap3A_291] {strides = array<i32>} : memref<104x128xi32, #tpu.memory_space<vmem>>, vector<1x16xi32>,
      %swap3A_293 = vector.shape_cast %swap3A_292 : vector<1x16xi32> to vector<16xi32>
      %swap3A_294 = vector.shape_cast %get3A_287 : vector<16xi32> to vector<1x16xi32>
      tpu.vector_store %arg31[%swap3A_290, %swap3A_291], %swap3A_294 {strides = array<i32>} : memref<104x128xi32, #tpu.memory_space<vmem>>, vector<1x16xi32>,
      %scan3A_295 = arith.constant 0 : i32
      %scan3A_296 = arith.constant 5 : i32
      %mul3A_297 = arith.constant 128 : i32
      %mul3A_298 = arith.muli %scan3A_198, %mul3A_297 : i32
      %mul3A_299 = arith.constant 16 : i32
      %mul3A_300 = arith.muli %scan3A_296, %mul3A_299 : i32
      %add3A_301 = arith.addi %mul3A_298, %mul3A_300 : i32
      %get3A_302 = arith.constant 22 : i32
      %get3A_303 = arith.index_cast %get3A_302 : i32 to index
      %get3A_304 = arith.index_cast %add3A_301 : i32 to index
      %get3A_305 = tpu.vector_load %arg30[%get3A_303, %get3A_304] {strides = array<i32>} : memref<26x512xi32, #tpu.memory_space<vmem>>, vector<1x16xi32>,
      %get3A_306 = vector.shape_cast %get3A_305 : vector<1x16xi32> to vector<16xi32>
      %mul3A_307 = arith.constant 16 : i32
      %mul3A_308 = arith.muli %scan3A_296, %mul3A_307 : i32
      %swap3A_309 = arith.index_cast %add3A_201 : i32 to index
      %swap3A_310 = arith.index_cast %mul3A_308 : i32 to index
      %swap3A_311 = tpu.vector_load %arg31[%swap3A_309, %swap3A_310] {strides = array<i32>} : memref<104x128xi32, #tpu.memory_space<vmem>>, vector<1x16xi32>,
      %swap3A_312 = vector.shape_cast %swap3A_311 : vector<1x16xi32> to vector<16xi32>
      %swap3A_313 = vector.shape_cast %get3A_306 : vector<16xi32> to vector<1x16xi32>
      tpu.vector_store %arg31[%swap3A_309, %swap3A_310], %swap3A_313 {strides = array<i32>} : memref<104x128xi32, #tpu.memory_space<vmem>>, vector<1x16xi32>,
      %scan3A_314 = arith.constant 0 : i32
      %scan3A_315 = arith.constant 6 : i32
      %mul3A_316 = arith.constant 128 : i32
      %mul3A_317 = arith.muli %scan3A_198, %mul3A_316 : i32
      %mul3A_318 = arith.constant 16 : i32
      %mul3A_319 = arith.muli %scan3A_315, %mul3A_318 : i32
      %add3A_320 = arith.addi %mul3A_317, %mul3A_319 : i32
      %get3A_321 = arith.constant 22 : i32
      %get3A_322 = arith.index_cast %get3A_321 : i32 to index
      %get3A_323 = arith.index_cast %add3A_320 : i32 to index
      %get3A_324 = tpu.vector_load %arg30[%get3A_322, %get3A_323] {strides = array<i32>} : memref<26x512xi32, #tpu.memory_space<vmem>>, vector<1x16xi32>,
      %get3A_325 = vector.shape_cast %get3A_324 : vector<1x16xi32> to vector<16xi32>
      %mul3A_326 = arith.constant 16 : i32
      %mul3A_327 = arith.muli %scan3A_315, %mul3A_326 : i32
      %swap3A_328 = arith.index_cast %add3A_201 : i32 to index
      %swap3A_329 = arith.index_cast %mul3A_327 : i32 to index
      %swap3A_330 = tpu.vector_load %arg31[%swap3A_328, %swap3A_329] {strides = array<i32>} : memref<104x128xi32, #tpu.memory_space<vmem>>, vector<1x16xi32>,
      %swap3A_331 = vector.shape_cast %swap3A_330 : vector<1x16xi32> to vector<16xi32>
      %swap3A_332 = vector.shape_cast %get3A_325 : vector<16xi32> to vector<1x16xi32>
      tpu.vector_store %arg31[%swap3A_328, %swap3A_329], %swap3A_332 {strides = array<i32>} : memref<104x128xi32, #tpu.memory_space<vmem>>, vector<1x16xi32>,
      %scan3A_333 = arith.constant 0 : i32
      %scan3A_334 = arith.constant 7 : i32
      %mul3A_335 = arith.constant 128 : i32
      %mul3A_336 = arith.muli %scan3A_198, %mul3A_335 : i32
      %mul3A_337 = arith.constant 16 : i32
      %mul3A_338 = arith.muli %scan3A_334, %mul3A_337 : i32
      %add3A_339 = arith.addi %mul3A_336, %mul3A_338 : i32
      %get3A_340 = arith.constant 22 : i32
      %get3A_341 = arith.index_cast %get3A_340 : i32 to index
      %get3A_342 = arith.index_cast %add3A_339 : i32 to index
      %get3A_343 = tpu.vector_load %arg30[%get3A_341, %get3A_342] {strides = array<i32>} : memref<26x512xi32, #tpu.memory_space<vmem>>, vector<1x16xi32>,
      %get3A_344 = vector.shape_cast %get3A_343 : vector<1x16xi32> to vector<16xi32>
      %mul3A_345 = arith.constant 16 : i32
      %mul3A_346 = arith.muli %scan3A_334, %mul3A_345 : i32
      %swap3A_347 = arith.index_cast %add3A_201 : i32 to index
      %swap3A_348 = arith.index_cast %mul3A_346 : i32 to index
      %swap3A_349 = tpu.vector_load %arg31[%swap3A_347, %swap3A_348] {strides = array<i32>} : memref<104x128xi32, #tpu.memory_space<vmem>>, vector<1x16xi32>,
      %swap3A_350 = vector.shape_cast %swap3A_349 : vector<1x16xi32> to vector<16xi32>
      %swap3A_351 = vector.shape_cast %get3A_344 : vector<16xi32> to vector<1x16xi32>
      tpu.vector_store %arg31[%swap3A_347, %swap3A_348], %swap3A_351 {strides = array<i32>} : memref<104x128xi32, #tpu.memory_space<vmem>>, vector<1x16xi32>,
      %scan3A_352 = arith.constant 0 : i32
      %scan3A_353 = arith.constant 8 : i32
      %dma_start3A = arith.constant 0 : i32
      %dma_start3A_354 = tpu.memref_slice %arg32[%add3A_201, %dma_start3A] : memref<104x128xf32, #tpu.memory_space<vmem>> -> memref<1x128xf32, #tpu.memory_space<vmem>>
      %dma_start3A_355 = tpu.memref_squeeze %dma_start3A_354 : memref<1x128xf32, #tpu.memory_space<vmem>> -> memref<128xf32, #tpu.memory_space<vmem>>
      %dma_start3A_356 = arith.constant 0 : i32
      %dma_start3A_357 = tpu.memref_slice %arg31[%add3A_201, %dma_start3A_356] : memref<104x128xi32, #tpu.memory_space<vmem>> -> memref<1x128xi32, #tpu.memory_space<vmem>>
      %dma_start3A_358 = tpu.memref_squeeze %dma_start3A_357 : memref<1x128xi32, #tpu.memory_space<vmem>> -> memref<128xi32, #tpu.memory_space<vmem>>
      %dma_start3A_359 = arith.constant 0 : i32
      %dma_start3A_360 = tpu.memref_slice %arg25[%dma_start3A_359] : memref<1000000xf32, #tpu.memory_space<hbm>> -> memref<1000000xf32, #tpu.memory_space<hbm>>
      tpu.enqueue_indirect_dma source(%dma_start3A_360 : memref<1000000xf32, #tpu.memory_space<hbm>>) target(%dma_start3A_355 : memref<128xf32, #tpu.memory_space<vmem>>) offsets(%dma_start3A_358 : memref<128xi32, #tpu.memory_space<vmem>>) semaphore(%arg34 : memref<!tpu.dma_semaphore, #tpu.memory_space<semaphore_mem>>)
      %scan3A_361 = arith.constant 0 : i32
      scf.yield %scan3A_361 : i32
    }
    %scan3A_162 = arith.constant 4 : i32
    %scan3A_163 = arith.constant 0 : i32
    %scan3A_164 = arith.constant 0 : i32
    %scan3A_165 = arith.constant 4 : i32
    %scan3A_166 = arith.addi %scan3A_164, %scan3A_165 : i32
    %scan3A_167 = arith.constant 1 : i32
    %scan3A_168 = scf.for %scan3A_198 = %scan3A_164 to %scan3A_166 step %scan3A_167 iter_args(%scan3A_199 = %scan3A_163) -> (i32)  : i32 {
      %add3A_200 = arith.constant 92 : i32
      %add3A_201 = arith.addi %add3A_200, %scan3A_198 : i32
      %scan3A_202 = arith.constant 0 : i32
      %scan3A_203 = arith.constant 0 : i32
      %mul3A_204 = arith.constant 128 : i32
      %mul3A_205 = arith.muli %scan3A_198, %mul3A_204 : i32
      %mul3A_206 = arith.constant 16 : i32
      %mul3A_207 = arith.muli %scan3A_203, %mul3A_206 : i32
      %add3A_208 = arith.addi %mul3A_205, %mul3A_207 : i32
      %get3A = arith.constant 23 : i32
      %get3A_209 = arith.index_cast %get3A : i32 to index
      %get3A_210 = arith.index_cast %add3A_208 : i32 to index
      %get3A_211 = tpu.vector_load %arg30[%get3A_209, %get3A_210] {strides = array<i32>} : memref<26x512xi32, #tpu.memory_space<vmem>>, vector<1x16xi32>,
      %get3A_212 = vector.shape_cast %get3A_211 : vector<1x16xi32> to vector<16xi32>
      %mul3A_213 = arith.constant 16 : i32
      %mul3A_214 = arith.muli %scan3A_203, %mul3A_213 : i32
      %swap3A = arith.index_cast %add3A_201 : i32 to index
      %swap3A_215 = arith.index_cast %mul3A_214 : i32 to index
      %swap3A_216 = tpu.vector_load %arg31[%swap3A, %swap3A_215] {strides = array<i32>} : memref<104x128xi32, #tpu.memory_space<vmem>>, vector<1x16xi32>,
      %swap3A_217 = vector.shape_cast %swap3A_216 : vector<1x16xi32> to vector<16xi32>
      %swap3A_218 = vector.shape_cast %get3A_212 : vector<16xi32> to vector<1x16xi32>
      tpu.vector_store %arg31[%swap3A, %swap3A_215], %swap3A_218 {strides = array<i32>} : memref<104x128xi32, #tpu.memory_space<vmem>>, vector<1x16xi32>,
      %scan3A_219 = arith.constant 0 : i32
      %scan3A_220 = arith.constant 1 : i32
      %mul3A_221 = arith.constant 128 : i32
      %mul3A_222 = arith.muli %scan3A_198, %mul3A_221 : i32
      %mul3A_223 = arith.constant 16 : i32
      %mul3A_224 = arith.muli %scan3A_220, %mul3A_223 : i32
      %add3A_225 = arith.addi %mul3A_222, %mul3A_224 : i32
      %get3A_226 = arith.constant 23 : i32
      %get3A_227 = arith.index_cast %get3A_226 : i32 to index
      %get3A_228 = arith.index_cast %add3A_225 : i32 to index
      %get3A_229 = tpu.vector_load %arg30[%get3A_227, %get3A_228] {strides = array<i32>} : memref<26x512xi32, #tpu.memory_space<vmem>>, vector<1x16xi32>,
      %get3A_230 = vector.shape_cast %get3A_229 : vector<1x16xi32> to vector<16xi32>
      %mul3A_231 = arith.constant 16 : i32
      %mul3A_232 = arith.muli %scan3A_220, %mul3A_231 : i32
      %swap3A_233 = arith.index_cast %add3A_201 : i32 to index
      %swap3A_234 = arith.index_cast %mul3A_232 : i32 to index
      %swap3A_235 = tpu.vector_load %arg31[%swap3A_233, %swap3A_234] {strides = array<i32>} : memref<104x128xi32, #tpu.memory_space<vmem>>, vector<1x16xi32>,
      %swap3A_236 = vector.shape_cast %swap3A_235 : vector<1x16xi32> to vector<16xi32>
      %swap3A_237 = vector.shape_cast %get3A_230 : vector<16xi32> to vector<1x16xi32>
      tpu.vector_store %arg31[%swap3A_233, %swap3A_234], %swap3A_237 {strides = array<i32>} : memref<104x128xi32, #tpu.memory_space<vmem>>, vector<1x16xi32>,
      %scan3A_238 = arith.constant 0 : i32
      %scan3A_239 = arith.constant 2 : i32
      %mul3A_240 = arith.constant 128 : i32
      %mul3A_241 = arith.muli %scan3A_198, %mul3A_240 : i32
      %mul3A_242 = arith.constant 16 : i32
      %mul3A_243 = arith.muli %scan3A_239, %mul3A_242 : i32
      %add3A_244 = arith.addi %mul3A_241, %mul3A_243 : i32
      %get3A_245 = arith.constant 23 : i32
      %get3A_246 = arith.index_cast %get3A_245 : i32 to index
      %get3A_247 = arith.index_cast %add3A_244 : i32 to index
      %get3A_248 = tpu.vector_load %arg30[%get3A_246, %get3A_247] {strides = array<i32>} : memref<26x512xi32, #tpu.memory_space<vmem>>, vector<1x16xi32>,
      %get3A_249 = vector.shape_cast %get3A_248 : vector<1x16xi32> to vector<16xi32>
      %mul3A_250 = arith.constant 16 : i32
      %mul3A_251 = arith.muli %scan3A_239, %mul3A_250 : i32
      %swap3A_252 = arith.index_cast %add3A_201 : i32 to index
      %swap3A_253 = arith.index_cast %mul3A_251 : i32 to index
      %swap3A_254 = tpu.vector_load %arg31[%swap3A_252, %swap3A_253] {strides = array<i32>} : memref<104x128xi32, #tpu.memory_space<vmem>>, vector<1x16xi32>,
      %swap3A_255 = vector.shape_cast %swap3A_254 : vector<1x16xi32> to vector<16xi32>
      %swap3A_256 = vector.shape_cast %get3A_249 : vector<16xi32> to vector<1x16xi32>
      tpu.vector_store %arg31[%swap3A_252, %swap3A_253], %swap3A_256 {strides = array<i32>} : memref<104x128xi32, #tpu.memory_space<vmem>>, vector<1x16xi32>,
      %scan3A_257 = arith.constant 0 : i32
      %scan3A_258 = arith.constant 3 : i32
      %mul3A_259 = arith.constant 128 : i32
      %mul3A_260 = arith.muli %scan3A_198, %mul3A_259 : i32
      %mul3A_261 = arith.constant 16 : i32
      %mul3A_262 = arith.muli %scan3A_258, %mul3A_261 : i32
      %add3A_263 = arith.addi %mul3A_260, %mul3A_262 : i32
      %get3A_264 = arith.constant 23 : i32
      %get3A_265 = arith.index_cast %get3A_264 : i32 to index
      %get3A_266 = arith.index_cast %add3A_263 : i32 to index
      %get3A_267 = tpu.vector_load %arg30[%get3A_265, %get3A_266] {strides = array<i32>} : memref<26x512xi32, #tpu.memory_space<vmem>>, vector<1x16xi32>,
      %get3A_268 = vector.shape_cast %get3A_267 : vector<1x16xi32> to vector<16xi32>
      %mul3A_269 = arith.constant 16 : i32
      %mul3A_270 = arith.muli %scan3A_258, %mul3A_269 : i32
      %swap3A_271 = arith.index_cast %add3A_201 : i32 to index
      %swap3A_272 = arith.index_cast %mul3A_270 : i32 to index
      %swap3A_273 = tpu.vector_load %arg31[%swap3A_271, %swap3A_272] {strides = array<i32>} : memref<104x128xi32, #tpu.memory_space<vmem>>, vector<1x16xi32>,
      %swap3A_274 = vector.shape_cast %swap3A_273 : vector<1x16xi32> to vector<16xi32>
      %swap3A_275 = vector.shape_cast %get3A_268 : vector<16xi32> to vector<1x16xi32>
      tpu.vector_store %arg31[%swap3A_271, %swap3A_272], %swap3A_275 {strides = array<i32>} : memref<104x128xi32, #tpu.memory_space<vmem>>, vector<1x16xi32>,
      %scan3A_276 = arith.constant 0 : i32
      %scan3A_277 = arith.constant 4 : i32
      %mul3A_278 = arith.constant 128 : i32
      %mul3A_279 = arith.muli %scan3A_198, %mul3A_278 : i32
      %mul3A_280 = arith.constant 16 : i32
      %mul3A_281 = arith.muli %scan3A_277, %mul3A_280 : i32
      %add3A_282 = arith.addi %mul3A_279, %mul3A_281 : i32
      %get3A_283 = arith.constant 23 : i32
      %get3A_284 = arith.index_cast %get3A_283 : i32 to index
      %get3A_285 = arith.index_cast %add3A_282 : i32 to index
      %get3A_286 = tpu.vector_load %arg30[%get3A_284, %get3A_285] {strides = array<i32>} : memref<26x512xi32, #tpu.memory_space<vmem>>, vector<1x16xi32>,
      %get3A_287 = vector.shape_cast %get3A_286 : vector<1x16xi32> to vector<16xi32>
      %mul3A_288 = arith.constant 16 : i32
      %mul3A_289 = arith.muli %scan3A_277, %mul3A_288 : i32
      %swap3A_290 = arith.index_cast %add3A_201 : i32 to index
      %swap3A_291 = arith.index_cast %mul3A_289 : i32 to index
      %swap3A_292 = tpu.vector_load %arg31[%swap3A_290, %swap3A_291] {strides = array<i32>} : memref<104x128xi32, #tpu.memory_space<vmem>>, vector<1x16xi32>,
      %swap3A_293 = vector.shape_cast %swap3A_292 : vector<1x16xi32> to vector<16xi32>
      %swap3A_294 = vector.shape_cast %get3A_287 : vector<16xi32> to vector<1x16xi32>
      tpu.vector_store %arg31[%swap3A_290, %swap3A_291], %swap3A_294 {strides = array<i32>} : memref<104x128xi32, #tpu.memory_space<vmem>>, vector<1x16xi32>,
      %scan3A_295 = arith.constant 0 : i32
      %scan3A_296 = arith.constant 5 : i32
      %mul3A_297 = arith.constant 128 : i32
      %mul3A_298 = arith.muli %scan3A_198, %mul3A_297 : i32
      %mul3A_299 = arith.constant 16 : i32
      %mul3A_300 = arith.muli %scan3A_296, %mul3A_299 : i32
      %add3A_301 = arith.addi %mul3A_298, %mul3A_300 : i32
      %get3A_302 = arith.constant 23 : i32
      %get3A_303 = arith.index_cast %get3A_302 : i32 to index
      %get3A_304 = arith.index_cast %add3A_301 : i32 to index
      %get3A_305 = tpu.vector_load %arg30[%get3A_303, %get3A_304] {strides = array<i32>} : memref<26x512xi32, #tpu.memory_space<vmem>>, vector<1x16xi32>,
      %get3A_306 = vector.shape_cast %get3A_305 : vector<1x16xi32> to vector<16xi32>
      %mul3A_307 = arith.constant 16 : i32
      %mul3A_308 = arith.muli %scan3A_296, %mul3A_307 : i32
      %swap3A_309 = arith.index_cast %add3A_201 : i32 to index
      %swap3A_310 = arith.index_cast %mul3A_308 : i32 to index
      %swap3A_311 = tpu.vector_load %arg31[%swap3A_309, %swap3A_310] {strides = array<i32>} : memref<104x128xi32, #tpu.memory_space<vmem>>, vector<1x16xi32>,
      %swap3A_312 = vector.shape_cast %swap3A_311 : vector<1x16xi32> to vector<16xi32>
      %swap3A_313 = vector.shape_cast %get3A_306 : vector<16xi32> to vector<1x16xi32>
      tpu.vector_store %arg31[%swap3A_309, %swap3A_310], %swap3A_313 {strides = array<i32>} : memref<104x128xi32, #tpu.memory_space<vmem>>, vector<1x16xi32>,
      %scan3A_314 = arith.constant 0 : i32
      %scan3A_315 = arith.constant 6 : i32
      %mul3A_316 = arith.constant 128 : i32
      %mul3A_317 = arith.muli %scan3A_198, %mul3A_316 : i32
      %mul3A_318 = arith.constant 16 : i32
      %mul3A_319 = arith.muli %scan3A_315, %mul3A_318 : i32
      %add3A_320 = arith.addi %mul3A_317, %mul3A_319 : i32
      %get3A_321 = arith.constant 23 : i32
      %get3A_322 = arith.index_cast %get3A_321 : i32 to index
      %get3A_323 = arith.index_cast %add3A_320 : i32 to index
      %get3A_324 = tpu.vector_load %arg30[%get3A_322, %get3A_323] {strides = array<i32>} : memref<26x512xi32, #tpu.memory_space<vmem>>, vector<1x16xi32>,
      %get3A_325 = vector.shape_cast %get3A_324 : vector<1x16xi32> to vector<16xi32>
      %mul3A_326 = arith.constant 16 : i32
      %mul3A_327 = arith.muli %scan3A_315, %mul3A_326 : i32
      %swap3A_328 = arith.index_cast %add3A_201 : i32 to index
      %swap3A_329 = arith.index_cast %mul3A_327 : i32 to index
      %swap3A_330 = tpu.vector_load %arg31[%swap3A_328, %swap3A_329] {strides = array<i32>} : memref<104x128xi32, #tpu.memory_space<vmem>>, vector<1x16xi32>,
      %swap3A_331 = vector.shape_cast %swap3A_330 : vector<1x16xi32> to vector<16xi32>
      %swap3A_332 = vector.shape_cast %get3A_325 : vector<16xi32> to vector<1x16xi32>
      tpu.vector_store %arg31[%swap3A_328, %swap3A_329], %swap3A_332 {strides = array<i32>} : memref<104x128xi32, #tpu.memory_space<vmem>>, vector<1x16xi32>,
      %scan3A_333 = arith.constant 0 : i32
      %scan3A_334 = arith.constant 7 : i32
      %mul3A_335 = arith.constant 128 : i32
      %mul3A_336 = arith.muli %scan3A_198, %mul3A_335 : i32
      %mul3A_337 = arith.constant 16 : i32
      %mul3A_338 = arith.muli %scan3A_334, %mul3A_337 : i32
      %add3A_339 = arith.addi %mul3A_336, %mul3A_338 : i32
      %get3A_340 = arith.constant 23 : i32
      %get3A_341 = arith.index_cast %get3A_340 : i32 to index
      %get3A_342 = arith.index_cast %add3A_339 : i32 to index
      %get3A_343 = tpu.vector_load %arg30[%get3A_341, %get3A_342] {strides = array<i32>} : memref<26x512xi32, #tpu.memory_space<vmem>>, vector<1x16xi32>,
      %get3A_344 = vector.shape_cast %get3A_343 : vector<1x16xi32> to vector<16xi32>
      %mul3A_345 = arith.constant 16 : i32
      %mul3A_346 = arith.muli %scan3A_334, %mul3A_345 : i32
      %swap3A_347 = arith.index_cast %add3A_201 : i32 to index
      %swap3A_348 = arith.index_cast %mul3A_346 : i32 to index
      %swap3A_349 = tpu.vector_load %arg31[%swap3A_347, %swap3A_348] {strides = array<i32>} : memref<104x128xi32, #tpu.memory_space<vmem>>, vector<1x16xi32>,
      %swap3A_350 = vector.shape_cast %swap3A_349 : vector<1x16xi32> to vector<16xi32>
      %swap3A_351 = vector.shape_cast %get3A_344 : vector<16xi32> to vector<1x16xi32>
      tpu.vector_store %arg31[%swap3A_347, %swap3A_348], %swap3A_351 {strides = array<i32>} : memref<104x128xi32, #tpu.memory_space<vmem>>, vector<1x16xi32>,
      %scan3A_352 = arith.constant 0 : i32
      %scan3A_353 = arith.constant 8 : i32
      %dma_start3A = arith.constant 0 : i32
      %dma_start3A_354 = tpu.memref_slice %arg32[%add3A_201, %dma_start3A] : memref<104x128xf32, #tpu.memory_space<vmem>> -> memref<1x128xf32, #tpu.memory_space<vmem>>
      %dma_start3A_355 = tpu.memref_squeeze %dma_start3A_354 : memref<1x128xf32, #tpu.memory_space<vmem>> -> memref<128xf32, #tpu.memory_space<vmem>>
      %dma_start3A_356 = arith.constant 0 : i32
      %dma_start3A_357 = tpu.memref_slice %arg31[%add3A_201, %dma_start3A_356] : memref<104x128xi32, #tpu.memory_space<vmem>> -> memref<1x128xi32, #tpu.memory_space<vmem>>
      %dma_start3A_358 = tpu.memref_squeeze %dma_start3A_357 : memref<1x128xi32, #tpu.memory_space<vmem>> -> memref<128xi32, #tpu.memory_space<vmem>>
      %dma_start3A_359 = arith.constant 0 : i32
      %dma_start3A_360 = tpu.memref_slice %arg26[%dma_start3A_359] : memref<1000000xf32, #tpu.memory_space<hbm>> -> memref<1000000xf32, #tpu.memory_space<hbm>>
      tpu.enqueue_indirect_dma source(%dma_start3A_360 : memref<1000000xf32, #tpu.memory_space<hbm>>) target(%dma_start3A_355 : memref<128xf32, #tpu.memory_space<vmem>>) offsets(%dma_start3A_358 : memref<128xi32, #tpu.memory_space<vmem>>) semaphore(%arg34 : memref<!tpu.dma_semaphore, #tpu.memory_space<semaphore_mem>>)
      %scan3A_361 = arith.constant 0 : i32
      scf.yield %scan3A_361 : i32
    }
    %scan3A_169 = arith.constant 4 : i32
    %scan3A_170 = arith.constant 0 : i32
    %scan3A_171 = arith.constant 0 : i32
    %scan3A_172 = arith.constant 4 : i32
    %scan3A_173 = arith.addi %scan3A_171, %scan3A_172 : i32
    %scan3A_174 = arith.constant 1 : i32
    %scan3A_175 = scf.for %scan3A_198 = %scan3A_171 to %scan3A_173 step %scan3A_174 iter_args(%scan3A_199 = %scan3A_170) -> (i32)  : i32 {
      %add3A_200 = arith.constant 96 : i32
      %add3A_201 = arith.addi %add3A_200, %scan3A_198 : i32
      %scan3A_202 = arith.constant 0 : i32
      %scan3A_203 = arith.constant 0 : i32
      %mul3A_204 = arith.constant 128 : i32
      %mul3A_205 = arith.muli %scan3A_198, %mul3A_204 : i32
      %mul3A_206 = arith.constant 16 : i32
      %mul3A_207 = arith.muli %scan3A_203, %mul3A_206 : i32
      %add3A_208 = arith.addi %mul3A_205, %mul3A_207 : i32
      %get3A = arith.constant 24 : i32
      %get3A_209 = arith.index_cast %get3A : i32 to index
      %get3A_210 = arith.index_cast %add3A_208 : i32 to index
      %get3A_211 = tpu.vector_load %arg30[%get3A_209, %get3A_210] {strides = array<i32>} : memref<26x512xi32, #tpu.memory_space<vmem>>, vector<1x16xi32>,
      %get3A_212 = vector.shape_cast %get3A_211 : vector<1x16xi32> to vector<16xi32>
      %mul3A_213 = arith.constant 16 : i32
      %mul3A_214 = arith.muli %scan3A_203, %mul3A_213 : i32
      %swap3A = arith.index_cast %add3A_201 : i32 to index
      %swap3A_215 = arith.index_cast %mul3A_214 : i32 to index
      %swap3A_216 = tpu.vector_load %arg31[%swap3A, %swap3A_215] {strides = array<i32>} : memref<104x128xi32, #tpu.memory_space<vmem>>, vector<1x16xi32>,
      %swap3A_217 = vector.shape_cast %swap3A_216 : vector<1x16xi32> to vector<16xi32>
      %swap3A_218 = vector.shape_cast %get3A_212 : vector<16xi32> to vector<1x16xi32>
      tpu.vector_store %arg31[%swap3A, %swap3A_215], %swap3A_218 {strides = array<i32>} : memref<104x128xi32, #tpu.memory_space<vmem>>, vector<1x16xi32>,
      %scan3A_219 = arith.constant 0 : i32
      %scan3A_220 = arith.constant 1 : i32
      %mul3A_221 = arith.constant 128 : i32
      %mul3A_222 = arith.muli %scan3A_198, %mul3A_221 : i32
      %mul3A_223 = arith.constant 16 : i32
      %mul3A_224 = arith.muli %scan3A_220, %mul3A_223 : i32
      %add3A_225 = arith.addi %mul3A_222, %mul3A_224 : i32
      %get3A_226 = arith.constant 24 : i32
      %get3A_227 = arith.index_cast %get3A_226 : i32 to index
      %get3A_228 = arith.index_cast %add3A_225 : i32 to index
      %get3A_229 = tpu.vector_load %arg30[%get3A_227, %get3A_228] {strides = array<i32>} : memref<26x512xi32, #tpu.memory_space<vmem>>, vector<1x16xi32>,
      %get3A_230 = vector.shape_cast %get3A_229 : vector<1x16xi32> to vector<16xi32>
      %mul3A_231 = arith.constant 16 : i32
      %mul3A_232 = arith.muli %scan3A_220, %mul3A_231 : i32
      %swap3A_233 = arith.index_cast %add3A_201 : i32 to index
      %swap3A_234 = arith.index_cast %mul3A_232 : i32 to index
      %swap3A_235 = tpu.vector_load %arg31[%swap3A_233, %swap3A_234] {strides = array<i32>} : memref<104x128xi32, #tpu.memory_space<vmem>>, vector<1x16xi32>,
      %swap3A_236 = vector.shape_cast %swap3A_235 : vector<1x16xi32> to vector<16xi32>
      %swap3A_237 = vector.shape_cast %get3A_230 : vector<16xi32> to vector<1x16xi32>
      tpu.vector_store %arg31[%swap3A_233, %swap3A_234], %swap3A_237 {strides = array<i32>} : memref<104x128xi32, #tpu.memory_space<vmem>>, vector<1x16xi32>,
      %scan3A_238 = arith.constant 0 : i32
      %scan3A_239 = arith.constant 2 : i32
      %mul3A_240 = arith.constant 128 : i32
      %mul3A_241 = arith.muli %scan3A_198, %mul3A_240 : i32
      %mul3A_242 = arith.constant 16 : i32
      %mul3A_243 = arith.muli %scan3A_239, %mul3A_242 : i32
      %add3A_244 = arith.addi %mul3A_241, %mul3A_243 : i32
      %get3A_245 = arith.constant 24 : i32
      %get3A_246 = arith.index_cast %get3A_245 : i32 to index
      %get3A_247 = arith.index_cast %add3A_244 : i32 to index
      %get3A_248 = tpu.vector_load %arg30[%get3A_246, %get3A_247] {strides = array<i32>} : memref<26x512xi32, #tpu.memory_space<vmem>>, vector<1x16xi32>,
      %get3A_249 = vector.shape_cast %get3A_248 : vector<1x16xi32> to vector<16xi32>
      %mul3A_250 = arith.constant 16 : i32
      %mul3A_251 = arith.muli %scan3A_239, %mul3A_250 : i32
      %swap3A_252 = arith.index_cast %add3A_201 : i32 to index
      %swap3A_253 = arith.index_cast %mul3A_251 : i32 to index
      %swap3A_254 = tpu.vector_load %arg31[%swap3A_252, %swap3A_253] {strides = array<i32>} : memref<104x128xi32, #tpu.memory_space<vmem>>, vector<1x16xi32>,
      %swap3A_255 = vector.shape_cast %swap3A_254 : vector<1x16xi32> to vector<16xi32>
      %swap3A_256 = vector.shape_cast %get3A_249 : vector<16xi32> to vector<1x16xi32>
      tpu.vector_store %arg31[%swap3A_252, %swap3A_253], %swap3A_256 {strides = array<i32>} : memref<104x128xi32, #tpu.memory_space<vmem>>, vector<1x16xi32>,
      %scan3A_257 = arith.constant 0 : i32
      %scan3A_258 = arith.constant 3 : i32
      %mul3A_259 = arith.constant 128 : i32
      %mul3A_260 = arith.muli %scan3A_198, %mul3A_259 : i32
      %mul3A_261 = arith.constant 16 : i32
      %mul3A_262 = arith.muli %scan3A_258, %mul3A_261 : i32
      %add3A_263 = arith.addi %mul3A_260, %mul3A_262 : i32
      %get3A_264 = arith.constant 24 : i32
      %get3A_265 = arith.index_cast %get3A_264 : i32 to index
      %get3A_266 = arith.index_cast %add3A_263 : i32 to index
      %get3A_267 = tpu.vector_load %arg30[%get3A_265, %get3A_266] {strides = array<i32>} : memref<26x512xi32, #tpu.memory_space<vmem>>, vector<1x16xi32>,
      %get3A_268 = vector.shape_cast %get3A_267 : vector<1x16xi32> to vector<16xi32>
      %mul3A_269 = arith.constant 16 : i32
      %mul3A_270 = arith.muli %scan3A_258, %mul3A_269 : i32
      %swap3A_271 = arith.index_cast %add3A_201 : i32 to index
      %swap3A_272 = arith.index_cast %mul3A_270 : i32 to index
      %swap3A_273 = tpu.vector_load %arg31[%swap3A_271, %swap3A_272] {strides = array<i32>} : memref<104x128xi32, #tpu.memory_space<vmem>>, vector<1x16xi32>,
      %swap3A_274 = vector.shape_cast %swap3A_273 : vector<1x16xi32> to vector<16xi32>
      %swap3A_275 = vector.shape_cast %get3A_268 : vector<16xi32> to vector<1x16xi32>
      tpu.vector_store %arg31[%swap3A_271, %swap3A_272], %swap3A_275 {strides = array<i32>} : memref<104x128xi32, #tpu.memory_space<vmem>>, vector<1x16xi32>,
      %scan3A_276 = arith.constant 0 : i32
      %scan3A_277 = arith.constant 4 : i32
      %mul3A_278 = arith.constant 128 : i32
      %mul3A_279 = arith.muli %scan3A_198, %mul3A_278 : i32
      %mul3A_280 = arith.constant 16 : i32
      %mul3A_281 = arith.muli %scan3A_277, %mul3A_280 : i32
      %add3A_282 = arith.addi %mul3A_279, %mul3A_281 : i32
      %get3A_283 = arith.constant 24 : i32
      %get3A_284 = arith.index_cast %get3A_283 : i32 to index
      %get3A_285 = arith.index_cast %add3A_282 : i32 to index
      %get3A_286 = tpu.vector_load %arg30[%get3A_284, %get3A_285] {strides = array<i32>} : memref<26x512xi32, #tpu.memory_space<vmem>>, vector<1x16xi32>,
      %get3A_287 = vector.shape_cast %get3A_286 : vector<1x16xi32> to vector<16xi32>
      %mul3A_288 = arith.constant 16 : i32
      %mul3A_289 = arith.muli %scan3A_277, %mul3A_288 : i32
      %swap3A_290 = arith.index_cast %add3A_201 : i32 to index
      %swap3A_291 = arith.index_cast %mul3A_289 : i32 to index
      %swap3A_292 = tpu.vector_load %arg31[%swap3A_290, %swap3A_291] {strides = array<i32>} : memref<104x128xi32, #tpu.memory_space<vmem>>, vector<1x16xi32>,
      %swap3A_293 = vector.shape_cast %swap3A_292 : vector<1x16xi32> to vector<16xi32>
      %swap3A_294 = vector.shape_cast %get3A_287 : vector<16xi32> to vector<1x16xi32>
      tpu.vector_store %arg31[%swap3A_290, %swap3A_291], %swap3A_294 {strides = array<i32>} : memref<104x128xi32, #tpu.memory_space<vmem>>, vector<1x16xi32>,
      %scan3A_295 = arith.constant 0 : i32
      %scan3A_296 = arith.constant 5 : i32
      %mul3A_297 = arith.constant 128 : i32
      %mul3A_298 = arith.muli %scan3A_198, %mul3A_297 : i32
      %mul3A_299 = arith.constant 16 : i32
      %mul3A_300 = arith.muli %scan3A_296, %mul3A_299 : i32
      %add3A_301 = arith.addi %mul3A_298, %mul3A_300 : i32
      %get3A_302 = arith.constant 24 : i32
      %get3A_303 = arith.index_cast %get3A_302 : i32 to index
      %get3A_304 = arith.index_cast %add3A_301 : i32 to index
      %get3A_305 = tpu.vector_load %arg30[%get3A_303, %get3A_304] {strides = array<i32>} : memref<26x512xi32, #tpu.memory_space<vmem>>, vector<1x16xi32>,
      %get3A_306 = vector.shape_cast %get3A_305 : vector<1x16xi32> to vector<16xi32>
      %mul3A_307 = arith.constant 16 : i32
      %mul3A_308 = arith.muli %scan3A_296, %mul3A_307 : i32
      %swap3A_309 = arith.index_cast %add3A_201 : i32 to index
      %swap3A_310 = arith.index_cast %mul3A_308 : i32 to index
      %swap3A_311 = tpu.vector_load %arg31[%swap3A_309, %swap3A_310] {strides = array<i32>} : memref<104x128xi32, #tpu.memory_space<vmem>>, vector<1x16xi32>,
      %swap3A_312 = vector.shape_cast %swap3A_311 : vector<1x16xi32> to vector<16xi32>
      %swap3A_313 = vector.shape_cast %get3A_306 : vector<16xi32> to vector<1x16xi32>
      tpu.vector_store %arg31[%swap3A_309, %swap3A_310], %swap3A_313 {strides = array<i32>} : memref<104x128xi32, #tpu.memory_space<vmem>>, vector<1x16xi32>,
      %scan3A_314 = arith.constant 0 : i32
      %scan3A_315 = arith.constant 6 : i32
      %mul3A_316 = arith.constant 128 : i32
      %mul3A_317 = arith.muli %scan3A_198, %mul3A_316 : i32
      %mul3A_318 = arith.constant 16 : i32
      %mul3A_319 = arith.muli %scan3A_315, %mul3A_318 : i32
      %add3A_320 = arith.addi %mul3A_317, %mul3A_319 : i32
      %get3A_321 = arith.constant 24 : i32
      %get3A_322 = arith.index_cast %get3A_321 : i32 to index
      %get3A_323 = arith.index_cast %add3A_320 : i32 to index
      %get3A_324 = tpu.vector_load %arg30[%get3A_322, %get3A_323] {strides = array<i32>} : memref<26x512xi32, #tpu.memory_space<vmem>>, vector<1x16xi32>,
      %get3A_325 = vector.shape_cast %get3A_324 : vector<1x16xi32> to vector<16xi32>
      %mul3A_326 = arith.constant 16 : i32
      %mul3A_327 = arith.muli %scan3A_315, %mul3A_326 : i32
      %swap3A_328 = arith.index_cast %add3A_201 : i32 to index
      %swap3A_329 = arith.index_cast %mul3A_327 : i32 to index
      %swap3A_330 = tpu.vector_load %arg31[%swap3A_328, %swap3A_329] {strides = array<i32>} : memref<104x128xi32, #tpu.memory_space<vmem>>, vector<1x16xi32>,
      %swap3A_331 = vector.shape_cast %swap3A_330 : vector<1x16xi32> to vector<16xi32>
      %swap3A_332 = vector.shape_cast %get3A_325 : vector<16xi32> to vector<1x16xi32>
      tpu.vector_store %arg31[%swap3A_328, %swap3A_329], %swap3A_332 {strides = array<i32>} : memref<104x128xi32, #tpu.memory_space<vmem>>, vector<1x16xi32>,
      %scan3A_333 = arith.constant 0 : i32
      %scan3A_334 = arith.constant 7 : i32
      %mul3A_335 = arith.constant 128 : i32
      %mul3A_336 = arith.muli %scan3A_198, %mul3A_335 : i32
      %mul3A_337 = arith.constant 16 : i32
      %mul3A_338 = arith.muli %scan3A_334, %mul3A_337 : i32
      %add3A_339 = arith.addi %mul3A_336, %mul3A_338 : i32
      %get3A_340 = arith.constant 24 : i32
      %get3A_341 = arith.index_cast %get3A_340 : i32 to index
      %get3A_342 = arith.index_cast %add3A_339 : i32 to index
      %get3A_343 = tpu.vector_load %arg30[%get3A_341, %get3A_342] {strides = array<i32>} : memref<26x512xi32, #tpu.memory_space<vmem>>, vector<1x16xi32>,
      %get3A_344 = vector.shape_cast %get3A_343 : vector<1x16xi32> to vector<16xi32>
      %mul3A_345 = arith.constant 16 : i32
      %mul3A_346 = arith.muli %scan3A_334, %mul3A_345 : i32
      %swap3A_347 = arith.index_cast %add3A_201 : i32 to index
      %swap3A_348 = arith.index_cast %mul3A_346 : i32 to index
      %swap3A_349 = tpu.vector_load %arg31[%swap3A_347, %swap3A_348] {strides = array<i32>} : memref<104x128xi32, #tpu.memory_space<vmem>>, vector<1x16xi32>,
      %swap3A_350 = vector.shape_cast %swap3A_349 : vector<1x16xi32> to vector<16xi32>
      %swap3A_351 = vector.shape_cast %get3A_344 : vector<16xi32> to vector<1x16xi32>
      tpu.vector_store %arg31[%swap3A_347, %swap3A_348], %swap3A_351 {strides = array<i32>} : memref<104x128xi32, #tpu.memory_space<vmem>>, vector<1x16xi32>,
      %scan3A_352 = arith.constant 0 : i32
      %scan3A_353 = arith.constant 8 : i32
      %dma_start3A = arith.constant 0 : i32
      %dma_start3A_354 = tpu.memref_slice %arg32[%add3A_201, %dma_start3A] : memref<104x128xf32, #tpu.memory_space<vmem>> -> memref<1x128xf32, #tpu.memory_space<vmem>>
      %dma_start3A_355 = tpu.memref_squeeze %dma_start3A_354 : memref<1x128xf32, #tpu.memory_space<vmem>> -> memref<128xf32, #tpu.memory_space<vmem>>
      %dma_start3A_356 = arith.constant 0 : i32
      %dma_start3A_357 = tpu.memref_slice %arg31[%add3A_201, %dma_start3A_356] : memref<104x128xi32, #tpu.memory_space<vmem>> -> memref<1x128xi32, #tpu.memory_space<vmem>>
      %dma_start3A_358 = tpu.memref_squeeze %dma_start3A_357 : memref<1x128xi32, #tpu.memory_space<vmem>> -> memref<128xi32, #tpu.memory_space<vmem>>
      %dma_start3A_359 = arith.constant 0 : i32
      %dma_start3A_360 = tpu.memref_slice %arg27[%dma_start3A_359] : memref<1000000xf32, #tpu.memory_space<hbm>> -> memref<1000000xf32, #tpu.memory_space<hbm>>
      tpu.enqueue_indirect_dma source(%dma_start3A_360 : memref<1000000xf32, #tpu.memory_space<hbm>>) target(%dma_start3A_355 : memref<128xf32, #tpu.memory_space<vmem>>) offsets(%dma_start3A_358 : memref<128xi32, #tpu.memory_space<vmem>>) semaphore(%arg34 : memref<!tpu.dma_semaphore, #tpu.memory_space<semaphore_mem>>)
      %scan3A_361 = arith.constant 0 : i32
      scf.yield %scan3A_361 : i32
    }
    %scan3A_176 = arith.constant 4 : i32
    %scan3A_177 = arith.constant 0 : i32
    %scan3A_178 = arith.constant 0 : i32
    %scan3A_179 = arith.constant 4 : i32
    %scan3A_180 = arith.addi %scan3A_178, %scan3A_179 : i32
    %scan3A_181 = arith.constant 1 : i32
    %scan3A_182 = scf.for %scan3A_198 = %scan3A_178 to %scan3A_180 step %scan3A_181 iter_args(%scan3A_199 = %scan3A_177) -> (i32)  : i32 {
      %add3A_200 = arith.constant 100 : i32
      %add3A_201 = arith.addi %add3A_200, %scan3A_198 : i32
      %scan3A_202 = arith.constant 0 : i32
      %scan3A_203 = arith.constant 0 : i32
      %mul3A_204 = arith.constant 128 : i32
      %mul3A_205 = arith.muli %scan3A_198, %mul3A_204 : i32
      %mul3A_206 = arith.constant 16 : i32
      %mul3A_207 = arith.muli %scan3A_203, %mul3A_206 : i32
      %add3A_208 = arith.addi %mul3A_205, %mul3A_207 : i32
      %get3A = arith.constant 25 : i32
      %get3A_209 = arith.index_cast %get3A : i32 to index
      %get3A_210 = arith.index_cast %add3A_208 : i32 to index
      %get3A_211 = tpu.vector_load %arg30[%get3A_209, %get3A_210] {strides = array<i32>} : memref<26x512xi32, #tpu.memory_space<vmem>>, vector<1x16xi32>,
      %get3A_212 = vector.shape_cast %get3A_211 : vector<1x16xi32> to vector<16xi32>
      %mul3A_213 = arith.constant 16 : i32
      %mul3A_214 = arith.muli %scan3A_203, %mul3A_213 : i32
      %swap3A = arith.index_cast %add3A_201 : i32 to index
      %swap3A_215 = arith.index_cast %mul3A_214 : i32 to index
      %swap3A_216 = tpu.vector_load %arg31[%swap3A, %swap3A_215] {strides = array<i32>} : memref<104x128xi32, #tpu.memory_space<vmem>>, vector<1x16xi32>,
      %swap3A_217 = vector.shape_cast %swap3A_216 : vector<1x16xi32> to vector<16xi32>
      %swap3A_218 = vector.shape_cast %get3A_212 : vector<16xi32> to vector<1x16xi32>
      tpu.vector_store %arg31[%swap3A, %swap3A_215], %swap3A_218 {strides = array<i32>} : memref<104x128xi32, #tpu.memory_space<vmem>>, vector<1x16xi32>,
      %scan3A_219 = arith.constant 0 : i32
      %scan3A_220 = arith.constant 1 : i32
      %mul3A_221 = arith.constant 128 : i32
      %mul3A_222 = arith.muli %scan3A_198, %mul3A_221 : i32
      %mul3A_223 = arith.constant 16 : i32
      %mul3A_224 = arith.muli %scan3A_220, %mul3A_223 : i32
      %add3A_225 = arith.addi %mul3A_222, %mul3A_224 : i32
      %get3A_226 = arith.constant 25 : i32
      %get3A_227 = arith.index_cast %get3A_226 : i32 to index
      %get3A_228 = arith.index_cast %add3A_225 : i32 to index
      %get3A_229 = tpu.vector_load %arg30[%get3A_227, %get3A_228] {strides = array<i32>} : memref<26x512xi32, #tpu.memory_space<vmem>>, vector<1x16xi32>,
      %get3A_230 = vector.shape_cast %get3A_229 : vector<1x16xi32> to vector<16xi32>
      %mul3A_231 = arith.constant 16 : i32
      %mul3A_232 = arith.muli %scan3A_220, %mul3A_231 : i32
      %swap3A_233 = arith.index_cast %add3A_201 : i32 to index
      %swap3A_234 = arith.index_cast %mul3A_232 : i32 to index
      %swap3A_235 = tpu.vector_load %arg31[%swap3A_233, %swap3A_234] {strides = array<i32>} : memref<104x128xi32, #tpu.memory_space<vmem>>, vector<1x16xi32>,
      %swap3A_236 = vector.shape_cast %swap3A_235 : vector<1x16xi32> to vector<16xi32>
      %swap3A_237 = vector.shape_cast %get3A_230 : vector<16xi32> to vector<1x16xi32>
      tpu.vector_store %arg31[%swap3A_233, %swap3A_234], %swap3A_237 {strides = array<i32>} : memref<104x128xi32, #tpu.memory_space<vmem>>, vector<1x16xi32>,
      %scan3A_238 = arith.constant 0 : i32
      %scan3A_239 = arith.constant 2 : i32
      %mul3A_240 = arith.constant 128 : i32
      %mul3A_241 = arith.muli %scan3A_198, %mul3A_240 : i32
      %mul3A_242 = arith.constant 16 : i32
      %mul3A_243 = arith.muli %scan3A_239, %mul3A_242 : i32
      %add3A_244 = arith.addi %mul3A_241, %mul3A_243 : i32
      %get3A_245 = arith.constant 25 : i32
      %get3A_246 = arith.index_cast %get3A_245 : i32 to index
      %get3A_247 = arith.index_cast %add3A_244 : i32 to index
      %get3A_248 = tpu.vector_load %arg30[%get3A_246, %get3A_247] {strides = array<i32>} : memref<26x512xi32, #tpu.memory_space<vmem>>, vector<1x16xi32>,
      %get3A_249 = vector.shape_cast %get3A_248 : vector<1x16xi32> to vector<16xi32>
      %mul3A_250 = arith.constant 16 : i32
      %mul3A_251 = arith.muli %scan3A_239, %mul3A_250 : i32
      %swap3A_252 = arith.index_cast %add3A_201 : i32 to index
      %swap3A_253 = arith.index_cast %mul3A_251 : i32 to index
      %swap3A_254 = tpu.vector_load %arg31[%swap3A_252, %swap3A_253] {strides = array<i32>} : memref<104x128xi32, #tpu.memory_space<vmem>>, vector<1x16xi32>,
      %swap3A_255 = vector.shape_cast %swap3A_254 : vector<1x16xi32> to vector<16xi32>
      %swap3A_256 = vector.shape_cast %get3A_249 : vector<16xi32> to vector<1x16xi32>
      tpu.vector_store %arg31[%swap3A_252, %swap3A_253], %swap3A_256 {strides = array<i32>} : memref<104x128xi32, #tpu.memory_space<vmem>>, vector<1x16xi32>,
      %scan3A_257 = arith.constant 0 : i32
      %scan3A_258 = arith.constant 3 : i32
      %mul3A_259 = arith.constant 128 : i32
      %mul3A_260 = arith.muli %scan3A_198, %mul3A_259 : i32
      %mul3A_261 = arith.constant 16 : i32
      %mul3A_262 = arith.muli %scan3A_258, %mul3A_261 : i32
      %add3A_263 = arith.addi %mul3A_260, %mul3A_262 : i32
      %get3A_264 = arith.constant 25 : i32
      %get3A_265 = arith.index_cast %get3A_264 : i32 to index
      %get3A_266 = arith.index_cast %add3A_263 : i32 to index
      %get3A_267 = tpu.vector_load %arg30[%get3A_265, %get3A_266] {strides = array<i32>} : memref<26x512xi32, #tpu.memory_space<vmem>>, vector<1x16xi32>,
      %get3A_268 = vector.shape_cast %get3A_267 : vector<1x16xi32> to vector<16xi32>
      %mul3A_269 = arith.constant 16 : i32
      %mul3A_270 = arith.muli %scan3A_258, %mul3A_269 : i32
      %swap3A_271 = arith.index_cast %add3A_201 : i32 to index
      %swap3A_272 = arith.index_cast %mul3A_270 : i32 to index
      %swap3A_273 = tpu.vector_load %arg31[%swap3A_271, %swap3A_272] {strides = array<i32>} : memref<104x128xi32, #tpu.memory_space<vmem>>, vector<1x16xi32>,
      %swap3A_274 = vector.shape_cast %swap3A_273 : vector<1x16xi32> to vector<16xi32>
      %swap3A_275 = vector.shape_cast %get3A_268 : vector<16xi32> to vector<1x16xi32>
      tpu.vector_store %arg31[%swap3A_271, %swap3A_272], %swap3A_275 {strides = array<i32>} : memref<104x128xi32, #tpu.memory_space<vmem>>, vector<1x16xi32>,
      %scan3A_276 = arith.constant 0 : i32
      %scan3A_277 = arith.constant 4 : i32
      %mul3A_278 = arith.constant 128 : i32
      %mul3A_279 = arith.muli %scan3A_198, %mul3A_278 : i32
      %mul3A_280 = arith.constant 16 : i32
      %mul3A_281 = arith.muli %scan3A_277, %mul3A_280 : i32
      %add3A_282 = arith.addi %mul3A_279, %mul3A_281 : i32
      %get3A_283 = arith.constant 25 : i32
      %get3A_284 = arith.index_cast %get3A_283 : i32 to index
      %get3A_285 = arith.index_cast %add3A_282 : i32 to index
      %get3A_286 = tpu.vector_load %arg30[%get3A_284, %get3A_285] {strides = array<i32>} : memref<26x512xi32, #tpu.memory_space<vmem>>, vector<1x16xi32>,
      %get3A_287 = vector.shape_cast %get3A_286 : vector<1x16xi32> to vector<16xi32>
      %mul3A_288 = arith.constant 16 : i32
      %mul3A_289 = arith.muli %scan3A_277, %mul3A_288 : i32
      %swap3A_290 = arith.index_cast %add3A_201 : i32 to index
      %swap3A_291 = arith.index_cast %mul3A_289 : i32 to index
      %swap3A_292 = tpu.vector_load %arg31[%swap3A_290, %swap3A_291] {strides = array<i32>} : memref<104x128xi32, #tpu.memory_space<vmem>>, vector<1x16xi32>,
      %swap3A_293 = vector.shape_cast %swap3A_292 : vector<1x16xi32> to vector<16xi32>
      %swap3A_294 = vector.shape_cast %get3A_287 : vector<16xi32> to vector<1x16xi32>
      tpu.vector_store %arg31[%swap3A_290, %swap3A_291], %swap3A_294 {strides = array<i32>} : memref<104x128xi32, #tpu.memory_space<vmem>>, vector<1x16xi32>,
      %scan3A_295 = arith.constant 0 : i32
      %scan3A_296 = arith.constant 5 : i32
      %mul3A_297 = arith.constant 128 : i32
      %mul3A_298 = arith.muli %scan3A_198, %mul3A_297 : i32
      %mul3A_299 = arith.constant 16 : i32
      %mul3A_300 = arith.muli %scan3A_296, %mul3A_299 : i32
      %add3A_301 = arith.addi %mul3A_298, %mul3A_300 : i32
      %get3A_302 = arith.constant 25 : i32
      %get3A_303 = arith.index_cast %get3A_302 : i32 to index
      %get3A_304 = arith.index_cast %add3A_301 : i32 to index
      %get3A_305 = tpu.vector_load %arg30[%get3A_303, %get3A_304] {strides = array<i32>} : memref<26x512xi32, #tpu.memory_space<vmem>>, vector<1x16xi32>,
      %get3A_306 = vector.shape_cast %get3A_305 : vector<1x16xi32> to vector<16xi32>
      %mul3A_307 = arith.constant 16 : i32
      %mul3A_308 = arith.muli %scan3A_296, %mul3A_307 : i32
      %swap3A_309 = arith.index_cast %add3A_201 : i32 to index
      %swap3A_310 = arith.index_cast %mul3A_308 : i32 to index
      %swap3A_311 = tpu.vector_load %arg31[%swap3A_309, %swap3A_310] {strides = array<i32>} : memref<104x128xi32, #tpu.memory_space<vmem>>, vector<1x16xi32>,
      %swap3A_312 = vector.shape_cast %swap3A_311 : vector<1x16xi32> to vector<16xi32>
      %swap3A_313 = vector.shape_cast %get3A_306 : vector<16xi32> to vector<1x16xi32>
      tpu.vector_store %arg31[%swap3A_309, %swap3A_310], %swap3A_313 {strides = array<i32>} : memref<104x128xi32, #tpu.memory_space<vmem>>, vector<1x16xi32>,
      %scan3A_314 = arith.constant 0 : i32
      %scan3A_315 = arith.constant 6 : i32
      %mul3A_316 = arith.constant 128 : i32
      %mul3A_317 = arith.muli %scan3A_198, %mul3A_316 : i32
      %mul3A_318 = arith.constant 16 : i32
      %mul3A_319 = arith.muli %scan3A_315, %mul3A_318 : i32
      %add3A_320 = arith.addi %mul3A_317, %mul3A_319 : i32
      %get3A_321 = arith.constant 25 : i32
      %get3A_322 = arith.index_cast %get3A_321 : i32 to index
      %get3A_323 = arith.index_cast %add3A_320 : i32 to index
      %get3A_324 = tpu.vector_load %arg30[%get3A_322, %get3A_323] {strides = array<i32>} : memref<26x512xi32, #tpu.memory_space<vmem>>, vector<1x16xi32>,
      %get3A_325 = vector.shape_cast %get3A_324 : vector<1x16xi32> to vector<16xi32>
      %mul3A_326 = arith.constant 16 : i32
      %mul3A_327 = arith.muli %scan3A_315, %mul3A_326 : i32
      %swap3A_328 = arith.index_cast %add3A_201 : i32 to index
      %swap3A_329 = arith.index_cast %mul3A_327 : i32 to index
      %swap3A_330 = tpu.vector_load %arg31[%swap3A_328, %swap3A_329] {strides = array<i32>} : memref<104x128xi32, #tpu.memory_space<vmem>>, vector<1x16xi32>,
      %swap3A_331 = vector.shape_cast %swap3A_330 : vector<1x16xi32> to vector<16xi32>
      %swap3A_332 = vector.shape_cast %get3A_325 : vector<16xi32> to vector<1x16xi32>
      tpu.vector_store %arg31[%swap3A_328, %swap3A_329], %swap3A_332 {strides = array<i32>} : memref<104x128xi32, #tpu.memory_space<vmem>>, vector<1x16xi32>,
      %scan3A_333 = arith.constant 0 : i32
      %scan3A_334 = arith.constant 7 : i32
      %mul3A_335 = arith.constant 128 : i32
      %mul3A_336 = arith.muli %scan3A_198, %mul3A_335 : i32
      %mul3A_337 = arith.constant 16 : i32
      %mul3A_338 = arith.muli %scan3A_334, %mul3A_337 : i32
      %add3A_339 = arith.addi %mul3A_336, %mul3A_338 : i32
      %get3A_340 = arith.constant 25 : i32
      %get3A_341 = arith.index_cast %get3A_340 : i32 to index
      %get3A_342 = arith.index_cast %add3A_339 : i32 to index
      %get3A_343 = tpu.vector_load %arg30[%get3A_341, %get3A_342] {strides = array<i32>} : memref<26x512xi32, #tpu.memory_space<vmem>>, vector<1x16xi32>,
      %get3A_344 = vector.shape_cast %get3A_343 : vector<1x16xi32> to vector<16xi32>
      %mul3A_345 = arith.constant 16 : i32
      %mul3A_346 = arith.muli %scan3A_334, %mul3A_345 : i32
      %swap3A_347 = arith.index_cast %add3A_201 : i32 to index
      %swap3A_348 = arith.index_cast %mul3A_346 : i32 to index
      %swap3A_349 = tpu.vector_load %arg31[%swap3A_347, %swap3A_348] {strides = array<i32>} : memref<104x128xi32, #tpu.memory_space<vmem>>, vector<1x16xi32>,
      %swap3A_350 = vector.shape_cast %swap3A_349 : vector<1x16xi32> to vector<16xi32>
      %swap3A_351 = vector.shape_cast %get3A_344 : vector<16xi32> to vector<1x16xi32>
      tpu.vector_store %arg31[%swap3A_347, %swap3A_348], %swap3A_351 {strides = array<i32>} : memref<104x128xi32, #tpu.memory_space<vmem>>, vector<1x16xi32>,
      %scan3A_352 = arith.constant 0 : i32
      %scan3A_353 = arith.constant 8 : i32
      %dma_start3A = arith.constant 0 : i32
      %dma_start3A_354 = tpu.memref_slice %arg32[%add3A_201, %dma_start3A] : memref<104x128xf32, #tpu.memory_space<vmem>> -> memref<1x128xf32, #tpu.memory_space<vmem>>
      %dma_start3A_355 = tpu.memref_squeeze %dma_start3A_354 : memref<1x128xf32, #tpu.memory_space<vmem>> -> memref<128xf32, #tpu.memory_space<vmem>>
      %dma_start3A_356 = arith.constant 0 : i32
      %dma_start3A_357 = tpu.memref_slice %arg31[%add3A_201, %dma_start3A_356] : memref<104x128xi32, #tpu.memory_space<vmem>> -> memref<1x128xi32, #tpu.memory_space<vmem>>
      %dma_start3A_358 = tpu.memref_squeeze %dma_start3A_357 : memref<1x128xi32, #tpu.memory_space<vmem>> -> memref<128xi32, #tpu.memory_space<vmem>>
      %dma_start3A_359 = arith.constant 0 : i32
      %dma_start3A_360 = tpu.memref_slice %arg28[%dma_start3A_359] : memref<1000000xf32, #tpu.memory_space<hbm>> -> memref<1000000xf32, #tpu.memory_space<hbm>>
      tpu.enqueue_indirect_dma source(%dma_start3A_360 : memref<1000000xf32, #tpu.memory_space<hbm>>) target(%dma_start3A_355 : memref<128xf32, #tpu.memory_space<vmem>>) offsets(%dma_start3A_358 : memref<128xi32, #tpu.memory_space<vmem>>) semaphore(%arg34 : memref<!tpu.dma_semaphore, #tpu.memory_space<semaphore_mem>>)
      %scan3A_361 = arith.constant 0 : i32
      scf.yield %scan3A_361 : i32
    }
    %scan3A_183 = arith.constant 4 : i32
    %scan3A_184 = arith.constant 0 : i32
    %scan3A_185 = arith.constant 0 : i32
    %scan3A_186 = arith.constant 104 : i32
    %scan3A_187 = arith.addi %scan3A_185, %scan3A_186 : i32
    %scan3A_188 = arith.constant 1 : i32
    %scan3A_189 = scf.for %scan3A_198 = %scan3A_185 to %scan3A_187 step %scan3A_188 iter_args(%scan3A_199 = %scan3A_184) -> (i32)  : i32 {
      %dma_wait3A = arith.constant 0 : i32
      %dma_wait3A_200 = arith.constant 0 : i32
      %dma_wait3A_201 = arith.constant 0 : i32
      %dma_wait3A_202 = tpu.memref_slice %arg32[%dma_wait3A_200, %dma_wait3A_201] : memref<104x128xf32, #tpu.memory_space<vmem>> -> memref<1x128xf32, #tpu.memory_space<vmem>>
      %dma_wait3A_203 = tpu.memref_squeeze %dma_wait3A_202 : memref<1x128xf32, #tpu.memory_space<vmem>> -> memref<128xf32, #tpu.memory_space<vmem>>
      %dma_wait3A_204 = arith.constant 0 : i32
      %dma_wait3A_205 = tpu.memref_slice %arg31[%dma_wait3A, %dma_wait3A_204] : memref<104x128xi32, #tpu.memory_space<vmem>> -> memref<1x128xi32, #tpu.memory_space<vmem>>
      %dma_wait3A_206 = tpu.memref_squeeze %dma_wait3A_205 : memref<1x128xi32, #tpu.memory_space<vmem>> -> memref<128xi32, #tpu.memory_space<vmem>>
      %dma_wait3A_207 = arith.constant 0 : i32
      %dma_wait3A_208 = tpu.memref_slice %arg3[%dma_wait3A_207] : memref<1000000xf32, #tpu.memory_space<hbm>> -> memref<1000000xf32, #tpu.memory_space<hbm>>
      tpu.wait_indirect_dma semaphore(%arg34 : memref<!tpu.dma_semaphore, #tpu.memory_space<semaphore_mem>>) src(%dma_wait3A_208 : memref<1000000xf32, #tpu.memory_space<hbm>>) dst(%dma_wait3A_203 : memref<128xf32, #tpu.memory_space<vmem>>)
      %scan3A_209 = arith.constant 0 : i32
      scf.yield %scan3A_209 : i32
    }
    %scan3A_190 = arith.constant 104 : i32
    %scan3A_191 = arith.constant 0 : i32
    %scan3A_192 = arith.constant 0 : i32
    %scan3A_193 = arith.constant 32 : i32
    %scan3A_194 = arith.addi %scan3A_192, %scan3A_193 : i32
    %scan3A_195 = arith.constant 1 : i32
    %scan3A_196 = scf.for %scan3A_198 = %scan3A_192 to %scan3A_194 step %scan3A_195 iter_args(%scan3A_199 = %scan3A_191) -> (i32)  : i32 {
      %jit3A = arith.constant 8 : i32
      %eq3A = arith.constant 0 : i32
      %eq3A_200 = arith.cmpi eq, %jit3A, %eq3A : i32
      %jit3A_201 = arith.constant 1 : i32
      %select_n3A = arith.select %eq3A_200, %jit3A_201, %jit3A : i32
      %rem3A = arith.remsi %scan3A_198, %select_n3A : i32
      %ne3A = arith.constant 0 : i32
      %ne3A_202 = arith.cmpi ne, %rem3A, %ne3A : i32
      %lt3A = arith.constant 0 : i32
      %lt3A_203 = arith.cmpi slt, %rem3A, %lt3A : i32
      %lt3A_204 = arith.constant 0 : i32
      %lt3A_205 = arith.cmpi slt, %select_n3A, %lt3A_204 : i32
      %ne3A_206 = arith.xori %lt3A_203, %lt3A_205 : i1
      %and3A = arith.andi %ne3A_206, %ne3A_202 : i1
      %add3A_207 = arith.addi %rem3A, %select_n3A : i32
      %select_n3A_208 = arith.select %and3A, %add3A_207, %rem3A : i32
      %mul3A_209 = arith.constant 16 : i32
      %mul3A_210 = arith.muli %select_n3A_208, %mul3A_209 : i32
      %broadcast_in_dim3A = arith.constant 0.000000e+00 : f32
      %broadcast_in_dim3A_211 = vector.broadcast %broadcast_in_dim3A : f32 to vector<16xf32>
      %scan3A_212 = arith.constant 0 : i32
      %scan3A_213 = arith.constant 26 : i32
      %scan3A_214 = arith.addi %scan3A_212, %scan3A_213 : i32
      %scan3A_215 = arith.constant 2 : i32
      %scan3A_216 = scf.for %scan3A_224 = %scan3A_212 to %scan3A_214 step %scan3A_215 iter_args(%scan3A_225 = %broadcast_in_dim3A_211) -> (vector<16xf32>)  : i32 {
        %mul3A_226 = arith.constant 4 : i32
        %mul3A_227 = arith.muli %scan3A_224, %mul3A_226 : i32
        %jit3A_228 = arith.constant 8 : i32
        %div3A = arith.divsi %scan3A_198, %jit3A_228 : i32
        %sign3A = arith.constant 0 : i32
        %sign3A_229 = arith.cmpi sgt, %scan3A_198, %sign3A : i32
        %sign3A_230 = arith.extui %sign3A_229 : i1 to i32
        %sign3A_231 = arith.constant 0 : i32
        %sign3A_232 = arith.cmpi slt, %scan3A_198, %sign3A_231 : i32
        %sign3A_233 = arith.extui %sign3A_232 : i1 to i32
        %sign3A_234 = arith.subi %sign3A_230, %sign3A_233 : i32
        %sign3A_235 = arith.constant 0 : i32
        %sign3A_236 = arith.cmpi sgt, %jit3A_228, %sign3A_235 : i32
        %sign3A_237 = arith.extui %sign3A_236 : i1 to i32
        %sign3A_238 = arith.constant 0 : i32
        %sign3A_239 = arith.cmpi slt, %jit3A_228, %sign3A_238 : i32
        %sign3A_240 = arith.extui %sign3A_239 : i1 to i32
        %sign3A_241 = arith.subi %sign3A_237, %sign3A_240 : i32
        %ne3A_242 = arith.cmpi ne, %sign3A_234, %sign3A_241 : i32
        %rem3A_243 = arith.remsi %scan3A_198, %jit3A_228 : i32
        %ne3A_244 = arith.constant 0 : i32
        %ne3A_245 = arith.cmpi ne, %rem3A_243, %ne3A_244 : i32
        %and3A_246 = arith.andi %ne3A_242, %ne3A_245 : i1
        %sub3A = arith.constant 1 : i32
        %sub3A_247 = arith.subi %div3A, %sub3A : i32
        %select_n3A_248 = arith.select %and3A_246, %sub3A_247, %div3A : i32
        %add3A_249 = arith.addi %mul3A_227, %select_n3A_248 : i32
        %get3A = arith.index_cast %add3A_249 : i32 to index
        %get3A_250 = arith.index_cast %mul3A_210 : i32 to index
        %get3A_251 = tpu.vector_load %arg32[%get3A, %get3A_250] {strides = array<i32>} : memref<104x128xf32, #tpu.memory_space<vmem>>, vector<1x16xf32>,
        %get3A_252 = vector.shape_cast %get3A_251 : vector<1x16xf32> to vector<16xf32>
        %add3A_253 = arith.addf %scan3A_225, %get3A_252 : vector<16xf32>
        %scan3A_254 = arith.constant 1 : i32
        %scan3A_255 = arith.addi %scan3A_224, %scan3A_254 : i32
        %mul3A_256 = arith.constant 4 : i32
        %mul3A_257 = arith.muli %scan3A_255, %mul3A_256 : i32
        %jit3A_258 = arith.constant 8 : i32
        %div3A_259 = arith.divsi %scan3A_198, %jit3A_258 : i32
        %sign3A_260 = arith.constant 0 : i32
        %sign3A_261 = arith.cmpi sgt, %scan3A_198, %sign3A_260 : i32
        %sign3A_262 = arith.extui %sign3A_261 : i1 to i32
        %sign3A_263 = arith.constant 0 : i32
        %sign3A_264 = arith.cmpi slt, %scan3A_198, %sign3A_263 : i32
        %sign3A_265 = arith.extui %sign3A_264 : i1 to i32
        %sign3A_266 = arith.subi %sign3A_262, %sign3A_265 : i32
        %sign3A_267 = arith.constant 0 : i32
        %sign3A_268 = arith.cmpi sgt, %jit3A_258, %sign3A_267 : i32
        %sign3A_269 = arith.extui %sign3A_268 : i1 to i32
        %sign3A_270 = arith.constant 0 : i32
        %sign3A_271 = arith.cmpi slt, %jit3A_258, %sign3A_270 : i32
        %sign3A_272 = arith.extui %sign3A_271 : i1 to i32
        %sign3A_273 = arith.subi %sign3A_269, %sign3A_272 : i32
        %ne3A_274 = arith.cmpi ne, %sign3A_266, %sign3A_273 : i32
        %rem3A_275 = arith.remsi %scan3A_198, %jit3A_258 : i32
        %ne3A_276 = arith.constant 0 : i32
        %ne3A_277 = arith.cmpi ne, %rem3A_275, %ne3A_276 : i32
        %and3A_278 = arith.andi %ne3A_274, %ne3A_277 : i1
        %sub3A_279 = arith.constant 1 : i32
        %sub3A_280 = arith.subi %div3A_259, %sub3A_279 : i32
        %select_n3A_281 = arith.select %and3A_278, %sub3A_280, %div3A_259 : i32
        %add3A_282 = arith.addi %mul3A_257, %select_n3A_281 : i32
        %get3A_283 = arith.index_cast %add3A_282 : i32 to index
        %get3A_284 = arith.index_cast %mul3A_210 : i32 to index
        %get3A_285 = tpu.vector_load %arg32[%get3A_283, %get3A_284] {strides = array<i32>} : memref<104x128xf32, #tpu.memory_space<vmem>>, vector<1x16xf32>,
        %get3A_286 = vector.shape_cast %get3A_285 : vector<1x16xf32> to vector<16xf32>
        %add3A_287 = arith.addf %add3A_253, %get3A_286 : vector<16xf32>
        scf.yield %add3A_287 : vector<16xf32>
      }
      %scan3A_217 = arith.constant 26 : i32
      %mul3A_218 = arith.constant 16 : i32
      %mul3A_219 = arith.muli %scan3A_198, %mul3A_218 : i32
      %swap3A = arith.index_cast %mul3A_219 : i32 to index
      %swap3A_220 = tpu.vector_load %arg33[%swap3A] {strides = array<i32>} : memref<512xf32, #tpu.memory_space<vmem>>, vector<16xf32>,
      %swap3A_221 = vector.shape_cast %swap3A_220 : vector<16xf32> to vector<16xf32>
      %swap3A_222 = vector.shape_cast %scan3A_216 : vector<16xf32> to vector<16xf32>
      tpu.vector_store %arg33[%swap3A], %swap3A_222 {strides = array<i32>} : memref<512xf32, #tpu.memory_space<vmem>>, vector<16xf32>,
      %scan3A_223 = arith.constant 0 : i32
      scf.yield %scan3A_223 : i32
    }
    %scan3A_197 = arith.constant 32 : i32
    "tpu.region"() ({
      %run_scoped3A = tpu.sem_alloc : memref<!tpu.dma_semaphore, #tpu.memory_space<semaphore_mem>>
      %dma_start3A = tpu.memref_slice %arg29[%mul3A_2] : memref<16384xf32, #tpu.memory_space<hbm>> -> memref<512xf32, #tpu.memory_space<hbm>>
      %dma_start3A_198 = tpu.memref_slice %arg29[%mul3A_2] : memref<16384xf32, #tpu.memory_space<hbm>> -> memref<512xf32, #tpu.memory_space<hbm>>
      tpu.enqueue_dma source(%arg33 : memref<512xf32, #tpu.memory_space<vmem>>) target(%dma_start3A_198 : memref<512xf32, #tpu.memory_space<hbm>>) target_semaphore(%run_scoped3A : memref<!tpu.dma_semaphore, #tpu.memory_space<semaphore_mem>>)
      %dma_wait3A = tpu.memref_slice %arg29[%mul3A_2] : memref<16384xf32, #tpu.memory_space<hbm>> -> memref<512xf32, #tpu.memory_space<hbm>>
      %dma_wait3A_199 = tpu.memref_slice %arg29[%mul3A_2] : memref<16384xf32, #tpu.memory_space<hbm>> -> memref<512xf32, #tpu.memory_space<hbm>>
      tpu.wait_dma2 semaphore(%run_scoped3A : memref<!tpu.dma_semaphore, #tpu.memory_space<semaphore_mem>>) src(%arg33 : memref<512xf32, #tpu.memory_space<vmem>>) dst(%dma_wait3A_199 : memref<512xf32, #tpu.memory_space<hbm>>)
      tpu.yield
    }) : () -> ()
    return
  }
}

</mosaic_0001>

<sc_bundles>
// kernel: kernel.3.cloned.1.call-start
scs
__scs_entry_jumppad:
0x0: {  	(pc) =	sbr.rel $0x88, $3  }
0x1: {  	(tag) =	ssettag $0x0;
	lr =	simm.s32 $0x1  }
0x2: {  	[smem:$0x3F9F] =	sst lr;
	_ =	strace $0xD0000000  }
0x3: {  	_ = 	snop  }
0x4: {  	_ = 	snop  }
0x5: {  	_ = 	snop  }
0x6: {  	_ = 	snop  }
0x7: {  	_ = 	snop  }
__scs_overlays_trampoline_lowered:
0x8: {  	[smem:$0x3FAE] =	sst s0  }
0x9: {  	[smem:$0x3FAF] =	sst s1  }
0xa: {  	[smem:$0x3FB0] =	sst s2  }
0xb: {  	[smem:$0x3FB1] =	sst s3  }
0xc: {  	[smem:$0x3FB2] =	sst s4  }
0xd: {  	[smem:$0x3FB3] =	sst s5  }
0xe: {  	[smem:$0x3FB4] =	sst s6  }
0xf: {  	[smem:$0x3FB5] =	sst s7  }
0x10: {  	[smem:$0x3FB6] =	sst s8  }
0x11: {  	[smem:$0x3FB7] =	sst s9;
	s0 =	simm.s32 @!p0 $0x0  }
0x12: {  	s1 =	sld [smem:$0x3F9D];
	s0 =	simm.s32 @p0 $0x1  }
0x13: {  	[smem:$0x3FB8] =	sst s0;
	s0 =	simm.s32 @!p1 $0x0  }
0x14: {  	s2 =	sld [smem:$0x3F9C];
	s0 =	simm.s32 @p1 $0x1  }
0x15: {  	[smem:$0x3FB9] =	sst s0;
	s0 =	simm.s32 @!p2 $0x0  }
0x16: {  	s3 =	sld [smem:$0x3FDB];
	s0 =	simm.s32 @p2 $0x1  }
0x17: {  	s4 =	simm.s32 $0x1BF5;
	[smem:$0x3FBB] =	sst s0  }
0x18: {  	s0 =	sld [smem:$0x3F9E];
	_ =	swait.ge [sflag:s4], $0x0  }
0x19: {  	s7 =	sld [smem:$0x3F9F]  }
0x1a: {  	s8 =	sadd.s32 $0xFFFFE003, lr  }
0x1b: {  	s9 =	sadd.s32 $0xFFFFFEF7, lr;
	s5 =	simm.s32 $0xFFFFFFFF;
	p2 =	slt.u32 s8, $0xFFFFF086  }
0x1c: {  	p1 =	slt.u32 s9, $0xF7A;
	s5 =	simm.s32 @!p2 $0x0  }
0x1d: {  	s5 =	simm.s32 @p1 $0x1;
	p0 =	seq.s32 s7, s2  }
0x1e: {  	s7 =	smul.u32 @!p0 $0xF7A, s2;
	p2 =	seq.s32 @!p0 s5, $0x0  }
0x1f: {  	s9 =	smul.u32 $0xF7A, s1;
	s8 =	simm.s32 @!p0 $0x1BF5;
	p2 =	por !p2, p0  }
0x20: {  	[sflag:s8] =	ssyncset.s32 @!p0 $0xFFFFF086;
	s6 =	sadd.s32 @!p0 s3, s7;
	s7 =	simm.s32 @!p0 $0x108  }
0x21: {  	s3 =	sadd.s32 s3, s9;
	s6 =	sadd.s32 @!p0 $0x88, s6;
	s7 =	simm.s32 @p2 $0x1082  }
0x22: {  	[simem:s7], [sflag:s8] =	dma.local @!p0 [hbm:s6], $0xF7A  }
0x23: {  	s9 =	sor.u32 $0xD0000000, s2;
	s6 =	simm.s32 $0x108;
	_ =	swait.ge @!p0 [sflag:s8], $0x0  }
0x24: {  	s3 =	sadd.s32 $0x88, s3;
	s6 =	simm.s32 @!p1 $0x1082;
	[sflag:s4] =	ssyncset.s32 $0xFFFFF086  }
0x25: {  	[simem:s6], [sflag:s4] =	dma.local [hbm:s3], $0xF7A  }
0x26: {  	[smem:$0x3F9F] =	sst s1;
	(tag) =	ssettag s2;
	_ =	strace s9  }
0x27: {  	s1 =	sld [smem:$0x3FAF]  }
0x28: {  	s2 =	sld [smem:$0x3FB0]  }
0x29: {  	s4 =	sld [smem:$0x3FB2]  }
0x2a: {  	p0 =	seq.s32 s5, $0x0;
	s5 =	sld [smem:$0x3FB3]  }
0x2b: {  	s6 =	sld [smem:$0x3FB4]  }
0x2c: {  	s7 =	sld [smem:$0x3FB5]  }
0x2d: {  	s3 =	simm.s32 $0x108;
	s8 =	sld [smem:$0x3FB6]  }
0x2e: {  	s3 =	simm.s32 @!p0 $0x1082;
	s9 =	sld [smem:$0x3FB7]  }
0x2f: {  	lr =	sadd.s32 s0, s3;
	s0 =	sld [smem:$0x3FAE]  }
0x30: {  	s3 =	sld [smem:$0x3FB1]  }
0x31: {  	[smem:$0x3FBA] =	sst s10  }
0x32: {  	s10 =	sld [smem:$0x3FB8];
	_ =	sdelay $0x3  }
0x33: {  	p0 =	seq.s32 s10, $0x1;
	s10 =	sld [smem:$0x3FBA];
	_ =	sdelay $0x3  }
0x34: {  	[smem:$0x3FBA] =	sst s10  }
0x35: {  	s10 =	sld [smem:$0x3FB9];
	_ =	sdelay $0x3  }
0x36: {  	p1 =	seq.s32 s10, $0x1;
	s10 =	sld [smem:$0x3FBA];
	_ =	sdelay $0x3  }
0x37: {  	[smem:$0x3FBA] =	sst s10  }
0x38: {  	s10 =	sld [smem:$0x3FBB]  }
0x39: {  	_ = 	snop;
	(pc) =	sbr.ind lr, $3  }
0x3a: {  	_ = 	snop  }
0x3b: {  	_ = 	snop  }
0x3c: {  	p2 =	seq.s32 s10, $0x1;
	s10 =	sld [smem:$0x3FBA]  }
0x3d: {  	_ =	shalt  }
0x3e: {  	_ =	shalt  }
0x3f: {  	_ =	shalt  }
0x40: {  	_ =	shalt  }
0x41: {  	_ =	shalt  }
0x42: {  	_ =	shalt  }
0x43: {  	_ =	shalt  }
0x44: {  	_ =	shalt  }
0x45: {  	_ =	shalt  }
0x46: {  	_ =	shalt  }
0x47: {  	_ =	shalt  }
0x48: {  	_ =	shalt  }
0x49: {  	_ =	shalt  }
0x4a: {  	_ =	shalt  }
0x4b: {  	_ =	shalt  }
0x4c: {  	_ =	shalt  }
0x4d: {  	_ =	shalt  }
0x4e: {  	_ =	shalt  }
0x4f: {  	_ =	shalt  }
0x50: {  	_ =	shalt  }
0x51: {  	_ =	shalt  }
0x52: {  	_ =	shalt  }
0x53: {  	_ =	shalt  }
0x54: {  	_ =	shalt  }
0x55: {  	_ =	shalt  }
0x56: {  	_ =	shalt  }
0x57: {  	_ =	shalt  }
0x58: {  	_ =	shalt  }
0x59: {  	_ =	shalt  }
0x5a: {  	_ =	shalt  }
0x5b: {  	_ =	shalt  }
0x5c: {  	_ =	shalt  }
0x5d: {  	_ =	shalt  }
0x5e: {  	_ =	shalt  }
0x5f: {  	_ =	shalt  }
0x60: {  	_ =	shalt  }
0x61: {  	_ =	shalt  }
0x62: {  	_ =	shalt  }
0x63: {  	_ =	shalt  }
0x64: {  	_ =	shalt  }
0x65: {  	_ =	shalt  }
0x66: {  	_ =	shalt  }
0x67: {  	_ =	shalt  }
0x68: {  	_ =	shalt  }
0x69: {  	_ =	shalt  }
0x6a: {  	_ =	shalt  }
0x6b: {  	_ =	shalt  }
0x6c: {  	_ =	shalt  }
0x6d: {  	_ =	shalt  }
0x6e: {  	_ =	shalt  }
0x6f: {  	_ =	shalt  }
0x70: {  	_ =	shalt  }
0x71: {  	_ =	shalt  }
0x72: {  	_ =	shalt  }
0x73: {  	_ =	shalt  }
0x74: {  	_ =	shalt  }
0x75: {  	_ =	shalt  }
0x76: {  	_ =	shalt  }
0x77: {  	_ =	shalt  }
0x78: {  	_ =	shalt  }
0x79: {  	_ =	shalt  }
0x7a: {  	_ =	shalt  }
0x7b: {  	_ =	shalt  }
0x7c: {  	_ =	shalt  }
0x7d: {  	_ =	shalt  }
0x7e: {  	_ =	shalt  }
0x7f: {  	_ =	shalt  }
0x80: {  	_ =	shalt  }
0x81: {  	_ =	shalt  }
0x82: {  	_ =	shalt  }
0x83: {  	_ =	shalt  }
0x84: {  	_ =	shalt  }
0x85: {  	_ =	shalt  }
0x86: {  	_ =	shalt  }
0x87: {  	_ =	shalt  }
.Lfunc_end0:
.L_simem_size_0:
called_computation_lowered:
.L_overlay_start_0:
0x88: {  	s2 =	sld [smem:$0x3FD9]  }
0x89: {  	s3 =	sld [smem:$0x3FFE];
	_ =	sdelay $0x1  }
0x8a: {  	s1 =	srdreg.scid  }
0x8b: {  	s0 =	sand.u32 $0x1, s1  }
0x8c: {  	s17 =	sshll.u32 s0, $0xA;
	s2 =	sadd.s32 s3, s2  }
0x8d: {  	s2 =	sadd.s32 s2, s17  }
0x8e: {  	[smem:$0x3FC6] =	sst s2  }
0x8f: {  	_ = 	snop  }
0x90: {  	s2 =	sld [smem:$0x3FD0];
	(tm) =	ssettm $0x1  }
0x91: {  	s18 =	sld [smem:$0x3FFB];
	_ =	sdelay $0x3  }
0x92: {  	_ =	strace s18  }
0x93: {  	s3 =	sld [smem:$0x3FFC];
	_ =	sdelay $0x3  }
0x94: {  	_ =	strace s3  }
0x95: {  	s3 =	sld [smem:$0x3FFD];
	_ =	sdelay $0x3  }
0x96: {  	_ =	strace s3  }
0x97: {  	_ =	strace $0x8FFFFFFF  }
0x98: {  	s19 =	sld [smem:$0x3FDB];
	_ =	sdelay $0x1  }
0x99: {  	s4 =	simm.s32 $_scs_section_size  }
0x9a: {  	s5 =	simm.s32 $_size__tile_overlayer_lowered;
	s6 =	simm.s32 $_tile_overlayer_lowered  }
0x9b: {  	s22 =	simm.s32 $0x1BFF;
	s21 =	sshll.u32 s6, $0x1;
	s3 =	sadd.s32 s4, s19  }
0x9c: {  	s7 =	simm.s32 $0x0;
	s20 =	sshll.u32 s5, $0x1;
	s5 =	sadd.s32 s21, s3  }
0x9d: {  	[timem:s7], [sflag:s22] =	dma.local [hbm:s5], s20  }
0x9e: {  	_ =	swait.ge [sflag:s22], s20  }
0x9f: {  	s4 =	ssub.s32 $0x0, s20;
	[sflag:s22] =	ssyncset.done $0x0  }
0xa0: {  	[sflag:s22] =	ssyncadd.s32 s4;
	_ =	sdelay $0x1  }
0xa1: {  	s23 =	simm.s32 $0x1B8B  }
0xa2: {  	_ =	swait.ge [sflag:s23], $0x1  }
0xa3: {  	[sflag:s23] =	ssyncset.done $0x0  }
0xa4: {  	s25 =	simm.s32 $0x1B8E;
	s24 =	sld [smem:$0x3FFE];
	[sflag:s23] =	ssyncadd.s32 $0xFFFFFFFF  }
0xa5: {  	s26 =	simm.s32 $execute0_lowered;
	[smem:$0x3FD2] =	sst s25  }
0xa6: {  	s5 =	sshll.u32 s26, $0x1;
	_ =	strace $0x80000046;
	[dreg:$0x1] =	wrdreg $0xFFFFFFFF  }
0xa7: {  	s28 =	simm.s32 $_size_execute0_lowered;
	s3 =	sadd.s32 s3, s5;
	[dreg:$0x0] =	wrdreg $0x0  }
0xa8: {  	s5 =	sshll.u32 s28, $0x1;
	[dreg:$0x2] =	wrdreg s3  }
0xa9: {  	[dreg:$0x3] =	wrdreg s5  }
0xaa: {  	[dreg:$0x4] =	wrdreg $0xC0  }
0xab: {  	_ =	task [dreg:s7], $0x5FFFF  }
0xac: {  	[dreg:$0x1] =	wrdreg $0xFFFFFFFF  }
0xad: {  	[dreg:$0x0] =	wrdreg $0x60  }
0xae: {  	[dreg:$0x2] =	wrdreg s24  }
0xaf: {  	[dreg:$0x3] =	wrdreg s2  }
0xb0: {  	[dreg:$0x4] =	wrdreg $0x9  }
0xb1: {  	_ =	task.clear_ibuf [dreg:s7], $0x5FFFF;
	_ =	strace $0x90000046  }
0xb2: {  	s29 =	simm.s32 $0x9;
	_ =	strace $0x80000048  }
0xb3: {  	_ =	swait.ge [sflag:s29], $0x1  }
0xb4: {  	[sflag:s29] =	ssyncadd.s32 $0xFFFFFFFF  }
0xb5: {  	_ =	strace $0x90000048  }
0xb6: {  	_ =	sfence  }
0xb7: {  	s30 =	sld [smem:$0x0];
	_ =	sdelay $0x2  }
0xb8: {  	s31 =	sshll.u32 s1, $0xD;
	s1 =	sshrl.u32 s1, $0x2  }
0xb9: {  	s3 =	sand.u32 $0x4000, s31;
	s1 =	sadd.s32 s1, s30  }
0xba: {  	s0 =	sor.u32 s3, s0;
	s1 =	sshll.u32 s1, $0x11  }
0xbb: {  	s0 =	sor.u32 s1, s0  }
0xbc: {  	s0 =	sadd.s32 $0x8F2B, s0  }
0xbd: {  	[sflag:s0] =	ssyncadd.remote.s32 $0x1  }
0xbe: {  	_ =	sfence.sel $0xFFFF  }
0xbf: {  	[dreg:$0x0] =	wrdreg $0xFFFFFFFF;
	(pc) =	sbr.abs _section_cstart, $3  }
0xc0: {  	[dreg:$0x1] =	wrdreg $0xFFFFFFFF  }
0xc1: {  	_ =	task.clear_ibuf [dreg:s7], $0x2FFFF;
	_ =	strace $0x9FFFFFFF  }
0xc2: {  	(tm) =	ssettm $0x7FFFFFFF  }
0xc3: {  	_ =	shalt  }
tec
execute0_lowered:
.L_overlay_start_1:
0x0: {  	(tag) =	ssettag $0x1  }
0x1: {  	s5 =	rddreg [dreg:$0x0];
	s6 =	simm.s32 $0x0  }
0x2: {  	[smem:$0x7FF] =	sst s6  }
0x3: {  	s22 =	sadd.s32 $0x18E200, s5;
	s4 =	sadd.s32 $0x16F800, s5  }
0x4: {  	s0 =	rddreg [dreg:$0x1];
	s7 =	sadd.s32 $0x150E00, s5;
	s8 =	sadd.s32 $0x132400, s5  }
0x5: {  	s1 =	srdreg.scid;
	s9 =	sadd.s32 $0x113A00, s5;
	s10 =	sadd.s32 $0x245E00, s5  }
0x6: {  	s3 =	sadd.s32 $0x1EA00, s5;
	s11 =	sadd.s32 $0x227400, s5;
	s12 =	sadd.s32 $0xF5000, s5  }
0x7: {  	s2 =	stileid.u32;
	s13 =	sadd.s32 $0x208A00, s5;
	s15 =	sadd.s32 $0x1CB600, s5  }
0x8: {  	s1 =	sand.u32 $0x1, s1;
	s16 =	sadd.s32 $0x1ACC00, s5;
	s17 =	sadd.s32 $0x2FDA00, s5  }
0x9: {  	s14 =	sadd.s32 $0x1EA000, s5;
	s18 =	sadd.s32 $0x2DF000, s5;
	s19 =	sadd.s32 $0x2C0600, s5  }
0xa: {  	s2 =	sshll.u32 s2, $0x7;
	s20 =	sadd.s32 $0x2A1C00, s5;
	s21 =	sadd.s32 $0x283200, s5  }
0xb: {  	s28 =	sadd.s32 $0xB7C00, s5;
	_ =	strace $0x80000047;
	[dreg:$0x3] =	wrdreg s3  }
0xc: {  	s29 =	sadd.s32 $0x99200, s5;
	s30 =	sadd.s32 $0x7A800, s5;
	[dreg:$0x4] =	wrdreg s22  }
0xd: {  	s31 =	sadd.s32 $0x5BE00, s5;
	s23 =	sshll.u32 s1, $0x6;
	[dreg:$0x5] =	wrdreg s4  }
0xe: {  	s1 =	ssub.s32 $0x2, s1;
	s22 =	simm.s32 $0x1;
	s2 =	sor.u32 s23, s2  }
0xf: {  	s24 =	sshrl.u32 s1, $0x1;
	s23 =	sadd.s32 $0x264800, s5;
	s3 =	sadd.s32 s2, s5  }
0x10: {  	s1 =	ssub.s32 s1, s24;
	s0 =	sadd.s32 s0, s2;
	s2 =	simm.s32 $0x80  }
0x11: {  	s24 =	simm.s32 $0x0;
	[dreg:$0x6] =	wrdreg s0;
	s25 =	sadd.s32 $0x31C400, s3  }
0x12: {  	s26 =	smax.u32 s1, $0x1;
	s0 =	sadd.s32 $0x3D400, s5;
	[dreg:$0x7] =	wrdreg s25  }
0x13: {  	[dreg:$0x8] =	wrdreg s26;
	s26 =	sadd.s32 $0xD6600, s5;
	s5 =	simm.s32 $0x2  }
.LBB2_1:
0x14: {  	s1 =	rddreg [dreg:$0x7];
	s3 =	simm.s32 $0x200;
	s4 =	simm.s32 $0x4000  }
0x15: {  	[tilespmem:s6], [sflag:$0x2] =	stream.strided.gather [hbm4b:s1+s3], $0x3400, s4, s3, $0x38;
	[tilespmem:$0x9E00] =	vst v63  }
0x16: {  	_ =	swait.ge [sflag:s5], $0x3400  }
0x17: {  	[sflag:s5] =	ssyncset.done $0x0  }
0x18: {  	[sflag:s5] =	ssyncadd.s32 $0xFFFFCC00  }
0x19: {  	v0 =	vld [tilespmem:$0x0]  }
0x1a: {  	v1 =	vld [tilespmem:$0x10]  }
0x1b: {  	v2 =	vld [tilespmem:$0x20]  }
0x1c: {  	v3 =	vld [tilespmem:$0x30]  }
0x1d: {  	v4 =	vld [tilespmem:$0x40]  }
0x1e: {  	v27 =	vld [tilespmem:$0x50];
	[tilespmem:$0x3400] =	vst v0  }
0x1f: {  	v28 =	vld [tilespmem:$0x60];
	[tilespmem:$0x3410] =	vst v1  }
0x20: {  	v29 =	vld [tilespmem:$0x70];
	[tilespmem:$0x3420] =	vst v2  }
0x21: {  	[tilespmem:$0x3430] =	vst v3  }
0x22: {  	[tilespmem:$0x3440] =	vst v4  }
0x23: {  	[tilespmem:$0x3450] =	vst v27  }
0x24: {  	[tilespmem:$0x3460] =	vst v28  }
0x25: {  	s25 =	simm.s32 $0x6800;
	s6 =	simm.s32 $0x3400;
	s1 =	rddreg [dreg:$0x3];
	[tilespmem:$0x3470] =	vst v29  }
0x26: {  	[tilespmem:s25], [sflag:$0x1] =	stream.indirect.gather [hbm4b:s1+s2], $0x1, s6, s2, $0xb8;
	[tilespmem:$0x9E00] =	vst v63  }
0x27: {  	v30 =	vld [tilespmem:$0x80]  }
0x28: {  	v31 =	vld [tilespmem:$0x90]  }
0x29: {  	v32 =	vld [tilespmem:$0xA0]  }
0x2a: {  	v33 =	vld [tilespmem:$0xB0]  }
0x2b: {  	v34 =	vld [tilespmem:$0xC0]  }
0x2c: {  	v35 =	vld [tilespmem:$0xD0];
	[tilespmem:$0x3480] =	vst v30  }
0x2d: {  	v36 =	vld [tilespmem:$0xE0];
	[tilespmem:$0x3490] =	vst v31  }
0x2e: {  	v37 =	vld [tilespmem:$0xF0];
	[tilespmem:$0x34A0] =	vst v32  }
0x2f: {  	[tilespmem:$0x34B0] =	vst v33  }
0x30: {  	[tilespmem:$0x34C0] =	vst v34  }
0x31: {  	[tilespmem:$0x34D0] =	vst v35  }
0x32: {  	[tilespmem:$0x34E0] =	vst v36  }
0x33: {  	s6 =	simm.s32 $0x3480;
	s25 =	simm.s32 $0x6880;
	[tilespmem:$0x34F0] =	vst v37  }
0x34: {  	[tilespmem:s25], [sflag:$0x1] =	stream.indirect.gather [hbm4b:s1+s2], $0x1, s6, s2, $0xb8;
	[tilespmem:$0x9E00] =	vst v63  }
0x35: {  	v38 =	vld [tilespmem:$0x100]  }
0x36: {  	v39 =	vld [tilespmem:$0x110]  }
0x37: {  	v40 =	vld [tilespmem:$0x120]  }
0x38: {  	v41 =	vld [tilespmem:$0x130]  }
0x39: {  	v42 =	vld [tilespmem:$0x140]  }
0x3a: {  	v43 =	vld [tilespmem:$0x150];
	[tilespmem:$0x3500] =	vst v38  }
0x3b: {  	v44 =	vld [tilespmem:$0x160];
	[tilespmem:$0x3510] =	vst v39  }
0x3c: {  	v45 =	vld [tilespmem:$0x170];
	[tilespmem:$0x3520] =	vst v40  }
0x3d: {  	[tilespmem:$0x3530] =	vst v41  }
0x3e: {  	[tilespmem:$0x3540] =	vst v42  }
0x3f: {  	[tilespmem:$0x3550] =	vst v43  }
0x40: {  	[tilespmem:$0x3560] =	vst v44  }
0x41: {  	s6 =	simm.s32 $0x3500;
	s25 =	simm.s32 $0x6900;
	[tilespmem:$0x3570] =	vst v45  }
0x42: {  	[tilespmem:s25], [sflag:$0x1] =	stream.indirect.gather [hbm4b:s1+s2], $0x1, s6, s2, $0xb8;
	[tilespmem:$0x9E00] =	vst v63  }
0x43: {  	v46 =	vld [tilespmem:$0x180]  }
0x44: {  	v47 =	vld [tilespmem:$0x190]  }
0x45: {  	v48 =	vld [tilespmem:$0x1A0]  }
0x46: {  	v49 =	vld [tilespmem:$0x1B0]  }
0x47: {  	v50 =	vld [tilespmem:$0x1C0]  }
0x48: {  	v51 =	vld [tilespmem:$0x1D0];
	[tilespmem:$0x3580] =	vst v46  }
0x49: {  	v52 =	vld [tilespmem:$0x1E0];
	[tilespmem:$0x3590] =	vst v47  }
0x4a: {  	v53 =	vld [tilespmem:$0x1F0];
	[tilespmem:$0x35A0] =	vst v48  }
0x4b: {  	[tilespmem:$0x35B0] =	vst v49  }
0x4c: {  	[tilespmem:$0x35C0] =	vst v50  }
0x4d: {  	[tilespmem:$0x35D0] =	vst v51  }
0x4e: {  	[tilespmem:$0x35E0] =	vst v52  }
0x4f: {  	s6 =	simm.s32 $0x3580;
	s25 =	simm.s32 $0x6980;
	[tilespmem:$0x35F0] =	vst v53  }
0x50: {  	[tilespmem:s25], [sflag:$0x1] =	stream.indirect.gather [hbm4b:s1+s2], $0x1, s6, s2, $0xb8;
	[tilespmem:$0x9E00] =	vst v63  }
0x51: {  	v54 =	vld [tilespmem:$0x200]  }
0x52: {  	v55 =	vld [tilespmem:$0x210]  }
0x53: {  	v56 =	vld [tilespmem:$0x220]  }
0x54: {  	v57 =	vld [tilespmem:$0x230]  }
0x55: {  	v58 =	vld [tilespmem:$0x240]  }
0x56: {  	v59 =	vld [tilespmem:$0x250];
	[tilespmem:$0x3600] =	vst v54  }
0x57: {  	v60 =	vld [tilespmem:$0x260];
	[tilespmem:$0x3610] =	vst v55  }
0x58: {  	v61 =	vld [tilespmem:$0x270];
	[tilespmem:$0x3620] =	vst v56  }
0x59: {  	[tilespmem:$0x3630] =	vst v57  }
0x5a: {  	[tilespmem:$0x3640] =	vst v58  }
0x5b: {  	[tilespmem:$0x3650] =	vst v59  }
0x5c: {  	[tilespmem:$0x3660] =	vst v60  }
0x5d: {  	s1 =	rddreg [dreg:$0x0];
	s6 =	simm.s32 $0x3600;
	s25 =	simm.s32 $0x6A00;
	[tilespmem:$0x3670] =	vst v61  }
0x5e: {  	[tilespmem:s25], [sflag:$0x1] =	stream.indirect.gather [hbm4b:s1+s2], $0x1, s6, s2, $0xb8;
	[tilespmem:$0x9E00] =	vst v63  }
0x5f: {  	v62 =	vld [tilespmem:$0x280]  }
0x60: {  	v63 =	vld [tilespmem:$0x290]  }
0x61: {  	v8 =	vld [tilespmem:$0x2A0]  }
0x62: {  	v9 =	vld [tilespmem:$0x2B0]  }
0x63: {  	v10 =	vld [tilespmem:$0x2C0]  }
0x64: {  	v11 =	vld [tilespmem:$0x2D0];
	[tilespmem:$0x3680] =	vst v62  }
0x65: {  	v12 =	vld [tilespmem:$0x2E0];
	[tilespmem:$0x3690] =	vst v63  }
0x66: {  	v13 =	vld [tilespmem:$0x2F0];
	[tilespmem:$0x36A0] =	vst v8  }
0x67: {  	[tilespmem:$0x36B0] =	vst v9  }
0x68: {  	[tilespmem:$0x36C0] =	vst v10  }
0x69: {  	[tilespmem:$0x36D0] =	vst v11  }
0x6a: {  	[tilespmem:$0x36E0] =	vst v12  }
0x6b: {  	s6 =	simm.s32 $0x3680;
	s25 =	simm.s32 $0x6A80;
	[tilespmem:$0x36F0] =	vst v13  }
0x6c: {  	[tilespmem:s25], [sflag:$0x1] =	stream.indirect.gather [hbm4b:s1+s2], $0x1, s6, s2, $0xb8;
	[tilespmem:$0x9E00] =	vst v63  }
0x6d: {  	v14 =	vld [tilespmem:$0x300]  }
0x6e: {  	v15 =	vld [tilespmem:$0x310]  }
0x6f: {  	v16 =	vld [tilespmem:$0x320]  }
0x70: {  	v17 =	vld [tilespmem:$0x330]  }
0x71: {  	v18 =	vld [tilespmem:$0x340]  }
0x72: {  	v19 =	vld [tilespmem:$0x350];
	[tilespmem:$0x3700] =	vst v14  }
0x73: {  	v20 =	vld [tilespmem:$0x360];
	[tilespmem:$0x3710] =	vst v15  }
0x74: {  	v21 =	vld [tilespmem:$0x370];
	[tilespmem:$0x3720] =	vst v16  }
0x75: {  	[tilespmem:$0x3730] =	vst v17  }
0x76: {  	[tilespmem:$0x3740] =	vst v18  }
0x77: {  	[tilespmem:$0x3750] =	vst v19  }
0x78: {  	[tilespmem:$0x3760] =	vst v20  }
0x79: {  	s6 =	simm.s32 $0x3700;
	s25 =	simm.s32 $0x6B00;
	[tilespmem:$0x3770] =	vst v21  }
0x7a: {  	[tilespmem:s25], [sflag:$0x1] =	stream.indirect.gather [hbm4b:s1+s2], $0x1, s6, s2, $0xb8;
	[tilespmem:$0x9E00] =	vst v63  }
0x7b: {  	v22 =	vld [tilespmem:$0x380]  }
0x7c: {  	v23 =	vld [tilespmem:$0x390]  }
0x7d: {  	v24 =	vld [tilespmem:$0x3A0]  }
0x7e: {  	v25 =	vld [tilespmem:$0x3B0]  }
0x7f: {  	v26 =	vld [tilespmem:$0x3C0]  }
0x80: {  	v27 =	vld [tilespmem:$0x3D0];
	[tilespmem:$0x3780] =	vst v22  }
0x81: {  	v28 =	vld [tilespmem:$0x3E0];
	[tilespmem:$0x3790] =	vst v23  }
0x82: {  	v29 =	vld [tilespmem:$0x3F0];
	[tilespmem:$0x37A0] =	vst v24  }
0x83: {  	[tilespmem:$0x37B0] =	vst v25  }
0x84: {  	[tilespmem:$0x37C0] =	vst v26  }
0x85: {  	[tilespmem:$0x37D0] =	vst v27  }
0x86: {  	[tilespmem:$0x37E0] =	vst v28  }
0x87: {  	s6 =	simm.s32 $0x3780;
	s25 =	simm.s32 $0x6B80;
	[tilespmem:$0x37F0] =	vst v29  }
0x88: {  	[tilespmem:s25], [sflag:$0x1] =	stream.indirect.gather [hbm4b:s1+s2], $0x1, s6, s2, $0xb8;
	[tilespmem:$0x9E00] =	vst v63  }
0x89: {  	v30 =	vld [tilespmem:$0x400]  }
0x8a: {  	v31 =	vld [tilespmem:$0x410]  }
0x8b: {  	v32 =	vld [tilespmem:$0x420]  }
0x8c: {  	v33 =	vld [tilespmem:$0x430]  }
0x8d: {  	v34 =	vld [tilespmem:$0x440]  }
0x8e: {  	v35 =	vld [tilespmem:$0x450];
	[tilespmem:$0x3800] =	vst v30  }
0x8f: {  	v36 =	vld [tilespmem:$0x460];
	[tilespmem:$0x3810] =	vst v31  }
0x90: {  	v37 =	vld [tilespmem:$0x470];
	[tilespmem:$0x3820] =	vst v32  }
0x91: {  	[tilespmem:$0x3830] =	vst v33  }
0x92: {  	[tilespmem:$0x3840] =	vst v34  }
0x93: {  	[tilespmem:$0x3850] =	vst v35  }
0x94: {  	[tilespmem:$0x3860] =	vst v36  }
0x95: {  	s1 =	rddreg [dreg:$0x4];
	s6 =	simm.s32 $0x3800;
	s25 =	simm.s32 $0x6C00;
	[tilespmem:$0x3870] =	vst v37  }
0x96: {  	[tilespmem:s25], [sflag:$0x1] =	stream.indirect.gather [hbm4b:s1+s2], $0x1, s6, s2, $0xb8;
	[tilespmem:$0x9E00] =	vst v63  }
0x97: {  	v38 =	vld [tilespmem:$0x480]  }
0x98: {  	v39 =	vld [tilespmem:$0x490]  }
0x99: {  	v40 =	vld [tilespmem:$0x4A0]  }
0x9a: {  	v41 =	vld [tilespmem:$0x4B0]  }
0x9b: {  	v42 =	vld [tilespmem:$0x4C0]  }
0x9c: {  	v43 =	vld [tilespmem:$0x4D0];
	[tilespmem:$0x3880] =	vst v38  }
0x9d: {  	v44 =	vld [tilespmem:$0x4E0];
	[tilespmem:$0x3890] =	vst v39  }
0x9e: {  	v45 =	vld [tilespmem:$0x4F0];
	[tilespmem:$0x38A0] =	vst v40  }
0x9f: {  	[tilespmem:$0x38B0] =	vst v41  }
0xa0: {  	[tilespmem:$0x38C0] =	vst v42  }
0xa1: {  	[tilespmem:$0x38D0] =	vst v43  }
0xa2: {  	[tilespmem:$0x38E0] =	vst v44  }
0xa3: {  	s6 =	simm.s32 $0x3880;
	s25 =	simm.s32 $0x6C80;
	[tilespmem:$0x38F0] =	vst v45  }
0xa4: {  	[tilespmem:s25], [sflag:$0x1] =	stream.indirect.gather [hbm4b:s1+s2], $0x1, s6, s2, $0xb8;
	[tilespmem:$0x9E00] =	vst v63  }
0xa5: {  	v46 =	vld [tilespmem:$0x500]  }
0xa6: {  	v47 =	vld [tilespmem:$0x510]  }
0xa7: {  	v48 =	vld [tilespmem:$0x520]  }
0xa8: {  	v49 =	vld [tilespmem:$0x530]  }
0xa9: {  	v50 =	vld [tilespmem:$0x540]  }
0xaa: {  	v51 =	vld [tilespmem:$0x550];
	[tilespmem:$0x3900] =	vst v46  }
0xab: {  	v52 =	vld [tilespmem:$0x560];
	[tilespmem:$0x3910] =	vst v47  }
0xac: {  	v53 =	vld [tilespmem:$0x570];
	[tilespmem:$0x3920] =	vst v48  }
0xad: {  	[tilespmem:$0x3930] =	vst v49  }
0xae: {  	[tilespmem:$0x3940] =	vst v50  }
0xaf: {  	[tilespmem:$0x3950] =	vst v51  }
0xb0: {  	[tilespmem:$0x3960] =	vst v52  }
0xb1: {  	s6 =	simm.s32 $0x3900;
	s25 =	simm.s32 $0x6D00;
	[tilespmem:$0x3970] =	vst v53  }
0xb2: {  	[tilespmem:s25], [sflag:$0x1] =	stream.indirect.gather [hbm4b:s1+s2], $0x1, s6, s2, $0xb8;
	[tilespmem:$0x9E00] =	vst v63  }
0xb3: {  	v54 =	vld [tilespmem:$0x580]  }
0xb4: {  	v55 =	vld [tilespmem:$0x590]  }
0xb5: {  	v56 =	vld [tilespmem:$0x5A0]  }
0xb6: {  	v57 =	vld [tilespmem:$0x5B0]  }
0xb7: {  	v58 =	vld [tilespmem:$0x5C0]  }
0xb8: {  	v59 =	vld [tilespmem:$0x5D0];
	[tilespmem:$0x3980] =	vst v54  }
0xb9: {  	v60 =	vld [tilespmem:$0x5E0];
	[tilespmem:$0x3990] =	vst v55  }
0xba: {  	v61 =	vld [tilespmem:$0x5F0];
	[tilespmem:$0x39A0] =	vst v56  }
0xbb: {  	[tilespmem:$0x39B0] =	vst v57  }
0xbc: {  	[tilespmem:$0x39C0] =	vst v58  }
0xbd: {  	[tilespmem:$0x39D0] =	vst v59  }
0xbe: {  	[tilespmem:$0x39E0] =	vst v60  }
0xbf: {  	s6 =	simm.s32 $0x3980;
	s25 =	simm.s32 $0x6D80;
	[tilespmem:$0x39F0] =	vst v61  }
0xc0: {  	[tilespmem:s25], [sflag:$0x1] =	stream.indirect.gather [hbm4b:s1+s2], $0x1, s6, s2, $0xb8;
	[tilespmem:$0x9E00] =	vst v63  }
0xc1: {  	v62 =	vld [tilespmem:$0x600]  }
0xc2: {  	v63 =	vld [tilespmem:$0x610]  }
0xc3: {  	v8 =	vld [tilespmem:$0x620]  }
0xc4: {  	v9 =	vld [tilespmem:$0x630]  }
0xc5: {  	v10 =	vld [tilespmem:$0x640]  }
0xc6: {  	v11 =	vld [tilespmem:$0x650];
	[tilespmem:$0x3A00] =	vst v62  }
0xc7: {  	v12 =	vld [tilespmem:$0x660];
	[tilespmem:$0x3A10] =	vst v63  }
0xc8: {  	v13 =	vld [tilespmem:$0x670];
	[tilespmem:$0x3A20] =	vst v8  }
0xc9: {  	[tilespmem:$0x3A30] =	vst v9  }
0xca: {  	[tilespmem:$0x3A40] =	vst v10  }
0xcb: {  	[tilespmem:$0x3A50] =	vst v11  }
0xcc: {  	[tilespmem:$0x3A60] =	vst v12  }
0xcd: {  	s1 =	rddreg [dreg:$0x5];
	s6 =	simm.s32 $0x3A00;
	s25 =	simm.s32 $0x6E00;
	[tilespmem:$0x3A70] =	vst v13  }
0xce: {  	[tilespmem:s25], [sflag:$0x1] =	stream.indirect.gather [hbm4b:s1+s2], $0x1, s6, s2, $0xb8;
	[tilespmem:$0x9E00] =	vst v63  }
0xcf: {  	v14 =	vld [tilespmem:$0x680]  }
0xd0: {  	v15 =	vld [tilespmem:$0x690]  }
0xd1: {  	v16 =	vld [tilespmem:$0x6A0]  }
0xd2: {  	v17 =	vld [tilespmem:$0x6B0]  }
0xd3: {  	v18 =	vld [tilespmem:$0x6C0]  }
0xd4: {  	v19 =	vld [tilespmem:$0x6D0];
	[tilespmem:$0x3A80] =	vst v14  }
0xd5: {  	v20 =	vld [tilespmem:$0x6E0];
	[tilespmem:$0x3A90] =	vst v15  }
0xd6: {  	v21 =	vld [tilespmem:$0x6F0];
	[tilespmem:$0x3AA0] =	vst v16  }
0xd7: {  	[tilespmem:$0x3AB0] =	vst v17  }
0xd8: {  	[tilespmem:$0x3AC0] =	vst v18  }
0xd9: {  	[tilespmem:$0x3AD0] =	vst v19  }
0xda: {  	[tilespmem:$0x3AE0] =	vst v20  }
0xdb: {  	s6 =	simm.s32 $0x3A80;
	s25 =	simm.s32 $0x6E80;
	[tilespmem:$0x3AF0] =	vst v21  }
0xdc: {  	[tilespmem:s25], [sflag:$0x1] =	stream.indirect.gather [hbm4b:s1+s2], $0x1, s6, s2, $0xb8;
	[tilespmem:$0x9E00] =	vst v63  }
0xdd: {  	v22 =	vld [tilespmem:$0x700]  }
0xde: {  	v23 =	vld [tilespmem:$0x710]  }
0xdf: {  	v24 =	vld [tilespmem:$0x720]  }
0xe0: {  	v25 =	vld [tilespmem:$0x730]  }
0xe1: {  	v26 =	vld [tilespmem:$0x740]  }
0xe2: {  	v27 =	vld [tilespmem:$0x750];
	[tilespmem:$0x3B00] =	vst v22  }
0xe3: {  	v28 =	vld [tilespmem:$0x760];
	[tilespmem:$0x3B10] =	vst v23  }
0xe4: {  	v29 =	vld [tilespmem:$0x770];
	[tilespmem:$0x3B20] =	vst v24  }
0xe5: {  	[tilespmem:$0x3B30] =	vst v25  }
0xe6: {  	[tilespmem:$0x3B40] =	vst v26  }
0xe7: {  	[tilespmem:$0x3B50] =	vst v27  }
0xe8: {  	[tilespmem:$0x3B60] =	vst v28  }
0xe9: {  	s6 =	simm.s32 $0x3B00;
	s25 =	simm.s32 $0x6F00;
	[tilespmem:$0x3B70] =	vst v29  }
0xea: {  	[tilespmem:s25], [sflag:$0x1] =	stream.indirect.gather [hbm4b:s1+s2], $0x1, s6, s2, $0xb8;
	[tilespmem:$0x9E00] =	vst v63  }
0xeb: {  	v30 =	vld [tilespmem:$0x780]  }
0xec: {  	v31 =	vld [tilespmem:$0x790]  }
0xed: {  	v32 =	vld [tilespmem:$0x7A0]  }
0xee: {  	v33 =	vld [tilespmem:$0x7B0]  }
0xef: {  	v34 =	vld [tilespmem:$0x7C0]  }
0xf0: {  	v35 =	vld [tilespmem:$0x7D0];
	[tilespmem:$0x3B80] =	vst v30  }
0xf1: {  	v36 =	vld [tilespmem:$0x7E0];
	[tilespmem:$0x3B90] =	vst v31  }
0xf2: {  	[tilespmem:$0x3BA0] =	vst v32  }
0xf3: {  	[tilespmem:$0x3BB0] =	vst v33  }
0xf4: {  	[tilespmem:$0x3BC0] =	vst v34  }
0xf5: {  	[tilespmem:$0x3BD0] =	vst v35  }
0xf6: {  	[tilespmem:$0x3BE0] =	vst v36  }
0xf7: {  	v37 =	vld [tilespmem:$0x7F0];
	_ =	sdelay $0x4  }
0xf8: {  	s6 =	simm.s32 $0x3B80;
	s25 =	simm.s32 $0x6F80;
	[tilespmem:$0x3BF0] =	vst v37  }
0xf9: {  	[tilespmem:s25], [sflag:$0x1] =	stream.indirect.gather [hbm4b:s1+s2], $0x1, s6, s2, $0xb8;
	[tilespmem:$0x9E00] =	vst v63  }
0xfa: {  	v38 =	vld [tilespmem:$0x800]  }
0xfb: {  	v1 =	vld [tilespmem:$0x810]  }
0xfc: {  	v39 =	vld [tilespmem:$0x820]  }
0xfd: {  	v40 =	vld [tilespmem:$0x830]  }
0xfe: {  	v41 =	vld [tilespmem:$0x840]  }
0xff: {  	v42 =	vld [tilespmem:$0x850];
	[tilespmem:$0x3C00] =	vst v38  }
0x100: {  	v43 =	vld [tilespmem:$0x860];
	[tilespmem:$0x3C10] =	vst v1  }
0x101: {  	v44 =	vld [tilespmem:$0x870];
	[tilespmem:$0x3C20] =	vst v39  }
0x102: {  	[tilespmem:$0x3C30] =	vst v40  }
0x103: {  	[tilespmem:$0x3C40] =	vst v41  }
0x104: {  	[tilespmem:$0x3C50] =	vst v42  }
0x105: {  	[tilespmem:$0x3C60] =	vst v43  }
0x106: {  	s3 =	simm.s32 $0x3C00;
	s5 =	simm.s32 $0x7000;
	[tilespmem:$0x3C70] =	vst v44  }
0x107: {  	[tilespmem:s5], [sflag:$0x1] =	stream.indirect.gather [hbm4b:s7+s2], $0x1, s3, s2, $0xb8;
	[tilespmem:$0x9E00] =	vst v63  }
0x108: {  	v45 =	vld [tilespmem:$0x880]  }
0x109: {  	v46 =	vld [tilespmem:$0x890]  }
0x10a: {  	v47 =	vld [tilespmem:$0x8A0]  }
0x10b: {  	v48 =	vld [tilespmem:$0x8B0]  }
0x10c: {  	v49 =	vld [tilespmem:$0x8C0]  }
0x10d: {  	v50 =	vld [tilespmem:$0x8D0];
	[tilespmem:$0x3C80] =	vst v45  }
0x10e: {  	v51 =	vld [tilespmem:$0x8E0];
	[tilespmem:$0x3C90] =	vst v46  }
0x10f: {  	v52 =	vld [tilespmem:$0x8F0];
	[tilespmem:$0x3CA0] =	vst v47  }
0x110: {  	[tilespmem:$0x3CB0] =	vst v48  }
0x111: {  	[tilespmem:$0x3CC0] =	vst v49  }
0x112: {  	[tilespmem:$0x3CD0] =	vst v50  }
0x113: {  	[tilespmem:$0x3CE0] =	vst v51  }
0x114: {  	s6 =	simm.s32 $0x3C80;
	s25 =	simm.s32 $0x7080;
	[tilespmem:$0x3CF0] =	vst v52  }
0x115: {  	[tilespmem:s25], [sflag:$0x1] =	stream.indirect.gather [hbm4b:s7+s2], $0x1, s6, s2, $0xb8;
	[tilespmem:$0x9E00] =	vst v63  }
0x116: {  	v53 =	vld [tilespmem:$0x900]  }
0x117: {  	v54 =	vld [tilespmem:$0x910]  }
0x118: {  	v55 =	vld [tilespmem:$0x920]  }
0x119: {  	v56 =	vld [tilespmem:$0x930]  }
0x11a: {  	v57 =	vld [tilespmem:$0x940]  }
0x11b: {  	v58 =	vld [tilespmem:$0x950];
	[tilespmem:$0x3D00] =	vst v53  }
0x11c: {  	v59 =	vld [tilespmem:$0x960];
	[tilespmem:$0x3D10] =	vst v54  }
0x11d: {  	v60 =	vld [tilespmem:$0x970];
	[tilespmem:$0x3D20] =	vst v55  }
0x11e: {  	[tilespmem:$0x3D30] =	vst v56  }
0x11f: {  	[tilespmem:$0x3D40] =	vst v57  }
0x120: {  	[tilespmem:$0x3D50] =	vst v58  }
0x121: {  	[tilespmem:$0x3D60] =	vst v59  }
0x122: {  	s3 =	simm.s32 $0x3D00;
	s5 =	simm.s32 $0x7100;
	[tilespmem:$0x3D70] =	vst v60  }
0x123: {  	[tilespmem:s5], [sflag:$0x1] =	stream.indirect.gather [hbm4b:s7+s2], $0x1, s3, s2, $0xb8;
	[tilespmem:$0x9E00] =	vst v63  }
0x124: {  	v61 =	vld [tilespmem:$0x980]  }
0x125: {  	v62 =	vld [tilespmem:$0x990]  }
0x126: {  	v63 =	vld [tilespmem:$0x9A0]  }
0x127: {  	v8 =	vld [tilespmem:$0x9B0]  }
0x128: {  	v9 =	vld [tilespmem:$0x9C0]  }
0x129: {  	v10 =	vld [tilespmem:$0x9D0];
	[tilespmem:$0x3D80] =	vst v61  }
0x12a: {  	v11 =	vld [tilespmem:$0x9E0];
	[tilespmem:$0x3D90] =	vst v62  }
0x12b: {  	v12 =	vld [tilespmem:$0x9F0];
	[tilespmem:$0x3DA0] =	vst v63  }
0x12c: {  	[tilespmem:$0x3DB0] =	vst v8  }
0x12d: {  	[tilespmem:$0x3DC0] =	vst v9  }
0x12e: {  	[tilespmem:$0x3DD0] =	vst v10  }
0x12f: {  	[tilespmem:$0x3DE0] =	vst v11  }
0x130: {  	s6 =	simm.s32 $0x3D80;
	s25 =	simm.s32 $0x7180;
	[tilespmem:$0x3DF0] =	vst v12  }
0x131: {  	[tilespmem:s25], [sflag:$0x1] =	stream.indirect.gather [hbm4b:s7+s2], $0x1, s6, s2, $0xb8;
	[tilespmem:$0x9E00] =	vst v63  }
0x132: {  	v13 =	vld [tilespmem:$0xA00]  }
0x133: {  	v14 =	vld [tilespmem:$0xA10]  }
0x134: {  	v15 =	vld [tilespmem:$0xA20]  }
0x135: {  	v16 =	vld [tilespmem:$0xA30]  }
0x136: {  	v17 =	vld [tilespmem:$0xA40]  }
0x137: {  	v18 =	vld [tilespmem:$0xA50];
	[tilespmem:$0x3E00] =	vst v13  }
0x138: {  	v19 =	vld [tilespmem:$0xA60];
	[tilespmem:$0x3E10] =	vst v14  }
0x139: {  	v20 =	vld [tilespmem:$0xA70];
	[tilespmem:$0x3E20] =	vst v15  }
0x13a: {  	[tilespmem:$0x3E30] =	vst v16  }
0x13b: {  	[tilespmem:$0x3E40] =	vst v17  }
0x13c: {  	[tilespmem:$0x3E50] =	vst v18  }
0x13d: {  	[tilespmem:$0x3E60] =	vst v19  }
0x13e: {  	s3 =	simm.s32 $0x3E00;
	s5 =	simm.s32 $0x7200;
	[tilespmem:$0x3E70] =	vst v20  }
0x13f: {  	[tilespmem:s5], [sflag:$0x1] =	stream.indirect.gather [hbm4b:s8+s2], $0x1, s3, s2, $0xb8;
	[tilespmem:$0x9E00] =	vst v63  }
0x140: {  	v21 =	vld [tilespmem:$0xA80]  }
0x141: {  	v22 =	vld [tilespmem:$0xA90]  }
0x142: {  	v23 =	vld [tilespmem:$0xAA0]  }
0x143: {  	v24 =	vld [tilespmem:$0xAB0]  }
0x144: {  	v25 =	vld [tilespmem:$0xAC0]  }
0x145: {  	v26 =	vld [tilespmem:$0xAD0];
	[tilespmem:$0x3E80] =	vst v21  }
0x146: {  	v27 =	vld [tilespmem:$0xAE0];
	[tilespmem:$0x3E90] =	vst v22  }
0x147: {  	v28 =	vld [tilespmem:$0xAF0];
	[tilespmem:$0x3EA0] =	vst v23  }
0x148: {  	[tilespmem:$0x3EB0] =	vst v24  }
0x149: {  	[tilespmem:$0x3EC0] =	vst v25  }
0x14a: {  	[tilespmem:$0x3ED0] =	vst v26  }
0x14b: {  	[tilespmem:$0x3EE0] =	vst v27  }
0x14c: {  	s6 =	simm.s32 $0x3E80;
	s25 =	simm.s32 $0x7280;
	[tilespmem:$0x3EF0] =	vst v28  }
0x14d: {  	[tilespmem:s25], [sflag:$0x1] =	stream.indirect.gather [hbm4b:s8+s2], $0x1, s6, s2, $0xb8;
	[tilespmem:$0x9E00] =	vst v63  }
0x14e: {  	v29 =	vld [tilespmem:$0xB00]  }
0x14f: {  	v30 =	vld [tilespmem:$0xB10]  }
0x150: {  	v31 =	vld [tilespmem:$0xB20]  }
0x151: {  	v32 =	vld [tilespmem:$0xB30]  }
0x152: {  	v33 =	vld [tilespmem:$0xB40]  }
0x153: {  	v34 =	vld [tilespmem:$0xB50];
	[tilespmem:$0x3F00] =	vst v29  }
0x154: {  	v35 =	vld [tilespmem:$0xB60];
	[tilespmem:$0x3F10] =	vst v30  }
0x155: {  	v36 =	vld [tilespmem:$0xB70];
	[tilespmem:$0x3F20] =	vst v31  }
0x156: {  	[tilespmem:$0x3F30] =	vst v32  }
0x157: {  	[tilespmem:$0x3F40] =	vst v33  }
0x158: {  	[tilespmem:$0x3F50] =	vst v34  }
0x159: {  	[tilespmem:$0x3F60] =	vst v35  }
0x15a: {  	s3 =	simm.s32 $0x3F00;
	s5 =	simm.s32 $0x7300;
	[tilespmem:$0x3F70] =	vst v36  }
0x15b: {  	[tilespmem:s5], [sflag:$0x1] =	stream.indirect.gather [hbm4b:s8+s2], $0x1, s3, s2, $0xb8;
	[tilespmem:$0x9E00] =	vst v63  }
0x15c: {  	v37 =	vld [tilespmem:$0xB80]  }
0x15d: {  	v38 =	vld [tilespmem:$0xB90]  }
0x15e: {  	v39 =	vld [tilespmem:$0xBA0]  }
0x15f: {  	v40 =	vld [tilespmem:$0xBB0]  }
0x160: {  	v41 =	vld [tilespmem:$0xBC0]  }
0x161: {  	v42 =	vld [tilespmem:$0xBD0];
	[tilespmem:$0x3F80] =	vst v37  }
0x162: {  	v43 =	vld [tilespmem:$0xBE0];
	[tilespmem:$0x3F90] =	vst v38  }
0x163: {  	v44 =	vld [tilespmem:$0xBF0];
	[tilespmem:$0x3FA0] =	vst v39  }
0x164: {  	[tilespmem:$0x3FB0] =	vst v40  }
0x165: {  	[tilespmem:$0x3FC0] =	vst v41  }
0x166: {  	[tilespmem:$0x3FD0] =	vst v42  }
0x167: {  	[tilespmem:$0x3FE0] =	vst v43  }
0x168: {  	s6 =	simm.s32 $0x3F80;
	s25 =	simm.s32 $0x7380;
	[tilespmem:$0x3FF0] =	vst v44  }
0x169: {  	[tilespmem:s25], [sflag:$0x1] =	stream.indirect.gather [hbm4b:s8+s2], $0x1, s6, s2, $0xb8;
	[tilespmem:$0x9E00] =	vst v63  }
0x16a: {  	v45 =	vld [tilespmem:$0xC00]  }
0x16b: {  	v46 =	vld [tilespmem:$0xC10]  }
0x16c: {  	v47 =	vld [tilespmem:$0xC20]  }
0x16d: {  	v48 =	vld [tilespmem:$0xC30]  }
0x16e: {  	v49 =	vld [tilespmem:$0xC40]  }
0x16f: {  	v50 =	vld [tilespmem:$0xC50];
	[tilespmem:$0x4000] =	vst v45  }
0x170: {  	v51 =	vld [tilespmem:$0xC60];
	[tilespmem:$0x4010] =	vst v46  }
0x171: {  	v52 =	vld [tilespmem:$0xC70];
	[tilespmem:$0x4020] =	vst v47  }
0x172: {  	[tilespmem:$0x4030] =	vst v48  }
0x173: {  	[tilespmem:$0x4040] =	vst v49  }
0x174: {  	[tilespmem:$0x4050] =	vst v50  }
0x175: {  	[tilespmem:$0x4060] =	vst v51  }
0x176: {  	s5 =	simm.s32 $0x7400;
	[tilespmem:$0x4070] =	vst v52  }
0x177: {  	[tilespmem:s5], [sflag:$0x1] =	stream.indirect.gather [hbm4b:s9+s2], $0x1, s4, s2, $0xb8;
	[tilespmem:$0x9E00] =	vst v63  }
0x178: {  	v53 =	vld [tilespmem:$0xC80]  }
0x179: {  	v54 =	vld [tilespmem:$0xC90]  }
0x17a: {  	v55 =	vld [tilespmem:$0xCA0]  }
0x17b: {  	v56 =	vld [tilespmem:$0xCB0]  }
0x17c: {  	v57 =	vld [tilespmem:$0xCC0]  }
0x17d: {  	v58 =	vld [tilespmem:$0xCD0];
	[tilespmem:$0x4080] =	vst v53  }
0x17e: {  	v59 =	vld [tilespmem:$0xCE0];
	[tilespmem:$0x4090] =	vst v54  }
0x17f: {  	v60 =	vld [tilespmem:$0xCF0];
	[tilespmem:$0x40A0] =	vst v55  }
0x180: {  	[tilespmem:$0x40B0] =	vst v56  }
0x181: {  	[tilespmem:$0x40C0] =	vst v57  }
0x182: {  	[tilespmem:$0x40D0] =	vst v58  }
0x183: {  	[tilespmem:$0x40E0] =	vst v59  }
0x184: {  	s6 =	simm.s32 $0x4080;
	s25 =	simm.s32 $0x7480;
	[tilespmem:$0x40F0] =	vst v60  }
0x185: {  	[tilespmem:s25], [sflag:$0x1] =	stream.indirect.gather [hbm4b:s9+s2], $0x1, s6, s2, $0xb8;
	[tilespmem:$0x9E00] =	vst v63  }
0x186: {  	v61 =	vld [tilespmem:$0xD00]  }
0x187: {  	v62 =	vld [tilespmem:$0xD10]  }
0x188: {  	v63 =	vld [tilespmem:$0xD20]  }
0x189: {  	v8 =	vld [tilespmem:$0xD30]  }
0x18a: {  	v9 =	vld [tilespmem:$0xD40]  }
0x18b: {  	v10 =	vld [tilespmem:$0xD50];
	[tilespmem:$0x4100] =	vst v61  }
0x18c: {  	v11 =	vld [tilespmem:$0xD60];
	[tilespmem:$0x4110] =	vst v62  }
0x18d: {  	v12 =	vld [tilespmem:$0xD70];
	[tilespmem:$0x4120] =	vst v63  }
0x18e: {  	[tilespmem:$0x4130] =	vst v8  }
0x18f: {  	[tilespmem:$0x4140] =	vst v9  }
0x190: {  	[tilespmem:$0x4150] =	vst v10  }
0x191: {  	[tilespmem:$0x4160] =	vst v11  }
0x192: {  	s4 =	simm.s32 $0x4100;
	s5 =	simm.s32 $0x7500;
	[tilespmem:$0x4170] =	vst v12  }
0x193: {  	[tilespmem:s5], [sflag:$0x1] =	stream.indirect.gather [hbm4b:s9+s2], $0x1, s4, s2, $0xb8;
	[tilespmem:$0x9E00] =	vst v63  }
0x194: {  	v13 =	vld [tilespmem:$0xD80]  }
0x195: {  	v14 =	vld [tilespmem:$0xD90]  }
0x196: {  	v15 =	vld [tilespmem:$0xDA0]  }
0x197: {  	v16 =	vld [tilespmem:$0xDB0]  }
0x198: {  	v17 =	vld [tilespmem:$0xDC0]  }
0x199: {  	v18 =	vld [tilespmem:$0xDD0];
	[tilespmem:$0x4180] =	vst v13  }
0x19a: {  	v19 =	vld [tilespmem:$0xDE0];
	[tilespmem:$0x4190] =	vst v14  }
0x19b: {  	v20 =	vld [tilespmem:$0xDF0];
	[tilespmem:$0x41A0] =	vst v15  }
0x19c: {  	[tilespmem:$0x41B0] =	vst v16  }
0x19d: {  	[tilespmem:$0x41C0] =	vst v17  }
0x19e: {  	[tilespmem:$0x41D0] =	vst v18  }
0x19f: {  	[tilespmem:$0x41E0] =	vst v19  }
0x1a0: {  	s6 =	simm.s32 $0x4180;
	s25 =	simm.s32 $0x7580;
	[tilespmem:$0x41F0] =	vst v20  }
0x1a1: {  	[tilespmem:s25], [sflag:$0x1] =	stream.indirect.gather [hbm4b:s9+s2], $0x1, s6, s2, $0xb8;
	[tilespmem:$0x9E00] =	vst v63  }
0x1a2: {  	v21 =	vld [tilespmem:$0xE00]  }
0x1a3: {  	v22 =	vld [tilespmem:$0xE10]  }
0x1a4: {  	v23 =	vld [tilespmem:$0xE20]  }
0x1a5: {  	v24 =	vld [tilespmem:$0xE30]  }
0x1a6: {  	v25 =	vld [tilespmem:$0xE40]  }
0x1a7: {  	v26 =	vld [tilespmem:$0xE50];
	[tilespmem:$0x4200] =	vst v21  }
0x1a8: {  	v27 =	vld [tilespmem:$0xE60];
	[tilespmem:$0x4210] =	vst v22  }
0x1a9: {  	v28 =	vld [tilespmem:$0xE70];
	[tilespmem:$0x4220] =	vst v23  }
0x1aa: {  	[tilespmem:$0x4230] =	vst v24  }
0x1ab: {  	[tilespmem:$0x4240] =	vst v25  }
0x1ac: {  	[tilespmem:$0x4250] =	vst v26  }
0x1ad: {  	[tilespmem:$0x4260] =	vst v27  }
0x1ae: {  	s4 =	simm.s32 $0x4200;
	s5 =	simm.s32 $0x7600;
	[tilespmem:$0x4270] =	vst v28  }
0x1af: {  	[tilespmem:s5], [sflag:$0x1] =	stream.indirect.gather [hbm4b:s12+s2], $0x1, s4, s2, $0xb8;
	[tilespmem:$0x9E00] =	vst v63  }
0x1b0: {  	v29 =	vld [tilespmem:$0xE80]  }
0x1b1: {  	v30 =	vld [tilespmem:$0xE90]  }
0x1b2: {  	v31 =	vld [tilespmem:$0xEA0]  }
0x1b3: {  	v32 =	vld [tilespmem:$0xEB0]  }
0x1b4: {  	v33 =	vld [tilespmem:$0xEC0]  }
0x1b5: {  	v34 =	vld [tilespmem:$0xED0];
	[tilespmem:$0x4280] =	vst v29  }
0x1b6: {  	v35 =	vld [tilespmem:$0xEE0];
	[tilespmem:$0x4290] =	vst v30  }
0x1b7: {  	v36 =	vld [tilespmem:$0xEF0];
	[tilespmem:$0x42A0] =	vst v31  }
0x1b8: {  	[tilespmem:$0x42B0] =	vst v32  }
0x1b9: {  	[tilespmem:$0x42C0] =	vst v33  }
0x1ba: {  	[tilespmem:$0x42D0] =	vst v34  }
0x1bb: {  	[tilespmem:$0x42E0] =	vst v35  }
0x1bc: {  	s6 =	simm.s32 $0x4280;
	s25 =	simm.s32 $0x7680;
	[tilespmem:$0x42F0] =	vst v36  }
0x1bd: {  	[tilespmem:s25], [sflag:$0x1] =	stream.indirect.gather [hbm4b:s12+s2], $0x1, s6, s2, $0xb8;
	[tilespmem:$0x9E00] =	vst v63  }
0x1be: {  	v37 =	vld [tilespmem:$0xF00]  }
0x1bf: {  	v38 =	vld [tilespmem:$0xF10]  }
0x1c0: {  	v39 =	vld [tilespmem:$0xF20]  }
0x1c1: {  	v40 =	vld [tilespmem:$0xF30]  }
0x1c2: {  	v41 =	vld [tilespmem:$0xF40]  }
0x1c3: {  	v42 =	vld [tilespmem:$0xF50];
	[tilespmem:$0x4300] =	vst v37  }
0x1c4: {  	v43 =	vld [tilespmem:$0xF60];
	[tilespmem:$0x4310] =	vst v38  }
0x1c5: {  	v44 =	vld [tilespmem:$0xF70];
	[tilespmem:$0x4320] =	vst v39  }
0x1c6: {  	[tilespmem:$0x4330] =	vst v40  }
0x1c7: {  	[tilespmem:$0x4340] =	vst v41  }
0x1c8: {  	[tilespmem:$0x4350] =	vst v42  }
0x1c9: {  	[tilespmem:$0x4360] =	vst v43  }
0x1ca: {  	s4 =	simm.s32 $0x4300;
	s5 =	simm.s32 $0x7700;
	[tilespmem:$0x4370] =	vst v44  }
0x1cb: {  	[tilespmem:s5], [sflag:$0x1] =	stream.indirect.gather [hbm4b:s12+s2], $0x1, s4, s2, $0xb8;
	[tilespmem:$0x9E00] =	vst v63  }
0x1cc: {  	v45 =	vld [tilespmem:$0xF80]  }
0x1cd: {  	v46 =	vld [tilespmem:$0xF90]  }
0x1ce: {  	v47 =	vld [tilespmem:$0xFA0]  }
0x1cf: {  	v48 =	vld [tilespmem:$0xFB0]  }
0x1d0: {  	v49 =	vld [tilespmem:$0xFC0]  }
0x1d1: {  	v50 =	vld [tilespmem:$0xFD0];
	[tilespmem:$0x4380] =	vst v45  }
0x1d2: {  	v51 =	vld [tilespmem:$0xFE0];
	[tilespmem:$0x4390] =	vst v46  }
0x1d3: {  	v52 =	vld [tilespmem:$0xFF0];
	[tilespmem:$0x43A0] =	vst v47  }
0x1d4: {  	[tilespmem:$0x43B0] =	vst v48  }
0x1d5: {  	[tilespmem:$0x43C0] =	vst v49  }
0x1d6: {  	[tilespmem:$0x43D0] =	vst v50  }
0x1d7: {  	[tilespmem:$0x43E0] =	vst v51  }
0x1d8: {  	s6 =	simm.s32 $0x4380;
	s25 =	simm.s32 $0x7780;
	[tilespmem:$0x43F0] =	vst v52  }
0x1d9: {  	[tilespmem:s25], [sflag:$0x1] =	stream.indirect.gather [hbm4b:s12+s2], $0x1, s6, s2, $0xb8;
	[tilespmem:$0x9E00] =	vst v63  }
0x1da: {  	v53 =	vld [tilespmem:$0x1000]  }
0x1db: {  	v54 =	vld [tilespmem:$0x1010]  }
0x1dc: {  	v55 =	vld [tilespmem:$0x1020]  }
0x1dd: {  	v56 =	vld [tilespmem:$0x1030]  }
0x1de: {  	v57 =	vld [tilespmem:$0x1040]  }
0x1df: {  	v58 =	vld [tilespmem:$0x1050];
	[tilespmem:$0x4400] =	vst v53  }
0x1e0: {  	v59 =	vld [tilespmem:$0x1060];
	[tilespmem:$0x4410] =	vst v54  }
0x1e1: {  	v60 =	vld [tilespmem:$0x1070];
	[tilespmem:$0x4420] =	vst v55  }
0x1e2: {  	[tilespmem:$0x4430] =	vst v56  }
0x1e3: {  	[tilespmem:$0x4440] =	vst v57  }
0x1e4: {  	[tilespmem:$0x4450] =	vst v58  }
0x1e5: {  	[tilespmem:$0x4460] =	vst v59  }
0x1e6: {  	s4 =	simm.s32 $0x4400;
	s5 =	simm.s32 $0x7800;
	[tilespmem:$0x4470] =	vst v60  }
0x1e7: {  	[tilespmem:s5], [sflag:$0x1] =	stream.indirect.gather [hbm4b:s10+s2], $0x1, s4, s2, $0xb8;
	[tilespmem:$0x9E00] =	vst v63  }
0x1e8: {  	v61 =	vld [tilespmem:$0x1080]  }
0x1e9: {  	v62 =	vld [tilespmem:$0x1090]  }
0x1ea: {  	v63 =	vld [tilespmem:$0x10A0]  }
0x1eb: {  	v8 =	vld [tilespmem:$0x10B0]  }
0x1ec: {  	v9 =	vld [tilespmem:$0x10C0]  }
0x1ed: {  	v10 =	vld [tilespmem:$0x10D0];
	[tilespmem:$0x4480] =	vst v61  }
0x1ee: {  	v11 =	vld [tilespmem:$0x10E0];
	[tilespmem:$0x4490] =	vst v62  }
0x1ef: {  	v12 =	vld [tilespmem:$0x10F0];
	[tilespmem:$0x44A0] =	vst v63  }
0x1f0: {  	[tilespmem:$0x44B0] =	vst v8  }
0x1f1: {  	[tilespmem:$0x44C0] =	vst v9  }
0x1f2: {  	[tilespmem:$0x44D0] =	vst v10  }
0x1f3: {  	[tilespmem:$0x44E0] =	vst v11  }
0x1f4: {  	s6 =	simm.s32 $0x4480;
	s25 =	simm.s32 $0x7880;
	[tilespmem:$0x44F0] =	vst v12  }
0x1f5: {  	[tilespmem:s25], [sflag:$0x1] =	stream.indirect.gather [hbm4b:s10+s2], $0x1, s6, s2, $0xb8;
	[tilespmem:$0x9E00] =	vst v63  }
0x1f6: {  	v13 =	vld [tilespmem:$0x1100]  }
0x1f7: {  	v14 =	vld [tilespmem:$0x1110]  }
0x1f8: {  	v15 =	vld [tilespmem:$0x1120]  }
0x1f9: {  	v16 =	vld [tilespmem:$0x1130]  }
0x1fa: {  	v17 =	vld [tilespmem:$0x1140]  }
0x1fb: {  	v18 =	vld [tilespmem:$0x1150];
	[tilespmem:$0x4500] =	vst v13  }
0x1fc: {  	v19 =	vld [tilespmem:$0x1160];
	[tilespmem:$0x4510] =	vst v14  }
0x1fd: {  	v20 =	vld [tilespmem:$0x1170];
	[tilespmem:$0x4520] =	vst v15  }
0x1fe: {  	[tilespmem:$0x4530] =	vst v16  }
0x1ff: {  	[tilespmem:$0x4540] =	vst v17  }
0x200: {  	[tilespmem:$0x4550] =	vst v18  }
0x201: {  	[tilespmem:$0x4560] =	vst v19  }
0x202: {  	s4 =	simm.s32 $0x4500;
	s5 =	simm.s32 $0x7900;
	[tilespmem:$0x4570] =	vst v20  }
0x203: {  	[tilespmem:s5], [sflag:$0x1] =	stream.indirect.gather [hbm4b:s10+s2], $0x1, s4, s2, $0xb8;
	[tilespmem:$0x9E00] =	vst v63  }
0x204: {  	v21 =	vld [tilespmem:$0x1180]  }
0x205: {  	v22 =	vld [tilespmem:$0x1190]  }
0x206: {  	v23 =	vld [tilespmem:$0x11A0]  }
0x207: {  	v24 =	vld [tilespmem:$0x11B0]  }
0x208: {  	v25 =	vld [tilespmem:$0x11C0]  }
0x209: {  	v26 =	vld [tilespmem:$0x11D0];
	[tilespmem:$0x4580] =	vst v21  }
0x20a: {  	v27 =	vld [tilespmem:$0x11E0];
	[tilespmem:$0x4590] =	vst v22  }
0x20b: {  	v28 =	vld [tilespmem:$0x11F0];
	[tilespmem:$0x45A0] =	vst v23  }
0x20c: {  	[tilespmem:$0x45B0] =	vst v24  }
0x20d: {  	[tilespmem:$0x45C0] =	vst v25  }
0x20e: {  	[tilespmem:$0x45D0] =	vst v26  }
0x20f: {  	[tilespmem:$0x45E0] =	vst v27  }
0x210: {  	s6 =	simm.s32 $0x4580;
	s25 =	simm.s32 $0x7980;
	[tilespmem:$0x45F0] =	vst v28  }
0x211: {  	[tilespmem:s25], [sflag:$0x1] =	stream.indirect.gather [hbm4b:s10+s2], $0x1, s6, s2, $0xb8;
	[tilespmem:$0x9E00] =	vst v63  }
0x212: {  	v29 =	vld [tilespmem:$0x1200]  }
0x213: {  	v30 =	vld [tilespmem:$0x1210]  }
0x214: {  	v31 =	vld [tilespmem:$0x1220]  }
0x215: {  	v32 =	vld [tilespmem:$0x1230]  }
0x216: {  	v33 =	vld [tilespmem:$0x1240]  }
0x217: {  	v34 =	vld [tilespmem:$0x1250];
	[tilespmem:$0x4600] =	vst v29  }
0x218: {  	v35 =	vld [tilespmem:$0x1260];
	[tilespmem:$0x4610] =	vst v30  }
0x219: {  	v36 =	vld [tilespmem:$0x1270];
	[tilespmem:$0x4620] =	vst v31  }
0x21a: {  	[tilespmem:$0x4630] =	vst v32  }
0x21b: {  	[tilespmem:$0x4640] =	vst v33  }
0x21c: {  	[tilespmem:$0x4650] =	vst v34  }
0x21d: {  	[tilespmem:$0x4660] =	vst v35  }
0x21e: {  	s4 =	simm.s32 $0x4600;
	s5 =	simm.s32 $0x7A00;
	[tilespmem:$0x4670] =	vst v36  }
0x21f: {  	[tilespmem:s5], [sflag:$0x1] =	stream.indirect.gather [hbm4b:s11+s2], $0x1, s4, s2, $0xb8;
	[tilespmem:$0x9E00] =	vst v63  }
0x220: {  	v37 =	vld [tilespmem:$0x1280]  }
0x221: {  	v38 =	vld [tilespmem:$0x1290]  }
0x222: {  	v39 =	vld [tilespmem:$0x12A0]  }
0x223: {  	v40 =	vld [tilespmem:$0x12B0]  }
0x224: {  	v41 =	vld [tilespmem:$0x12C0]  }
0x225: {  	v42 =	vld [tilespmem:$0x12D0];
	[tilespmem:$0x4680] =	vst v37  }
0x226: {  	v43 =	vld [tilespmem:$0x12E0];
	[tilespmem:$0x4690] =	vst v38  }
0x227: {  	v44 =	vld [tilespmem:$0x12F0];
	[tilespmem:$0x46A0] =	vst v39  }
0x228: {  	[tilespmem:$0x46B0] =	vst v40  }
0x229: {  	[tilespmem:$0x46C0] =	vst v41  }
0x22a: {  	[tilespmem:$0x46D0] =	vst v42  }
0x22b: {  	[tilespmem:$0x46E0] =	vst v43  }
0x22c: {  	s6 =	simm.s32 $0x4680;
	s25 =	simm.s32 $0x7A80;
	[tilespmem:$0x46F0] =	vst v44  }
0x22d: {  	[tilespmem:s25], [sflag:$0x1] =	stream.indirect.gather [hbm4b:s11+s2], $0x1, s6, s2, $0xb8;
	[tilespmem:$0x9E00] =	vst v63  }
0x22e: {  	v45 =	vld [tilespmem:$0x1300]  }
0x22f: {  	v46 =	vld [tilespmem:$0x1310]  }
0x230: {  	v47 =	vld [tilespmem:$0x1320]  }
0x231: {  	v48 =	vld [tilespmem:$0x1330]  }
0x232: {  	v49 =	vld [tilespmem:$0x1340]  }
0x233: {  	v50 =	vld [tilespmem:$0x1350];
	[tilespmem:$0x4700] =	vst v45  }
0x234: {  	v51 =	vld [tilespmem:$0x1360];
	[tilespmem:$0x4710] =	vst v46  }
0x235: {  	v52 =	vld [tilespmem:$0x1370];
	[tilespmem:$0x4720] =	vst v47  }
0x236: {  	[tilespmem:$0x4730] =	vst v48  }
0x237: {  	[tilespmem:$0x4740] =	vst v49  }
0x238: {  	[tilespmem:$0x4750] =	vst v50  }
0x239: {  	[tilespmem:$0x4760] =	vst v51  }
0x23a: {  	s4 =	simm.s32 $0x4700;
	s5 =	simm.s32 $0x7B00;
	[tilespmem:$0x4770] =	vst v52  }
0x23b: {  	[tilespmem:s5], [sflag:$0x1] =	stream.indirect.gather [hbm4b:s11+s2], $0x1, s4, s2, $0xb8;
	[tilespmem:$0x9E00] =	vst v63  }
0x23c: {  	v53 =	vld [tilespmem:$0x1380]  }
0x23d: {  	v54 =	vld [tilespmem:$0x1390]  }
0x23e: {  	v55 =	vld [tilespmem:$0x13A0]  }
0x23f: {  	v56 =	vld [tilespmem:$0x13B0]  }
0x240: {  	v57 =	vld [tilespmem:$0x13C0]  }
0x241: {  	v58 =	vld [tilespmem:$0x13D0];
	[tilespmem:$0x4780] =	vst v53  }
0x242: {  	v59 =	vld [tilespmem:$0x13E0];
	[tilespmem:$0x4790] =	vst v54  }
0x243: {  	v60 =	vld [tilespmem:$0x13F0];
	[tilespmem:$0x47A0] =	vst v55  }
0x244: {  	[tilespmem:$0x47B0] =	vst v56  }
0x245: {  	[tilespmem:$0x47C0] =	vst v57  }
0x246: {  	[tilespmem:$0x47D0] =	vst v58  }
0x247: {  	[tilespmem:$0x47E0] =	vst v59  }
0x248: {  	s6 =	simm.s32 $0x4780;
	s25 =	simm.s32 $0x7B80;
	[tilespmem:$0x47F0] =	vst v60  }
0x249: {  	[tilespmem:s25], [sflag:$0x1] =	stream.indirect.gather [hbm4b:s11+s2], $0x1, s6, s2, $0xb8;
	[tilespmem:$0x9E00] =	vst v63  }
0x24a: {  	v61 =	vld [tilespmem:$0x1400]  }
0x24b: {  	v62 =	vld [tilespmem:$0x1410]  }
0x24c: {  	v63 =	vld [tilespmem:$0x1420]  }
0x24d: {  	v8 =	vld [tilespmem:$0x1430]  }
0x24e: {  	v9 =	vld [tilespmem:$0x1440]  }
0x24f: {  	v10 =	vld [tilespmem:$0x1450];
	[tilespmem:$0x4800] =	vst v61  }
0x250: {  	v11 =	vld [tilespmem:$0x1460];
	[tilespmem:$0x4810] =	vst v62  }
0x251: {  	v12 =	vld [tilespmem:$0x1470];
	[tilespmem:$0x4820] =	vst v63  }
0x252: {  	[tilespmem:$0x4830] =	vst v8  }
0x253: {  	[tilespmem:$0x4840] =	vst v9  }
0x254: {  	[tilespmem:$0x4850] =	vst v10  }
0x255: {  	[tilespmem:$0x4860] =	vst v11  }
0x256: {  	s4 =	simm.s32 $0x4800;
	s5 =	simm.s32 $0x7C00;
	[tilespmem:$0x4870] =	vst v12  }
0x257: {  	[tilespmem:s5], [sflag:$0x1] =	stream.indirect.gather [hbm4b:s13+s2], $0x1, s4, s2, $0xb8;
	[tilespmem:$0x9E00] =	vst v63  }
0x258: {  	v13 =	vld [tilespmem:$0x1480]  }
0x259: {  	v14 =	vld [tilespmem:$0x1490]  }
0x25a: {  	v15 =	vld [tilespmem:$0x14A0]  }
0x25b: {  	v16 =	vld [tilespmem:$0x14B0]  }
0x25c: {  	v17 =	vld [tilespmem:$0x14C0]  }
0x25d: {  	v18 =	vld [tilespmem:$0x14D0];
	[tilespmem:$0x4880] =	vst v13  }
0x25e: {  	v19 =	vld [tilespmem:$0x14E0];
	[tilespmem:$0x4890] =	vst v14  }
0x25f: {  	v20 =	vld [tilespmem:$0x14F0];
	[tilespmem:$0x48A0] =	vst v15  }
0x260: {  	[tilespmem:$0x48B0] =	vst v16  }
0x261: {  	[tilespmem:$0x48C0] =	vst v17  }
0x262: {  	[tilespmem:$0x48D0] =	vst v18  }
0x263: {  	[tilespmem:$0x48E0] =	vst v19  }
0x264: {  	s6 =	simm.s32 $0x4880;
	s25 =	simm.s32 $0x7C80;
	[tilespmem:$0x48F0] =	vst v20  }
0x265: {  	[tilespmem:s25], [sflag:$0x1] =	stream.indirect.gather [hbm4b:s13+s2], $0x1, s6, s2, $0xb8;
	[tilespmem:$0x9E00] =	vst v63  }
0x266: {  	v21 =	vld [tilespmem:$0x1500]  }
0x267: {  	v22 =	vld [tilespmem:$0x1510]  }
0x268: {  	v23 =	vld [tilespmem:$0x1520]  }
0x269: {  	v24 =	vld [tilespmem:$0x1530]  }
0x26a: {  	v25 =	vld [tilespmem:$0x1540]  }
0x26b: {  	v26 =	vld [tilespmem:$0x1550];
	[tilespmem:$0x4900] =	vst v21  }
0x26c: {  	v27 =	vld [tilespmem:$0x1560];
	[tilespmem:$0x4910] =	vst v22  }
0x26d: {  	v28 =	vld [tilespmem:$0x1570];
	[tilespmem:$0x4920] =	vst v23  }
0x26e: {  	[tilespmem:$0x4930] =	vst v24  }
0x26f: {  	[tilespmem:$0x4940] =	vst v25  }
0x270: {  	[tilespmem:$0x4950] =	vst v26  }
0x271: {  	[tilespmem:$0x4960] =	vst v27  }
0x272: {  	s4 =	simm.s32 $0x4900;
	s5 =	simm.s32 $0x7D00;
	[tilespmem:$0x4970] =	vst v28  }
0x273: {  	[tilespmem:s5], [sflag:$0x1] =	stream.indirect.gather [hbm4b:s13+s2], $0x1, s4, s2, $0xb8;
	[tilespmem:$0x9E00] =	vst v63  }
0x274: {  	v29 =	vld [tilespmem:$0x1580]  }
0x275: {  	v30 =	vld [tilespmem:$0x1590]  }
0x276: {  	v31 =	vld [tilespmem:$0x15A0]  }
0x277: {  	v32 =	vld [tilespmem:$0x15B0]  }
0x278: {  	v33 =	vld [tilespmem:$0x15C0]  }
0x279: {  	v34 =	vld [tilespmem:$0x15D0];
	[tilespmem:$0x4980] =	vst v29  }
0x27a: {  	v35 =	vld [tilespmem:$0x15E0];
	[tilespmem:$0x4990] =	vst v30  }
0x27b: {  	v36 =	vld [tilespmem:$0x15F0];
	[tilespmem:$0x49A0] =	vst v31  }
0x27c: {  	[tilespmem:$0x49B0] =	vst v32  }
0x27d: {  	[tilespmem:$0x49C0] =	vst v33  }
0x27e: {  	[tilespmem:$0x49D0] =	vst v34  }
0x27f: {  	[tilespmem:$0x49E0] =	vst v35  }
0x280: {  	s6 =	simm.s32 $0x4980;
	s25 =	simm.s32 $0x7D80;
	[tilespmem:$0x49F0] =	vst v36  }
0x281: {  	[tilespmem:s25], [sflag:$0x1] =	stream.indirect.gather [hbm4b:s13+s2], $0x1, s6, s2, $0xb8;
	[tilespmem:$0x9E00] =	vst v63  }
0x282: {  	v37 =	vld [tilespmem:$0x1600]  }
0x283: {  	v38 =	vld [tilespmem:$0x1610]  }
0x284: {  	v39 =	vld [tilespmem:$0x1620]  }
0x285: {  	v40 =	vld [tilespmem:$0x1630]  }
0x286: {  	v41 =	vld [tilespmem:$0x1640]  }
0x287: {  	v42 =	vld [tilespmem:$0x1650];
	[tilespmem:$0x4A00] =	vst v37  }
0x288: {  	v43 =	vld [tilespmem:$0x1660];
	[tilespmem:$0x4A10] =	vst v38  }
0x289: {  	v44 =	vld [tilespmem:$0x1670];
	[tilespmem:$0x4A20] =	vst v39  }
0x28a: {  	[tilespmem:$0x4A30] =	vst v40  }
0x28b: {  	[tilespmem:$0x4A40] =	vst v41  }
0x28c: {  	[tilespmem:$0x4A50] =	vst v42  }
0x28d: {  	[tilespmem:$0x4A60] =	vst v43  }
0x28e: {  	s4 =	simm.s32 $0x4A00;
	s5 =	simm.s32 $0x7E00;
	[tilespmem:$0x4A70] =	vst v44  }
0x28f: {  	[tilespmem:s5], [sflag:$0x1] =	stream.indirect.gather [hbm4b:s14+s2], $0x1, s4, s2, $0xb8;
	[tilespmem:$0x9E00] =	vst v63  }
0x290: {  	v45 =	vld [tilespmem:$0x1680]  }
0x291: {  	v46 =	vld [tilespmem:$0x1690];
	_ =	sdelay $0x3  }
0x292: {  	[tilespmem:$0x4A80] =	vst v45  }
0x293: {  	[tilespmem:$0x4A90] =	vst v46  }
0x294: {  	v47 =	vld [tilespmem:$0x16A0]  }
0x295: {  	v1 =	vld [tilespmem:$0x16B0]  }
0x296: {  	v48 =	vld [tilespmem:$0x16C0]  }
0x297: {  	v49 =	vld [tilespmem:$0x16D0]  }
0x298: {  	v50 =	vld [tilespmem:$0x16E0]  }
0x299: {  	v51 =	vld [tilespmem:$0x16F0];
	[tilespmem:$0x4AA0] =	vst v47  }
0x29a: {  	[tilespmem:$0x4AB0] =	vst v1  }
0x29b: {  	[tilespmem:$0x4AC0] =	vst v48  }
0x29c: {  	[tilespmem:$0x4AD0] =	vst v49  }
0x29d: {  	[tilespmem:$0x4AE0] =	vst v50  }
0x29e: {  	s6 =	simm.s32 $0x4A80;
	s25 =	simm.s32 $0x7E80;
	[tilespmem:$0x4AF0] =	vst v51  }
0x29f: {  	[tilespmem:s25], [sflag:$0x1] =	stream.indirect.gather [hbm4b:s14+s2], $0x1, s6, s2, $0xb8;
	[tilespmem:$0x9E00] =	vst v63  }
0x2a0: {  	v52 =	vld [tilespmem:$0x1700]  }
0x2a1: {  	v53 =	vld [tilespmem:$0x1710]  }
0x2a2: {  	v54 =	vld [tilespmem:$0x1720]  }
0x2a3: {  	v55 =	vld [tilespmem:$0x1730]  }
0x2a4: {  	v56 =	vld [tilespmem:$0x1740]  }
0x2a5: {  	v57 =	vld [tilespmem:$0x1750];
	[tilespmem:$0x4B00] =	vst v52  }
0x2a6: {  	v58 =	vld [tilespmem:$0x1760];
	[tilespmem:$0x4B10] =	vst v53  }
0x2a7: {  	v59 =	vld [tilespmem:$0x1770];
	[tilespmem:$0x4B20] =	vst v54  }
0x2a8: {  	[tilespmem:$0x4B30] =	vst v55  }
0x2a9: {  	[tilespmem:$0x4B40] =	vst v56  }
0x2aa: {  	[tilespmem:$0x4B50] =	vst v57  }
0x2ab: {  	[tilespmem:$0x4B60] =	vst v58  }
0x2ac: {  	s4 =	simm.s32 $0x4B00;
	s5 =	simm.s32 $0x7F00;
	[tilespmem:$0x4B70] =	vst v59  }
0x2ad: {  	[tilespmem:s5], [sflag:$0x1] =	stream.indirect.gather [hbm4b:s14+s2], $0x1, s4, s2, $0xb8;
	[tilespmem:$0x9E00] =	vst v63  }
0x2ae: {  	v60 =	vld [tilespmem:$0x1780]  }
0x2af: {  	v61 =	vld [tilespmem:$0x1790]  }
0x2b0: {  	v62 =	vld [tilespmem:$0x17A0]  }
0x2b1: {  	v63 =	vld [tilespmem:$0x17B0]  }
0x2b2: {  	v8 =	vld [tilespmem:$0x17C0]  }
0x2b3: {  	v9 =	vld [tilespmem:$0x17D0];
	[tilespmem:$0x4B80] =	vst v60  }
0x2b4: {  	v10 =	vld [tilespmem:$0x17E0];
	[tilespmem:$0x4B90] =	vst v61  }
0x2b5: {  	v11 =	vld [tilespmem:$0x17F0];
	[tilespmem:$0x4BA0] =	vst v62  }
0x2b6: {  	[tilespmem:$0x4BB0] =	vst v63  }
0x2b7: {  	[tilespmem:$0x4BC0] =	vst v8  }
0x2b8: {  	[tilespmem:$0x4BD0] =	vst v9  }
0x2b9: {  	[tilespmem:$0x4BE0] =	vst v10  }
0x2ba: {  	s6 =	simm.s32 $0x4B80;
	s25 =	simm.s32 $0x7F80;
	[tilespmem:$0x4BF0] =	vst v11  }
0x2bb: {  	[tilespmem:s25], [sflag:$0x1] =	stream.indirect.gather [hbm4b:s14+s2], $0x1, s6, s2, $0xb8;
	[tilespmem:$0x9E00] =	vst v63  }
0x2bc: {  	v12 =	vld [tilespmem:$0x1800]  }
0x2bd: {  	v13 =	vld [tilespmem:$0x1810]  }
0x2be: {  	v14 =	vld [tilespmem:$0x1820]  }
0x2bf: {  	v15 =	vld [tilespmem:$0x1830]  }
0x2c0: {  	v16 =	vld [tilespmem:$0x1840]  }
0x2c1: {  	v17 =	vld [tilespmem:$0x1850];
	[tilespmem:$0x4C00] =	vst v12  }
0x2c2: {  	v18 =	vld [tilespmem:$0x1860];
	[tilespmem:$0x4C10] =	vst v13  }
0x2c3: {  	v19 =	vld [tilespmem:$0x1870];
	[tilespmem:$0x4C20] =	vst v14  }
0x2c4: {  	[tilespmem:$0x4C30] =	vst v15  }
0x2c5: {  	[tilespmem:$0x4C40] =	vst v16  }
0x2c6: {  	[tilespmem:$0x4C50] =	vst v17  }
0x2c7: {  	[tilespmem:$0x4C60] =	vst v18  }
0x2c8: {  	s4 =	simm.s32 $0x4C00;
	s5 =	simm.s32 $0x8000;
	[tilespmem:$0x4C70] =	vst v19  }
0x2c9: {  	[tilespmem:s5], [sflag:$0x1] =	stream.indirect.gather [hbm4b:s15+s2], $0x1, s4, s2, $0xb8;
	[tilespmem:$0x9E00] =	vst v63  }
0x2ca: {  	v20 =	vld [tilespmem:$0x1880]  }
0x2cb: {  	v21 =	vld [tilespmem:$0x1890]  }
0x2cc: {  	v22 =	vld [tilespmem:$0x18A0]  }
0x2cd: {  	v23 =	vld [tilespmem:$0x18B0]  }
0x2ce: {  	v24 =	vld [tilespmem:$0x18C0]  }
0x2cf: {  	v25 =	vld [tilespmem:$0x18D0];
	[tilespmem:$0x4C80] =	vst v20  }
0x2d0: {  	v26 =	vld [tilespmem:$0x18E0];
	[tilespmem:$0x4C90] =	vst v21  }
0x2d1: {  	v27 =	vld [tilespmem:$0x18F0];
	[tilespmem:$0x4CA0] =	vst v22  }
0x2d2: {  	[tilespmem:$0x4CB0] =	vst v23  }
0x2d3: {  	[tilespmem:$0x4CC0] =	vst v24  }
0x2d4: {  	[tilespmem:$0x4CD0] =	vst v25  }
0x2d5: {  	[tilespmem:$0x4CE0] =	vst v26  }
0x2d6: {  	s6 =	simm.s32 $0x4C80;
	s25 =	simm.s32 $0x8080;
	[tilespmem:$0x4CF0] =	vst v27  }
0x2d7: {  	[tilespmem:s25], [sflag:$0x1] =	stream.indirect.gather [hbm4b:s15+s2], $0x1, s6, s2, $0xb8;
	[tilespmem:$0x9E00] =	vst v63  }
0x2d8: {  	v28 =	vld [tilespmem:$0x1900]  }
0x2d9: {  	v29 =	vld [tilespmem:$0x1910]  }
0x2da: {  	v30 =	vld [tilespmem:$0x1920]  }
0x2db: {  	v31 =	vld [tilespmem:$0x1930]  }
0x2dc: {  	v32 =	vld [tilespmem:$0x1940]  }
0x2dd: {  	v33 =	vld [tilespmem:$0x1950];
	[tilespmem:$0x4D00] =	vst v28  }
0x2de: {  	v34 =	vld [tilespmem:$0x1960];
	[tilespmem:$0x4D10] =	vst v29  }
0x2df: {  	v35 =	vld [tilespmem:$0x1970];
	[tilespmem:$0x4D20] =	vst v30  }
0x2e0: {  	[tilespmem:$0x4D30] =	vst v31  }
0x2e1: {  	[tilespmem:$0x4D40] =	vst v32  }
0x2e2: {  	[tilespmem:$0x4D50] =	vst v33  }
0x2e3: {  	[tilespmem:$0x4D60] =	vst v34  }
0x2e4: {  	s4 =	simm.s32 $0x4D00;
	s5 =	simm.s32 $0x8100;
	[tilespmem:$0x4D70] =	vst v35  }
0x2e5: {  	[tilespmem:s5], [sflag:$0x1] =	stream.indirect.gather [hbm4b:s15+s2], $0x1, s4, s2, $0xb8;
	[tilespmem:$0x9E00] =	vst v63  }
0x2e6: {  	v36 =	vld [tilespmem:$0x1980]  }
0x2e7: {  	v37 =	vld [tilespmem:$0x1990]  }
0x2e8: {  	v38 =	vld [tilespmem:$0x19A0]  }
0x2e9: {  	v39 =	vld [tilespmem:$0x19B0]  }
0x2ea: {  	v40 =	vld [tilespmem:$0x19C0]  }
0x2eb: {  	v41 =	vld [tilespmem:$0x19D0];
	[tilespmem:$0x4D80] =	vst v36  }
0x2ec: {  	v42 =	vld [tilespmem:$0x19E0];
	[tilespmem:$0x4D90] =	vst v37  }
0x2ed: {  	v43 =	vld [tilespmem:$0x19F0];
	[tilespmem:$0x4DA0] =	vst v38  }
0x2ee: {  	[tilespmem:$0x4DB0] =	vst v39  }
0x2ef: {  	[tilespmem:$0x4DC0] =	vst v40  }
0x2f0: {  	[tilespmem:$0x4DD0] =	vst v41  }
0x2f1: {  	[tilespmem:$0x4DE0] =	vst v42  }
0x2f2: {  	s6 =	simm.s32 $0x4D80;
	s25 =	simm.s32 $0x8180;
	[tilespmem:$0x4DF0] =	vst v43  }
0x2f3: {  	[tilespmem:s25], [sflag:$0x1] =	stream.indirect.gather [hbm4b:s15+s2], $0x1, s6, s2, $0xb8;
	[tilespmem:$0x9E00] =	vst v63  }
0x2f4: {  	v44 =	vld [tilespmem:$0x1A00]  }
0x2f5: {  	v45 =	vld [tilespmem:$0x1A10]  }
0x2f6: {  	v46 =	vld [tilespmem:$0x1A20]  }
0x2f7: {  	v47 =	vld [tilespmem:$0x1A30]  }
0x2f8: {  	v48 =	vld [tilespmem:$0x1A40]  }
0x2f9: {  	v49 =	vld [tilespmem:$0x1A50];
	[tilespmem:$0x4E00] =	vst v44  }
0x2fa: {  	v50 =	vld [tilespmem:$0x1A60];
	[tilespmem:$0x4E10] =	vst v45  }
0x2fb: {  	v51 =	vld [tilespmem:$0x1A70];
	[tilespmem:$0x4E20] =	vst v46  }
0x2fc: {  	[tilespmem:$0x4E30] =	vst v47  }
0x2fd: {  	[tilespmem:$0x4E40] =	vst v48  }
0x2fe: {  	[tilespmem:$0x4E50] =	vst v49  }
0x2ff: {  	[tilespmem:$0x4E60] =	vst v50  }
0x300: {  	s4 =	simm.s32 $0x4E00;
	s5 =	simm.s32 $0x8200;
	[tilespmem:$0x4E70] =	vst v51  }
0x301: {  	[tilespmem:s5], [sflag:$0x1] =	stream.indirect.gather [hbm4b:s16+s2], $0x1, s4, s2, $0xb8;
	[tilespmem:$0x9E00] =	vst v63  }
0x302: {  	v52 =	vld [tilespmem:$0x1A80]  }
0x303: {  	v53 =	vld [tilespmem:$0x1A90]  }
0x304: {  	v54 =	vld [tilespmem:$0x1AA0]  }
0x305: {  	v55 =	vld [tilespmem:$0x1AB0]  }
0x306: {  	v56 =	vld [tilespmem:$0x1AC0]  }
0x307: {  	v57 =	vld [tilespmem:$0x1AD0];
	[tilespmem:$0x4E80] =	vst v52  }
0x308: {  	v58 =	vld [tilespmem:$0x1AE0];
	[tilespmem:$0x4E90] =	vst v53  }
0x309: {  	v59 =	vld [tilespmem:$0x1AF0];
	[tilespmem:$0x4EA0] =	vst v54  }
0x30a: {  	[tilespmem:$0x4EB0] =	vst v55  }
0x30b: {  	[tilespmem:$0x4EC0] =	vst v56  }
0x30c: {  	[tilespmem:$0x4ED0] =	vst v57  }
0x30d: {  	[tilespmem:$0x4EE0] =	vst v58  }
0x30e: {  	s6 =	simm.s32 $0x4E80;
	s25 =	simm.s32 $0x8280;
	[tilespmem:$0x4EF0] =	vst v59  }
0x30f: {  	[tilespmem:s25], [sflag:$0x1] =	stream.indirect.gather [hbm4b:s16+s2], $0x1, s6, s2, $0xb8;
	[tilespmem:$0x9E00] =	vst v63  }
0x310: {  	v60 =	vld [tilespmem:$0x1B00]  }
0x311: {  	v61 =	vld [tilespmem:$0x1B10]  }
0x312: {  	v62 =	vld [tilespmem:$0x1B20]  }
0x313: {  	v63 =	vld [tilespmem:$0x1B30]  }
0x314: {  	v8 =	vld [tilespmem:$0x1B40]  }
0x315: {  	v9 =	vld [tilespmem:$0x1B50];
	[tilespmem:$0x4F00] =	vst v60  }
0x316: {  	v10 =	vld [tilespmem:$0x1B60];
	[tilespmem:$0x4F10] =	vst v61  }
0x317: {  	v11 =	vld [tilespmem:$0x1B70];
	[tilespmem:$0x4F20] =	vst v62  }
0x318: {  	[tilespmem:$0x4F30] =	vst v63  }
0x319: {  	[tilespmem:$0x4F40] =	vst v8  }
0x31a: {  	[tilespmem:$0x4F50] =	vst v9  }
0x31b: {  	[tilespmem:$0x4F60] =	vst v10  }
0x31c: {  	s4 =	simm.s32 $0x4F00;
	s5 =	simm.s32 $0x8300;
	[tilespmem:$0x4F70] =	vst v11  }
0x31d: {  	[tilespmem:s5], [sflag:$0x1] =	stream.indirect.gather [hbm4b:s16+s2], $0x1, s4, s2, $0xb8;
	[tilespmem:$0x9E00] =	vst v63  }
0x31e: {  	v12 =	vld [tilespmem:$0x1B80]  }
0x31f: {  	v13 =	vld [tilespmem:$0x1B90]  }
0x320: {  	v14 =	vld [tilespmem:$0x1BA0]  }
0x321: {  	v15 =	vld [tilespmem:$0x1BB0]  }
0x322: {  	v16 =	vld [tilespmem:$0x1BC0]  }
0x323: {  	v17 =	vld [tilespmem:$0x1BD0];
	[tilespmem:$0x4F80] =	vst v12  }
0x324: {  	v18 =	vld [tilespmem:$0x1BE0];
	[tilespmem:$0x4F90] =	vst v13  }
0x325: {  	v19 =	vld [tilespmem:$0x1BF0];
	[tilespmem:$0x4FA0] =	vst v14  }
0x326: {  	[tilespmem:$0x4FB0] =	vst v15  }
0x327: {  	[tilespmem:$0x4FC0] =	vst v16  }
0x328: {  	[tilespmem:$0x4FD0] =	vst v17  }
0x329: {  	[tilespmem:$0x4FE0] =	vst v18  }
0x32a: {  	s6 =	simm.s32 $0x4F80;
	s25 =	simm.s32 $0x8380;
	[tilespmem:$0x4FF0] =	vst v19  }
0x32b: {  	[tilespmem:s25], [sflag:$0x1] =	stream.indirect.gather [hbm4b:s16+s2], $0x1, s6, s2, $0xb8;
	[tilespmem:$0x9E00] =	vst v63  }
0x32c: {  	v20 =	vld [tilespmem:$0x1C00]  }
0x32d: {  	v21 =	vld [tilespmem:$0x1C10]  }
0x32e: {  	v22 =	vld [tilespmem:$0x1C20]  }
0x32f: {  	v23 =	vld [tilespmem:$0x1C30]  }
0x330: {  	v24 =	vld [tilespmem:$0x1C40]  }
0x331: {  	v25 =	vld [tilespmem:$0x1C50];
	[tilespmem:$0x5000] =	vst v20  }
0x332: {  	v26 =	vld [tilespmem:$0x1C60];
	[tilespmem:$0x5010] =	vst v21  }
0x333: {  	v27 =	vld [tilespmem:$0x1C70];
	[tilespmem:$0x5020] =	vst v22  }
0x334: {  	[tilespmem:$0x5030] =	vst v23  }
0x335: {  	[tilespmem:$0x5040] =	vst v24  }
0x336: {  	[tilespmem:$0x5050] =	vst v25  }
0x337: {  	[tilespmem:$0x5060] =	vst v26  }
0x338: {  	s4 =	simm.s32 $0x5000;
	s5 =	simm.s32 $0x8400;
	[tilespmem:$0x5070] =	vst v27  }
0x339: {  	[tilespmem:s5], [sflag:$0x1] =	stream.indirect.gather [hbm4b:s17+s2], $0x1, s4, s2, $0xb8;
	[tilespmem:$0x9E00] =	vst v63  }
0x33a: {  	v28 =	vld [tilespmem:$0x1C80]  }
0x33b: {  	v29 =	vld [tilespmem:$0x1C90]  }
0x33c: {  	v30 =	vld [tilespmem:$0x1CA0]  }
0x33d: {  	v31 =	vld [tilespmem:$0x1CB0]  }
0x33e: {  	v32 =	vld [tilespmem:$0x1CC0]  }
0x33f: {  	v33 =	vld [tilespmem:$0x1CD0];
	[tilespmem:$0x5080] =	vst v28  }
0x340: {  	v34 =	vld [tilespmem:$0x1CE0];
	[tilespmem:$0x5090] =	vst v29  }
0x341: {  	v35 =	vld [tilespmem:$0x1CF0];
	[tilespmem:$0x50A0] =	vst v30  }
0x342: {  	[tilespmem:$0x50B0] =	vst v31  }
0x343: {  	[tilespmem:$0x50C0] =	vst v32  }
0x344: {  	[tilespmem:$0x50D0] =	vst v33  }
0x345: {  	[tilespmem:$0x50E0] =	vst v34  }
0x346: {  	s6 =	simm.s32 $0x5080;
	s25 =	simm.s32 $0x8480;
	[tilespmem:$0x50F0] =	vst v35  }
0x347: {  	[tilespmem:s25], [sflag:$0x1] =	stream.indirect.gather [hbm4b:s17+s2], $0x1, s6, s2, $0xb8;
	[tilespmem:$0x9E00] =	vst v63  }
0x348: {  	v36 =	vld [tilespmem:$0x1D00]  }
0x349: {  	v37 =	vld [tilespmem:$0x1D10]  }
0x34a: {  	v38 =	vld [tilespmem:$0x1D20]  }
0x34b: {  	v39 =	vld [tilespmem:$0x1D30]  }
0x34c: {  	v40 =	vld [tilespmem:$0x1D40]  }
0x34d: {  	v41 =	vld [tilespmem:$0x1D50];
	[tilespmem:$0x5100] =	vst v36  }
0x34e: {  	v42 =	vld [tilespmem:$0x1D60];
	[tilespmem:$0x5110] =	vst v37  }
0x34f: {  	v43 =	vld [tilespmem:$0x1D70];
	[tilespmem:$0x5120] =	vst v38  }
0x350: {  	[tilespmem:$0x5130] =	vst v39  }
0x351: {  	[tilespmem:$0x5140] =	vst v40  }
0x352: {  	[tilespmem:$0x5150] =	vst v41  }
0x353: {  	[tilespmem:$0x5160] =	vst v42  }
0x354: {  	s4 =	simm.s32 $0x5100;
	s5 =	simm.s32 $0x8500;
	[tilespmem:$0x5170] =	vst v43  }
0x355: {  	[tilespmem:s5], [sflag:$0x1] =	stream.indirect.gather [hbm4b:s17+s2], $0x1, s4, s2, $0xb8;
	[tilespmem:$0x9E00] =	vst v63  }
0x356: {  	v44 =	vld [tilespmem:$0x1D80]  }
0x357: {  	v45 =	vld [tilespmem:$0x1D90]  }
0x358: {  	v46 =	vld [tilespmem:$0x1DA0]  }
0x359: {  	v47 =	vld [tilespmem:$0x1DB0]  }
0x35a: {  	v48 =	vld [tilespmem:$0x1DC0]  }
0x35b: {  	v49 =	vld [tilespmem:$0x1DD0];
	[tilespmem:$0x5180] =	vst v44  }
0x35c: {  	v50 =	vld [tilespmem:$0x1DE0];
	[tilespmem:$0x5190] =	vst v45  }
0x35d: {  	v51 =	vld [tilespmem:$0x1DF0];
	[tilespmem:$0x51A0] =	vst v46  }
0x35e: {  	[tilespmem:$0x51B0] =	vst v47  }
0x35f: {  	[tilespmem:$0x51C0] =	vst v48  }
0x360: {  	[tilespmem:$0x51D0] =	vst v49  }
0x361: {  	[tilespmem:$0x51E0] =	vst v50  }
0x362: {  	s6 =	simm.s32 $0x5180;
	s25 =	simm.s32 $0x8580;
	[tilespmem:$0x51F0] =	vst v51  }
0x363: {  	[tilespmem:s25], [sflag:$0x1] =	stream.indirect.gather [hbm4b:s17+s2], $0x1, s6, s2, $0xb8;
	[tilespmem:$0x9E00] =	vst v63  }
0x364: {  	v52 =	vld [tilespmem:$0x1E00]  }
0x365: {  	v53 =	vld [tilespmem:$0x1E10]  }
0x366: {  	v54 =	vld [tilespmem:$0x1E20]  }
0x367: {  	v55 =	vld [tilespmem:$0x1E30]  }
0x368: {  	v56 =	vld [tilespmem:$0x1E40]  }
0x369: {  	v57 =	vld [tilespmem:$0x1E50];
	[tilespmem:$0x5200] =	vst v52  }
0x36a: {  	v58 =	vld [tilespmem:$0x1E60];
	[tilespmem:$0x5210] =	vst v53  }
0x36b: {  	v59 =	vld [tilespmem:$0x1E70];
	[tilespmem:$0x5220] =	vst v54  }
0x36c: {  	[tilespmem:$0x5230] =	vst v55  }
0x36d: {  	[tilespmem:$0x5240] =	vst v56  }
0x36e: {  	[tilespmem:$0x5250] =	vst v57  }
0x36f: {  	[tilespmem:$0x5260] =	vst v58  }
0x370: {  	s4 =	simm.s32 $0x5200;
	s5 =	simm.s32 $0x8600;
	[tilespmem:$0x5270] =	vst v59  }
0x371: {  	[tilespmem:s5], [sflag:$0x1] =	stream.indirect.gather [hbm4b:s18+s2], $0x1, s4, s2, $0xb8;
	[tilespmem:$0x9E00] =	vst v63  }
0x372: {  	v60 =	vld [tilespmem:$0x1E80]  }
0x373: {  	v61 =	vld [tilespmem:$0x1E90]  }
0x374: {  	v62 =	vld [tilespmem:$0x1EA0]  }
0x375: {  	v63 =	vld [tilespmem:$0x1EB0]  }
0x376: {  	v8 =	vld [tilespmem:$0x1EC0]  }
0x377: {  	v9 =	vld [tilespmem:$0x1ED0];
	[tilespmem:$0x5280] =	vst v60  }
0x378: {  	v10 =	vld [tilespmem:$0x1EE0];
	[tilespmem:$0x5290] =	vst v61  }
0x379: {  	v11 =	vld [tilespmem:$0x1EF0];
	[tilespmem:$0x52A0] =	vst v62  }
0x37a: {  	[tilespmem:$0x52B0] =	vst v63  }
0x37b: {  	[tilespmem:$0x52C0] =	vst v8  }
0x37c: {  	[tilespmem:$0x52D0] =	vst v9  }
0x37d: {  	[tilespmem:$0x52E0] =	vst v10  }
0x37e: {  	s6 =	simm.s32 $0x5280;
	s25 =	simm.s32 $0x8680;
	[tilespmem:$0x52F0] =	vst v11  }
0x37f: {  	[tilespmem:s25], [sflag:$0x1] =	stream.indirect.gather [hbm4b:s18+s2], $0x1, s6, s2, $0xb8;
	[tilespmem:$0x9E00] =	vst v63  }
0x380: {  	v12 =	vld [tilespmem:$0x1F00]  }
0x381: {  	v13 =	vld [tilespmem:$0x1F10]  }
0x382: {  	v14 =	vld [tilespmem:$0x1F20]  }
0x383: {  	v15 =	vld [tilespmem:$0x1F30]  }
0x384: {  	v16 =	vld [tilespmem:$0x1F40]  }
0x385: {  	v17 =	vld [tilespmem:$0x1F50];
	[tilespmem:$0x5300] =	vst v12  }
0x386: {  	v18 =	vld [tilespmem:$0x1F60];
	[tilespmem:$0x5310] =	vst v13  }
0x387: {  	v19 =	vld [tilespmem:$0x1F70];
	[tilespmem:$0x5320] =	vst v14  }
0x388: {  	[tilespmem:$0x5330] =	vst v15  }
0x389: {  	[tilespmem:$0x5340] =	vst v16  }
0x38a: {  	[tilespmem:$0x5350] =	vst v17  }
0x38b: {  	[tilespmem:$0x5360] =	vst v18  }
0x38c: {  	s4 =	simm.s32 $0x5300;
	s5 =	simm.s32 $0x8700;
	[tilespmem:$0x5370] =	vst v19  }
0x38d: {  	[tilespmem:s5], [sflag:$0x1] =	stream.indirect.gather [hbm4b:s18+s2], $0x1, s4, s2, $0xb8;
	[tilespmem:$0x9E00] =	vst v63  }
0x38e: {  	v20 =	vld [tilespmem:$0x1F80]  }
0x38f: {  	v21 =	vld [tilespmem:$0x1F90]  }
0x390: {  	v22 =	vld [tilespmem:$0x1FA0]  }
0x391: {  	v23 =	vld [tilespmem:$0x1FB0]  }
0x392: {  	v24 =	vld [tilespmem:$0x1FC0]  }
0x393: {  	v25 =	vld [tilespmem:$0x1FD0];
	[tilespmem:$0x5380] =	vst v20  }
0x394: {  	v26 =	vld [tilespmem:$0x1FE0];
	[tilespmem:$0x5390] =	vst v21  }
0x395: {  	v27 =	vld [tilespmem:$0x1FF0];
	[tilespmem:$0x53A0] =	vst v22  }
0x396: {  	[tilespmem:$0x53B0] =	vst v23  }
0x397: {  	[tilespmem:$0x53C0] =	vst v24  }
0x398: {  	[tilespmem:$0x53D0] =	vst v25  }
0x399: {  	[tilespmem:$0x53E0] =	vst v26  }
0x39a: {  	s6 =	simm.s32 $0x5380;
	s25 =	simm.s32 $0x8780;
	[tilespmem:$0x53F0] =	vst v27  }
0x39b: {  	[tilespmem:s25], [sflag:$0x1] =	stream.indirect.gather [hbm4b:s18+s2], $0x1, s6, s2, $0xb8;
	[tilespmem:$0x9E00] =	vst v63  }
0x39c: {  	v28 =	vld [tilespmem:$0x2000]  }
0x39d: {  	v29 =	vld [tilespmem:$0x2010]  }
0x39e: {  	v30 =	vld [tilespmem:$0x2020]  }
0x39f: {  	v31 =	vld [tilespmem:$0x2030]  }
0x3a0: {  	v32 =	vld [tilespmem:$0x2040]  }
0x3a1: {  	v33 =	vld [tilespmem:$0x2050];
	[tilespmem:$0x5400] =	vst v28  }
0x3a2: {  	v34 =	vld [tilespmem:$0x2060];
	[tilespmem:$0x5410] =	vst v29  }
0x3a3: {  	v35 =	vld [tilespmem:$0x2070];
	[tilespmem:$0x5420] =	vst v30  }
0x3a4: {  	[tilespmem:$0x5430] =	vst v31  }
0x3a5: {  	[tilespmem:$0x5440] =	vst v32  }
0x3a6: {  	[tilespmem:$0x5450] =	vst v33  }
0x3a7: {  	[tilespmem:$0x5460] =	vst v34  }
0x3a8: {  	s4 =	simm.s32 $0x5400;
	s5 =	simm.s32 $0x8800;
	[tilespmem:$0x5470] =	vst v35  }
0x3a9: {  	[tilespmem:s5], [sflag:$0x1] =	stream.indirect.gather [hbm4b:s19+s2], $0x1, s4, s2, $0xb8;
	[tilespmem:$0x9E00] =	vst v63  }
0x3aa: {  	v36 =	vld [tilespmem:$0x2080]  }
0x3ab: {  	v37 =	vld [tilespmem:$0x2090]  }
0x3ac: {  	v38 =	vld [tilespmem:$0x20A0]  }
0x3ad: {  	v39 =	vld [tilespmem:$0x20B0]  }
0x3ae: {  	v40 =	vld [tilespmem:$0x20C0]  }
0x3af: {  	v41 =	vld [tilespmem:$0x20D0];
	[tilespmem:$0x5480] =	vst v36  }
0x3b0: {  	v42 =	vld [tilespmem:$0x20E0];
	[tilespmem:$0x5490] =	vst v37  }
0x3b1: {  	v43 =	vld [tilespmem:$0x20F0];
	[tilespmem:$0x54A0] =	vst v38  }
0x3b2: {  	[tilespmem:$0x54B0] =	vst v39  }
0x3b3: {  	[tilespmem:$0x54C0] =	vst v40  }
0x3b4: {  	[tilespmem:$0x54D0] =	vst v41  }
0x3b5: {  	[tilespmem:$0x54E0] =	vst v42  }
0x3b6: {  	s6 =	simm.s32 $0x5480;
	s25 =	simm.s32 $0x8880;
	[tilespmem:$0x54F0] =	vst v43  }
0x3b7: {  	[tilespmem:s25], [sflag:$0x1] =	stream.indirect.gather [hbm4b:s19+s2], $0x1, s6, s2, $0xb8;
	[tilespmem:$0x9E00] =	vst v63  }
0x3b8: {  	v44 =	vld [tilespmem:$0x2100]  }
0x3b9: {  	v45 =	vld [tilespmem:$0x2110]  }
0x3ba: {  	v46 =	vld [tilespmem:$0x2120]  }
0x3bb: {  	v47 =	vld [tilespmem:$0x2130]  }
0x3bc: {  	v48 =	vld [tilespmem:$0x2140]  }
0x3bd: {  	v49 =	vld [tilespmem:$0x2150];
	[tilespmem:$0x5500] =	vst v44  }
0x3be: {  	v50 =	vld [tilespmem:$0x2160];
	[tilespmem:$0x5510] =	vst v45  }
0x3bf: {  	v51 =	vld [tilespmem:$0x2170];
	[tilespmem:$0x5520] =	vst v46  }
0x3c0: {  	[tilespmem:$0x5530] =	vst v47  }
0x3c1: {  	[tilespmem:$0x5540] =	vst v48  }
0x3c2: {  	[tilespmem:$0x5550] =	vst v49  }
0x3c3: {  	[tilespmem:$0x5560] =	vst v50  }
0x3c4: {  	s4 =	simm.s32 $0x5500;
	s5 =	simm.s32 $0x8900;
	[tilespmem:$0x5570] =	vst v51  }
0x3c5: {  	[tilespmem:s5], [sflag:$0x1] =	stream.indirect.gather [hbm4b:s19+s2], $0x1, s4, s2, $0xb8;
	[tilespmem:$0x9E00] =	vst v63  }
0x3c6: {  	v52 =	vld [tilespmem:$0x2180]  }
0x3c7: {  	v53 =	vld [tilespmem:$0x2190]  }
0x3c8: {  	v54 =	vld [tilespmem:$0x21A0]  }
0x3c9: {  	v55 =	vld [tilespmem:$0x21B0]  }
0x3ca: {  	v56 =	vld [tilespmem:$0x21C0]  }
0x3cb: {  	v57 =	vld [tilespmem:$0x21D0];
	[tilespmem:$0x5580] =	vst v52  }
0x3cc: {  	v58 =	vld [tilespmem:$0x21E0];
	[tilespmem:$0x5590] =	vst v53  }
0x3cd: {  	v59 =	vld [tilespmem:$0x21F0];
	[tilespmem:$0x55A0] =	vst v54  }
0x3ce: {  	[tilespmem:$0x55B0] =	vst v55  }
0x3cf: {  	[tilespmem:$0x55C0] =	vst v56  }
0x3d0: {  	[tilespmem:$0x55D0] =	vst v57  }
0x3d1: {  	[tilespmem:$0x55E0] =	vst v58  }
0x3d2: {  	s6 =	simm.s32 $0x5580;
	s25 =	simm.s32 $0x8980;
	[tilespmem:$0x55F0] =	vst v59  }
0x3d3: {  	[tilespmem:s25], [sflag:$0x1] =	stream.indirect.gather [hbm4b:s19+s2], $0x1, s6, s2, $0xb8;
	[tilespmem:$0x9E00] =	vst v63  }
0x3d4: {  	v60 =	vld [tilespmem:$0x2200]  }
0x3d5: {  	v61 =	vld [tilespmem:$0x2210]  }
0x3d6: {  	v62 =	vld [tilespmem:$0x2220]  }
0x3d7: {  	v63 =	vld [tilespmem:$0x2230]  }
0x3d8: {  	v8 =	vld [tilespmem:$0x2240]  }
0x3d9: {  	v9 =	vld [tilespmem:$0x2250];
	[tilespmem:$0x5600] =	vst v60  }
0x3da: {  	v10 =	vld [tilespmem:$0x2260];
	[tilespmem:$0x5610] =	vst v61  }
0x3db: {  	v11 =	vld [tilespmem:$0x2270];
	[tilespmem:$0x5620] =	vst v62  }
0x3dc: {  	[tilespmem:$0x5630] =	vst v63  }
0x3dd: {  	[tilespmem:$0x5640] =	vst v8  }
0x3de: {  	[tilespmem:$0x5650] =	vst v9  }
0x3df: {  	[tilespmem:$0x5660] =	vst v10  }
0x3e0: {  	s4 =	simm.s32 $0x5600;
	s5 =	simm.s32 $0x8A00;
	[tilespmem:$0x5670] =	vst v11  }
0x3e1: {  	[tilespmem:s5], [sflag:$0x1] =	stream.indirect.gather [hbm4b:s20+s2], $0x1, s4, s2, $0xb8;
	[tilespmem:$0x9E00] =	vst v63  }
0x3e2: {  	v12 =	vld [tilespmem:$0x2280]  }
0x3e3: {  	v13 =	vld [tilespmem:$0x2290]  }
0x3e4: {  	v14 =	vld [tilespmem:$0x22A0]  }
0x3e5: {  	v15 =	vld [tilespmem:$0x22B0]  }
0x3e6: {  	v16 =	vld [tilespmem:$0x22C0]  }
0x3e7: {  	v17 =	vld [tilespmem:$0x22D0];
	[tilespmem:$0x5680] =	vst v12  }
0x3e8: {  	v18 =	vld [tilespmem:$0x22E0];
	[tilespmem:$0x5690] =	vst v13  }
0x3e9: {  	v19 =	vld [tilespmem:$0x22F0];
	[tilespmem:$0x56A0] =	vst v14  }
0x3ea: {  	[tilespmem:$0x56B0] =	vst v15  }
0x3eb: {  	[tilespmem:$0x56C0] =	vst v16  }
0x3ec: {  	[tilespmem:$0x56D0] =	vst v17  }
0x3ed: {  	[tilespmem:$0x56E0] =	vst v18  }
0x3ee: {  	s6 =	simm.s32 $0x5680;
	s25 =	simm.s32 $0x8A80;
	[tilespmem:$0x56F0] =	vst v19  }
0x3ef: {  	[tilespmem:s25], [sflag:$0x1] =	stream.indirect.gather [hbm4b:s20+s2], $0x1, s6, s2, $0xb8;
	[tilespmem:$0x9E00] =	vst v63  }
0x3f0: {  	v20 =	vld [tilespmem:$0x2300]  }
0x3f1: {  	v21 =	vld [tilespmem:$0x2310]  }
0x3f2: {  	v22 =	vld [tilespmem:$0x2320]  }
0x3f3: {  	v23 =	vld [tilespmem:$0x2330]  }
0x3f4: {  	v24 =	vld [tilespmem:$0x2340]  }
0x3f5: {  	v25 =	vld [tilespmem:$0x2350];
	[tilespmem:$0x5700] =	vst v20  }
0x3f6: {  	v26 =	vld [tilespmem:$0x2360];
	[tilespmem:$0x5710] =	vst v21  }
0x3f7: {  	v27 =	vld [tilespmem:$0x2370];
	[tilespmem:$0x5720] =	vst v22  }
0x3f8: {  	[tilespmem:$0x5730] =	vst v23  }
0x3f9: {  	[tilespmem:$0x5740] =	vst v24  }
0x3fa: {  	[tilespmem:$0x5750] =	vst v25  }
0x3fb: {  	[tilespmem:$0x5760] =	vst v26  }
0x3fc: {  	s4 =	simm.s32 $0x5700;
	s5 =	simm.s32 $0x8B00;
	[tilespmem:$0x5770] =	vst v27  }
0x3fd: {  	[tilespmem:s5], [sflag:$0x1] =	stream.indirect.gather [hbm4b:s20+s2], $0x1, s4, s2, $0xb8;
	[tilespmem:$0x9E00] =	vst v63  }
0x3fe: {  	v28 =	vld [tilespmem:$0x2380]  }
0x3ff: {  	v29 =	vld [tilespmem:$0x2390]  }
0x400: {  	v30 =	vld [tilespmem:$0x23A0]  }
0x401: {  	v31 =	vld [tilespmem:$0x23B0]  }
0x402: {  	v32 =	vld [tilespmem:$0x23C0]  }
0x403: {  	v33 =	vld [tilespmem:$0x23D0];
	[tilespmem:$0x5780] =	vst v28  }
0x404: {  	v34 =	vld [tilespmem:$0x23E0];
	[tilespmem:$0x5790] =	vst v29  }
0x405: {  	v35 =	vld [tilespmem:$0x23F0];
	[tilespmem:$0x57A0] =	vst v30  }
0x406: {  	[tilespmem:$0x57B0] =	vst v31  }
0x407: {  	[tilespmem:$0x57C0] =	vst v32  }
0x408: {  	[tilespmem:$0x57D0] =	vst v33  }
0x409: {  	[tilespmem:$0x57E0] =	vst v34  }
0x40a: {  	s6 =	simm.s32 $0x5780;
	s25 =	simm.s32 $0x8B80;
	[tilespmem:$0x57F0] =	vst v35  }
0x40b: {  	[tilespmem:s25], [sflag:$0x1] =	stream.indirect.gather [hbm4b:s20+s2], $0x1, s6, s2, $0xb8;
	[tilespmem:$0x9E00] =	vst v63  }
0x40c: {  	v36 =	vld [tilespmem:$0x2400]  }
0x40d: {  	v37 =	vld [tilespmem:$0x2410]  }
0x40e: {  	v38 =	vld [tilespmem:$0x2420]  }
0x40f: {  	v39 =	vld [tilespmem:$0x2430]  }
0x410: {  	v40 =	vld [tilespmem:$0x2440]  }
0x411: {  	v41 =	vld [tilespmem:$0x2450];
	[tilespmem:$0x5800] =	vst v36  }
0x412: {  	v42 =	vld [tilespmem:$0x2460];
	[tilespmem:$0x5810] =	vst v37  }
0x413: {  	v43 =	vld [tilespmem:$0x2470];
	[tilespmem:$0x5820] =	vst v38  }
0x414: {  	[tilespmem:$0x5830] =	vst v39  }
0x415: {  	[tilespmem:$0x5840] =	vst v40  }
0x416: {  	[tilespmem:$0x5850] =	vst v41  }
0x417: {  	[tilespmem:$0x5860] =	vst v42  }
0x418: {  	s4 =	simm.s32 $0x5800;
	s5 =	simm.s32 $0x8C00;
	[tilespmem:$0x5870] =	vst v43  }
0x419: {  	[tilespmem:s5], [sflag:$0x1] =	stream.indirect.gather [hbm4b:s21+s2], $0x1, s4, s2, $0xb8;
	[tilespmem:$0x9E00] =	vst v63  }
0x41a: {  	v44 =	vld [tilespmem:$0x2480]  }
0x41b: {  	v45 =	vld [tilespmem:$0x2490]  }
0x41c: {  	v46 =	vld [tilespmem:$0x24A0]  }
0x41d: {  	v47 =	vld [tilespmem:$0x24B0]  }
0x41e: {  	v48 =	vld [tilespmem:$0x24C0]  }
0x41f: {  	v49 =	vld [tilespmem:$0x24D0];
	[tilespmem:$0x5880] =	vst v44  }
0x420: {  	v50 =	vld [tilespmem:$0x24E0];
	[tilespmem:$0x5890] =	vst v45  }
0x421: {  	v51 =	vld [tilespmem:$0x24F0];
	[tilespmem:$0x58A0] =	vst v46  }
0x422: {  	[tilespmem:$0x58B0] =	vst v47  }
0x423: {  	[tilespmem:$0x58C0] =	vst v48  }
0x424: {  	[tilespmem:$0x58D0] =	vst v49  }
0x425: {  	[tilespmem:$0x58E0] =	vst v50  }
0x426: {  	s6 =	simm.s32 $0x5880;
	s25 =	simm.s32 $0x8C80;
	[tilespmem:$0x58F0] =	vst v51  }
0x427: {  	[tilespmem:s25], [sflag:$0x1] =	stream.indirect.gather [hbm4b:s21+s2], $0x1, s6, s2, $0xb8;
	[tilespmem:$0x9E00] =	vst v63  }
0x428: {  	v52 =	vld [tilespmem:$0x2500]  }
0x429: {  	v53 =	vld [tilespmem:$0x2510]  }
0x42a: {  	v54 =	vld [tilespmem:$0x2520]  }
0x42b: {  	v55 =	vld [tilespmem:$0x2530]  }
0x42c: {  	v56 =	vld [tilespmem:$0x2540]  }
0x42d: {  	[tilespmem:$0x5900] =	vst v52  }
0x42e: {  	[tilespmem:$0x5910] =	vst v53  }
0x42f: {  	[tilespmem:$0x5920] =	vst v54  }
0x430: {  	[tilespmem:$0x5930] =	vst v55  }
0x431: {  	[tilespmem:$0x5940] =	vst v56  }
0x432: {  	v0 =	vld [tilespmem:$0x2550]  }
0x433: {  	v57 =	vld [tilespmem:$0x2560]  }
0x434: {  	v58 =	vld [tilespmem:$0x2570];
	_ =	sdelay $0x2  }
0x435: {  	[tilespmem:$0x5950] =	vst v0  }
0x436: {  	[tilespmem:$0x5960] =	vst v57  }
0x437: {  	s4 =	simm.s32 $0x5900;
	s5 =	simm.s32 $0x8D00;
	[tilespmem:$0x5970] =	vst v58  }
0x438: {  	[tilespmem:s5], [sflag:$0x1] =	stream.indirect.gather [hbm4b:s21+s2], $0x1, s4, s2, $0xb8;
	[tilespmem:$0x9E00] =	vst v63  }
0x439: {  	v59 =	vld [tilespmem:$0x2580]  }
0x43a: {  	v60 =	vld [tilespmem:$0x2590]  }
0x43b: {  	v61 =	vld [tilespmem:$0x25A0]  }
0x43c: {  	v62 =	vld [tilespmem:$0x25B0]  }
0x43d: {  	v63 =	vld [tilespmem:$0x25C0]  }
0x43e: {  	v8 =	vld [tilespmem:$0x25D0];
	[tilespmem:$0x5980] =	vst v59  }
0x43f: {  	v9 =	vld [tilespmem:$0x25E0];
	[tilespmem:$0x5990] =	vst v60  }
0x440: {  	v10 =	vld [tilespmem:$0x25F0];
	[tilespmem:$0x59A0] =	vst v61  }
0x441: {  	[tilespmem:$0x59B0] =	vst v62  }
0x442: {  	[tilespmem:$0x59C0] =	vst v63  }
0x443: {  	[tilespmem:$0x59D0] =	vst v8  }
0x444: {  	[tilespmem:$0x59E0] =	vst v9  }
0x445: {  	s6 =	simm.s32 $0x5980;
	s25 =	simm.s32 $0x8D80;
	[tilespmem:$0x59F0] =	vst v10  }
0x446: {  	[tilespmem:s25], [sflag:$0x1] =	stream.indirect.gather [hbm4b:s21+s2], $0x1, s6, s2, $0xb8;
	[tilespmem:$0x9E00] =	vst v63  }
0x447: {  	v11 =	vld [tilespmem:$0x2600]  }
0x448: {  	v12 =	vld [tilespmem:$0x2610]  }
0x449: {  	v13 =	vld [tilespmem:$0x2620]  }
0x44a: {  	v14 =	vld [tilespmem:$0x2630]  }
0x44b: {  	v15 =	vld [tilespmem:$0x2640]  }
0x44c: {  	v16 =	vld [tilespmem:$0x2650];
	[tilespmem:$0x5A00] =	vst v11  }
0x44d: {  	v17 =	vld [tilespmem:$0x2660];
	[tilespmem:$0x5A10] =	vst v12  }
0x44e: {  	v18 =	vld [tilespmem:$0x2670];
	[tilespmem:$0x5A20] =	vst v13  }
0x44f: {  	[tilespmem:$0x5A30] =	vst v14  }
0x450: {  	[tilespmem:$0x5A40] =	vst v15  }
0x451: {  	[tilespmem:$0x5A50] =	vst v16  }
0x452: {  	[tilespmem:$0x5A60] =	vst v17  }
0x453: {  	s4 =	simm.s32 $0x5A00;
	s5 =	simm.s32 $0x8E00;
	[tilespmem:$0x5A70] =	vst v18  }
0x454: {  	[tilespmem:s5], [sflag:$0x1] =	stream.indirect.gather [hbm4b:s23+s2], $0x1, s4, s2, $0xb8;
	[tilespmem:$0x9E00] =	vst v63  }
0x455: {  	v19 =	vld [tilespmem:$0x2680]  }
0x456: {  	v20 =	vld [tilespmem:$0x2690]  }
0x457: {  	v21 =	vld [tilespmem:$0x26A0]  }
0x458: {  	v22 =	vld [tilespmem:$0x26B0]  }
0x459: {  	v23 =	vld [tilespmem:$0x26C0]  }
0x45a: {  	v24 =	vld [tilespmem:$0x26D0];
	[tilespmem:$0x5A80] =	vst v19  }
0x45b: {  	v25 =	vld [tilespmem:$0x26E0];
	[tilespmem:$0x5A90] =	vst v20  }
0x45c: {  	v26 =	vld [tilespmem:$0x26F0];
	[tilespmem:$0x5AA0] =	vst v21  }
0x45d: {  	[tilespmem:$0x5AB0] =	vst v22  }
0x45e: {  	[tilespmem:$0x5AC0] =	vst v23  }
0x45f: {  	[tilespmem:$0x5AD0] =	vst v24  }
0x460: {  	[tilespmem:$0x5AE0] =	vst v25  }
0x461: {  	s6 =	simm.s32 $0x5A80;
	s25 =	simm.s32 $0x8E80;
	[tilespmem:$0x5AF0] =	vst v26  }
0x462: {  	[tilespmem:s25], [sflag:$0x1] =	stream.indirect.gather [hbm4b:s23+s2], $0x1, s6, s2, $0xb8;
	[tilespmem:$0x9E00] =	vst v63  }
0x463: {  	v27 =	vld [tilespmem:$0x2700]  }
0x464: {  	v28 =	vld [tilespmem:$0x2710]  }
0x465: {  	v29 =	vld [tilespmem:$0x2720]  }
0x466: {  	v30 =	vld [tilespmem:$0x2730]  }
0x467: {  	v31 =	vld [tilespmem:$0x2740]  }
0x468: {  	v32 =	vld [tilespmem:$0x2750];
	[tilespmem:$0x5B00] =	vst v27  }
0x469: {  	v33 =	vld [tilespmem:$0x2760];
	[tilespmem:$0x5B10] =	vst v28  }
0x46a: {  	v34 =	vld [tilespmem:$0x2770];
	[tilespmem:$0x5B20] =	vst v29  }
0x46b: {  	[tilespmem:$0x5B30] =	vst v30  }
0x46c: {  	[tilespmem:$0x5B40] =	vst v31  }
0x46d: {  	[tilespmem:$0x5B50] =	vst v32  }
0x46e: {  	[tilespmem:$0x5B60] =	vst v33  }
0x46f: {  	s4 =	simm.s32 $0x5B00;
	s5 =	simm.s32 $0x8F00;
	[tilespmem:$0x5B70] =	vst v34  }
0x470: {  	[tilespmem:s5], [sflag:$0x1] =	stream.indirect.gather [hbm4b:s23+s2], $0x1, s4, s2, $0xb8;
	[tilespmem:$0x9E00] =	vst v63  }
0x471: {  	v35 =	vld [tilespmem:$0x2780]  }
0x472: {  	v36 =	vld [tilespmem:$0x2790]  }
0x473: {  	v37 =	vld [tilespmem:$0x27A0]  }
0x474: {  	v38 =	vld [tilespmem:$0x27B0]  }
0x475: {  	v39 =	vld [tilespmem:$0x27C0]  }
0x476: {  	v40 =	vld [tilespmem:$0x27D0];
	[tilespmem:$0x5B80] =	vst v35  }
0x477: {  	v41 =	vld [tilespmem:$0x27E0];
	[tilespmem:$0x5B90] =	vst v36  }
0x478: {  	v42 =	vld [tilespmem:$0x27F0];
	[tilespmem:$0x5BA0] =	vst v37  }
0x479: {  	[tilespmem:$0x5BB0] =	vst v38  }
0x47a: {  	[tilespmem:$0x5BC0] =	vst v39  }
0x47b: {  	[tilespmem:$0x5BD0] =	vst v40  }
0x47c: {  	[tilespmem:$0x5BE0] =	vst v41  }
0x47d: {  	s6 =	simm.s32 $0x5B80;
	s25 =	simm.s32 $0x8F80;
	[tilespmem:$0x5BF0] =	vst v42  }
0x47e: {  	[tilespmem:s25], [sflag:$0x1] =	stream.indirect.gather [hbm4b:s23+s2], $0x1, s6, s2, $0xb8;
	[tilespmem:$0x9E00] =	vst v63  }
0x47f: {  	v43 =	vld [tilespmem:$0x2800]  }
0x480: {  	v44 =	vld [tilespmem:$0x2810]  }
0x481: {  	v45 =	vld [tilespmem:$0x2820]  }
0x482: {  	v46 =	vld [tilespmem:$0x2830]  }
0x483: {  	v47 =	vld [tilespmem:$0x2840]  }
0x484: {  	v48 =	vld [tilespmem:$0x2850];
	[tilespmem:$0x5C00] =	vst v43  }
0x485: {  	v49 =	vld [tilespmem:$0x2860];
	[tilespmem:$0x5C10] =	vst v44  }
0x486: {  	v50 =	vld [tilespmem:$0x2870];
	[tilespmem:$0x5C20] =	vst v45  }
0x487: {  	[tilespmem:$0x5C30] =	vst v46  }
0x488: {  	[tilespmem:$0x5C40] =	vst v47  }
0x489: {  	[tilespmem:$0x5C50] =	vst v48  }
0x48a: {  	[tilespmem:$0x5C60] =	vst v49  }
0x48b: {  	s4 =	simm.s32 $0x5C00;
	s5 =	simm.s32 $0x9000;
	[tilespmem:$0x5C70] =	vst v50  }
0x48c: {  	[tilespmem:s5], [sflag:$0x1] =	stream.indirect.gather [hbm4b:s26+s2], $0x1, s4, s2, $0xb8;
	[tilespmem:$0x9E00] =	vst v63  }
0x48d: {  	v51 =	vld [tilespmem:$0x2880]  }
0x48e: {  	v52 =	vld [tilespmem:$0x2890]  }
0x48f: {  	v53 =	vld [tilespmem:$0x28A0]  }
0x490: {  	v54 =	vld [tilespmem:$0x28B0]  }
0x491: {  	v55 =	vld [tilespmem:$0x28C0]  }
0x492: {  	v56 =	vld [tilespmem:$0x28D0];
	[tilespmem:$0x5C80] =	vst v51  }
0x493: {  	v57 =	vld [tilespmem:$0x28E0];
	[tilespmem:$0x5C90] =	vst v52  }
0x494: {  	v58 =	vld [tilespmem:$0x28F0];
	[tilespmem:$0x5CA0] =	vst v53  }
0x495: {  	[tilespmem:$0x5CB0] =	vst v54  }
0x496: {  	[tilespmem:$0x5CC0] =	vst v55  }
0x497: {  	[tilespmem:$0x5CD0] =	vst v56  }
0x498: {  	[tilespmem:$0x5CE0] =	vst v57  }
0x499: {  	s6 =	simm.s32 $0x5C80;
	s25 =	simm.s32 $0x9080;
	[tilespmem:$0x5CF0] =	vst v58  }
0x49a: {  	[tilespmem:s25], [sflag:$0x1] =	stream.indirect.gather [hbm4b:s26+s2], $0x1, s6, s2, $0xb8;
	[tilespmem:$0x9E00] =	vst v63  }
0x49b: {  	v59 =	vld [tilespmem:$0x2900]  }
0x49c: {  	v60 =	vld [tilespmem:$0x2910]  }
0x49d: {  	v61 =	vld [tilespmem:$0x2920]  }
0x49e: {  	v62 =	vld [tilespmem:$0x2930]  }
0x49f: {  	v63 =	vld [tilespmem:$0x2940]  }
0x4a0: {  	v8 =	vld [tilespmem:$0x2950];
	[tilespmem:$0x5D00] =	vst v59  }
0x4a1: {  	v9 =	vld [tilespmem:$0x2960];
	[tilespmem:$0x5D10] =	vst v60  }
0x4a2: {  	v10 =	vld [tilespmem:$0x2970];
	[tilespmem:$0x5D20] =	vst v61  }
0x4a3: {  	[tilespmem:$0x5D30] =	vst v62  }
0x4a4: {  	[tilespmem:$0x5D40] =	vst v63  }
0x4a5: {  	[tilespmem:$0x5D50] =	vst v8  }
0x4a6: {  	[tilespmem:$0x5D60] =	vst v9  }
0x4a7: {  	s4 =	simm.s32 $0x5D00;
	s5 =	simm.s32 $0x9100;
	[tilespmem:$0x5D70] =	vst v10  }
0x4a8: {  	[tilespmem:s5], [sflag:$0x1] =	stream.indirect.gather [hbm4b:s26+s2], $0x1, s4, s2, $0xb8;
	[tilespmem:$0x9E00] =	vst v63  }
0x4a9: {  	v11 =	vld [tilespmem:$0x2980]  }
0x4aa: {  	v12 =	vld [tilespmem:$0x2990]  }
0x4ab: {  	v13 =	vld [tilespmem:$0x29A0]  }
0x4ac: {  	v14 =	vld [tilespmem:$0x29B0]  }
0x4ad: {  	v15 =	vld [tilespmem:$0x29C0]  }
0x4ae: {  	v16 =	vld [tilespmem:$0x29D0];
	[tilespmem:$0x5D80] =	vst v11  }
0x4af: {  	v17 =	vld [tilespmem:$0x29E0];
	[tilespmem:$0x5D90] =	vst v12  }
0x4b0: {  	v18 =	vld [tilespmem:$0x29F0];
	[tilespmem:$0x5DA0] =	vst v13  }
0x4b1: {  	[tilespmem:$0x5DB0] =	vst v14  }
0x4b2: {  	[tilespmem:$0x5DC0] =	vst v15  }
0x4b3: {  	[tilespmem:$0x5DD0] =	vst v16  }
0x4b4: {  	[tilespmem:$0x5DE0] =	vst v17  }
0x4b5: {  	s6 =	simm.s32 $0x5D80;
	s25 =	simm.s32 $0x9180;
	[tilespmem:$0x5DF0] =	vst v18  }
0x4b6: {  	[tilespmem:s25], [sflag:$0x1] =	stream.indirect.gather [hbm4b:s26+s2], $0x1, s6, s2, $0xb8;
	[tilespmem:$0x9E00] =	vst v63  }
0x4b7: {  	v19 =	vld [tilespmem:$0x2A00]  }
0x4b8: {  	v20 =	vld [tilespmem:$0x2A10]  }
0x4b9: {  	v21 =	vld [tilespmem:$0x2A20]  }
0x4ba: {  	v22 =	vld [tilespmem:$0x2A30]  }
0x4bb: {  	v23 =	vld [tilespmem:$0x2A40]  }
0x4bc: {  	v24 =	vld [tilespmem:$0x2A50];
	[tilespmem:$0x5E00] =	vst v19  }
0x4bd: {  	v25 =	vld [tilespmem:$0x2A60];
	[tilespmem:$0x5E10] =	vst v20  }
0x4be: {  	v26 =	vld [tilespmem:$0x2A70];
	[tilespmem:$0x5E20] =	vst v21  }
0x4bf: {  	[tilespmem:$0x5E30] =	vst v22  }
0x4c0: {  	[tilespmem:$0x5E40] =	vst v23  }
0x4c1: {  	[tilespmem:$0x5E50] =	vst v24  }
0x4c2: {  	[tilespmem:$0x5E60] =	vst v25  }
0x4c3: {  	s4 =	simm.s32 $0x5E00;
	s5 =	simm.s32 $0x9200;
	[tilespmem:$0x5E70] =	vst v26  }
0x4c4: {  	[tilespmem:s5], [sflag:$0x1] =	stream.indirect.gather [hbm4b:s28+s2], $0x1, s4, s2, $0xb8;
	[tilespmem:$0x9E00] =	vst v63  }
0x4c5: {  	v27 =	vld [tilespmem:$0x2A80]  }
0x4c6: {  	v28 =	vld [tilespmem:$0x2A90]  }
0x4c7: {  	v29 =	vld [tilespmem:$0x2AA0]  }
0x4c8: {  	v30 =	vld [tilespmem:$0x2AB0]  }
0x4c9: {  	v31 =	vld [tilespmem:$0x2AC0]  }
0x4ca: {  	v32 =	vld [tilespmem:$0x2AD0];
	[tilespmem:$0x5E80] =	vst v27  }
0x4cb: {  	v33 =	vld [tilespmem:$0x2AE0];
	[tilespmem:$0x5E90] =	vst v28  }
0x4cc: {  	v34 =	vld [tilespmem:$0x2AF0];
	[tilespmem:$0x5EA0] =	vst v29  }
0x4cd: {  	[tilespmem:$0x5EB0] =	vst v30  }
0x4ce: {  	[tilespmem:$0x5EC0] =	vst v31  }
0x4cf: {  	[tilespmem:$0x5ED0] =	vst v32  }
0x4d0: {  	[tilespmem:$0x5EE0] =	vst v33  }
0x4d1: {  	s6 =	simm.s32 $0x5E80;
	s25 =	simm.s32 $0x9280;
	[tilespmem:$0x5EF0] =	vst v34  }
0x4d2: {  	[tilespmem:s25], [sflag:$0x1] =	stream.indirect.gather [hbm4b:s28+s2], $0x1, s6, s2, $0xb8;
	[tilespmem:$0x9E00] =	vst v63  }
0x4d3: {  	v35 =	vld [tilespmem:$0x2B00]  }
0x4d4: {  	v36 =	vld [tilespmem:$0x2B10]  }
0x4d5: {  	v37 =	vld [tilespmem:$0x2B20]  }
0x4d6: {  	v38 =	vld [tilespmem:$0x2B30]  }
0x4d7: {  	v39 =	vld [tilespmem:$0x2B40]  }
0x4d8: {  	v40 =	vld [tilespmem:$0x2B50];
	[tilespmem:$0x5F00] =	vst v35  }
0x4d9: {  	v41 =	vld [tilespmem:$0x2B60];
	[tilespmem:$0x5F10] =	vst v36  }
0x4da: {  	v42 =	vld [tilespmem:$0x2B70];
	[tilespmem:$0x5F20] =	vst v37  }
0x4db: {  	[tilespmem:$0x5F30] =	vst v38  }
0x4dc: {  	[tilespmem:$0x5F40] =	vst v39  }
0x4dd: {  	[tilespmem:$0x5F50] =	vst v40  }
0x4de: {  	[tilespmem:$0x5F60] =	vst v41  }
0x4df: {  	s4 =	simm.s32 $0x5F00;
	s5 =	simm.s32 $0x9300;
	[tilespmem:$0x5F70] =	vst v42  }
0x4e0: {  	[tilespmem:s5], [sflag:$0x1] =	stream.indirect.gather [hbm4b:s28+s2], $0x1, s4, s2, $0xb8;
	[tilespmem:$0x9E00] =	vst v63  }
0x4e1: {  	v43 =	vld [tilespmem:$0x2B80]  }
0x4e2: {  	v44 =	vld [tilespmem:$0x2B90]  }
0x4e3: {  	v45 =	vld [tilespmem:$0x2BA0]  }
0x4e4: {  	v46 =	vld [tilespmem:$0x2BB0]  }
0x4e5: {  	v47 =	vld [tilespmem:$0x2BC0]  }
0x4e6: {  	v48 =	vld [tilespmem:$0x2BD0];
	[tilespmem:$0x5F80] =	vst v43  }
0x4e7: {  	v49 =	vld [tilespmem:$0x2BE0];
	[tilespmem:$0x5F90] =	vst v44  }
0x4e8: {  	v50 =	vld [tilespmem:$0x2BF0];
	[tilespmem:$0x5FA0] =	vst v45  }
0x4e9: {  	[tilespmem:$0x5FB0] =	vst v46  }
0x4ea: {  	[tilespmem:$0x5FC0] =	vst v47  }
0x4eb: {  	[tilespmem:$0x5FD0] =	vst v48  }
0x4ec: {  	[tilespmem:$0x5FE0] =	vst v49  }
0x4ed: {  	s6 =	simm.s32 $0x5F80;
	s25 =	simm.s32 $0x9380;
	[tilespmem:$0x5FF0] =	vst v50  }
0x4ee: {  	[tilespmem:s25], [sflag:$0x1] =	stream.indirect.gather [hbm4b:s28+s2], $0x1, s6, s2, $0xb8;
	[tilespmem:$0x9E00] =	vst v63  }
0x4ef: {  	v51 =	vld [tilespmem:$0x2C00]  }
0x4f0: {  	v52 =	vld [tilespmem:$0x2C10]  }
0x4f1: {  	v53 =	vld [tilespmem:$0x2C20]  }
0x4f2: {  	v54 =	vld [tilespmem:$0x2C30]  }
0x4f3: {  	v55 =	vld [tilespmem:$0x2C40]  }
0x4f4: {  	v56 =	vld [tilespmem:$0x2C50];
	[tilespmem:$0x6000] =	vst v51  }
0x4f5: {  	v57 =	vld [tilespmem:$0x2C60];
	[tilespmem:$0x6010] =	vst v52  }
0x4f6: {  	v58 =	vld [tilespmem:$0x2C70];
	[tilespmem:$0x6020] =	vst v53  }
0x4f7: {  	[tilespmem:$0x6030] =	vst v54  }
0x4f8: {  	[tilespmem:$0x6040] =	vst v55  }
0x4f9: {  	[tilespmem:$0x6050] =	vst v56  }
0x4fa: {  	[tilespmem:$0x6060] =	vst v57  }
0x4fb: {  	s4 =	simm.s32 $0x6000;
	s5 =	simm.s32 $0x9400;
	[tilespmem:$0x6070] =	vst v58  }
0x4fc: {  	[tilespmem:s5], [sflag:$0x1] =	stream.indirect.gather [hbm4b:s29+s2], $0x1, s4, s2, $0xb8;
	[tilespmem:$0x9E00] =	vst v63  }
0x4fd: {  	v59 =	vld [tilespmem:$0x2C80]  }
0x4fe: {  	v60 =	vld [tilespmem:$0x2C90]  }
0x4ff: {  	v61 =	vld [tilespmem:$0x2CA0]  }
0x500: {  	v62 =	vld [tilespmem:$0x2CB0]  }
0x501: {  	v63 =	vld [tilespmem:$0x2CC0]  }
0x502: {  	v8 =	vld [tilespmem:$0x2CD0];
	[tilespmem:$0x6080] =	vst v59  }
0x503: {  	v9 =	vld [tilespmem:$0x2CE0];
	[tilespmem:$0x6090] =	vst v60  }
0x504: {  	v10 =	vld [tilespmem:$0x2CF0];
	[tilespmem:$0x60A0] =	vst v61  }
0x505: {  	[tilespmem:$0x60B0] =	vst v62  }
0x506: {  	[tilespmem:$0x60C0] =	vst v63  }
0x507: {  	[tilespmem:$0x60D0] =	vst v8  }
0x508: {  	[tilespmem:$0x60E0] =	vst v9  }
0x509: {  	s6 =	simm.s32 $0x6080;
	s25 =	simm.s32 $0x9480;
	[tilespmem:$0x60F0] =	vst v10  }
0x50a: {  	[tilespmem:s25], [sflag:$0x1] =	stream.indirect.gather [hbm4b:s29+s2], $0x1, s6, s2, $0xb8;
	[tilespmem:$0x9E00] =	vst v63  }
0x50b: {  	v11 =	vld [tilespmem:$0x2D00]  }
0x50c: {  	v12 =	vld [tilespmem:$0x2D10]  }
0x50d: {  	v13 =	vld [tilespmem:$0x2D20]  }
0x50e: {  	v14 =	vld [tilespmem:$0x2D30]  }
0x50f: {  	v15 =	vld [tilespmem:$0x2D40]  }
0x510: {  	v16 =	vld [tilespmem:$0x2D50];
	[tilespmem:$0x6100] =	vst v11  }
0x511: {  	v17 =	vld [tilespmem:$0x2D60];
	[tilespmem:$0x6110] =	vst v12  }
0x512: {  	v18 =	vld [tilespmem:$0x2D70];
	[tilespmem:$0x6120] =	vst v13  }
0x513: {  	[tilespmem:$0x6130] =	vst v14  }
0x514: {  	[tilespmem:$0x6140] =	vst v15  }
0x515: {  	[tilespmem:$0x6150] =	vst v16  }
0x516: {  	[tilespmem:$0x6160] =	vst v17  }
0x517: {  	s4 =	simm.s32 $0x6100;
	s5 =	simm.s32 $0x9500;
	[tilespmem:$0x6170] =	vst v18  }
0x518: {  	[tilespmem:s5], [sflag:$0x1] =	stream.indirect.gather [hbm4b:s29+s2], $0x1, s4, s2, $0xb8;
	[tilespmem:$0x9E00] =	vst v63  }
0x519: {  	v19 =	vld [tilespmem:$0x2D80]  }
0x51a: {  	v20 =	vld [tilespmem:$0x2D90]  }
0x51b: {  	v21 =	vld [tilespmem:$0x2DA0]  }
0x51c: {  	v22 =	vld [tilespmem:$0x2DB0]  }
0x51d: {  	v23 =	vld [tilespmem:$0x2DC0]  }
0x51e: {  	v24 =	vld [tilespmem:$0x2DD0];
	[tilespmem:$0x6180] =	vst v19  }
0x51f: {  	v25 =	vld [tilespmem:$0x2DE0];
	[tilespmem:$0x6190] =	vst v20  }
0x520: {  	v26 =	vld [tilespmem:$0x2DF0];
	[tilespmem:$0x61A0] =	vst v21  }
0x521: {  	[tilespmem:$0x61B0] =	vst v22  }
0x522: {  	[tilespmem:$0x61C0] =	vst v23  }
0x523: {  	[tilespmem:$0x61D0] =	vst v24  }
0x524: {  	[tilespmem:$0x61E0] =	vst v25  }
0x525: {  	s6 =	simm.s32 $0x6180;
	s25 =	simm.s32 $0x9580;
	[tilespmem:$0x61F0] =	vst v26  }
0x526: {  	[tilespmem:s25], [sflag:$0x1] =	stream.indirect.gather [hbm4b:s29+s2], $0x1, s6, s2, $0xb8;
	[tilespmem:$0x9E00] =	vst v63  }
0x527: {  	v27 =	vld [tilespmem:$0x2E00]  }
0x528: {  	v28 =	vld [tilespmem:$0x2E10]  }
0x529: {  	v29 =	vld [tilespmem:$0x2E20]  }
0x52a: {  	v30 =	vld [tilespmem:$0x2E30]  }
0x52b: {  	v31 =	vld [tilespmem:$0x2E40]  }
0x52c: {  	v32 =	vld [tilespmem:$0x2E50];
	[tilespmem:$0x6200] =	vst v27  }
0x52d: {  	v33 =	vld [tilespmem:$0x2E60];
	[tilespmem:$0x6210] =	vst v28  }
0x52e: {  	v34 =	vld [tilespmem:$0x2E70];
	[tilespmem:$0x6220] =	vst v29  }
0x52f: {  	[tilespmem:$0x6230] =	vst v30  }
0x530: {  	[tilespmem:$0x6240] =	vst v31  }
0x531: {  	[tilespmem:$0x6250] =	vst v32  }
0x532: {  	[tilespmem:$0x6260] =	vst v33  }
0x533: {  	s4 =	simm.s32 $0x6200;
	s5 =	simm.s32 $0x9600;
	[tilespmem:$0x6270] =	vst v34  }
0x534: {  	[tilespmem:s5], [sflag:$0x1] =	stream.indirect.gather [hbm4b:s30+s2], $0x1, s4, s2, $0xb8;
	[tilespmem:$0x9E00] =	vst v63  }
0x535: {  	v35 =	vld [tilespmem:$0x2E80]  }
0x536: {  	v36 =	vld [tilespmem:$0x2E90]  }
0x537: {  	v37 =	vld [tilespmem:$0x2EA0]  }
0x538: {  	v38 =	vld [tilespmem:$0x2EB0]  }
0x539: {  	v39 =	vld [tilespmem:$0x2EC0]  }
0x53a: {  	v40 =	vld [tilespmem:$0x2ED0];
	[tilespmem:$0x6280] =	vst v35  }
0x53b: {  	v41 =	vld [tilespmem:$0x2EE0];
	[tilespmem:$0x6290] =	vst v36  }
0x53c: {  	v42 =	vld [tilespmem:$0x2EF0];
	[tilespmem:$0x62A0] =	vst v37  }
0x53d: {  	[tilespmem:$0x62B0] =	vst v38  }
0x53e: {  	[tilespmem:$0x62C0] =	vst v39  }
0x53f: {  	[tilespmem:$0x62D0] =	vst v40  }
0x540: {  	[tilespmem:$0x62E0] =	vst v41  }
0x541: {  	s6 =	simm.s32 $0x6280;
	s25 =	simm.s32 $0x9680;
	[tilespmem:$0x62F0] =	vst v42  }
0x542: {  	[tilespmem:s25], [sflag:$0x1] =	stream.indirect.gather [hbm4b:s30+s2], $0x1, s6, s2, $0xb8;
	[tilespmem:$0x9E00] =	vst v63  }
0x543: {  	v43 =	vld [tilespmem:$0x2F00]  }
0x544: {  	v44 =	vld [tilespmem:$0x2F10]  }
0x545: {  	v45 =	vld [tilespmem:$0x2F20]  }
0x546: {  	v46 =	vld [tilespmem:$0x2F30]  }
0x547: {  	v47 =	vld [tilespmem:$0x2F40]  }
0x548: {  	v48 =	vld [tilespmem:$0x2F50];
	[tilespmem:$0x6300] =	vst v43  }
0x549: {  	v49 =	vld [tilespmem:$0x2F60];
	[tilespmem:$0x6310] =	vst v44  }
0x54a: {  	v50 =	vld [tilespmem:$0x2F70];
	[tilespmem:$0x6320] =	vst v45  }
0x54b: {  	[tilespmem:$0x6330] =	vst v46  }
0x54c: {  	[tilespmem:$0x6340] =	vst v47  }
0x54d: {  	[tilespmem:$0x6350] =	vst v48  }
0x54e: {  	[tilespmem:$0x6360] =	vst v49  }
0x54f: {  	s4 =	simm.s32 $0x6300;
	s5 =	simm.s32 $0x9700;
	[tilespmem:$0x6370] =	vst v50  }
0x550: {  	[tilespmem:s5], [sflag:$0x1] =	stream.indirect.gather [hbm4b:s30+s2], $0x1, s4, s2, $0xb8;
	[tilespmem:$0x9E00] =	vst v63  }
0x551: {  	v51 =	vld [tilespmem:$0x2F80]  }
0x552: {  	v52 =	vld [tilespmem:$0x2F90]  }
0x553: {  	v53 =	vld [tilespmem:$0x2FA0]  }
0x554: {  	v54 =	vld [tilespmem:$0x2FB0]  }
0x555: {  	v55 =	vld [tilespmem:$0x2FC0]  }
0x556: {  	v56 =	vld [tilespmem:$0x2FD0];
	[tilespmem:$0x6380] =	vst v51  }
0x557: {  	v57 =	vld [tilespmem:$0x2FE0];
	[tilespmem:$0x6390] =	vst v52  }
0x558: {  	v58 =	vld [tilespmem:$0x2FF0];
	[tilespmem:$0x63A0] =	vst v53  }
0x559: {  	[tilespmem:$0x63B0] =	vst v54  }
0x55a: {  	[tilespmem:$0x63C0] =	vst v55  }
0x55b: {  	[tilespmem:$0x63D0] =	vst v56  }
0x55c: {  	[tilespmem:$0x63E0] =	vst v57  }
0x55d: {  	s6 =	simm.s32 $0x6380;
	s25 =	simm.s32 $0x9780;
	[tilespmem:$0x63F0] =	vst v58  }
0x55e: {  	[tilespmem:s25], [sflag:$0x1] =	stream.indirect.gather [hbm4b:s30+s2], $0x1, s6, s2, $0xb8;
	[tilespmem:$0x9E00] =	vst v63  }
0x55f: {  	v59 =	vld [tilespmem:$0x3000]  }
0x560: {  	v60 =	vld [tilespmem:$0x3010]  }
0x561: {  	v61 =	vld [tilespmem:$0x3020]  }
0x562: {  	v62 =	vld [tilespmem:$0x3030]  }
0x563: {  	v63 =	vld [tilespmem:$0x3040]  }
0x564: {  	v5 =	vld [tilespmem:$0x3050];
	[tilespmem:$0x6400] =	vst v59  }
0x565: {  	v6 =	vld [tilespmem:$0x3060];
	[tilespmem:$0x6410] =	vst v60  }
0x566: {  	v7 =	vld [tilespmem:$0x3070];
	[tilespmem:$0x6420] =	vst v61  }
0x567: {  	[tilespmem:$0x6430] =	vst v62  }
0x568: {  	[tilespmem:$0x6440] =	vst v63  }
0x569: {  	[tilespmem:$0x6450] =	vst v5  }
0x56a: {  	[tilespmem:$0x6460] =	vst v6  }
0x56b: {  	s4 =	simm.s32 $0x6400;
	s5 =	simm.s32 $0x9800;
	[tilespmem:$0x6470] =	vst v7  }
0x56c: {  	[tilespmem:s5], [sflag:$0x1] =	stream.indirect.gather [hbm4b:s31+s2], $0x1, s4, s2, $0xb8;
	[tilespmem:$0x9E00] =	vst v63  }
0x56d: {  	v8 =	vld [tilespmem:$0x3080]  }
0x56e: {  	v9 =	vld [tilespmem:$0x3090]  }
0x56f: {  	v10 =	vld [tilespmem:$0x30A0]  }
0x570: {  	v11 =	vld [tilespmem:$0x30B0]  }
0x571: {  	v12 =	vld [tilespmem:$0x30C0]  }
0x572: {  	v13 =	vld [tilespmem:$0x30D0];
	[tilespmem:$0x6480] =	vst v8  }
0x573: {  	v14 =	vld [tilespmem:$0x30E0];
	[tilespmem:$0x6490] =	vst v9  }
0x574: {  	v15 =	vld [tilespmem:$0x30F0];
	[tilespmem:$0x64A0] =	vst v10  }
0x575: {  	[tilespmem:$0x64B0] =	vst v11  }
0x576: {  	[tilespmem:$0x64C0] =	vst v12  }
0x577: {  	[tilespmem:$0x64D0] =	vst v13  }
0x578: {  	[tilespmem:$0x64E0] =	vst v14  }
0x579: {  	s6 =	simm.s32 $0x6480;
	s25 =	simm.s32 $0x9880;
	[tilespmem:$0x64F0] =	vst v15  }
0x57a: {  	[tilespmem:s25], [sflag:$0x1] =	stream.indirect.gather [hbm4b:s31+s2], $0x1, s6, s2, $0xb8;
	[tilespmem:$0x9E00] =	vst v63  }
0x57b: {  	v16 =	vld [tilespmem:$0x3100]  }
0x57c: {  	v17 =	vld [tilespmem:$0x3110]  }
0x57d: {  	v18 =	vld [tilespmem:$0x3120]  }
0x57e: {  	v19 =	vld [tilespmem:$0x3130]  }
0x57f: {  	v20 =	vld [tilespmem:$0x3140]  }
0x580: {  	v21 =	vld [tilespmem:$0x3150];
	[tilespmem:$0x6500] =	vst v16  }
0x581: {  	v22 =	vld [tilespmem:$0x3160];
	[tilespmem:$0x6510] =	vst v17  }
0x582: {  	v23 =	vld [tilespmem:$0x3170];
	[tilespmem:$0x6520] =	vst v18  }
0x583: {  	[tilespmem:$0x6530] =	vst v19  }
0x584: {  	[tilespmem:$0x6540] =	vst v20  }
0x585: {  	[tilespmem:$0x6550] =	vst v21  }
0x586: {  	[tilespmem:$0x6560] =	vst v22  }
0x587: {  	s4 =	simm.s32 $0x6500;
	s5 =	simm.s32 $0x9900;
	[tilespmem:$0x6570] =	vst v23  }
0x588: {  	[tilespmem:s5], [sflag:$0x1] =	stream.indirect.gather [hbm4b:s31+s2], $0x1, s4, s2, $0xb8;
	[tilespmem:$0x9E00] =	vst v63  }
0x589: {  	v24 =	vld [tilespmem:$0x3180]  }
0x58a: {  	v25 =	vld [tilespmem:$0x3190]  }
0x58b: {  	v26 =	vld [tilespmem:$0x31A0]  }
0x58c: {  	v27 =	vld [tilespmem:$0x31B0]  }
0x58d: {  	v28 =	vld [tilespmem:$0x31C0]  }
0x58e: {  	v29 =	vld [tilespmem:$0x31D0];
	[tilespmem:$0x6580] =	vst v24  }
0x58f: {  	v30 =	vld [tilespmem:$0x31E0];
	[tilespmem:$0x6590] =	vst v25  }
0x590: {  	v31 =	vld [tilespmem:$0x31F0];
	[tilespmem:$0x65A0] =	vst v26  }
0x591: {  	[tilespmem:$0x65B0] =	vst v27  }
0x592: {  	[tilespmem:$0x65C0] =	vst v28  }
0x593: {  	[tilespmem:$0x65D0] =	vst v29  }
0x594: {  	[tilespmem:$0x65E0] =	vst v30  }
0x595: {  	s6 =	simm.s32 $0x6580;
	s25 =	simm.s32 $0x9980;
	[tilespmem:$0x65F0] =	vst v31  }
0x596: {  	[tilespmem:s25], [sflag:$0x1] =	stream.indirect.gather [hbm4b:s31+s2], $0x1, s6, s2, $0xb8;
	[tilespmem:$0x9E00] =	vst v63  }
0x597: {  	v32 =	vld [tilespmem:$0x3200]  }
0x598: {  	v33 =	vld [tilespmem:$0x3210]  }
0x599: {  	v34 =	vld [tilespmem:$0x3220]  }
0x59a: {  	v35 =	vld [tilespmem:$0x3230]  }
0x59b: {  	v36 =	vld [tilespmem:$0x3240]  }
0x59c: {  	v37 =	vld [tilespmem:$0x3250];
	[tilespmem:$0x6600] =	vst v32  }
0x59d: {  	v38 =	vld [tilespmem:$0x3260];
	[tilespmem:$0x6610] =	vst v33  }
0x59e: {  	v39 =	vld [tilespmem:$0x3270];
	[tilespmem:$0x6620] =	vst v34  }
0x59f: {  	[tilespmem:$0x6630] =	vst v35  }
0x5a0: {  	[tilespmem:$0x6640] =	vst v36  }
0x5a1: {  	[tilespmem:$0x6650] =	vst v37  }
0x5a2: {  	[tilespmem:$0x6660] =	vst v38  }
0x5a3: {  	s4 =	simm.s32 $0x6600;
	s5 =	simm.s32 $0x9A00;
	[tilespmem:$0x6670] =	vst v39  }
0x5a4: {  	[tilespmem:s5], [sflag:$0x1] =	stream.indirect.gather [hbm4b:s0+s2], $0x1, s4, s2, $0xb8;
	[tilespmem:$0x9E00] =	vst v63  }
0x5a5: {  	v40 =	vld [tilespmem:$0x3280]  }
0x5a6: {  	v41 =	vld [tilespmem:$0x3290]  }
0x5a7: {  	v42 =	vld [tilespmem:$0x32A0]  }
0x5a8: {  	v43 =	vld [tilespmem:$0x32B0]  }
0x5a9: {  	v44 =	vld [tilespmem:$0x32C0]  }
0x5aa: {  	v45 =	vld [tilespmem:$0x32D0];
	[tilespmem:$0x6680] =	vst v40  }
0x5ab: {  	v46 =	vld [tilespmem:$0x32E0];
	[tilespmem:$0x6690] =	vst v41  }
0x5ac: {  	v47 =	vld [tilespmem:$0x32F0];
	[tilespmem:$0x66A0] =	vst v42  }
0x5ad: {  	[tilespmem:$0x66B0] =	vst v43  }
0x5ae: {  	[tilespmem:$0x66C0] =	vst v44  }
0x5af: {  	[tilespmem:$0x66D0] =	vst v45  }
0x5b0: {  	[tilespmem:$0x66E0] =	vst v46  }
0x5b1: {  	s6 =	simm.s32 $0x6680;
	s25 =	simm.s32 $0x9A80;
	[tilespmem:$0x66F0] =	vst v47  }
0x5b2: {  	[tilespmem:s25], [sflag:$0x1] =	stream.indirect.gather [hbm4b:s0+s2], $0x1, s6, s2, $0xb8;
	[tilespmem:$0x9E00] =	vst v63  }
0x5b3: {  	v48 =	vld [tilespmem:$0x3300]  }
0x5b4: {  	v49 =	vld [tilespmem:$0x3310]  }
0x5b5: {  	v50 =	vld [tilespmem:$0x3320]  }
0x5b6: {  	v51 =	vld [tilespmem:$0x3330]  }
0x5b7: {  	v52 =	vld [tilespmem:$0x3340]  }
0x5b8: {  	v53 =	vld [tilespmem:$0x3350];
	[tilespmem:$0x6700] =	vst v48  }
0x5b9: {  	v54 =	vld [tilespmem:$0x3360];
	[tilespmem:$0x6710] =	vst v49  }
0x5ba: {  	v55 =	vld [tilespmem:$0x3370];
	[tilespmem:$0x6720] =	vst v50  }
0x5bb: {  	[tilespmem:$0x6730] =	vst v51  }
0x5bc: {  	[tilespmem:$0x6740] =	vst v52  }
0x5bd: {  	[tilespmem:$0x6750] =	vst v53  }
0x5be: {  	[tilespmem:$0x6760] =	vst v54  }
0x5bf: {  	s4 =	simm.s32 $0x6700;
	s5 =	simm.s32 $0x9B00;
	[tilespmem:$0x6770] =	vst v55  }
0x5c0: {  	[tilespmem:s5], [sflag:$0x1] =	stream.indirect.gather [hbm4b:s0+s2], $0x1, s4, s2, $0xb8;
	[tilespmem:$0x9E00] =	vst v63  }
0x5c1: {  	v56 =	vld [tilespmem:$0x3380]  }
0x5c2: {  	v57 =	vld [tilespmem:$0x3390]  }
0x5c3: {  	v58 =	vld [tilespmem:$0x33A0]  }
0x5c4: {  	v59 =	vld [tilespmem:$0x33B0]  }
0x5c5: {  	v60 =	vld [tilespmem:$0x33C0]  }
0x5c6: {  	v61 =	vld [tilespmem:$0x33D0];
	[tilespmem:$0x6780] =	vst v56  }
0x5c7: {  	v62 =	vld [tilespmem:$0x33E0];
	[tilespmem:$0x6790] =	vst v57  }
0x5c8: {  	v63 =	vld [tilespmem:$0x33F0];
	[tilespmem:$0x67A0] =	vst v58  }
0x5c9: {  	[tilespmem:$0x67B0] =	vst v59  }
0x5ca: {  	[tilespmem:$0x67C0] =	vst v60  }
0x5cb: {  	[tilespmem:$0x67D0] =	vst v61  }
0x5cc: {  	[tilespmem:$0x67E0] =	vst v62  }
0x5cd: {  	s1 =	simm.s32 $0x68;
	s6 =	simm.s32 $0x6780;
	s25 =	simm.s32 $0x9B80;
	[tilespmem:$0x67F0] =	vst v63  }
0x5ce: {  	[tilespmem:s25], [sflag:$0x1] =	stream.indirect.gather [hbm4b:s0+s2], $0x1, s6, s2, $0xb8;
	[tilespmem:$0x9E00] =	vst v63  }
.LBB2_2:
0x5cf: {  	p0 =	sne.s32 s1, $0x1  }
.Ltmp0:
0x5d0: {  	_ = 	snop;
	(pc) =	sbr.rel @p0 .LBB2_2-.Ltmp0, $4  }
0x5d1: {  	_ = 	snop  }
0x5d2: {  	_ =	swait.ge [sflag:s22], $0x80  }
0x5d3: {  	[sflag:s22] =	ssyncset.done $0x0  }
0x5d4: {  	s1 =	sadd.s32 $0xFFFFFFFF, s1;
	[sflag:s22] =	ssyncadd.s32 $0xFFFFFF80  }
0x5d5: {  	s1 =	simm.s32 $0x0;
	s3 =	simm.s32 $0x0  }
0x5d6: {  	s1 =	sand.u32 $0x70, s1;
	s3 =	sand.u32 $0x180, s3  }
0x5d7: {  	s1 =	sor.u32 s1, s3  }
0x5d8: {  	v0 =	vld [tilespmem:s1+$0x6800];
	_ =	sdelay $0x1  }
0x5d9: {  	v1 =	vld [tilespmem:s1+$0x6A00];
	_ =	sdelay $0x1  }
0x5da: {  	v2 =	vld [tilespmem:s1+$0x6C00]  }
0x5db: {  	v0 =	vadd.f32 $0.0e+00, v0  }
0x5dc: {  	v3 =	vld [tilespmem:s1+$0x6E00]  }
0x5dd: {  	v0 =	vadd.f32 v1, v0  }
0x5de: {  	v1 =	vld [tilespmem:s1+$0x7000]  }
0x5df: {  	v0 =	vadd.f32 v2, v0  }
0x5e0: {  	v2 =	vld [tilespmem:s1+$0x7200]  }
0x5e1: {  	v0 =	vadd.f32 v3, v0  }
0x5e2: {  	v3 =	vld [tilespmem:s1+$0x7400]  }
0x5e3: {  	v0 =	vadd.f32 v1, v0  }
0x5e4: {  	v1 =	vld [tilespmem:s1+$0x7600]  }
0x5e5: {  	v0 =	vadd.f32 v2, v0  }
0x5e6: {  	v2 =	vld [tilespmem:s1+$0x7800]  }
0x5e7: {  	v0 =	vadd.f32 v3, v0  }
0x5e8: {  	v3 =	vld [tilespmem:s1+$0x7A00]  }
0x5e9: {  	v0 =	vadd.f32 v1, v0  }
0x5ea: {  	v1 =	vld [tilespmem:s1+$0x7C00]  }
0x5eb: {  	v0 =	vadd.f32 v2, v0  }
0x5ec: {  	v2 =	vld [tilespmem:s1+$0x7E00]  }
0x5ed: {  	v0 =	vadd.f32 v3, v0  }
0x5ee: {  	v3 =	vld [tilespmem:s1+$0x8000]  }
0x5ef: {  	v0 =	vadd.f32 v1, v0  }
0x5f0: {  	v1 =	vld [tilespmem:s1+$0x8200]  }
0x5f1: {  	v0 =	vadd.f32 v2, v0  }
0x5f2: {  	v2 =	vld [tilespmem:s1+$0x8400]  }
0x5f3: {  	v0 =	vadd.f32 v3, v0  }
0x5f4: {  	v3 =	vld [tilespmem:s1+$0x8600]  }
0x5f5: {  	v0 =	vadd.f32 v1, v0  }
0x5f6: {  	v1 =	vld [tilespmem:s1+$0x8800]  }
0x5f7: {  	v0 =	vadd.f32 v2, v0  }
0x5f8: {  	v2 =	vld [tilespmem:s1+$0x8A00]  }
0x5f9: {  	v0 =	vadd.f32 v3, v0  }
0x5fa: {  	v3 =	vld [tilespmem:s1+$0x8C00]  }
0x5fb: {  	v0 =	vadd.f32 v1, v0  }
0x5fc: {  	v1 =	vld [tilespmem:s1+$0x8E00]  }
0x5fd: {  	v0 =	vadd.f32 v2, v0  }
0x5fe: {  	v2 =	vld [tilespmem:s1+$0x9000]  }
0x5ff: {  	v0 =	vadd.f32 v3, v0  }
0x600: {  	v3 =	vld [tilespmem:s1+$0x9200]  }
0x601: {  	v0 =	vadd.f32 v1, v0  }
0x602: {  	v1 =	vld [tilespmem:s1+$0x9400]  }
0x603: {  	v0 =	vadd.f32 v2, v0  }
0x604: {  	v2 =	vld [tilespmem:s1+$0x9600]  }
0x605: {  	v0 =	vadd.f32 v3, v0  }
0x606: {  	v3 =	vld [tilespmem:s1+$0x9800]  }
0x607: {  	v0 =	vadd.f32 v1, v0  }
0x608: {  	v1 =	vld [tilespmem:s1+$0x9A00]  }
0x609: {  	v0 =	vadd.f32 v2, v0;
	_ =	sdelay $0x1  }
0x60a: {  	v0 =	vadd.f32 v3, v0  }
0x60b: {  	s25 =	simm.s32 $0x40;
	s5 =	simm.s32 $0x10  }
0x60c: {  	s4 =	simm.s32 $0x0;
	s3 =	simm.s32 $0x80;
	s1 =	simm.s32 $0x10;
	v0 =	vadd.f32 v1, v0  }
.LBB2_4:
0x60d: {  	p0 =	sne.s32 s3, $0x7C0;
	s6 =	sand.u32 $0x70, s1;
	s5 =	sand.u32 $0x180, s5  }
0x60e: {  	s5 =	sor.u32 s6, s5;
	[tilespmem:s4+$0x9C00] =	vst v0;
	s4 =	smov.u32 s25;
	s25 =	smov.u32 s3  }
0x60f: {  	v0 =	vld [tilespmem:s5+$0x6800];
	_ =	sdelay $0x1  }
0x610: {  	v1 =	vld [tilespmem:s5+$0x6A00];
	_ =	sdelay $0x1  }
0x611: {  	v2 =	vld [tilespmem:s5+$0x6C00]  }
0x612: {  	v0 =	vadd.f32 $0.0e+00, v0  }
0x613: {  	v3 =	vld [tilespmem:s5+$0x6E00]  }
0x614: {  	v0 =	vadd.f32 v1, v0  }
0x615: {  	v1 =	vld [tilespmem:s5+$0x7000]  }
0x616: {  	v0 =	vadd.f32 v2, v0  }
0x617: {  	v2 =	vld [tilespmem:s5+$0x7200]  }
0x618: {  	v0 =	vadd.f32 v3, v0  }
0x619: {  	v3 =	vld [tilespmem:s5+$0x7400]  }
0x61a: {  	v0 =	vadd.f32 v1, v0  }
0x61b: {  	v1 =	vld [tilespmem:s5+$0x7600]  }
0x61c: {  	v0 =	vadd.f32 v2, v0  }
0x61d: {  	v2 =	vld [tilespmem:s5+$0x7800]  }
0x61e: {  	v0 =	vadd.f32 v3, v0  }
0x61f: {  	v3 =	vld [tilespmem:s5+$0x7A00]  }
0x620: {  	v0 =	vadd.f32 v1, v0  }
0x621: {  	v1 =	vld [tilespmem:s5+$0x7C00]  }
0x622: {  	v0 =	vadd.f32 v2, v0  }
0x623: {  	v2 =	vld [tilespmem:s5+$0x7E00]  }
0x624: {  	v0 =	vadd.f32 v3, v0  }
0x625: {  	v3 =	vld [tilespmem:s5+$0x8000]  }
0x626: {  	v0 =	vadd.f32 v1, v0  }
0x627: {  	v1 =	vld [tilespmem:s5+$0x8200]  }
0x628: {  	v0 =	vadd.f32 v2, v0  }
0x629: {  	v2 =	vld [tilespmem:s5+$0x8400]  }
0x62a: {  	v0 =	vadd.f32 v3, v0  }
0x62b: {  	v3 =	vld [tilespmem:s5+$0x8600]  }
0x62c: {  	v0 =	vadd.f32 v1, v0  }
0x62d: {  	v1 =	vld [tilespmem:s5+$0x8800]  }
0x62e: {  	v0 =	vadd.f32 v2, v0  }
0x62f: {  	v2 =	vld [tilespmem:s5+$0x8A00]  }
0x630: {  	v0 =	vadd.f32 v3, v0  }
0x631: {  	v3 =	vld [tilespmem:s5+$0x8C00]  }
0x632: {  	v0 =	vadd.f32 v1, v0  }
0x633: {  	v1 =	vld [tilespmem:s5+$0x8E00]  }
0x634: {  	v0 =	vadd.f32 v2, v0  }
0x635: {  	v2 =	vld [tilespmem:s5+$0x9000]  }
0x636: {  	v0 =	vadd.f32 v3, v0  }
0x637: {  	v3 =	vld [tilespmem:s5+$0x9200]  }
0x638: {  	v0 =	vadd.f32 v1, v0  }
0x639: {  	v1 =	vld [tilespmem:s5+$0x9400]  }
0x63a: {  	v0 =	vadd.f32 v2, v0  }
0x63b: {  	v2 =	vld [tilespmem:s5+$0x9600]  }
0x63c: {  	v0 =	vadd.f32 v3, v0  }
0x63d: {  	v3 =	vld [tilespmem:s5+$0x9800]  }
0x63e: {  	v0 =	vadd.f32 v1, v0  }
0x63f: {  	v1 =	vld [tilespmem:s5+$0x9A00]  }
.Ltmp1:
0x640: {  	v0 =	vadd.f32 v2, v0;
	(pc) =	sbr.rel @p0 .LBB2_4-.Ltmp1, $4  }
0x641: {  	_ = 	snop  }
0x642: {  	v0 =	vadd.f32 v3, v0  }
0x643: {  	s1 =	sadd.s32 $0x10, s1  }
0x644: {  	s3 =	sadd.s32 $0x40, s3;
	s4 =	sshra.s32 s4, $0x2;
	s5 =	sshrl.u32 s25, $0x2;
	v0 =	vadd.f32 v1, v0  }
0x645: {  	s1 =	sand.u32 $0x70, s1;
	s3 =	sand.u32 $0x180, s5  }
0x646: {  	s1 =	sor.u32 s1, s3;
	[tilespmem:s4+$0x9C00] =	vst v0  }
0x647: {  	v0 =	vld [tilespmem:s1+$0x6800];
	_ =	sdelay $0x1  }
0x648: {  	v1 =	vld [tilespmem:s1+$0x6A00];
	_ =	sdelay $0x1  }
0x649: {  	v2 =	vld [tilespmem:s1+$0x6C00]  }
0x64a: {  	v0 =	vadd.f32 $0.0e+00, v0  }
0x64b: {  	v3 =	vld [tilespmem:s1+$0x6E00]  }
0x64c: {  	v0 =	vadd.f32 v1, v0  }
0x64d: {  	v42 =	vld [tilespmem:s1+$0x7000]  }
0x64e: {  	v0 =	vadd.f32 v2, v0  }
0x64f: {  	v43 =	vld [tilespmem:s1+$0x7200]  }
0x650: {  	v0 =	vadd.f32 v3, v0  }
0x651: {  	v44 =	vld [tilespmem:s1+$0x7400]  }
0x652: {  	v0 =	vadd.f32 v42, v0  }
0x653: {  	v45 =	vld [tilespmem:s1+$0x7600]  }
0x654: {  	v0 =	vadd.f32 v43, v0  }
0x655: {  	v46 =	vld [tilespmem:s1+$0x7800]  }
0x656: {  	v0 =	vadd.f32 v44, v0  }
0x657: {  	v47 =	vld [tilespmem:s1+$0x7A00]  }
0x658: {  	v0 =	vadd.f32 v45, v0  }
0x659: {  	v48 =	vld [tilespmem:s1+$0x7C00]  }
0x65a: {  	v0 =	vadd.f32 v46, v0  }
0x65b: {  	v49 =	vld [tilespmem:s1+$0x7E00]  }
0x65c: {  	v0 =	vadd.f32 v47, v0  }
0x65d: {  	v50 =	vld [tilespmem:s1+$0x8000]  }
0x65e: {  	v0 =	vadd.f32 v48, v0  }
0x65f: {  	v51 =	vld [tilespmem:s1+$0x8200]  }
0x660: {  	v0 =	vadd.f32 v49, v0  }
0x661: {  	v52 =	vld [tilespmem:s1+$0x8400]  }
0x662: {  	v0 =	vadd.f32 v50, v0  }
0x663: {  	v53 =	vld [tilespmem:s1+$0x8600]  }
0x664: {  	v0 =	vadd.f32 v51, v0  }
0x665: {  	v54 =	vld [tilespmem:s1+$0x8800]  }
0x666: {  	v0 =	vadd.f32 v52, v0  }
0x667: {  	v55 =	vld [tilespmem:s1+$0x8A00]  }
0x668: {  	v0 =	vadd.f32 v53, v0  }
0x669: {  	v56 =	vld [tilespmem:s1+$0x8C00]  }
0x66a: {  	v0 =	vadd.f32 v54, v0  }
0x66b: {  	v57 =	vld [tilespmem:s1+$0x8E00]  }
0x66c: {  	v0 =	vadd.f32 v55, v0  }
0x66d: {  	v58 =	vld [tilespmem:s1+$0x9000]  }
0x66e: {  	v0 =	vadd.f32 v56, v0  }
0x66f: {  	v59 =	vld [tilespmem:s1+$0x9200]  }
0x670: {  	v0 =	vadd.f32 v57, v0  }
0x671: {  	v60 =	vld [tilespmem:s1+$0x9400]  }
0x672: {  	v0 =	vadd.f32 v58, v0  }
0x673: {  	v61 =	vld [tilespmem:s1+$0x9600]  }
0x674: {  	v0 =	vadd.f32 v59, v0  }
0x675: {  	v62 =	vld [tilespmem:s1+$0x9800]  }
0x676: {  	v0 =	vadd.f32 v60, v0  }
0x677: {  	v63 =	vld [tilespmem:s1+$0x9A00]  }
0x678: {  	v0 =	vadd.f32 v61, v0;
	_ =	sdelay $0x1  }
0x679: {  	v0 =	vadd.f32 v62, v0;
	_ =	sdelay $0x1  }
0x67a: {  	v0 =	vadd.f32 v63, v0  }
0x67b: {  	s3 =	sshra.s32 s25, $0x2  }
0x67c: {  	s6 =	simm.s32 $0x0;
	s5 =	simm.s32 $0x9C00;
	s4 =	rddreg [dreg:$0x6];
	[tilespmem:s3+$0x9C00] =	vst v0  }
0x67d: {  	[hbm4b:s4+s6] =	stream.linear.scatter [tilespmem:s5], [sflag:$0x2], $0x200, $0x38;
	[tilespmem:$0x9E00] =	vst v63  }
0x67e: {  	s5 =	simm.s32 $0x2  }
0x67f: {  	_ =	swait.ge [sflag:s5], $0x200  }
0x680: {  	s24 =	sadd.s32 $0x1, s24;
	s25 =	rddreg [dreg:$0x8]  }
0x681: {  	p0 =	sne.s32 s24, s25  }
.Ltmp2:
0x682: {  	_ = 	snop;
	(pc) =	sbr.rel @p0 .LBB2_1-.Ltmp2, $3  }
0x683: {  	_ =	sdelay $0x1  }
0x684: {  	[sflag:s5] =	ssyncset.done $0x0  }
0x685: {  	[sflag:s5] =	ssyncadd.s32 $0xFFFFFE00  }
0x686: {  	_ =	sfence.sel $0x180000  }
0x687: {  	[bflag:$0x0] =	sbarrier.arrive $0xFFFF  }
0x688: {  	_ =	strace $0x90000047  }
0x689: {  	s0 =	stileid.u32;
	[bflag:$0x2] =	sbarrier.arrive $0xFFFF  }
0x68a: {  	p0 =	sne.s32 s0, $0x0;
	s0 =	rddreg [dreg:$0x2]  }
0x68b: {  	s0 =	sadd.s32 @!p0 $0x100000, s0  }
0x68c: {  	[sflag:s0] =	ssyncadd.tile.s32 @!p0 $0x1;
	_ =	shalt  }
.Lfunc_end2:
_tile_overlayer_lowered:
.L_overlay_start_2:
0x68d: {  	(tag) =	ssettag $0x2  }
0x68e: {  	s0 =	rddreg [dreg:$0x0];
	s2 =	stileid.u32  }
0x68f: {  	s1 =	rddreg [dreg:$0x1];
	p0 =	sne.s32 s2, $0x0  }
0x690: {  	s3 =	rddreg [dreg:$0x2];
	[bflag:$0x3] =	sbarrier.arrive $0xFFFF;
	s2 =	simm.s32 @!p0 $0x1C02  }
0x691: {  	[timem:s3], [sflag:s2] =	dma.local @!p0 [hbm:s0], s1  }
0x692: {  	s0 =	simm.s32 @!p0 $0x2  }
0x693: {  	_ =	swait.ge @!p0 [sflag:s0], s1  }
0x694: {  	s1 =	ssub.s32 @!p0 $0x0, s1;
	[sflag:s0] =	ssyncset.done @!p0 $0x0  }
0x695: {  	[sflag:s0] =	ssyncadd.s32 @!p0 s1  }
0x696: {  	[bflag:$0x3] =	sbarrier.arrive $0xFFFF  }
0x697: {  	_ =	shalt  }

</sc_bundles>
